<compile_context>
chip_gen: v7x
topology: tpu7x:2x2x1
jax: 0.10.2.dev20260603
libtpu: 0.0.44.dev20260713+nightly
codegen_flags: <defaults>
</compile_context>

<pallas_src>
import jax
import jax.numpy as jnp
from jax import lax
from jax.experimental import pallas as pl
from jax.experimental.pallas import tpu as pltpu
from jax.experimental.pallas import tpu_sc as plsc

PAD = 1
B, T, D = 4, 8192, 1024
NC, NS, L = 2, 16, 16
NW = NC * NS
SEG = (B * T) // NW
SEGS_PER_ROW = T // SEG
CHUNK = 32
NCHUNK = SEG // CHUNK


def _sc_body(tok_hbm, start_hbm, weight_hbm, out_hbm,
             tokbuf, idxbuf, startbuf, buf0, buf1, buf2,
             gs0, gs1, gs2, ps0, ps1, ps2):
    cid = lax.axis_index("c")
    sid = lax.axis_index("s")
    wid = sid * NC + cid
    r = wid // SEGS_PER_ROW
    s = wid % SEGS_PER_ROW
    base = pl.multiple_of(s * SEG, SEG)

    pltpu.sync_copy(start_hbm, startbuf)
    pltpu.sync_copy(tok_hbm.at[r], tokbuf)
    sv = startbuf[...]

    def pre_body(j, acc):
        v = tokbuf[pl.ds(pl.multiple_of(j * L, L), L)]
        return acc + jnp.sum(jnp.minimum(jnp.abs(v - PAD), 1))

    pre = lax.fori_loop(0, s * (SEG // L), pre_body, jnp.int32(0))

    carry_box = [pre]

    def compute_chunk(k):
        carry = carry_box[0]
        for h in range(CHUNK // L):
            j = k * (CHUNK // L) + h
            v = tokbuf[pl.ds(pl.multiple_of(base + j * L, L), L)]
            m = jnp.minimum(jnp.abs(v - PAD), 1)
            c = plsc.cumsum(m)
            idxbuf[pl.ds(pl.multiple_of(j * L, L), L)] = (c + carry) * m + sv
            carry = carry + jnp.sum(m)
        carry_box[0] = carry

    bufs = (buf0, buf1, buf2)
    gsems = (gs0, gs1, gs2)
    psems = (ps0, ps1, ps2)
    gcp, pcp = {}, {}

    def gstart(k):
        p = k % 3
        cp = pltpu.make_async_copy(
            weight_hbm.at[idxbuf.at[pl.ds(k * CHUNK, CHUNK)]], bufs[p], gsems[p])
        cp.start()
        gcp[k] = cp

    def pstart(k):
        p = k % 3
        cp = pltpu.make_async_copy(
            bufs[p],
            out_hbm.at[r, pl.ds(pl.multiple_of(base + k * CHUNK, CHUNK), CHUNK)],
            psems[p])
        cp.start()
        pcp[k] = cp

    compute_chunk(0)
    gstart(0)
    compute_chunk(1)
    gstart(1)
    for k in range(NCHUNK):
        nk = k + 2
        if nk < NCHUNK:
            compute_chunk(nk)
            if nk >= 3:
                pcp[nk - 3].wait()
            gstart(nk)
        gcp[k].wait()
        pstart(k)
    for k in range(NCHUNK - 3, NCHUNK):
        pcp[k].wait()


_mesh = plsc.VectorSubcoreMesh(core_axis_name="c", subcore_axis_name="s",
                               num_cores=NC, num_subcores=NS)

_sc_call = pl.kernel(
    _sc_body,
    out_type=jax.ShapeDtypeStruct((B, T, D), jnp.float32),
    mesh=_mesh,
    scratch_types=[
        pltpu.VMEM((T,), jnp.int32),
        pltpu.VMEM((SEG,), jnp.int32),
        pltpu.VMEM((L,), jnp.int32),
        pltpu.VMEM((CHUNK, D), jnp.float32),
        pltpu.VMEM((CHUNK, D), jnp.float32),
        pltpu.VMEM((CHUNK, D), jnp.float32),
        pltpu.SemaphoreType.DMA,
        pltpu.SemaphoreType.DMA,
        pltpu.SemaphoreType.DMA,
        pltpu.SemaphoreType.DMA,
        pltpu.SemaphoreType.DMA,
        pltpu.SemaphoreType.DMA,
    ],
    name="sinusoidal_pos_emb_lookup",
    compiler_params=pltpu.CompilerParams(needs_layout_passes=False),
)


def kernel(input_tokens, start, weight):
    if start is None:
        start = 0
    start_vec = jnp.full((L,), start, dtype=jnp.int32)
    return _sc_call(input_tokens.astype(jnp.int32), start_vec,
                    weight.astype(jnp.float32))

# --- scband reference (transcript-rebuilt; emitter-appended) ---
"""Pipeline reference for scband-sinusoidal-positional-embedding-28149215658513 (READ-ONLY COPY).

The authoritative reference and input builder live on the scoring server;
editing this copy changes nothing except your own understanding.
"""

import math
import jax, jax.numpy as jnp
import numpy as np

NUM_EMBEDDINGS = 8194
EMBEDDING_DIM = 1024
PADDING_IDX = 1


def make_sinusoidal_embeddings(num_embeddings, embedding_dim, padding_idx=None):
    half_dim = embedding_dim // 2
    emb = math.log(10000) / (half_dim - 1)
    emb = jnp.exp(jnp.arange(half_dim, dtype=jnp.float32) * -emb)
    emb = jnp.arange(num_embeddings, dtype=jnp.float32)[:, None] * emb[None, :]
    emb = jnp.concatenate([jnp.sin(emb), jnp.cos(emb)], axis=1).reshape(num_embeddings, -1)
    if embedding_dim % 2 == 1:
        emb = jnp.concatenate([emb, jnp.zeros((num_embeddings, 1), dtype=jnp.float32)], axis=1)
    if padding_idx is not None:
        emb = emb.at[padding_idx, :].set(0.0)
    return emb


def make_positions(tokens, padding_idx):
    mask = (tokens != padding_idx).astype(jnp.int32)
    positions = jnp.cumsum(mask, axis=1).astype(jnp.int32) * mask
    return positions.astype(jnp.int64)


def setup_inputs(seed: int = 0) -> dict:
    key = jax.random.key(seed)
    k1, _ = jax.random.split(key)
    input_tokens = jax.random.randint(k1, (4, 8192), 0, 32000, dtype=jnp.int32)
    weight = make_sinusoidal_embeddings(NUM_EMBEDDINGS, EMBEDDING_DIM, PADDING_IDX)
    return {"input_tokens": input_tokens, "start": 0, "weight": weight}


def reference(input_tokens, start, weight):
    if start is None:
        start = 0
    positions = make_positions(input_tokens, PADDING_IDX) + start
    out = jnp.take(weight, positions, axis=0)
    return out

if __name__ == "__main__":
    import jax
    _d = setup_inputs()
    print(jax.jit(kernel)(*tuple(_d.values())))

</pallas_src>

<mosaic_0001>
#map = affine_map<(d0, d1) -> (0, 0)>
#map1 = affine_map<(d0, d1) -> (0)>
#map2 = affine_map<(d0, d1) -> (0, 0, 0)>
module attributes {stable_mosaic.version = 14 : i64} {
  func.func @sinusoidal_pos_emb_lookup(%arg0: i32, %arg1: i32, %arg2: memref<4x8192xi32, #tpu.memory_space<hbm>>, %arg3: memref<16xi32, #tpu.memory_space<hbm>>, %arg4: memref<8194x1024xf32, #tpu.memory_space<hbm>>, %arg5: memref<4x8192x1024xf32, #tpu.memory_space<hbm>>, %arg6: memref<8192xi32, #tpu.memory_space<vmem>>, %arg7: memref<1024xi32, #tpu.memory_space<vmem>>, %arg8: memref<16xi32, #tpu.memory_space<vmem>>, %arg9: memref<32x1024xf32, #tpu.memory_space<vmem>>, %arg10: memref<32x1024xf32, #tpu.memory_space<vmem>>, %arg11: memref<32x1024xf32, #tpu.memory_space<vmem>>, %arg12: memref<!tpu.dma_semaphore, #tpu.memory_space<semaphore_mem>>, %arg13: memref<!tpu.dma_semaphore, #tpu.memory_space<semaphore_mem>>, %arg14: memref<!tpu.dma_semaphore, #tpu.memory_space<semaphore_mem>>, %arg15: memref<!tpu.dma_semaphore, #tpu.memory_space<semaphore_mem>>, %arg16: memref<!tpu.dma_semaphore, #tpu.memory_space<semaphore_mem>>, %arg17: memref<!tpu.dma_semaphore, #tpu.memory_space<semaphore_mem>>) attributes {dimension_semantics = [#tpu.dimension_semantics<core_parallel>, #tpu.dimension_semantics<subcore_parallel>], iteration_bounds = array<i64: 2, 16>, scalar_prefetch = 0 : i64, scratch_operands = 12 : i64, tpu.core_type = #tpu.core_type<sc_vector_subcore>, window_params = [{transform_indices = #map}, {transform_indices = #map1}, {transform_indices = #map}, {transform_indices = #map2}]} {
    %mul3A = arith.constant 2 : i32
    %mul3A_0 = arith.muli %arg1, %mul3A : i32
    %add3A = arith.addi %mul3A_0, %arg0 : i32
    %jit3A = arith.constant 8 : i32
    %div3A = arith.divsi %add3A, %jit3A : i32
    %sign3A = arith.constant 0 : i32
    %sign3A_1 = arith.cmpi sgt, %add3A, %sign3A : i32
    %sign3A_2 = arith.extui %sign3A_1 : i1 to i32
    %sign3A_3 = arith.constant 0 : i32
    %sign3A_4 = arith.cmpi slt, %add3A, %sign3A_3 : i32
    %sign3A_5 = arith.extui %sign3A_4 : i1 to i32
    %sign3A_6 = arith.subi %sign3A_2, %sign3A_5 : i32
    %sign3A_7 = arith.constant 0 : i32
    %sign3A_8 = arith.cmpi sgt, %jit3A, %sign3A_7 : i32
    %sign3A_9 = arith.extui %sign3A_8 : i1 to i32
    %sign3A_10 = arith.constant 0 : i32
    %sign3A_11 = arith.cmpi slt, %jit3A, %sign3A_10 : i32
    %sign3A_12 = arith.extui %sign3A_11 : i1 to i32
    %sign3A_13 = arith.subi %sign3A_9, %sign3A_12 : i32
    %ne3A = arith.cmpi ne, %sign3A_6, %sign3A_13 : i32
    %rem3A = arith.remsi %add3A, %jit3A : i32
    %ne3A_14 = arith.constant 0 : i32
    %ne3A_15 = arith.cmpi ne, %rem3A, %ne3A_14 : i32
    %and3A = arith.andi %ne3A, %ne3A_15 : i1
    %sub3A = arith.constant 1 : i32
    %sub3A_16 = arith.subi %div3A, %sub3A : i32
    %select_n3A = arith.select %and3A, %sub3A_16, %div3A : i32
    %jit3A_17 = arith.constant 8 : i32
    %eq3A = arith.constant 0 : i32
    %eq3A_18 = arith.cmpi eq, %jit3A_17, %eq3A : i32
    %jit3A_19 = arith.constant 1 : i32
    %select_n3A_20 = arith.select %eq3A_18, %jit3A_19, %jit3A_17 : i32
    %rem3A_21 = arith.remsi %add3A, %select_n3A_20 : i32
    %ne3A_22 = arith.constant 0 : i32
    %ne3A_23 = arith.cmpi ne, %rem3A_21, %ne3A_22 : i32
    %lt3A = arith.constant 0 : i32
    %lt3A_24 = arith.cmpi slt, %rem3A_21, %lt3A : i32
    %lt3A_25 = arith.constant 0 : i32
    %lt3A_26 = arith.cmpi slt, %select_n3A_20, %lt3A_25 : i32
    %ne3A_27 = arith.xori %lt3A_24, %lt3A_26 : i1
    %and3A_28 = arith.andi %ne3A_27, %ne3A_23 : i1
    %add3A_29 = arith.addi %rem3A_21, %select_n3A_20 : i32
    %select_n3A_30 = arith.select %and3A_28, %add3A_29, %rem3A_21 : i32
    %mul3A_31 = arith.constant 1024 : i32
    %mul3A_32 = arith.muli %select_n3A_30, %mul3A_31 : i32
    %multiple_of3A = tpu.assume_multiple %mul3A_32, 1024 : i32
    "tpu.region"() ({
      %run_scoped3A = tpu.sem_alloc : memref<!tpu.dma_semaphore, #tpu.memory_space<semaphore_mem>>
      tpu.enqueue_dma source(%arg3 : memref<16xi32, #tpu.memory_space<hbm>>) target(%arg8 : memref<16xi32, #tpu.memory_space<vmem>>) target_semaphore(%run_scoped3A : memref<!tpu.dma_semaphore, #tpu.memory_space<semaphore_mem>>)
      tpu.wait_dma2 semaphore(%run_scoped3A : memref<!tpu.dma_semaphore, #tpu.memory_space<semaphore_mem>>) src(%arg3 : memref<16xi32, #tpu.memory_space<hbm>>) dst(%arg8 : memref<16xi32, #tpu.memory_space<vmem>>)
      tpu.yield
    }) : () -> ()
    "tpu.region"() ({
      %run_scoped3A = tpu.sem_alloc : memref<!tpu.dma_semaphore, #tpu.memory_space<semaphore_mem>>
      %dma_start3A_2631 = arith.constant 0 : i32
      %dma_start3A_2632 = tpu.memref_slice %arg2[%select_n3A, %dma_start3A_2631] : memref<4x8192xi32, #tpu.memory_space<hbm>> -> memref<1x8192xi32, #tpu.memory_space<hbm>>
      %dma_start3A_2633 = tpu.memref_squeeze %dma_start3A_2632 : memref<1x8192xi32, #tpu.memory_space<hbm>> -> memref<8192xi32, #tpu.memory_space<hbm>>
      %dma_start3A_2634 = arith.constant 0 : i32
      %dma_start3A_2635 = tpu.memref_slice %arg2[%select_n3A, %dma_start3A_2634] : memref<4x8192xi32, #tpu.memory_space<hbm>> -> memref<1x8192xi32, #tpu.memory_space<hbm>>
      %dma_start3A_2636 = tpu.memref_squeeze %dma_start3A_2635 : memref<1x8192xi32, #tpu.memory_space<hbm>> -> memref<8192xi32, #tpu.memory_space<hbm>>
      tpu.enqueue_dma source(%dma_start3A_2636 : memref<8192xi32, #tpu.memory_space<hbm>>) target(%arg6 : memref<8192xi32, #tpu.memory_space<vmem>>) target_semaphore(%run_scoped3A : memref<!tpu.dma_semaphore, #tpu.memory_space<semaphore_mem>>)
      %dma_wait3A_2637 = arith.constant 0 : i32
      %dma_wait3A_2638 = tpu.memref_slice %arg2[%select_n3A, %dma_wait3A_2637] : memref<4x8192xi32, #tpu.memory_space<hbm>> -> memref<1x8192xi32, #tpu.memory_space<hbm>>
      %dma_wait3A_2639 = tpu.memref_squeeze %dma_wait3A_2638 : memref<1x8192xi32, #tpu.memory_space<hbm>> -> memref<8192xi32, #tpu.memory_space<hbm>>
      %dma_wait3A_2640 = arith.constant 0 : i32
      %dma_wait3A_2641 = tpu.memref_slice %arg2[%select_n3A, %dma_wait3A_2640] : memref<4x8192xi32, #tpu.memory_space<hbm>> -> memref<1x8192xi32, #tpu.memory_space<hbm>>
      %dma_wait3A_2642 = tpu.memref_squeeze %dma_wait3A_2641 : memref<1x8192xi32, #tpu.memory_space<hbm>> -> memref<8192xi32, #tpu.memory_space<hbm>>
      tpu.wait_dma2 semaphore(%run_scoped3A : memref<!tpu.dma_semaphore, #tpu.memory_space<semaphore_mem>>) src(%dma_wait3A_2642 : memref<8192xi32, #tpu.memory_space<hbm>>) dst(%arg6 : memref<8192xi32, #tpu.memory_space<vmem>>)
      tpu.yield
    }) : () -> ()
    %get3A = arith.constant 0 : index
    %get3A_33 = tpu.vector_load %arg8[%get3A] {strides = array<i32>} : memref<16xi32, #tpu.memory_space<vmem>>, vector<16xi32>,
    %mul3A_34 = arith.constant 64 : i32
    %mul3A_35 = arith.muli %select_n3A_30, %mul3A_34 : i32
    %while3A = arith.constant 0 : i32
    %while3A_36 = arith.constant 0 : i32
    %while3A_37 = arith.subi %mul3A_35, %while3A : i32
    %while3A_38 = arith.addi %while3A, %while3A_37 : i32
    %while3A_39 = arith.constant 1 : i32
    %while3A_40 = arith.divsi %while3A_37, %while3A_39 : i32
    %while3A_41 = arith.muli %while3A_40, %while3A_39 : i32
    %while3A_42 = arith.addi %while3A, %while3A_41 : i32
    %while3A_43 = arith.constant 1 : i32
    %while3A_44 = scf.for %while3A_2631 = %while3A to %while3A_42 step %while3A_43 iter_args(%while3A_2632 = %while3A_36) -> (i32)  : i32 {
      %mul3A_2633 = arith.constant 16 : i32
      %mul3A_2634 = arith.muli %while3A_2631, %mul3A_2633 : i32
      %multiple_of3A_2635 = tpu.assume_multiple %mul3A_2634, 16 : i32
      %get3A_2636 = arith.index_cast %multiple_of3A_2635 : i32 to index
      %get3A_2637 = tpu.vector_load %arg6[%get3A_2636] {strides = array<i32>} : memref<8192xi32, #tpu.memory_space<vmem>>, vector<16xi32>,
      %sub3A_2638 = arith.constant 1 : i32
      %sub3A_2639 = vector.broadcast %sub3A_2638 : i32 to vector<16xi32>
      %sub3A_2640 = arith.subi %get3A_2637, %sub3A_2639 : vector<16xi32>
      %abs3A_2641 = math.absi %sub3A_2640 : vector<16xi32>
      %min3A_2642 = arith.constant 1 : i32
      %min3A_2643 = vector.broadcast %min3A_2642 : i32 to vector<16xi32>
      %min3A_2644 = arith.minsi %abs3A_2641, %min3A_2643 : vector<16xi32>
      %reduce_sum3A_2645 = arith.constant true
      %reduce_sum3A_2646 = vector.broadcast %reduce_sum3A_2645 : i1 to vector<16xi1>
      %reduce_sum3A_2647 = tpu.scan <sum>, %min3A_2644 masked %reduce_sum3A_2646 : vector<16xi32>, vector<16xi1> -> vector<16xi32>
      %reduce_sum3A_2648 = vector.extract %reduce_sum3A_2647[15] : i32 from vector<16xi32>
      %add3A_2649 = arith.addi %while3A_2632, %reduce_sum3A_2648 : i32
      scf.yield %add3A_2649 : i32
    }
    %while3A_45 = arith.constant 1 : i32
    %while3A_46 = scf.for %while3A_2631 = %while3A_42 to %while3A_38 step %while3A_45 iter_args(%while3A_2632 = %while3A_44) -> (i32)  : i32 {
      %mul3A_2633 = arith.constant 16 : i32
      %mul3A_2634 = arith.muli %while3A_2631, %mul3A_2633 : i32
      %multiple_of3A_2635 = tpu.assume_multiple %mul3A_2634, 16 : i32
      %get3A_2636 = arith.index_cast %multiple_of3A_2635 : i32 to index
      %get3A_2637 = tpu.vector_load %arg6[%get3A_2636] {strides = array<i32>} : memref<8192xi32, #tpu.memory_space<vmem>>, vector<16xi32>,
      %sub3A_2638 = arith.constant 1 : i32
      %sub3A_2639 = vector.broadcast %sub3A_2638 : i32 to vector<16xi32>
      %sub3A_2640 = arith.subi %get3A_2637, %sub3A_2639 : vector<16xi32>
      %abs3A_2641 = math.absi %sub3A_2640 : vector<16xi32>
      %min3A_2642 = arith.constant 1 : i32
      %min3A_2643 = vector.broadcast %min3A_2642 : i32 to vector<16xi32>
      %min3A_2644 = arith.minsi %abs3A_2641, %min3A_2643 : vector<16xi32>
      %reduce_sum3A_2645 = arith.constant true
      %reduce_sum3A_2646 = vector.broadcast %reduce_sum3A_2645 : i1 to vector<16xi1>
      %reduce_sum3A_2647 = tpu.scan <sum>, %min3A_2644 masked %reduce_sum3A_2646 : vector<16xi32>, vector<16xi1> -> vector<16xi32>
      %reduce_sum3A_2648 = vector.extract %reduce_sum3A_2647[15] : i32 from vector<16xi32>
      %add3A_2649 = arith.addi %while3A_2632, %reduce_sum3A_2648 : i32
      scf.yield %add3A_2649 : i32
    }
    %add3A_47 = arith.constant 0 : i32
    %add3A_48 = arith.addi %multiple_of3A, %add3A_47 : i32
    %multiple_of3A_49 = tpu.assume_multiple %add3A_48, 16 : i32
    %get3A_50 = arith.index_cast %multiple_of3A_49 : i32 to index
    %get3A_51 = tpu.vector_load %arg6[%get3A_50] {strides = array<i32>} : memref<8192xi32, #tpu.memory_space<vmem>>, vector<16xi32>,
    %sub3A_52 = arith.constant 1 : i32
    %sub3A_53 = vector.broadcast %sub3A_52 : i32 to vector<16xi32>
    %sub3A_54 = arith.subi %get3A_51, %sub3A_53 : vector<16xi32>
    %abs3A = math.absi %sub3A_54 : vector<16xi32>
    %min3A = arith.constant 1 : i32
    %min3A_55 = vector.broadcast %min3A : i32 to vector<16xi32>
    %min3A_56 = arith.minsi %abs3A, %min3A_55 : vector<16xi32>
    %broadcast_in_dim3A = arith.constant true
    %broadcast_in_dim3A_57 = vector.broadcast %broadcast_in_dim3A : i1 to vector<16xi1>
    %masked_cumsum3A = tpu.scan <sum>, %min3A_56 masked %broadcast_in_dim3A_57 : vector<16xi32>, vector<16xi1> -> vector<16xi32>
    %add3A_58 = vector.broadcast %while3A_46 : i32 to vector<16xi32>
    %add3A_59 = arith.addi %masked_cumsum3A, %add3A_58 : vector<16xi32>
    %mul3A_60 = arith.muli %add3A_59, %min3A_56 : vector<16xi32>
    %add3A_61 = arith.addi %mul3A_60, %get3A_33 : vector<16xi32>
    %multiple_of3A_62 = arith.constant 0 : i32
    %multiple_of3A_63 = tpu.assume_multiple %multiple_of3A_62, 16 : i32
    %swap3A = arith.index_cast %multiple_of3A_63 : i32 to index
    %swap3A_64 = tpu.vector_load %arg7[%swap3A] {strides = array<i32>} : memref<1024xi32, #tpu.memory_space<vmem>>, vector<16xi32>,
    tpu.vector_store %arg7[%swap3A], %add3A_61 {strides = array<i32>} : memref<1024xi32, #tpu.memory_space<vmem>>, vector<16xi32>,
    %reduce_sum3A = arith.constant true
    %reduce_sum3A_65 = vector.broadcast %reduce_sum3A : i1 to vector<16xi1>
    %reduce_sum3A_66 = tpu.scan <sum>, %min3A_56 masked %reduce_sum3A_65 : vector<16xi32>, vector<16xi1> -> vector<16xi32>
    %reduce_sum3A_67 = vector.extract %reduce_sum3A_66[15] : i32 from vector<16xi32>
    %add3A_68 = arith.addi %while3A_46, %reduce_sum3A_67 : i32
    %add3A_69 = arith.constant 16 : i32
    %add3A_70 = arith.addi %multiple_of3A, %add3A_69 : i32
    %multiple_of3A_71 = tpu.assume_multiple %add3A_70, 16 : i32
    %get3A_72 = arith.index_cast %multiple_of3A_71 : i32 to index
    %get3A_73 = tpu.vector_load %arg6[%get3A_72] {strides = array<i32>} : memref<8192xi32, #tpu.memory_space<vmem>>, vector<16xi32>,
    %sub3A_74 = arith.constant 1 : i32
    %sub3A_75 = vector.broadcast %sub3A_74 : i32 to vector<16xi32>
    %sub3A_76 = arith.subi %get3A_73, %sub3A_75 : vector<16xi32>
    %abs3A_77 = math.absi %sub3A_76 : vector<16xi32>
    %min3A_78 = arith.constant 1 : i32
    %min3A_79 = vector.broadcast %min3A_78 : i32 to vector<16xi32>
    %min3A_80 = arith.minsi %abs3A_77, %min3A_79 : vector<16xi32>
    %broadcast_in_dim3A_81 = arith.constant true
    %broadcast_in_dim3A_82 = vector.broadcast %broadcast_in_dim3A_81 : i1 to vector<16xi1>
    %masked_cumsum3A_83 = tpu.scan <sum>, %min3A_80 masked %broadcast_in_dim3A_82 : vector<16xi32>, vector<16xi1> -> vector<16xi32>
    %add3A_84 = vector.broadcast %add3A_68 : i32 to vector<16xi32>
    %add3A_85 = arith.addi %masked_cumsum3A_83, %add3A_84 : vector<16xi32>
    %mul3A_86 = arith.muli %add3A_85, %min3A_80 : vector<16xi32>
    %add3A_87 = arith.addi %mul3A_86, %get3A_33 : vector<16xi32>
    %multiple_of3A_88 = arith.constant 16 : i32
    %multiple_of3A_89 = tpu.assume_multiple %multiple_of3A_88, 16 : i32
    %swap3A_90 = arith.index_cast %multiple_of3A_89 : i32 to index
    %swap3A_91 = tpu.vector_load %arg7[%swap3A_90] {strides = array<i32>} : memref<1024xi32, #tpu.memory_space<vmem>>, vector<16xi32>,
    tpu.vector_store %arg7[%swap3A_90], %add3A_87 {strides = array<i32>} : memref<1024xi32, #tpu.memory_space<vmem>>, vector<16xi32>,
    %reduce_sum3A_92 = arith.constant true
    %reduce_sum3A_93 = vector.broadcast %reduce_sum3A_92 : i1 to vector<16xi1>
    %reduce_sum3A_94 = tpu.scan <sum>, %min3A_80 masked %reduce_sum3A_93 : vector<16xi32>, vector<16xi1> -> vector<16xi32>
    %reduce_sum3A_95 = vector.extract %reduce_sum3A_94[15] : i32 from vector<16xi32>
    %add3A_96 = arith.addi %add3A_68, %reduce_sum3A_95 : i32
    %dma_start3A = arith.constant 0 : i32
    %dma_start3A_97 = tpu.memref_slice %arg7[%dma_start3A] : memref<1024xi32, #tpu.memory_space<vmem>> -> memref<32xi32, #tpu.memory_space<vmem>>
    %dma_start3A_98 = arith.constant 0 : i32
    %dma_start3A_99 = arith.constant 0 : i32
    %dma_start3A_100 = tpu.memref_slice %arg4[%dma_start3A_98, %dma_start3A_99] : memref<8194x1024xf32, #tpu.memory_space<hbm>> -> memref<8194x1024xf32, #tpu.memory_space<hbm>>
    tpu.enqueue_indirect_dma source(%dma_start3A_100 : memref<8194x1024xf32, #tpu.memory_space<hbm>>) target(%arg9 : memref<32x1024xf32, #tpu.memory_space<vmem>>) offsets(%dma_start3A_97 : memref<32xi32, #tpu.memory_space<vmem>>) semaphore(%arg12 : memref<!tpu.dma_semaphore, #tpu.memory_space<semaphore_mem>>)
    %add3A_101 = arith.constant 32 : i32
    %add3A_102 = arith.addi %multiple_of3A, %add3A_101 : i32
    %multiple_of3A_103 = tpu.assume_multiple %add3A_102, 16 : i32
    %get3A_104 = arith.index_cast %multiple_of3A_103 : i32 to index
    %get3A_105 = tpu.vector_load %arg6[%get3A_104] {strides = array<i32>} : memref<8192xi32, #tpu.memory_space<vmem>>, vector<16xi32>,
    %sub3A_106 = arith.constant 1 : i32
    %sub3A_107 = vector.broadcast %sub3A_106 : i32 to vector<16xi32>
    %sub3A_108 = arith.subi %get3A_105, %sub3A_107 : vector<16xi32>
    %abs3A_109 = math.absi %sub3A_108 : vector<16xi32>
    %min3A_110 = arith.constant 1 : i32
    %min3A_111 = vector.broadcast %min3A_110 : i32 to vector<16xi32>
    %min3A_112 = arith.minsi %abs3A_109, %min3A_111 : vector<16xi32>
    %broadcast_in_dim3A_113 = arith.constant true
    %broadcast_in_dim3A_114 = vector.broadcast %broadcast_in_dim3A_113 : i1 to vector<16xi1>
    %masked_cumsum3A_115 = tpu.scan <sum>, %min3A_112 masked %broadcast_in_dim3A_114 : vector<16xi32>, vector<16xi1> -> vector<16xi32>
    %add3A_116 = vector.broadcast %add3A_96 : i32 to vector<16xi32>
    %add3A_117 = arith.addi %masked_cumsum3A_115, %add3A_116 : vector<16xi32>
    %mul3A_118 = arith.muli %add3A_117, %min3A_112 : vector<16xi32>
    %add3A_119 = arith.addi %mul3A_118, %get3A_33 : vector<16xi32>
    %multiple_of3A_120 = arith.constant 32 : i32
    %multiple_of3A_121 = tpu.assume_multiple %multiple_of3A_120, 16 : i32
    %swap3A_122 = arith.index_cast %multiple_of3A_121 : i32 to index
    %swap3A_123 = tpu.vector_load %arg7[%swap3A_122] {strides = array<i32>} : memref<1024xi32, #tpu.memory_space<vmem>>, vector<16xi32>,
    tpu.vector_store %arg7[%swap3A_122], %add3A_119 {strides = array<i32>} : memref<1024xi32, #tpu.memory_space<vmem>>, vector<16xi32>,
    %reduce_sum3A_124 = arith.constant true
    %reduce_sum3A_125 = vector.broadcast %reduce_sum3A_124 : i1 to vector<16xi1>
    %reduce_sum3A_126 = tpu.scan <sum>, %min3A_112 masked %reduce_sum3A_125 : vector<16xi32>, vector<16xi1> -> vector<16xi32>
    %reduce_sum3A_127 = vector.extract %reduce_sum3A_126[15] : i32 from vector<16xi32>
    %add3A_128 = arith.addi %add3A_96, %reduce_sum3A_127 : i32
    %add3A_129 = arith.constant 48 : i32
    %add3A_130 = arith.addi %multiple_of3A, %add3A_129 : i32
    %multiple_of3A_131 = tpu.assume_multiple %add3A_130, 16 : i32
    %get3A_132 = arith.index_cast %multiple_of3A_131 : i32 to index
    %get3A_133 = tpu.vector_load %arg6[%get3A_132] {strides = array<i32>} : memref<8192xi32, #tpu.memory_space<vmem>>, vector<16xi32>,
    %sub3A_134 = arith.constant 1 : i32
    %sub3A_135 = vector.broadcast %sub3A_134 : i32 to vector<16xi32>
    %sub3A_136 = arith.subi %get3A_133, %sub3A_135 : vector<16xi32>
    %abs3A_137 = math.absi %sub3A_136 : vector<16xi32>
    %min3A_138 = arith.constant 1 : i32
    %min3A_139 = vector.broadcast %min3A_138 : i32 to vector<16xi32>
    %min3A_140 = arith.minsi %abs3A_137, %min3A_139 : vector<16xi32>
    %broadcast_in_dim3A_141 = arith.constant true
    %broadcast_in_dim3A_142 = vector.broadcast %broadcast_in_dim3A_141 : i1 to vector<16xi1>
    %masked_cumsum3A_143 = tpu.scan <sum>, %min3A_140 masked %broadcast_in_dim3A_142 : vector<16xi32>, vector<16xi1> -> vector<16xi32>
    %add3A_144 = vector.broadcast %add3A_128 : i32 to vector<16xi32>
    %add3A_145 = arith.addi %masked_cumsum3A_143, %add3A_144 : vector<16xi32>
    %mul3A_146 = arith.muli %add3A_145, %min3A_140 : vector<16xi32>
    %add3A_147 = arith.addi %mul3A_146, %get3A_33 : vector<16xi32>
    %multiple_of3A_148 = arith.constant 48 : i32
    %multiple_of3A_149 = tpu.assume_multiple %multiple_of3A_148, 16 : i32
    %swap3A_150 = arith.index_cast %multiple_of3A_149 : i32 to index
    %swap3A_151 = tpu.vector_load %arg7[%swap3A_150] {strides = array<i32>} : memref<1024xi32, #tpu.memory_space<vmem>>, vector<16xi32>,
    tpu.vector_store %arg7[%swap3A_150], %add3A_147 {strides = array<i32>} : memref<1024xi32, #tpu.memory_space<vmem>>, vector<16xi32>,
    %reduce_sum3A_152 = arith.constant true
    %reduce_sum3A_153 = vector.broadcast %reduce_sum3A_152 : i1 to vector<16xi1>
    %reduce_sum3A_154 = tpu.scan <sum>, %min3A_140 masked %reduce_sum3A_153 : vector<16xi32>, vector<16xi1> -> vector<16xi32>
    %reduce_sum3A_155 = vector.extract %reduce_sum3A_154[15] : i32 from vector<16xi32>
    %add3A_156 = arith.addi %add3A_128, %reduce_sum3A_155 : i32
    %dma_start3A_157 = arith.constant 32 : i32
    %dma_start3A_158 = tpu.memref_slice %arg7[%dma_start3A_157] : memref<1024xi32, #tpu.memory_space<vmem>> -> memref<32xi32, #tpu.memory_space<vmem>>
    %dma_start3A_159 = arith.constant 0 : i32
    %dma_start3A_160 = arith.constant 0 : i32
    %dma_start3A_161 = tpu.memref_slice %arg4[%dma_start3A_159, %dma_start3A_160] : memref<8194x1024xf32, #tpu.memory_space<hbm>> -> memref<8194x1024xf32, #tpu.memory_space<hbm>>
    tpu.enqueue_indirect_dma source(%dma_start3A_161 : memref<8194x1024xf32, #tpu.memory_space<hbm>>) target(%arg10 : memref<32x1024xf32, #tpu.memory_space<vmem>>) offsets(%dma_start3A_158 : memref<32xi32, #tpu.memory_space<vmem>>) semaphore(%arg13 : memref<!tpu.dma_semaphore, #tpu.memory_space<semaphore_mem>>)
    %add3A_162 = arith.constant 64 : i32
    %add3A_163 = arith.addi %multiple_of3A, %add3A_162 : i32
    %multiple_of3A_164 = tpu.assume_multiple %add3A_163, 16 : i32
    %get3A_165 = arith.index_cast %multiple_of3A_164 : i32 to index
    %get3A_166 = tpu.vector_load %arg6[%get3A_165] {strides = array<i32>} : memref<8192xi32, #tpu.memory_space<vmem>>, vector<16xi32>,
    %sub3A_167 = arith.constant 1 : i32
    %sub3A_168 = vector.broadcast %sub3A_167 : i32 to vector<16xi32>
    %sub3A_169 = arith.subi %get3A_166, %sub3A_168 : vector<16xi32>
    %abs3A_170 = math.absi %sub3A_169 : vector<16xi32>
    %min3A_171 = arith.constant 1 : i32
    %min3A_172 = vector.broadcast %min3A_171 : i32 to vector<16xi32>
    %min3A_173 = arith.minsi %abs3A_170, %min3A_172 : vector<16xi32>
    %broadcast_in_dim3A_174 = arith.constant true
    %broadcast_in_dim3A_175 = vector.broadcast %broadcast_in_dim3A_174 : i1 to vector<16xi1>
    %masked_cumsum3A_176 = tpu.scan <sum>, %min3A_173 masked %broadcast_in_dim3A_175 : vector<16xi32>, vector<16xi1> -> vector<16xi32>
    %add3A_177 = vector.broadcast %add3A_156 : i32 to vector<16xi32>
    %add3A_178 = arith.addi %masked_cumsum3A_176, %add3A_177 : vector<16xi32>
    %mul3A_179 = arith.muli %add3A_178, %min3A_173 : vector<16xi32>
    %add3A_180 = arith.addi %mul3A_179, %get3A_33 : vector<16xi32>
    %multiple_of3A_181 = arith.constant 64 : i32
    %multiple_of3A_182 = tpu.assume_multiple %multiple_of3A_181, 16 : i32
    %swap3A_183 = arith.index_cast %multiple_of3A_182 : i32 to index
    %swap3A_184 = tpu.vector_load %arg7[%swap3A_183] {strides = array<i32>} : memref<1024xi32, #tpu.memory_space<vmem>>, vector<16xi32>,
    tpu.vector_store %arg7[%swap3A_183], %add3A_180 {strides = array<i32>} : memref<1024xi32, #tpu.memory_space<vmem>>, vector<16xi32>,
    %reduce_sum3A_185 = arith.constant true
    %reduce_sum3A_186 = vector.broadcast %reduce_sum3A_185 : i1 to vector<16xi1>
    %reduce_sum3A_187 = tpu.scan <sum>, %min3A_173 masked %reduce_sum3A_186 : vector<16xi32>, vector<16xi1> -> vector<16xi32>
    %reduce_sum3A_188 = vector.extract %reduce_sum3A_187[15] : i32 from vector<16xi32>
    %add3A_189 = arith.addi %add3A_156, %reduce_sum3A_188 : i32
    %add3A_190 = arith.constant 80 : i32
    %add3A_191 = arith.addi %multiple_of3A, %add3A_190 : i32
    %multiple_of3A_192 = tpu.assume_multiple %add3A_191, 16 : i32
    %get3A_193 = arith.index_cast %multiple_of3A_192 : i32 to index
    %get3A_194 = tpu.vector_load %arg6[%get3A_193] {strides = array<i32>} : memref<8192xi32, #tpu.memory_space<vmem>>, vector<16xi32>,
    %sub3A_195 = arith.constant 1 : i32
    %sub3A_196 = vector.broadcast %sub3A_195 : i32 to vector<16xi32>
    %sub3A_197 = arith.subi %get3A_194, %sub3A_196 : vector<16xi32>
    %abs3A_198 = math.absi %sub3A_197 : vector<16xi32>
    %min3A_199 = arith.constant 1 : i32
    %min3A_200 = vector.broadcast %min3A_199 : i32 to vector<16xi32>
    %min3A_201 = arith.minsi %abs3A_198, %min3A_200 : vector<16xi32>
    %broadcast_in_dim3A_202 = arith.constant true
    %broadcast_in_dim3A_203 = vector.broadcast %broadcast_in_dim3A_202 : i1 to vector<16xi1>
    %masked_cumsum3A_204 = tpu.scan <sum>, %min3A_201 masked %broadcast_in_dim3A_203 : vector<16xi32>, vector<16xi1> -> vector<16xi32>
    %add3A_205 = vector.broadcast %add3A_189 : i32 to vector<16xi32>
    %add3A_206 = arith.addi %masked_cumsum3A_204, %add3A_205 : vector<16xi32>
    %mul3A_207 = arith.muli %add3A_206, %min3A_201 : vector<16xi32>
    %add3A_208 = arith.addi %mul3A_207, %get3A_33 : vector<16xi32>
    %multiple_of3A_209 = arith.constant 80 : i32
    %multiple_of3A_210 = tpu.assume_multiple %multiple_of3A_209, 16 : i32
    %swap3A_211 = arith.index_cast %multiple_of3A_210 : i32 to index
    %swap3A_212 = tpu.vector_load %arg7[%swap3A_211] {strides = array<i32>} : memref<1024xi32, #tpu.memory_space<vmem>>, vector<16xi32>,
    tpu.vector_store %arg7[%swap3A_211], %add3A_208 {strides = array<i32>} : memref<1024xi32, #tpu.memory_space<vmem>>, vector<16xi32>,
    %reduce_sum3A_213 = arith.constant true
    %reduce_sum3A_214 = vector.broadcast %reduce_sum3A_213 : i1 to vector<16xi1>
    %reduce_sum3A_215 = tpu.scan <sum>, %min3A_201 masked %reduce_sum3A_214 : vector<16xi32>, vector<16xi1> -> vector<16xi32>
    %reduce_sum3A_216 = vector.extract %reduce_sum3A_215[15] : i32 from vector<16xi32>
    %add3A_217 = arith.addi %add3A_189, %reduce_sum3A_216 : i32
    %dma_start3A_218 = arith.constant 64 : i32
    %dma_start3A_219 = tpu.memref_slice %arg7[%dma_start3A_218] : memref<1024xi32, #tpu.memory_space<vmem>> -> memref<32xi32, #tpu.memory_space<vmem>>
    %dma_start3A_220 = arith.constant 0 : i32
    %dma_start3A_221 = arith.constant 0 : i32
    %dma_start3A_222 = tpu.memref_slice %arg4[%dma_start3A_220, %dma_start3A_221] : memref<8194x1024xf32, #tpu.memory_space<hbm>> -> memref<8194x1024xf32, #tpu.memory_space<hbm>>
    tpu.enqueue_indirect_dma source(%dma_start3A_222 : memref<8194x1024xf32, #tpu.memory_space<hbm>>) target(%arg11 : memref<32x1024xf32, #tpu.memory_space<vmem>>) offsets(%dma_start3A_219 : memref<32xi32, #tpu.memory_space<vmem>>) semaphore(%arg14 : memref<!tpu.dma_semaphore, #tpu.memory_space<semaphore_mem>>)
    %dma_wait3A = arith.constant 0 : i32
    %dma_wait3A_223 = tpu.memref_slice %arg7[%dma_wait3A] : memref<1024xi32, #tpu.memory_space<vmem>> -> memref<32xi32, #tpu.memory_space<vmem>>
    %dma_wait3A_224 = arith.constant 0 : i32
    %dma_wait3A_225 = arith.constant 0 : i32
    %dma_wait3A_226 = tpu.memref_slice %arg4[%dma_wait3A_224, %dma_wait3A_225] : memref<8194x1024xf32, #tpu.memory_space<hbm>> -> memref<8194x1024xf32, #tpu.memory_space<hbm>>
    tpu.wait_indirect_dma semaphore(%arg12 : memref<!tpu.dma_semaphore, #tpu.memory_space<semaphore_mem>>) src(%dma_wait3A_226 : memref<8194x1024xf32, #tpu.memory_space<hbm>>) dst(%arg9 : memref<32x1024xf32, #tpu.memory_space<vmem>>)
    %add3A_227 = arith.constant 0 : i32
    %add3A_228 = arith.addi %multiple_of3A, %add3A_227 : i32
    %multiple_of3A_229 = tpu.assume_multiple %add3A_228, 32 : i32
    %dma_start3A_230 = arith.constant 0 : i32
    %dma_start3A_231 = tpu.memref_slice %arg5[%select_n3A, %multiple_of3A_229, %dma_start3A_230] : memref<4x8192x1024xf32, #tpu.memory_space<hbm>> -> memref<1x32x1024xf32, #tpu.memory_space<hbm>>
    %dma_start3A_232 = tpu.memref_squeeze %dma_start3A_231 : memref<1x32x1024xf32, #tpu.memory_space<hbm>> -> memref<32x1024xf32, #tpu.memory_space<hbm>>
    %dma_start3A_233 = arith.constant 0 : i32
    %dma_start3A_234 = tpu.memref_slice %arg5[%select_n3A, %multiple_of3A_229, %dma_start3A_233] : memref<4x8192x1024xf32, #tpu.memory_space<hbm>> -> memref<1x32x1024xf32, #tpu.memory_space<hbm>>
    %dma_start3A_235 = tpu.memref_squeeze %dma_start3A_234 : memref<1x32x1024xf32, #tpu.memory_space<hbm>> -> memref<32x1024xf32, #tpu.memory_space<hbm>>
    tpu.enqueue_dma source(%arg9 : memref<32x1024xf32, #tpu.memory_space<vmem>>) target(%dma_start3A_235 : memref<32x1024xf32, #tpu.memory_space<hbm>>) target_semaphore(%arg15 : memref<!tpu.dma_semaphore, #tpu.memory_space<semaphore_mem>>)
    %add3A_236 = arith.constant 96 : i32
    %add3A_237 = arith.addi %multiple_of3A, %add3A_236 : i32
    %multiple_of3A_238 = tpu.assume_multiple %add3A_237, 16 : i32
    %get3A_239 = arith.index_cast %multiple_of3A_238 : i32 to index
    %get3A_240 = tpu.vector_load %arg6[%get3A_239] {strides = array<i32>} : memref<8192xi32, #tpu.memory_space<vmem>>, vector<16xi32>,
    %sub3A_241 = arith.constant 1 : i32
    %sub3A_242 = vector.broadcast %sub3A_241 : i32 to vector<16xi32>
    %sub3A_243 = arith.subi %get3A_240, %sub3A_242 : vector<16xi32>
    %abs3A_244 = math.absi %sub3A_243 : vector<16xi32>
    %min3A_245 = arith.constant 1 : i32
    %min3A_246 = vector.broadcast %min3A_245 : i32 to vector<16xi32>
    %min3A_247 = arith.minsi %abs3A_244, %min3A_246 : vector<16xi32>
    %broadcast_in_dim3A_248 = arith.constant true
    %broadcast_in_dim3A_249 = vector.broadcast %broadcast_in_dim3A_248 : i1 to vector<16xi1>
    %masked_cumsum3A_250 = tpu.scan <sum>, %min3A_247 masked %broadcast_in_dim3A_249 : vector<16xi32>, vector<16xi1> -> vector<16xi32>
    %add3A_251 = vector.broadcast %add3A_217 : i32 to vector<16xi32>
    %add3A_252 = arith.addi %masked_cumsum3A_250, %add3A_251 : vector<16xi32>
    %mul3A_253 = arith.muli %add3A_252, %min3A_247 : vector<16xi32>
    %add3A_254 = arith.addi %mul3A_253, %get3A_33 : vector<16xi32>
    %multiple_of3A_255 = arith.constant 96 : i32
    %multiple_of3A_256 = tpu.assume_multiple %multiple_of3A_255, 16 : i32
    %swap3A_257 = arith.index_cast %multiple_of3A_256 : i32 to index
    %swap3A_258 = tpu.vector_load %arg7[%swap3A_257] {strides = array<i32>} : memref<1024xi32, #tpu.memory_space<vmem>>, vector<16xi32>,
    tpu.vector_store %arg7[%swap3A_257], %add3A_254 {strides = array<i32>} : memref<1024xi32, #tpu.memory_space<vmem>>, vector<16xi32>,
    %reduce_sum3A_259 = arith.constant true
    %reduce_sum3A_260 = vector.broadcast %reduce_sum3A_259 : i1 to vector<16xi1>
    %reduce_sum3A_261 = tpu.scan <sum>, %min3A_247 masked %reduce_sum3A_260 : vector<16xi32>, vector<16xi1> -> vector<16xi32>
    %reduce_sum3A_262 = vector.extract %reduce_sum3A_261[15] : i32 from vector<16xi32>
    %add3A_263 = arith.addi %add3A_217, %reduce_sum3A_262 : i32
    %add3A_264 = arith.constant 112 : i32
    %add3A_265 = arith.addi %multiple_of3A, %add3A_264 : i32
    %multiple_of3A_266 = tpu.assume_multiple %add3A_265, 16 : i32
    %get3A_267 = arith.index_cast %multiple_of3A_266 : i32 to index
    %get3A_268 = tpu.vector_load %arg6[%get3A_267] {strides = array<i32>} : memref<8192xi32, #tpu.memory_space<vmem>>, vector<16xi32>,
    %sub3A_269 = arith.constant 1 : i32
    %sub3A_270 = vector.broadcast %sub3A_269 : i32 to vector<16xi32>
    %sub3A_271 = arith.subi %get3A_268, %sub3A_270 : vector<16xi32>
    %abs3A_272 = math.absi %sub3A_271 : vector<16xi32>
    %min3A_273 = arith.constant 1 : i32
    %min3A_274 = vector.broadcast %min3A_273 : i32 to vector<16xi32>
    %min3A_275 = arith.minsi %abs3A_272, %min3A_274 : vector<16xi32>
    %broadcast_in_dim3A_276 = arith.constant true
    %broadcast_in_dim3A_277 = vector.broadcast %broadcast_in_dim3A_276 : i1 to vector<16xi1>
    %masked_cumsum3A_278 = tpu.scan <sum>, %min3A_275 masked %broadcast_in_dim3A_277 : vector<16xi32>, vector<16xi1> -> vector<16xi32>
    %add3A_279 = vector.broadcast %add3A_263 : i32 to vector<16xi32>
    %add3A_280 = arith.addi %masked_cumsum3A_278, %add3A_279 : vector<16xi32>
    %mul3A_281 = arith.muli %add3A_280, %min3A_275 : vector<16xi32>
    %add3A_282 = arith.addi %mul3A_281, %get3A_33 : vector<16xi32>
    %multiple_of3A_283 = arith.constant 112 : i32
    %multiple_of3A_284 = tpu.assume_multiple %multiple_of3A_283, 16 : i32
    %swap3A_285 = arith.index_cast %multiple_of3A_284 : i32 to index
    %swap3A_286 = tpu.vector_load %arg7[%swap3A_285] {strides = array<i32>} : memref<1024xi32, #tpu.memory_space<vmem>>, vector<16xi32>,
    tpu.vector_store %arg7[%swap3A_285], %add3A_282 {strides = array<i32>} : memref<1024xi32, #tpu.memory_space<vmem>>, vector<16xi32>,
    %reduce_sum3A_287 = arith.constant true
    %reduce_sum3A_288 = vector.broadcast %reduce_sum3A_287 : i1 to vector<16xi1>
    %reduce_sum3A_289 = tpu.scan <sum>, %min3A_275 masked %reduce_sum3A_288 : vector<16xi32>, vector<16xi1> -> vector<16xi32>
    %reduce_sum3A_290 = vector.extract %reduce_sum3A_289[15] : i32 from vector<16xi32>
    %add3A_291 = arith.addi %add3A_263, %reduce_sum3A_290 : i32
    %dma_wait3A_292 = arith.constant 0 : i32
    %dma_wait3A_293 = tpu.memref_slice %arg5[%select_n3A, %multiple_of3A_229, %dma_wait3A_292] : memref<4x8192x1024xf32, #tpu.memory_space<hbm>> -> memref<1x32x1024xf32, #tpu.memory_space<hbm>>
    %dma_wait3A_294 = tpu.memref_squeeze %dma_wait3A_293 : memref<1x32x1024xf32, #tpu.memory_space<hbm>> -> memref<32x1024xf32, #tpu.memory_space<hbm>>
    %dma_wait3A_295 = arith.constant 0 : i32
    %dma_wait3A_296 = tpu.memref_slice %arg5[%select_n3A, %multiple_of3A_229, %dma_wait3A_295] : memref<4x8192x1024xf32, #tpu.memory_space<hbm>> -> memref<1x32x1024xf32, #tpu.memory_space<hbm>>
    %dma_wait3A_297 = tpu.memref_squeeze %dma_wait3A_296 : memref<1x32x1024xf32, #tpu.memory_space<hbm>> -> memref<32x1024xf32, #tpu.memory_space<hbm>>
    tpu.wait_dma2 semaphore(%arg15 : memref<!tpu.dma_semaphore, #tpu.memory_space<semaphore_mem>>) src(%arg9 : memref<32x1024xf32, #tpu.memory_space<vmem>>) dst(%dma_wait3A_297 : memref<32x1024xf32, #tpu.memory_space<hbm>>)
    %dma_start3A_298 = arith.constant 96 : i32
    %dma_start3A_299 = tpu.memref_slice %arg7[%dma_start3A_298] : memref<1024xi32, #tpu.memory_space<vmem>> -> memref<32xi32, #tpu.memory_space<vmem>>
    %dma_start3A_300 = arith.constant 0 : i32
    %dma_start3A_301 = arith.constant 0 : i32
    %dma_start3A_302 = tpu.memref_slice %arg4[%dma_start3A_300, %dma_start3A_301] : memref<8194x1024xf32, #tpu.memory_space<hbm>> -> memref<8194x1024xf32, #tpu.memory_space<hbm>>
    tpu.enqueue_indirect_dma source(%dma_start3A_302 : memref<8194x1024xf32, #tpu.memory_space<hbm>>) target(%arg9 : memref<32x1024xf32, #tpu.memory_space<vmem>>) offsets(%dma_start3A_299 : memref<32xi32, #tpu.memory_space<vmem>>) semaphore(%arg12 : memref<!tpu.dma_semaphore, #tpu.memory_space<semaphore_mem>>)
    %dma_wait3A_303 = arith.constant 32 : i32
    %dma_wait3A_304 = tpu.memref_slice %arg7[%dma_wait3A_303] : memref<1024xi32, #tpu.memory_space<vmem>> -> memref<32xi32, #tpu.memory_space<vmem>>
    %dma_wait3A_305 = arith.constant 0 : i32
    %dma_wait3A_306 = arith.constant 0 : i32
    %dma_wait3A_307 = tpu.memref_slice %arg4[%dma_wait3A_305, %dma_wait3A_306] : memref<8194x1024xf32, #tpu.memory_space<hbm>> -> memref<8194x1024xf32, #tpu.memory_space<hbm>>
    tpu.wait_indirect_dma semaphore(%arg13 : memref<!tpu.dma_semaphore, #tpu.memory_space<semaphore_mem>>) src(%dma_wait3A_307 : memref<8194x1024xf32, #tpu.memory_space<hbm>>) dst(%arg10 : memref<32x1024xf32, #tpu.memory_space<vmem>>)
    %add3A_308 = arith.constant 32 : i32
    %add3A_309 = arith.addi %multiple_of3A, %add3A_308 : i32
    %multiple_of3A_310 = tpu.assume_multiple %add3A_309, 32 : i32
    %dma_start3A_311 = arith.constant 0 : i32
    %dma_start3A_312 = tpu.memref_slice %arg5[%select_n3A, %multiple_of3A_310, %dma_start3A_311] : memref<4x8192x1024xf32, #tpu.memory_space<hbm>> -> memref<1x32x1024xf32, #tpu.memory_space<hbm>>
    %dma_start3A_313 = tpu.memref_squeeze %dma_start3A_312 : memref<1x32x1024xf32, #tpu.memory_space<hbm>> -> memref<32x1024xf32, #tpu.memory_space<hbm>>
    %dma_start3A_314 = arith.constant 0 : i32
    %dma_start3A_315 = tpu.memref_slice %arg5[%select_n3A, %multiple_of3A_310, %dma_start3A_314] : memref<4x8192x1024xf32, #tpu.memory_space<hbm>> -> memref<1x32x1024xf32, #tpu.memory_space<hbm>>
    %dma_start3A_316 = tpu.memref_squeeze %dma_start3A_315 : memref<1x32x1024xf32, #tpu.memory_space<hbm>> -> memref<32x1024xf32, #tpu.memory_space<hbm>>
    tpu.enqueue_dma source(%arg10 : memref<32x1024xf32, #tpu.memory_space<vmem>>) target(%dma_start3A_316 : memref<32x1024xf32, #tpu.memory_space<hbm>>) target_semaphore(%arg16 : memref<!tpu.dma_semaphore, #tpu.memory_space<semaphore_mem>>)
    %add3A_317 = arith.constant 128 : i32
    %add3A_318 = arith.addi %multiple_of3A, %add3A_317 : i32
    %multiple_of3A_319 = tpu.assume_multiple %add3A_318, 16 : i32
    %get3A_320 = arith.index_cast %multiple_of3A_319 : i32 to index
    %get3A_321 = tpu.vector_load %arg6[%get3A_320] {strides = array<i32>} : memref<8192xi32, #tpu.memory_space<vmem>>, vector<16xi32>,
    %sub3A_322 = arith.constant 1 : i32
    %sub3A_323 = vector.broadcast %sub3A_322 : i32 to vector<16xi32>
    %sub3A_324 = arith.subi %get3A_321, %sub3A_323 : vector<16xi32>
    %abs3A_325 = math.absi %sub3A_324 : vector<16xi32>
    %min3A_326 = arith.constant 1 : i32
    %min3A_327 = vector.broadcast %min3A_326 : i32 to vector<16xi32>
    %min3A_328 = arith.minsi %abs3A_325, %min3A_327 : vector<16xi32>
    %broadcast_in_dim3A_329 = arith.constant true
    %broadcast_in_dim3A_330 = vector.broadcast %broadcast_in_dim3A_329 : i1 to vector<16xi1>
    %masked_cumsum3A_331 = tpu.scan <sum>, %min3A_328 masked %broadcast_in_dim3A_330 : vector<16xi32>, vector<16xi1> -> vector<16xi32>
    %add3A_332 = vector.broadcast %add3A_291 : i32 to vector<16xi32>
    %add3A_333 = arith.addi %masked_cumsum3A_331, %add3A_332 : vector<16xi32>
    %mul3A_334 = arith.muli %add3A_333, %min3A_328 : vector<16xi32>
    %add3A_335 = arith.addi %mul3A_334, %get3A_33 : vector<16xi32>
    %multiple_of3A_336 = arith.constant 128 : i32
    %multiple_of3A_337 = tpu.assume_multiple %multiple_of3A_336, 16 : i32
    %swap3A_338 = arith.index_cast %multiple_of3A_337 : i32 to index
    %swap3A_339 = tpu.vector_load %arg7[%swap3A_338] {strides = array<i32>} : memref<1024xi32, #tpu.memory_space<vmem>>, vector<16xi32>,
    tpu.vector_store %arg7[%swap3A_338], %add3A_335 {strides = array<i32>} : memref<1024xi32, #tpu.memory_space<vmem>>, vector<16xi32>,
    %reduce_sum3A_340 = arith.constant true
    %reduce_sum3A_341 = vector.broadcast %reduce_sum3A_340 : i1 to vector<16xi1>
    %reduce_sum3A_342 = tpu.scan <sum>, %min3A_328 masked %reduce_sum3A_341 : vector<16xi32>, vector<16xi1> -> vector<16xi32>
    %reduce_sum3A_343 = vector.extract %reduce_sum3A_342[15] : i32 from vector<16xi32>
    %add3A_344 = arith.addi %add3A_291, %reduce_sum3A_343 : i32
    %add3A_345 = arith.constant 144 : i32
    %add3A_346 = arith.addi %multiple_of3A, %add3A_345 : i32
    %multiple_of3A_347 = tpu.assume_multiple %add3A_346, 16 : i32
    %get3A_348 = arith.index_cast %multiple_of3A_347 : i32 to index
    %get3A_349 = tpu.vector_load %arg6[%get3A_348] {strides = array<i32>} : memref<8192xi32, #tpu.memory_space<vmem>>, vector<16xi32>,
    %sub3A_350 = arith.constant 1 : i32
    %sub3A_351 = vector.broadcast %sub3A_350 : i32 to vector<16xi32>
    %sub3A_352 = arith.subi %get3A_349, %sub3A_351 : vector<16xi32>
    %abs3A_353 = math.absi %sub3A_352 : vector<16xi32>
    %min3A_354 = arith.constant 1 : i32
    %min3A_355 = vector.broadcast %min3A_354 : i32 to vector<16xi32>
    %min3A_356 = arith.minsi %abs3A_353, %min3A_355 : vector<16xi32>
    %broadcast_in_dim3A_357 = arith.constant true
    %broadcast_in_dim3A_358 = vector.broadcast %broadcast_in_dim3A_357 : i1 to vector<16xi1>
    %masked_cumsum3A_359 = tpu.scan <sum>, %min3A_356 masked %broadcast_in_dim3A_358 : vector<16xi32>, vector<16xi1> -> vector<16xi32>
    %add3A_360 = vector.broadcast %add3A_344 : i32 to vector<16xi32>
    %add3A_361 = arith.addi %masked_cumsum3A_359, %add3A_360 : vector<16xi32>
    %mul3A_362 = arith.muli %add3A_361, %min3A_356 : vector<16xi32>
    %add3A_363 = arith.addi %mul3A_362, %get3A_33 : vector<16xi32>
    %multiple_of3A_364 = arith.constant 144 : i32
    %multiple_of3A_365 = tpu.assume_multiple %multiple_of3A_364, 16 : i32
    %swap3A_366 = arith.index_cast %multiple_of3A_365 : i32 to index
    %swap3A_367 = tpu.vector_load %arg7[%swap3A_366] {strides = array<i32>} : memref<1024xi32, #tpu.memory_space<vmem>>, vector<16xi32>,
    tpu.vector_store %arg7[%swap3A_366], %add3A_363 {strides = array<i32>} : memref<1024xi32, #tpu.memory_space<vmem>>, vector<16xi32>,
    %reduce_sum3A_368 = arith.constant true
    %reduce_sum3A_369 = vector.broadcast %reduce_sum3A_368 : i1 to vector<16xi1>
    %reduce_sum3A_370 = tpu.scan <sum>, %min3A_356 masked %reduce_sum3A_369 : vector<16xi32>, vector<16xi1> -> vector<16xi32>
    %reduce_sum3A_371 = vector.extract %reduce_sum3A_370[15] : i32 from vector<16xi32>
    %add3A_372 = arith.addi %add3A_344, %reduce_sum3A_371 : i32
    %dma_wait3A_373 = arith.constant 0 : i32
    %dma_wait3A_374 = tpu.memref_slice %arg5[%select_n3A, %multiple_of3A_310, %dma_wait3A_373] : memref<4x8192x1024xf32, #tpu.memory_space<hbm>> -> memref<1x32x1024xf32, #tpu.memory_space<hbm>>
    %dma_wait3A_375 = tpu.memref_squeeze %dma_wait3A_374 : memref<1x32x1024xf32, #tpu.memory_space<hbm>> -> memref<32x1024xf32, #tpu.memory_space<hbm>>
    %dma_wait3A_376 = arith.constant 0 : i32
    %dma_wait3A_377 = tpu.memref_slice %arg5[%select_n3A, %multiple_of3A_310, %dma_wait3A_376] : memref<4x8192x1024xf32, #tpu.memory_space<hbm>> -> memref<1x32x1024xf32, #tpu.memory_space<hbm>>
    %dma_wait3A_378 = tpu.memref_squeeze %dma_wait3A_377 : memref<1x32x1024xf32, #tpu.memory_space<hbm>> -> memref<32x1024xf32, #tpu.memory_space<hbm>>
    tpu.wait_dma2 semaphore(%arg16 : memref<!tpu.dma_semaphore, #tpu.memory_space<semaphore_mem>>) src(%arg10 : memref<32x1024xf32, #tpu.memory_space<vmem>>) dst(%dma_wait3A_378 : memref<32x1024xf32, #tpu.memory_space<hbm>>)
    %dma_start3A_379 = arith.constant 128 : i32
    %dma_start3A_380 = tpu.memref_slice %arg7[%dma_start3A_379] : memref<1024xi32, #tpu.memory_space<vmem>> -> memref<32xi32, #tpu.memory_space<vmem>>
    %dma_start3A_381 = arith.constant 0 : i32
    %dma_start3A_382 = arith.constant 0 : i32
    %dma_start3A_383 = tpu.memref_slice %arg4[%dma_start3A_381, %dma_start3A_382] : memref<8194x1024xf32, #tpu.memory_space<hbm>> -> memref<8194x1024xf32, #tpu.memory_space<hbm>>
    tpu.enqueue_indirect_dma source(%dma_start3A_383 : memref<8194x1024xf32, #tpu.memory_space<hbm>>) target(%arg10 : memref<32x1024xf32, #tpu.memory_space<vmem>>) offsets(%dma_start3A_380 : memref<32xi32, #tpu.memory_space<vmem>>) semaphore(%arg13 : memref<!tpu.dma_semaphore, #tpu.memory_space<semaphore_mem>>)
    %dma_wait3A_384 = arith.constant 64 : i32
    %dma_wait3A_385 = tpu.memref_slice %arg7[%dma_wait3A_384] : memref<1024xi32, #tpu.memory_space<vmem>> -> memref<32xi32, #tpu.memory_space<vmem>>
    %dma_wait3A_386 = arith.constant 0 : i32
    %dma_wait3A_387 = arith.constant 0 : i32
    %dma_wait3A_388 = tpu.memref_slice %arg4[%dma_wait3A_386, %dma_wait3A_387] : memref<8194x1024xf32, #tpu.memory_space<hbm>> -> memref<8194x1024xf32, #tpu.memory_space<hbm>>
    tpu.wait_indirect_dma semaphore(%arg14 : memref<!tpu.dma_semaphore, #tpu.memory_space<semaphore_mem>>) src(%dma_wait3A_388 : memref<8194x1024xf32, #tpu.memory_space<hbm>>) dst(%arg11 : memref<32x1024xf32, #tpu.memory_space<vmem>>)
    %add3A_389 = arith.constant 64 : i32
    %add3A_390 = arith.addi %multiple_of3A, %add3A_389 : i32
    %multiple_of3A_391 = tpu.assume_multiple %add3A_390, 32 : i32
    %dma_start3A_392 = arith.constant 0 : i32
    %dma_start3A_393 = tpu.memref_slice %arg5[%select_n3A, %multiple_of3A_391, %dma_start3A_392] : memref<4x8192x1024xf32, #tpu.memory_space<hbm>> -> memref<1x32x1024xf32, #tpu.memory_space<hbm>>
    %dma_start3A_394 = tpu.memref_squeeze %dma_start3A_393 : memref<1x32x1024xf32, #tpu.memory_space<hbm>> -> memref<32x1024xf32, #tpu.memory_space<hbm>>
    %dma_start3A_395 = arith.constant 0 : i32
    %dma_start3A_396 = tpu.memref_slice %arg5[%select_n3A, %multiple_of3A_391, %dma_start3A_395] : memref<4x8192x1024xf32, #tpu.memory_space<hbm>> -> memref<1x32x1024xf32, #tpu.memory_space<hbm>>
    %dma_start3A_397 = tpu.memref_squeeze %dma_start3A_396 : memref<1x32x1024xf32, #tpu.memory_space<hbm>> -> memref<32x1024xf32, #tpu.memory_space<hbm>>
    tpu.enqueue_dma source(%arg11 : memref<32x1024xf32, #tpu.memory_space<vmem>>) target(%dma_start3A_397 : memref<32x1024xf32, #tpu.memory_space<hbm>>) target_semaphore(%arg17 : memref<!tpu.dma_semaphore, #tpu.memory_space<semaphore_mem>>)
    %add3A_398 = arith.constant 160 : i32
    %add3A_399 = arith.addi %multiple_of3A, %add3A_398 : i32
    %multiple_of3A_400 = tpu.assume_multiple %add3A_399, 16 : i32
    %get3A_401 = arith.index_cast %multiple_of3A_400 : i32 to index
    %get3A_402 = tpu.vector_load %arg6[%get3A_401] {strides = array<i32>} : memref<8192xi32, #tpu.memory_space<vmem>>, vector<16xi32>,
    %sub3A_403 = arith.constant 1 : i32
    %sub3A_404 = vector.broadcast %sub3A_403 : i32 to vector<16xi32>
    %sub3A_405 = arith.subi %get3A_402, %sub3A_404 : vector<16xi32>
    %abs3A_406 = math.absi %sub3A_405 : vector<16xi32>
    %min3A_407 = arith.constant 1 : i32
    %min3A_408 = vector.broadcast %min3A_407 : i32 to vector<16xi32>
    %min3A_409 = arith.minsi %abs3A_406, %min3A_408 : vector<16xi32>
    %broadcast_in_dim3A_410 = arith.constant true
    %broadcast_in_dim3A_411 = vector.broadcast %broadcast_in_dim3A_410 : i1 to vector<16xi1>
    %masked_cumsum3A_412 = tpu.scan <sum>, %min3A_409 masked %broadcast_in_dim3A_411 : vector<16xi32>, vector<16xi1> -> vector<16xi32>
    %add3A_413 = vector.broadcast %add3A_372 : i32 to vector<16xi32>
    %add3A_414 = arith.addi %masked_cumsum3A_412, %add3A_413 : vector<16xi32>
    %mul3A_415 = arith.muli %add3A_414, %min3A_409 : vector<16xi32>
    %add3A_416 = arith.addi %mul3A_415, %get3A_33 : vector<16xi32>
    %multiple_of3A_417 = arith.constant 160 : i32
    %multiple_of3A_418 = tpu.assume_multiple %multiple_of3A_417, 16 : i32
    %swap3A_419 = arith.index_cast %multiple_of3A_418 : i32 to index
    %swap3A_420 = tpu.vector_load %arg7[%swap3A_419] {strides = array<i32>} : memref<1024xi32, #tpu.memory_space<vmem>>, vector<16xi32>,
    tpu.vector_store %arg7[%swap3A_419], %add3A_416 {strides = array<i32>} : memref<1024xi32, #tpu.memory_space<vmem>>, vector<16xi32>,
    %reduce_sum3A_421 = arith.constant true
    %reduce_sum3A_422 = vector.broadcast %reduce_sum3A_421 : i1 to vector<16xi1>
    %reduce_sum3A_423 = tpu.scan <sum>, %min3A_409 masked %reduce_sum3A_422 : vector<16xi32>, vector<16xi1> -> vector<16xi32>
    %reduce_sum3A_424 = vector.extract %reduce_sum3A_423[15] : i32 from vector<16xi32>
    %add3A_425 = arith.addi %add3A_372, %reduce_sum3A_424 : i32
    %add3A_426 = arith.constant 176 : i32
    %add3A_427 = arith.addi %multiple_of3A, %add3A_426 : i32
    %multiple_of3A_428 = tpu.assume_multiple %add3A_427, 16 : i32
    %get3A_429 = arith.index_cast %multiple_of3A_428 : i32 to index
    %get3A_430 = tpu.vector_load %arg6[%get3A_429] {strides = array<i32>} : memref<8192xi32, #tpu.memory_space<vmem>>, vector<16xi32>,
    %sub3A_431 = arith.constant 1 : i32
    %sub3A_432 = vector.broadcast %sub3A_431 : i32 to vector<16xi32>
    %sub3A_433 = arith.subi %get3A_430, %sub3A_432 : vector<16xi32>
    %abs3A_434 = math.absi %sub3A_433 : vector<16xi32>
    %min3A_435 = arith.constant 1 : i32
    %min3A_436 = vector.broadcast %min3A_435 : i32 to vector<16xi32>
    %min3A_437 = arith.minsi %abs3A_434, %min3A_436 : vector<16xi32>
    %broadcast_in_dim3A_438 = arith.constant true
    %broadcast_in_dim3A_439 = vector.broadcast %broadcast_in_dim3A_438 : i1 to vector<16xi1>
    %masked_cumsum3A_440 = tpu.scan <sum>, %min3A_437 masked %broadcast_in_dim3A_439 : vector<16xi32>, vector<16xi1> -> vector<16xi32>
    %add3A_441 = vector.broadcast %add3A_425 : i32 to vector<16xi32>
    %add3A_442 = arith.addi %masked_cumsum3A_440, %add3A_441 : vector<16xi32>
    %mul3A_443 = arith.muli %add3A_442, %min3A_437 : vector<16xi32>
    %add3A_444 = arith.addi %mul3A_443, %get3A_33 : vector<16xi32>
    %multiple_of3A_445 = arith.constant 176 : i32
    %multiple_of3A_446 = tpu.assume_multiple %multiple_of3A_445, 16 : i32
    %swap3A_447 = arith.index_cast %multiple_of3A_446 : i32 to index
    %swap3A_448 = tpu.vector_load %arg7[%swap3A_447] {strides = array<i32>} : memref<1024xi32, #tpu.memory_space<vmem>>, vector<16xi32>,
    tpu.vector_store %arg7[%swap3A_447], %add3A_444 {strides = array<i32>} : memref<1024xi32, #tpu.memory_space<vmem>>, vector<16xi32>,
    %reduce_sum3A_449 = arith.constant true
    %reduce_sum3A_450 = vector.broadcast %reduce_sum3A_449 : i1 to vector<16xi1>
    %reduce_sum3A_451 = tpu.scan <sum>, %min3A_437 masked %reduce_sum3A_450 : vector<16xi32>, vector<16xi1> -> vector<16xi32>
    %reduce_sum3A_452 = vector.extract %reduce_sum3A_451[15] : i32 from vector<16xi32>
    %add3A_453 = arith.addi %add3A_425, %reduce_sum3A_452 : i32
    %dma_wait3A_454 = arith.constant 0 : i32
    %dma_wait3A_455 = tpu.memref_slice %arg5[%select_n3A, %multiple_of3A_391, %dma_wait3A_454] : memref<4x8192x1024xf32, #tpu.memory_space<hbm>> -> memref<1x32x1024xf32, #tpu.memory_space<hbm>>
    %dma_wait3A_456 = tpu.memref_squeeze %dma_wait3A_455 : memref<1x32x1024xf32, #tpu.memory_space<hbm>> -> memref<32x1024xf32, #tpu.memory_space<hbm>>
    %dma_wait3A_457 = arith.constant 0 : i32
    %dma_wait3A_458 = tpu.memref_slice %arg5[%select_n3A, %multiple_of3A_391, %dma_wait3A_457] : memref<4x8192x1024xf32, #tpu.memory_space<hbm>> -> memref<1x32x1024xf32, #tpu.memory_space<hbm>>
    %dma_wait3A_459 = tpu.memref_squeeze %dma_wait3A_458 : memref<1x32x1024xf32, #tpu.memory_space<hbm>> -> memref<32x1024xf32, #tpu.memory_space<hbm>>
    tpu.wait_dma2 semaphore(%arg17 : memref<!tpu.dma_semaphore, #tpu.memory_space<semaphore_mem>>) src(%arg11 : memref<32x1024xf32, #tpu.memory_space<vmem>>) dst(%dma_wait3A_459 : memref<32x1024xf32, #tpu.memory_space<hbm>>)
    %dma_start3A_460 = arith.constant 160 : i32
    %dma_start3A_461 = tpu.memref_slice %arg7[%dma_start3A_460] : memref<1024xi32, #tpu.memory_space<vmem>> -> memref<32xi32, #tpu.memory_space<vmem>>
    %dma_start3A_462 = arith.constant 0 : i32
    %dma_start3A_463 = arith.constant 0 : i32
    %dma_start3A_464 = tpu.memref_slice %arg4[%dma_start3A_462, %dma_start3A_463] : memref<8194x1024xf32, #tpu.memory_space<hbm>> -> memref<8194x1024xf32, #tpu.memory_space<hbm>>
    tpu.enqueue_indirect_dma source(%dma_start3A_464 : memref<8194x1024xf32, #tpu.memory_space<hbm>>) target(%arg11 : memref<32x1024xf32, #tpu.memory_space<vmem>>) offsets(%dma_start3A_461 : memref<32xi32, #tpu.memory_space<vmem>>) semaphore(%arg14 : memref<!tpu.dma_semaphore, #tpu.memory_space<semaphore_mem>>)
    %dma_wait3A_465 = arith.constant 96 : i32
    %dma_wait3A_466 = tpu.memref_slice %arg7[%dma_wait3A_465] : memref<1024xi32, #tpu.memory_space<vmem>> -> memref<32xi32, #tpu.memory_space<vmem>>
    %dma_wait3A_467 = arith.constant 0 : i32
    %dma_wait3A_468 = arith.constant 0 : i32
    %dma_wait3A_469 = tpu.memref_slice %arg4[%dma_wait3A_467, %dma_wait3A_468] : memref<8194x1024xf32, #tpu.memory_space<hbm>> -> memref<8194x1024xf32, #tpu.memory_space<hbm>>
    tpu.wait_indirect_dma semaphore(%arg12 : memref<!tpu.dma_semaphore, #tpu.memory_space<semaphore_mem>>) src(%dma_wait3A_469 : memref<8194x1024xf32, #tpu.memory_space<hbm>>) dst(%arg9 : memref<32x1024xf32, #tpu.memory_space<vmem>>)
    %add3A_470 = arith.constant 96 : i32
    %add3A_471 = arith.addi %multiple_of3A, %add3A_470 : i32
    %multiple_of3A_472 = tpu.assume_multiple %add3A_471, 32 : i32
    %dma_start3A_473 = arith.constant 0 : i32
    %dma_start3A_474 = tpu.memref_slice %arg5[%select_n3A, %multiple_of3A_472, %dma_start3A_473] : memref<4x8192x1024xf32, #tpu.memory_space<hbm>> -> memref<1x32x1024xf32, #tpu.memory_space<hbm>>
    %dma_start3A_475 = tpu.memref_squeeze %dma_start3A_474 : memref<1x32x1024xf32, #tpu.memory_space<hbm>> -> memref<32x1024xf32, #tpu.memory_space<hbm>>
    %dma_start3A_476 = arith.constant 0 : i32
    %dma_start3A_477 = tpu.memref_slice %arg5[%select_n3A, %multiple_of3A_472, %dma_start3A_476] : memref<4x8192x1024xf32, #tpu.memory_space<hbm>> -> memref<1x32x1024xf32, #tpu.memory_space<hbm>>
    %dma_start3A_478 = tpu.memref_squeeze %dma_start3A_477 : memref<1x32x1024xf32, #tpu.memory_space<hbm>> -> memref<32x1024xf32, #tpu.memory_space<hbm>>
    tpu.enqueue_dma source(%arg9 : memref<32x1024xf32, #tpu.memory_space<vmem>>) target(%dma_start3A_478 : memref<32x1024xf32, #tpu.memory_space<hbm>>) target_semaphore(%arg15 : memref<!tpu.dma_semaphore, #tpu.memory_space<semaphore_mem>>)
    %add3A_479 = arith.constant 192 : i32
    %add3A_480 = arith.addi %multiple_of3A, %add3A_479 : i32
    %multiple_of3A_481 = tpu.assume_multiple %add3A_480, 16 : i32
    %get3A_482 = arith.index_cast %multiple_of3A_481 : i32 to index
    %get3A_483 = tpu.vector_load %arg6[%get3A_482] {strides = array<i32>} : memref<8192xi32, #tpu.memory_space<vmem>>, vector<16xi32>,
    %sub3A_484 = arith.constant 1 : i32
    %sub3A_485 = vector.broadcast %sub3A_484 : i32 to vector<16xi32>
    %sub3A_486 = arith.subi %get3A_483, %sub3A_485 : vector<16xi32>
    %abs3A_487 = math.absi %sub3A_486 : vector<16xi32>
    %min3A_488 = arith.constant 1 : i32
    %min3A_489 = vector.broadcast %min3A_488 : i32 to vector<16xi32>
    %min3A_490 = arith.minsi %abs3A_487, %min3A_489 : vector<16xi32>
    %broadcast_in_dim3A_491 = arith.constant true
    %broadcast_in_dim3A_492 = vector.broadcast %broadcast_in_dim3A_491 : i1 to vector<16xi1>
    %masked_cumsum3A_493 = tpu.scan <sum>, %min3A_490 masked %broadcast_in_dim3A_492 : vector<16xi32>, vector<16xi1> -> vector<16xi32>
    %add3A_494 = vector.broadcast %add3A_453 : i32 to vector<16xi32>
    %add3A_495 = arith.addi %masked_cumsum3A_493, %add3A_494 : vector<16xi32>
    %mul3A_496 = arith.muli %add3A_495, %min3A_490 : vector<16xi32>
    %add3A_497 = arith.addi %mul3A_496, %get3A_33 : vector<16xi32>
    %multiple_of3A_498 = arith.constant 192 : i32
    %multiple_of3A_499 = tpu.assume_multiple %multiple_of3A_498, 16 : i32
    %swap3A_500 = arith.index_cast %multiple_of3A_499 : i32 to index
    %swap3A_501 = tpu.vector_load %arg7[%swap3A_500] {strides = array<i32>} : memref<1024xi32, #tpu.memory_space<vmem>>, vector<16xi32>,
    tpu.vector_store %arg7[%swap3A_500], %add3A_497 {strides = array<i32>} : memref<1024xi32, #tpu.memory_space<vmem>>, vector<16xi32>,
    %reduce_sum3A_502 = arith.constant true
    %reduce_sum3A_503 = vector.broadcast %reduce_sum3A_502 : i1 to vector<16xi1>
    %reduce_sum3A_504 = tpu.scan <sum>, %min3A_490 masked %reduce_sum3A_503 : vector<16xi32>, vector<16xi1> -> vector<16xi32>
    %reduce_sum3A_505 = vector.extract %reduce_sum3A_504[15] : i32 from vector<16xi32>
    %add3A_506 = arith.addi %add3A_453, %reduce_sum3A_505 : i32
    %add3A_507 = arith.constant 208 : i32
    %add3A_508 = arith.addi %multiple_of3A, %add3A_507 : i32
    %multiple_of3A_509 = tpu.assume_multiple %add3A_508, 16 : i32
    %get3A_510 = arith.index_cast %multiple_of3A_509 : i32 to index
    %get3A_511 = tpu.vector_load %arg6[%get3A_510] {strides = array<i32>} : memref<8192xi32, #tpu.memory_space<vmem>>, vector<16xi32>,
    %sub3A_512 = arith.constant 1 : i32
    %sub3A_513 = vector.broadcast %sub3A_512 : i32 to vector<16xi32>
    %sub3A_514 = arith.subi %get3A_511, %sub3A_513 : vector<16xi32>
    %abs3A_515 = math.absi %sub3A_514 : vector<16xi32>
    %min3A_516 = arith.constant 1 : i32
    %min3A_517 = vector.broadcast %min3A_516 : i32 to vector<16xi32>
    %min3A_518 = arith.minsi %abs3A_515, %min3A_517 : vector<16xi32>
    %broadcast_in_dim3A_519 = arith.constant true
    %broadcast_in_dim3A_520 = vector.broadcast %broadcast_in_dim3A_519 : i1 to vector<16xi1>
    %masked_cumsum3A_521 = tpu.scan <sum>, %min3A_518 masked %broadcast_in_dim3A_520 : vector<16xi32>, vector<16xi1> -> vector<16xi32>
    %add3A_522 = vector.broadcast %add3A_506 : i32 to vector<16xi32>
    %add3A_523 = arith.addi %masked_cumsum3A_521, %add3A_522 : vector<16xi32>
    %mul3A_524 = arith.muli %add3A_523, %min3A_518 : vector<16xi32>
    %add3A_525 = arith.addi %mul3A_524, %get3A_33 : vector<16xi32>
    %multiple_of3A_526 = arith.constant 208 : i32
    %multiple_of3A_527 = tpu.assume_multiple %multiple_of3A_526, 16 : i32
    %swap3A_528 = arith.index_cast %multiple_of3A_527 : i32 to index
    %swap3A_529 = tpu.vector_load %arg7[%swap3A_528] {strides = array<i32>} : memref<1024xi32, #tpu.memory_space<vmem>>, vector<16xi32>,
    tpu.vector_store %arg7[%swap3A_528], %add3A_525 {strides = array<i32>} : memref<1024xi32, #tpu.memory_space<vmem>>, vector<16xi32>,
    %reduce_sum3A_530 = arith.constant true
    %reduce_sum3A_531 = vector.broadcast %reduce_sum3A_530 : i1 to vector<16xi1>
    %reduce_sum3A_532 = tpu.scan <sum>, %min3A_518 masked %reduce_sum3A_531 : vector<16xi32>, vector<16xi1> -> vector<16xi32>
    %reduce_sum3A_533 = vector.extract %reduce_sum3A_532[15] : i32 from vector<16xi32>
    %add3A_534 = arith.addi %add3A_506, %reduce_sum3A_533 : i32
    %dma_wait3A_535 = arith.constant 0 : i32
    %dma_wait3A_536 = tpu.memref_slice %arg5[%select_n3A, %multiple_of3A_472, %dma_wait3A_535] : memref<4x8192x1024xf32, #tpu.memory_space<hbm>> -> memref<1x32x1024xf32, #tpu.memory_space<hbm>>
    %dma_wait3A_537 = tpu.memref_squeeze %dma_wait3A_536 : memref<1x32x1024xf32, #tpu.memory_space<hbm>> -> memref<32x1024xf32, #tpu.memory_space<hbm>>
    %dma_wait3A_538 = arith.constant 0 : i32
    %dma_wait3A_539 = tpu.memref_slice %arg5[%select_n3A, %multiple_of3A_472, %dma_wait3A_538] : memref<4x8192x1024xf32, #tpu.memory_space<hbm>> -> memref<1x32x1024xf32, #tpu.memory_space<hbm>>
    %dma_wait3A_540 = tpu.memref_squeeze %dma_wait3A_539 : memref<1x32x1024xf32, #tpu.memory_space<hbm>> -> memref<32x1024xf32, #tpu.memory_space<hbm>>
    tpu.wait_dma2 semaphore(%arg15 : memref<!tpu.dma_semaphore, #tpu.memory_space<semaphore_mem>>) src(%arg9 : memref<32x1024xf32, #tpu.memory_space<vmem>>) dst(%dma_wait3A_540 : memref<32x1024xf32, #tpu.memory_space<hbm>>)
    %dma_start3A_541 = arith.constant 192 : i32
    %dma_start3A_542 = tpu.memref_slice %arg7[%dma_start3A_541] : memref<1024xi32, #tpu.memory_space<vmem>> -> memref<32xi32, #tpu.memory_space<vmem>>
    %dma_start3A_543 = arith.constant 0 : i32
    %dma_start3A_544 = arith.constant 0 : i32
    %dma_start3A_545 = tpu.memref_slice %arg4[%dma_start3A_543, %dma_start3A_544] : memref<8194x1024xf32, #tpu.memory_space<hbm>> -> memref<8194x1024xf32, #tpu.memory_space<hbm>>
    tpu.enqueue_indirect_dma source(%dma_start3A_545 : memref<8194x1024xf32, #tpu.memory_space<hbm>>) target(%arg9 : memref<32x1024xf32, #tpu.memory_space<vmem>>) offsets(%dma_start3A_542 : memref<32xi32, #tpu.memory_space<vmem>>) semaphore(%arg12 : memref<!tpu.dma_semaphore, #tpu.memory_space<semaphore_mem>>)
    %dma_wait3A_546 = arith.constant 128 : i32
    %dma_wait3A_547 = tpu.memref_slice %arg7[%dma_wait3A_546] : memref<1024xi32, #tpu.memory_space<vmem>> -> memref<32xi32, #tpu.memory_space<vmem>>
    %dma_wait3A_548 = arith.constant 0 : i32
    %dma_wait3A_549 = arith.constant 0 : i32
    %dma_wait3A_550 = tpu.memref_slice %arg4[%dma_wait3A_548, %dma_wait3A_549] : memref<8194x1024xf32, #tpu.memory_space<hbm>> -> memref<8194x1024xf32, #tpu.memory_space<hbm>>
    tpu.wait_indirect_dma semaphore(%arg13 : memref<!tpu.dma_semaphore, #tpu.memory_space<semaphore_mem>>) src(%dma_wait3A_550 : memref<8194x1024xf32, #tpu.memory_space<hbm>>) dst(%arg10 : memref<32x1024xf32, #tpu.memory_space<vmem>>)
    %add3A_551 = arith.constant 128 : i32
    %add3A_552 = arith.addi %multiple_of3A, %add3A_551 : i32
    %multiple_of3A_553 = tpu.assume_multiple %add3A_552, 32 : i32
    %dma_start3A_554 = arith.constant 0 : i32
    %dma_start3A_555 = tpu.memref_slice %arg5[%select_n3A, %multiple_of3A_553, %dma_start3A_554] : memref<4x8192x1024xf32, #tpu.memory_space<hbm>> -> memref<1x32x1024xf32, #tpu.memory_space<hbm>>
    %dma_start3A_556 = tpu.memref_squeeze %dma_start3A_555 : memref<1x32x1024xf32, #tpu.memory_space<hbm>> -> memref<32x1024xf32, #tpu.memory_space<hbm>>
    %dma_start3A_557 = arith.constant 0 : i32
    %dma_start3A_558 = tpu.memref_slice %arg5[%select_n3A, %multiple_of3A_553, %dma_start3A_557] : memref<4x8192x1024xf32, #tpu.memory_space<hbm>> -> memref<1x32x1024xf32, #tpu.memory_space<hbm>>
    %dma_start3A_559 = tpu.memref_squeeze %dma_start3A_558 : memref<1x32x1024xf32, #tpu.memory_space<hbm>> -> memref<32x1024xf32, #tpu.memory_space<hbm>>
    tpu.enqueue_dma source(%arg10 : memref<32x1024xf32, #tpu.memory_space<vmem>>) target(%dma_start3A_559 : memref<32x1024xf32, #tpu.memory_space<hbm>>) target_semaphore(%arg16 : memref<!tpu.dma_semaphore, #tpu.memory_space<semaphore_mem>>)
    %add3A_560 = arith.constant 224 : i32
    %add3A_561 = arith.addi %multiple_of3A, %add3A_560 : i32
    %multiple_of3A_562 = tpu.assume_multiple %add3A_561, 16 : i32
    %get3A_563 = arith.index_cast %multiple_of3A_562 : i32 to index
    %get3A_564 = tpu.vector_load %arg6[%get3A_563] {strides = array<i32>} : memref<8192xi32, #tpu.memory_space<vmem>>, vector<16xi32>,
    %sub3A_565 = arith.constant 1 : i32
    %sub3A_566 = vector.broadcast %sub3A_565 : i32 to vector<16xi32>
    %sub3A_567 = arith.subi %get3A_564, %sub3A_566 : vector<16xi32>
    %abs3A_568 = math.absi %sub3A_567 : vector<16xi32>
    %min3A_569 = arith.constant 1 : i32
    %min3A_570 = vector.broadcast %min3A_569 : i32 to vector<16xi32>
    %min3A_571 = arith.minsi %abs3A_568, %min3A_570 : vector<16xi32>
    %broadcast_in_dim3A_572 = arith.constant true
    %broadcast_in_dim3A_573 = vector.broadcast %broadcast_in_dim3A_572 : i1 to vector<16xi1>
    %masked_cumsum3A_574 = tpu.scan <sum>, %min3A_571 masked %broadcast_in_dim3A_573 : vector<16xi32>, vector<16xi1> -> vector<16xi32>
    %add3A_575 = vector.broadcast %add3A_534 : i32 to vector<16xi32>
    %add3A_576 = arith.addi %masked_cumsum3A_574, %add3A_575 : vector<16xi32>
    %mul3A_577 = arith.muli %add3A_576, %min3A_571 : vector<16xi32>
    %add3A_578 = arith.addi %mul3A_577, %get3A_33 : vector<16xi32>
    %multiple_of3A_579 = arith.constant 224 : i32
    %multiple_of3A_580 = tpu.assume_multiple %multiple_of3A_579, 16 : i32
    %swap3A_581 = arith.index_cast %multiple_of3A_580 : i32 to index
    %swap3A_582 = tpu.vector_load %arg7[%swap3A_581] {strides = array<i32>} : memref<1024xi32, #tpu.memory_space<vmem>>, vector<16xi32>,
    tpu.vector_store %arg7[%swap3A_581], %add3A_578 {strides = array<i32>} : memref<1024xi32, #tpu.memory_space<vmem>>, vector<16xi32>,
    %reduce_sum3A_583 = arith.constant true
    %reduce_sum3A_584 = vector.broadcast %reduce_sum3A_583 : i1 to vector<16xi1>
    %reduce_sum3A_585 = tpu.scan <sum>, %min3A_571 masked %reduce_sum3A_584 : vector<16xi32>, vector<16xi1> -> vector<16xi32>
    %reduce_sum3A_586 = vector.extract %reduce_sum3A_585[15] : i32 from vector<16xi32>
    %add3A_587 = arith.addi %add3A_534, %reduce_sum3A_586 : i32
    %add3A_588 = arith.constant 240 : i32
    %add3A_589 = arith.addi %multiple_of3A, %add3A_588 : i32
    %multiple_of3A_590 = tpu.assume_multiple %add3A_589, 16 : i32
    %get3A_591 = arith.index_cast %multiple_of3A_590 : i32 to index
    %get3A_592 = tpu.vector_load %arg6[%get3A_591] {strides = array<i32>} : memref<8192xi32, #tpu.memory_space<vmem>>, vector<16xi32>,
    %sub3A_593 = arith.constant 1 : i32
    %sub3A_594 = vector.broadcast %sub3A_593 : i32 to vector<16xi32>
    %sub3A_595 = arith.subi %get3A_592, %sub3A_594 : vector<16xi32>
    %abs3A_596 = math.absi %sub3A_595 : vector<16xi32>
    %min3A_597 = arith.constant 1 : i32
    %min3A_598 = vector.broadcast %min3A_597 : i32 to vector<16xi32>
    %min3A_599 = arith.minsi %abs3A_596, %min3A_598 : vector<16xi32>
    %broadcast_in_dim3A_600 = arith.constant true
    %broadcast_in_dim3A_601 = vector.broadcast %broadcast_in_dim3A_600 : i1 to vector<16xi1>
    %masked_cumsum3A_602 = tpu.scan <sum>, %min3A_599 masked %broadcast_in_dim3A_601 : vector<16xi32>, vector<16xi1> -> vector<16xi32>
    %add3A_603 = vector.broadcast %add3A_587 : i32 to vector<16xi32>
    %add3A_604 = arith.addi %masked_cumsum3A_602, %add3A_603 : vector<16xi32>
    %mul3A_605 = arith.muli %add3A_604, %min3A_599 : vector<16xi32>
    %add3A_606 = arith.addi %mul3A_605, %get3A_33 : vector<16xi32>
    %multiple_of3A_607 = arith.constant 240 : i32
    %multiple_of3A_608 = tpu.assume_multiple %multiple_of3A_607, 16 : i32
    %swap3A_609 = arith.index_cast %multiple_of3A_608 : i32 to index
    %swap3A_610 = tpu.vector_load %arg7[%swap3A_609] {strides = array<i32>} : memref<1024xi32, #tpu.memory_space<vmem>>, vector<16xi32>,
    tpu.vector_store %arg7[%swap3A_609], %add3A_606 {strides = array<i32>} : memref<1024xi32, #tpu.memory_space<vmem>>, vector<16xi32>,
    %reduce_sum3A_611 = arith.constant true
    %reduce_sum3A_612 = vector.broadcast %reduce_sum3A_611 : i1 to vector<16xi1>
    %reduce_sum3A_613 = tpu.scan <sum>, %min3A_599 masked %reduce_sum3A_612 : vector<16xi32>, vector<16xi1> -> vector<16xi32>
    %reduce_sum3A_614 = vector.extract %reduce_sum3A_613[15] : i32 from vector<16xi32>
    %add3A_615 = arith.addi %add3A_587, %reduce_sum3A_614 : i32
    %dma_wait3A_616 = arith.constant 0 : i32
    %dma_wait3A_617 = tpu.memref_slice %arg5[%select_n3A, %multiple_of3A_553, %dma_wait3A_616] : memref<4x8192x1024xf32, #tpu.memory_space<hbm>> -> memref<1x32x1024xf32, #tpu.memory_space<hbm>>
    %dma_wait3A_618 = tpu.memref_squeeze %dma_wait3A_617 : memref<1x32x1024xf32, #tpu.memory_space<hbm>> -> memref<32x1024xf32, #tpu.memory_space<hbm>>
    %dma_wait3A_619 = arith.constant 0 : i32
    %dma_wait3A_620 = tpu.memref_slice %arg5[%select_n3A, %multiple_of3A_553, %dma_wait3A_619] : memref<4x8192x1024xf32, #tpu.memory_space<hbm>> -> memref<1x32x1024xf32, #tpu.memory_space<hbm>>
    %dma_wait3A_621 = tpu.memref_squeeze %dma_wait3A_620 : memref<1x32x1024xf32, #tpu.memory_space<hbm>> -> memref<32x1024xf32, #tpu.memory_space<hbm>>
    tpu.wait_dma2 semaphore(%arg16 : memref<!tpu.dma_semaphore, #tpu.memory_space<semaphore_mem>>) src(%arg10 : memref<32x1024xf32, #tpu.memory_space<vmem>>) dst(%dma_wait3A_621 : memref<32x1024xf32, #tpu.memory_space<hbm>>)
    %dma_start3A_622 = arith.constant 224 : i32
    %dma_start3A_623 = tpu.memref_slice %arg7[%dma_start3A_622] : memref<1024xi32, #tpu.memory_space<vmem>> -> memref<32xi32, #tpu.memory_space<vmem>>
    %dma_start3A_624 = arith.constant 0 : i32
    %dma_start3A_625 = arith.constant 0 : i32
    %dma_start3A_626 = tpu.memref_slice %arg4[%dma_start3A_624, %dma_start3A_625] : memref<8194x1024xf32, #tpu.memory_space<hbm>> -> memref<8194x1024xf32, #tpu.memory_space<hbm>>
    tpu.enqueue_indirect_dma source(%dma_start3A_626 : memref<8194x1024xf32, #tpu.memory_space<hbm>>) target(%arg10 : memref<32x1024xf32, #tpu.memory_space<vmem>>) offsets(%dma_start3A_623 : memref<32xi32, #tpu.memory_space<vmem>>) semaphore(%arg13 : memref<!tpu.dma_semaphore, #tpu.memory_space<semaphore_mem>>)
    %dma_wait3A_627 = arith.constant 160 : i32
    %dma_wait3A_628 = tpu.memref_slice %arg7[%dma_wait3A_627] : memref<1024xi32, #tpu.memory_space<vmem>> -> memref<32xi32, #tpu.memory_space<vmem>>
    %dma_wait3A_629 = arith.constant 0 : i32
    %dma_wait3A_630 = arith.constant 0 : i32
    %dma_wait3A_631 = tpu.memref_slice %arg4[%dma_wait3A_629, %dma_wait3A_630] : memref<8194x1024xf32, #tpu.memory_space<hbm>> -> memref<8194x1024xf32, #tpu.memory_space<hbm>>
    tpu.wait_indirect_dma semaphore(%arg14 : memref<!tpu.dma_semaphore, #tpu.memory_space<semaphore_mem>>) src(%dma_wait3A_631 : memref<8194x1024xf32, #tpu.memory_space<hbm>>) dst(%arg11 : memref<32x1024xf32, #tpu.memory_space<vmem>>)
    %add3A_632 = arith.constant 160 : i32
    %add3A_633 = arith.addi %multiple_of3A, %add3A_632 : i32
    %multiple_of3A_634 = tpu.assume_multiple %add3A_633, 32 : i32
    %dma_start3A_635 = arith.constant 0 : i32
    %dma_start3A_636 = tpu.memref_slice %arg5[%select_n3A, %multiple_of3A_634, %dma_start3A_635] : memref<4x8192x1024xf32, #tpu.memory_space<hbm>> -> memref<1x32x1024xf32, #tpu.memory_space<hbm>>
    %dma_start3A_637 = tpu.memref_squeeze %dma_start3A_636 : memref<1x32x1024xf32, #tpu.memory_space<hbm>> -> memref<32x1024xf32, #tpu.memory_space<hbm>>
    %dma_start3A_638 = arith.constant 0 : i32
    %dma_start3A_639 = tpu.memref_slice %arg5[%select_n3A, %multiple_of3A_634, %dma_start3A_638] : memref<4x8192x1024xf32, #tpu.memory_space<hbm>> -> memref<1x32x1024xf32, #tpu.memory_space<hbm>>
    %dma_start3A_640 = tpu.memref_squeeze %dma_start3A_639 : memref<1x32x1024xf32, #tpu.memory_space<hbm>> -> memref<32x1024xf32, #tpu.memory_space<hbm>>
    tpu.enqueue_dma source(%arg11 : memref<32x1024xf32, #tpu.memory_space<vmem>>) target(%dma_start3A_640 : memref<32x1024xf32, #tpu.memory_space<hbm>>) target_semaphore(%arg17 : memref<!tpu.dma_semaphore, #tpu.memory_space<semaphore_mem>>)
    %add3A_641 = arith.constant 256 : i32
    %add3A_642 = arith.addi %multiple_of3A, %add3A_641 : i32
    %multiple_of3A_643 = tpu.assume_multiple %add3A_642, 16 : i32
    %get3A_644 = arith.index_cast %multiple_of3A_643 : i32 to index
    %get3A_645 = tpu.vector_load %arg6[%get3A_644] {strides = array<i32>} : memref<8192xi32, #tpu.memory_space<vmem>>, vector<16xi32>,
    %sub3A_646 = arith.constant 1 : i32
    %sub3A_647 = vector.broadcast %sub3A_646 : i32 to vector<16xi32>
    %sub3A_648 = arith.subi %get3A_645, %sub3A_647 : vector<16xi32>
    %abs3A_649 = math.absi %sub3A_648 : vector<16xi32>
    %min3A_650 = arith.constant 1 : i32
    %min3A_651 = vector.broadcast %min3A_650 : i32 to vector<16xi32>
    %min3A_652 = arith.minsi %abs3A_649, %min3A_651 : vector<16xi32>
    %broadcast_in_dim3A_653 = arith.constant true
    %broadcast_in_dim3A_654 = vector.broadcast %broadcast_in_dim3A_653 : i1 to vector<16xi1>
    %masked_cumsum3A_655 = tpu.scan <sum>, %min3A_652 masked %broadcast_in_dim3A_654 : vector<16xi32>, vector<16xi1> -> vector<16xi32>
    %add3A_656 = vector.broadcast %add3A_615 : i32 to vector<16xi32>
    %add3A_657 = arith.addi %masked_cumsum3A_655, %add3A_656 : vector<16xi32>
    %mul3A_658 = arith.muli %add3A_657, %min3A_652 : vector<16xi32>
    %add3A_659 = arith.addi %mul3A_658, %get3A_33 : vector<16xi32>
    %multiple_of3A_660 = arith.constant 256 : i32
    %multiple_of3A_661 = tpu.assume_multiple %multiple_of3A_660, 16 : i32
    %swap3A_662 = arith.index_cast %multiple_of3A_661 : i32 to index
    %swap3A_663 = tpu.vector_load %arg7[%swap3A_662] {strides = array<i32>} : memref<1024xi32, #tpu.memory_space<vmem>>, vector<16xi32>,
    tpu.vector_store %arg7[%swap3A_662], %add3A_659 {strides = array<i32>} : memref<1024xi32, #tpu.memory_space<vmem>>, vector<16xi32>,
    %reduce_sum3A_664 = arith.constant true
    %reduce_sum3A_665 = vector.broadcast %reduce_sum3A_664 : i1 to vector<16xi1>
    %reduce_sum3A_666 = tpu.scan <sum>, %min3A_652 masked %reduce_sum3A_665 : vector<16xi32>, vector<16xi1> -> vector<16xi32>
    %reduce_sum3A_667 = vector.extract %reduce_sum3A_666[15] : i32 from vector<16xi32>
    %add3A_668 = arith.addi %add3A_615, %reduce_sum3A_667 : i32
    %add3A_669 = arith.constant 272 : i32
    %add3A_670 = arith.addi %multiple_of3A, %add3A_669 : i32
    %multiple_of3A_671 = tpu.assume_multiple %add3A_670, 16 : i32
    %get3A_672 = arith.index_cast %multiple_of3A_671 : i32 to index
    %get3A_673 = tpu.vector_load %arg6[%get3A_672] {strides = array<i32>} : memref<8192xi32, #tpu.memory_space<vmem>>, vector<16xi32>,
    %sub3A_674 = arith.constant 1 : i32
    %sub3A_675 = vector.broadcast %sub3A_674 : i32 to vector<16xi32>
    %sub3A_676 = arith.subi %get3A_673, %sub3A_675 : vector<16xi32>
    %abs3A_677 = math.absi %sub3A_676 : vector<16xi32>
    %min3A_678 = arith.constant 1 : i32
    %min3A_679 = vector.broadcast %min3A_678 : i32 to vector<16xi32>
    %min3A_680 = arith.minsi %abs3A_677, %min3A_679 : vector<16xi32>
    %broadcast_in_dim3A_681 = arith.constant true
    %broadcast_in_dim3A_682 = vector.broadcast %broadcast_in_dim3A_681 : i1 to vector<16xi1>
    %masked_cumsum3A_683 = tpu.scan <sum>, %min3A_680 masked %broadcast_in_dim3A_682 : vector<16xi32>, vector<16xi1> -> vector<16xi32>
    %add3A_684 = vector.broadcast %add3A_668 : i32 to vector<16xi32>
    %add3A_685 = arith.addi %masked_cumsum3A_683, %add3A_684 : vector<16xi32>
    %mul3A_686 = arith.muli %add3A_685, %min3A_680 : vector<16xi32>
    %add3A_687 = arith.addi %mul3A_686, %get3A_33 : vector<16xi32>
    %multiple_of3A_688 = arith.constant 272 : i32
    %multiple_of3A_689 = tpu.assume_multiple %multiple_of3A_688, 16 : i32
    %swap3A_690 = arith.index_cast %multiple_of3A_689 : i32 to index
    %swap3A_691 = tpu.vector_load %arg7[%swap3A_690] {strides = array<i32>} : memref<1024xi32, #tpu.memory_space<vmem>>, vector<16xi32>,
    tpu.vector_store %arg7[%swap3A_690], %add3A_687 {strides = array<i32>} : memref<1024xi32, #tpu.memory_space<vmem>>, vector<16xi32>,
    %reduce_sum3A_692 = arith.constant true
    %reduce_sum3A_693 = vector.broadcast %reduce_sum3A_692 : i1 to vector<16xi1>
    %reduce_sum3A_694 = tpu.scan <sum>, %min3A_680 masked %reduce_sum3A_693 : vector<16xi32>, vector<16xi1> -> vector<16xi32>
    %reduce_sum3A_695 = vector.extract %reduce_sum3A_694[15] : i32 from vector<16xi32>
    %add3A_696 = arith.addi %add3A_668, %reduce_sum3A_695 : i32
    %dma_wait3A_697 = arith.constant 0 : i32
    %dma_wait3A_698 = tpu.memref_slice %arg5[%select_n3A, %multiple_of3A_634, %dma_wait3A_697] : memref<4x8192x1024xf32, #tpu.memory_space<hbm>> -> memref<1x32x1024xf32, #tpu.memory_space<hbm>>
    %dma_wait3A_699 = tpu.memref_squeeze %dma_wait3A_698 : memref<1x32x1024xf32, #tpu.memory_space<hbm>> -> memref<32x1024xf32, #tpu.memory_space<hbm>>
    %dma_wait3A_700 = arith.constant 0 : i32
    %dma_wait3A_701 = tpu.memref_slice %arg5[%select_n3A, %multiple_of3A_634, %dma_wait3A_700] : memref<4x8192x1024xf32, #tpu.memory_space<hbm>> -> memref<1x32x1024xf32, #tpu.memory_space<hbm>>
    %dma_wait3A_702 = tpu.memref_squeeze %dma_wait3A_701 : memref<1x32x1024xf32, #tpu.memory_space<hbm>> -> memref<32x1024xf32, #tpu.memory_space<hbm>>
    tpu.wait_dma2 semaphore(%arg17 : memref<!tpu.dma_semaphore, #tpu.memory_space<semaphore_mem>>) src(%arg11 : memref<32x1024xf32, #tpu.memory_space<vmem>>) dst(%dma_wait3A_702 : memref<32x1024xf32, #tpu.memory_space<hbm>>)
    %dma_start3A_703 = arith.constant 256 : i32
    %dma_start3A_704 = tpu.memref_slice %arg7[%dma_start3A_703] : memref<1024xi32, #tpu.memory_space<vmem>> -> memref<32xi32, #tpu.memory_space<vmem>>
    %dma_start3A_705 = arith.constant 0 : i32
    %dma_start3A_706 = arith.constant 0 : i32
    %dma_start3A_707 = tpu.memref_slice %arg4[%dma_start3A_705, %dma_start3A_706] : memref<8194x1024xf32, #tpu.memory_space<hbm>> -> memref<8194x1024xf32, #tpu.memory_space<hbm>>
    tpu.enqueue_indirect_dma source(%dma_start3A_707 : memref<8194x1024xf32, #tpu.memory_space<hbm>>) target(%arg11 : memref<32x1024xf32, #tpu.memory_space<vmem>>) offsets(%dma_start3A_704 : memref<32xi32, #tpu.memory_space<vmem>>) semaphore(%arg14 : memref<!tpu.dma_semaphore, #tpu.memory_space<semaphore_mem>>)
    %dma_wait3A_708 = arith.constant 192 : i32
    %dma_wait3A_709 = tpu.memref_slice %arg7[%dma_wait3A_708] : memref<1024xi32, #tpu.memory_space<vmem>> -> memref<32xi32, #tpu.memory_space<vmem>>
    %dma_wait3A_710 = arith.constant 0 : i32
    %dma_wait3A_711 = arith.constant 0 : i32
    %dma_wait3A_712 = tpu.memref_slice %arg4[%dma_wait3A_710, %dma_wait3A_711] : memref<8194x1024xf32, #tpu.memory_space<hbm>> -> memref<8194x1024xf32, #tpu.memory_space<hbm>>
    tpu.wait_indirect_dma semaphore(%arg12 : memref<!tpu.dma_semaphore, #tpu.memory_space<semaphore_mem>>) src(%dma_wait3A_712 : memref<8194x1024xf32, #tpu.memory_space<hbm>>) dst(%arg9 : memref<32x1024xf32, #tpu.memory_space<vmem>>)
    %add3A_713 = arith.constant 192 : i32
    %add3A_714 = arith.addi %multiple_of3A, %add3A_713 : i32
    %multiple_of3A_715 = tpu.assume_multiple %add3A_714, 32 : i32
    %dma_start3A_716 = arith.constant 0 : i32
    %dma_start3A_717 = tpu.memref_slice %arg5[%select_n3A, %multiple_of3A_715, %dma_start3A_716] : memref<4x8192x1024xf32, #tpu.memory_space<hbm>> -> memref<1x32x1024xf32, #tpu.memory_space<hbm>>
    %dma_start3A_718 = tpu.memref_squeeze %dma_start3A_717 : memref<1x32x1024xf32, #tpu.memory_space<hbm>> -> memref<32x1024xf32, #tpu.memory_space<hbm>>
    %dma_start3A_719 = arith.constant 0 : i32
    %dma_start3A_720 = tpu.memref_slice %arg5[%select_n3A, %multiple_of3A_715, %dma_start3A_719] : memref<4x8192x1024xf32, #tpu.memory_space<hbm>> -> memref<1x32x1024xf32, #tpu.memory_space<hbm>>
    %dma_start3A_721 = tpu.memref_squeeze %dma_start3A_720 : memref<1x32x1024xf32, #tpu.memory_space<hbm>> -> memref<32x1024xf32, #tpu.memory_space<hbm>>
    tpu.enqueue_dma source(%arg9 : memref<32x1024xf32, #tpu.memory_space<vmem>>) target(%dma_start3A_721 : memref<32x1024xf32, #tpu.memory_space<hbm>>) target_semaphore(%arg15 : memref<!tpu.dma_semaphore, #tpu.memory_space<semaphore_mem>>)
    %add3A_722 = arith.constant 288 : i32
    %add3A_723 = arith.addi %multiple_of3A, %add3A_722 : i32
    %multiple_of3A_724 = tpu.assume_multiple %add3A_723, 16 : i32
    %get3A_725 = arith.index_cast %multiple_of3A_724 : i32 to index
    %get3A_726 = tpu.vector_load %arg6[%get3A_725] {strides = array<i32>} : memref<8192xi32, #tpu.memory_space<vmem>>, vector<16xi32>,
    %sub3A_727 = arith.constant 1 : i32
    %sub3A_728 = vector.broadcast %sub3A_727 : i32 to vector<16xi32>
    %sub3A_729 = arith.subi %get3A_726, %sub3A_728 : vector<16xi32>
    %abs3A_730 = math.absi %sub3A_729 : vector<16xi32>
    %min3A_731 = arith.constant 1 : i32
    %min3A_732 = vector.broadcast %min3A_731 : i32 to vector<16xi32>
    %min3A_733 = arith.minsi %abs3A_730, %min3A_732 : vector<16xi32>
    %broadcast_in_dim3A_734 = arith.constant true
    %broadcast_in_dim3A_735 = vector.broadcast %broadcast_in_dim3A_734 : i1 to vector<16xi1>
    %masked_cumsum3A_736 = tpu.scan <sum>, %min3A_733 masked %broadcast_in_dim3A_735 : vector<16xi32>, vector<16xi1> -> vector<16xi32>
    %add3A_737 = vector.broadcast %add3A_696 : i32 to vector<16xi32>
    %add3A_738 = arith.addi %masked_cumsum3A_736, %add3A_737 : vector<16xi32>
    %mul3A_739 = arith.muli %add3A_738, %min3A_733 : vector<16xi32>
    %add3A_740 = arith.addi %mul3A_739, %get3A_33 : vector<16xi32>
    %multiple_of3A_741 = arith.constant 288 : i32
    %multiple_of3A_742 = tpu.assume_multiple %multiple_of3A_741, 16 : i32
    %swap3A_743 = arith.index_cast %multiple_of3A_742 : i32 to index
    %swap3A_744 = tpu.vector_load %arg7[%swap3A_743] {strides = array<i32>} : memref<1024xi32, #tpu.memory_space<vmem>>, vector<16xi32>,
    tpu.vector_store %arg7[%swap3A_743], %add3A_740 {strides = array<i32>} : memref<1024xi32, #tpu.memory_space<vmem>>, vector<16xi32>,
    %reduce_sum3A_745 = arith.constant true
    %reduce_sum3A_746 = vector.broadcast %reduce_sum3A_745 : i1 to vector<16xi1>
    %reduce_sum3A_747 = tpu.scan <sum>, %min3A_733 masked %reduce_sum3A_746 : vector<16xi32>, vector<16xi1> -> vector<16xi32>
    %reduce_sum3A_748 = vector.extract %reduce_sum3A_747[15] : i32 from vector<16xi32>
    %add3A_749 = arith.addi %add3A_696, %reduce_sum3A_748 : i32
    %add3A_750 = arith.constant 304 : i32
    %add3A_751 = arith.addi %multiple_of3A, %add3A_750 : i32
    %multiple_of3A_752 = tpu.assume_multiple %add3A_751, 16 : i32
    %get3A_753 = arith.index_cast %multiple_of3A_752 : i32 to index
    %get3A_754 = tpu.vector_load %arg6[%get3A_753] {strides = array<i32>} : memref<8192xi32, #tpu.memory_space<vmem>>, vector<16xi32>,
    %sub3A_755 = arith.constant 1 : i32
    %sub3A_756 = vector.broadcast %sub3A_755 : i32 to vector<16xi32>
    %sub3A_757 = arith.subi %get3A_754, %sub3A_756 : vector<16xi32>
    %abs3A_758 = math.absi %sub3A_757 : vector<16xi32>
    %min3A_759 = arith.constant 1 : i32
    %min3A_760 = vector.broadcast %min3A_759 : i32 to vector<16xi32>
    %min3A_761 = arith.minsi %abs3A_758, %min3A_760 : vector<16xi32>
    %broadcast_in_dim3A_762 = arith.constant true
    %broadcast_in_dim3A_763 = vector.broadcast %broadcast_in_dim3A_762 : i1 to vector<16xi1>
    %masked_cumsum3A_764 = tpu.scan <sum>, %min3A_761 masked %broadcast_in_dim3A_763 : vector<16xi32>, vector<16xi1> -> vector<16xi32>
    %add3A_765 = vector.broadcast %add3A_749 : i32 to vector<16xi32>
    %add3A_766 = arith.addi %masked_cumsum3A_764, %add3A_765 : vector<16xi32>
    %mul3A_767 = arith.muli %add3A_766, %min3A_761 : vector<16xi32>
    %add3A_768 = arith.addi %mul3A_767, %get3A_33 : vector<16xi32>
    %multiple_of3A_769 = arith.constant 304 : i32
    %multiple_of3A_770 = tpu.assume_multiple %multiple_of3A_769, 16 : i32
    %swap3A_771 = arith.index_cast %multiple_of3A_770 : i32 to index
    %swap3A_772 = tpu.vector_load %arg7[%swap3A_771] {strides = array<i32>} : memref<1024xi32, #tpu.memory_space<vmem>>, vector<16xi32>,
    tpu.vector_store %arg7[%swap3A_771], %add3A_768 {strides = array<i32>} : memref<1024xi32, #tpu.memory_space<vmem>>, vector<16xi32>,
    %reduce_sum3A_773 = arith.constant true
    %reduce_sum3A_774 = vector.broadcast %reduce_sum3A_773 : i1 to vector<16xi1>
    %reduce_sum3A_775 = tpu.scan <sum>, %min3A_761 masked %reduce_sum3A_774 : vector<16xi32>, vector<16xi1> -> vector<16xi32>
    %reduce_sum3A_776 = vector.extract %reduce_sum3A_775[15] : i32 from vector<16xi32>
    %add3A_777 = arith.addi %add3A_749, %reduce_sum3A_776 : i32
    %dma_wait3A_778 = arith.constant 0 : i32
    %dma_wait3A_779 = tpu.memref_slice %arg5[%select_n3A, %multiple_of3A_715, %dma_wait3A_778] : memref<4x8192x1024xf32, #tpu.memory_space<hbm>> -> memref<1x32x1024xf32, #tpu.memory_space<hbm>>
    %dma_wait3A_780 = tpu.memref_squeeze %dma_wait3A_779 : memref<1x32x1024xf32, #tpu.memory_space<hbm>> -> memref<32x1024xf32, #tpu.memory_space<hbm>>
    %dma_wait3A_781 = arith.constant 0 : i32
    %dma_wait3A_782 = tpu.memref_slice %arg5[%select_n3A, %multiple_of3A_715, %dma_wait3A_781] : memref<4x8192x1024xf32, #tpu.memory_space<hbm>> -> memref<1x32x1024xf32, #tpu.memory_space<hbm>>
    %dma_wait3A_783 = tpu.memref_squeeze %dma_wait3A_782 : memref<1x32x1024xf32, #tpu.memory_space<hbm>> -> memref<32x1024xf32, #tpu.memory_space<hbm>>
    tpu.wait_dma2 semaphore(%arg15 : memref<!tpu.dma_semaphore, #tpu.memory_space<semaphore_mem>>) src(%arg9 : memref<32x1024xf32, #tpu.memory_space<vmem>>) dst(%dma_wait3A_783 : memref<32x1024xf32, #tpu.memory_space<hbm>>)
    %dma_start3A_784 = arith.constant 288 : i32
    %dma_start3A_785 = tpu.memref_slice %arg7[%dma_start3A_784] : memref<1024xi32, #tpu.memory_space<vmem>> -> memref<32xi32, #tpu.memory_space<vmem>>
    %dma_start3A_786 = arith.constant 0 : i32
    %dma_start3A_787 = arith.constant 0 : i32
    %dma_start3A_788 = tpu.memref_slice %arg4[%dma_start3A_786, %dma_start3A_787] : memref<8194x1024xf32, #tpu.memory_space<hbm>> -> memref<8194x1024xf32, #tpu.memory_space<hbm>>
    tpu.enqueue_indirect_dma source(%dma_start3A_788 : memref<8194x1024xf32, #tpu.memory_space<hbm>>) target(%arg9 : memref<32x1024xf32, #tpu.memory_space<vmem>>) offsets(%dma_start3A_785 : memref<32xi32, #tpu.memory_space<vmem>>) semaphore(%arg12 : memref<!tpu.dma_semaphore, #tpu.memory_space<semaphore_mem>>)
    %dma_wait3A_789 = arith.constant 224 : i32
    %dma_wait3A_790 = tpu.memref_slice %arg7[%dma_wait3A_789] : memref<1024xi32, #tpu.memory_space<vmem>> -> memref<32xi32, #tpu.memory_space<vmem>>
    %dma_wait3A_791 = arith.constant 0 : i32
    %dma_wait3A_792 = arith.constant 0 : i32
    %dma_wait3A_793 = tpu.memref_slice %arg4[%dma_wait3A_791, %dma_wait3A_792] : memref<8194x1024xf32, #tpu.memory_space<hbm>> -> memref<8194x1024xf32, #tpu.memory_space<hbm>>
    tpu.wait_indirect_dma semaphore(%arg13 : memref<!tpu.dma_semaphore, #tpu.memory_space<semaphore_mem>>) src(%dma_wait3A_793 : memref<8194x1024xf32, #tpu.memory_space<hbm>>) dst(%arg10 : memref<32x1024xf32, #tpu.memory_space<vmem>>)
    %add3A_794 = arith.constant 224 : i32
    %add3A_795 = arith.addi %multiple_of3A, %add3A_794 : i32
    %multiple_of3A_796 = tpu.assume_multiple %add3A_795, 32 : i32
    %dma_start3A_797 = arith.constant 0 : i32
    %dma_start3A_798 = tpu.memref_slice %arg5[%select_n3A, %multiple_of3A_796, %dma_start3A_797] : memref<4x8192x1024xf32, #tpu.memory_space<hbm>> -> memref<1x32x1024xf32, #tpu.memory_space<hbm>>
    %dma_start3A_799 = tpu.memref_squeeze %dma_start3A_798 : memref<1x32x1024xf32, #tpu.memory_space<hbm>> -> memref<32x1024xf32, #tpu.memory_space<hbm>>
    %dma_start3A_800 = arith.constant 0 : i32
    %dma_start3A_801 = tpu.memref_slice %arg5[%select_n3A, %multiple_of3A_796, %dma_start3A_800] : memref<4x8192x1024xf32, #tpu.memory_space<hbm>> -> memref<1x32x1024xf32, #tpu.memory_space<hbm>>
    %dma_start3A_802 = tpu.memref_squeeze %dma_start3A_801 : memref<1x32x1024xf32, #tpu.memory_space<hbm>> -> memref<32x1024xf32, #tpu.memory_space<hbm>>
    tpu.enqueue_dma source(%arg10 : memref<32x1024xf32, #tpu.memory_space<vmem>>) target(%dma_start3A_802 : memref<32x1024xf32, #tpu.memory_space<hbm>>) target_semaphore(%arg16 : memref<!tpu.dma_semaphore, #tpu.memory_space<semaphore_mem>>)
    %add3A_803 = arith.constant 320 : i32
    %add3A_804 = arith.addi %multiple_of3A, %add3A_803 : i32
    %multiple_of3A_805 = tpu.assume_multiple %add3A_804, 16 : i32
    %get3A_806 = arith.index_cast %multiple_of3A_805 : i32 to index
    %get3A_807 = tpu.vector_load %arg6[%get3A_806] {strides = array<i32>} : memref<8192xi32, #tpu.memory_space<vmem>>, vector<16xi32>,
    %sub3A_808 = arith.constant 1 : i32
    %sub3A_809 = vector.broadcast %sub3A_808 : i32 to vector<16xi32>
    %sub3A_810 = arith.subi %get3A_807, %sub3A_809 : vector<16xi32>
    %abs3A_811 = math.absi %sub3A_810 : vector<16xi32>
    %min3A_812 = arith.constant 1 : i32
    %min3A_813 = vector.broadcast %min3A_812 : i32 to vector<16xi32>
    %min3A_814 = arith.minsi %abs3A_811, %min3A_813 : vector<16xi32>
    %broadcast_in_dim3A_815 = arith.constant true
    %broadcast_in_dim3A_816 = vector.broadcast %broadcast_in_dim3A_815 : i1 to vector<16xi1>
    %masked_cumsum3A_817 = tpu.scan <sum>, %min3A_814 masked %broadcast_in_dim3A_816 : vector<16xi32>, vector<16xi1> -> vector<16xi32>
    %add3A_818 = vector.broadcast %add3A_777 : i32 to vector<16xi32>
    %add3A_819 = arith.addi %masked_cumsum3A_817, %add3A_818 : vector<16xi32>
    %mul3A_820 = arith.muli %add3A_819, %min3A_814 : vector<16xi32>
    %add3A_821 = arith.addi %mul3A_820, %get3A_33 : vector<16xi32>
    %multiple_of3A_822 = arith.constant 320 : i32
    %multiple_of3A_823 = tpu.assume_multiple %multiple_of3A_822, 16 : i32
    %swap3A_824 = arith.index_cast %multiple_of3A_823 : i32 to index
    %swap3A_825 = tpu.vector_load %arg7[%swap3A_824] {strides = array<i32>} : memref<1024xi32, #tpu.memory_space<vmem>>, vector<16xi32>,
    tpu.vector_store %arg7[%swap3A_824], %add3A_821 {strides = array<i32>} : memref<1024xi32, #tpu.memory_space<vmem>>, vector<16xi32>,
    %reduce_sum3A_826 = arith.constant true
    %reduce_sum3A_827 = vector.broadcast %reduce_sum3A_826 : i1 to vector<16xi1>
    %reduce_sum3A_828 = tpu.scan <sum>, %min3A_814 masked %reduce_sum3A_827 : vector<16xi32>, vector<16xi1> -> vector<16xi32>
    %reduce_sum3A_829 = vector.extract %reduce_sum3A_828[15] : i32 from vector<16xi32>
    %add3A_830 = arith.addi %add3A_777, %reduce_sum3A_829 : i32
    %add3A_831 = arith.constant 336 : i32
    %add3A_832 = arith.addi %multiple_of3A, %add3A_831 : i32
    %multiple_of3A_833 = tpu.assume_multiple %add3A_832, 16 : i32
    %get3A_834 = arith.index_cast %multiple_of3A_833 : i32 to index
    %get3A_835 = tpu.vector_load %arg6[%get3A_834] {strides = array<i32>} : memref<8192xi32, #tpu.memory_space<vmem>>, vector<16xi32>,
    %sub3A_836 = arith.constant 1 : i32
    %sub3A_837 = vector.broadcast %sub3A_836 : i32 to vector<16xi32>
    %sub3A_838 = arith.subi %get3A_835, %sub3A_837 : vector<16xi32>
    %abs3A_839 = math.absi %sub3A_838 : vector<16xi32>
    %min3A_840 = arith.constant 1 : i32
    %min3A_841 = vector.broadcast %min3A_840 : i32 to vector<16xi32>
    %min3A_842 = arith.minsi %abs3A_839, %min3A_841 : vector<16xi32>
    %broadcast_in_dim3A_843 = arith.constant true
    %broadcast_in_dim3A_844 = vector.broadcast %broadcast_in_dim3A_843 : i1 to vector<16xi1>
    %masked_cumsum3A_845 = tpu.scan <sum>, %min3A_842 masked %broadcast_in_dim3A_844 : vector<16xi32>, vector<16xi1> -> vector<16xi32>
    %add3A_846 = vector.broadcast %add3A_830 : i32 to vector<16xi32>
    %add3A_847 = arith.addi %masked_cumsum3A_845, %add3A_846 : vector<16xi32>
    %mul3A_848 = arith.muli %add3A_847, %min3A_842 : vector<16xi32>
    %add3A_849 = arith.addi %mul3A_848, %get3A_33 : vector<16xi32>
    %multiple_of3A_850 = arith.constant 336 : i32
    %multiple_of3A_851 = tpu.assume_multiple %multiple_of3A_850, 16 : i32
    %swap3A_852 = arith.index_cast %multiple_of3A_851 : i32 to index
    %swap3A_853 = tpu.vector_load %arg7[%swap3A_852] {strides = array<i32>} : memref<1024xi32, #tpu.memory_space<vmem>>, vector<16xi32>,
    tpu.vector_store %arg7[%swap3A_852], %add3A_849 {strides = array<i32>} : memref<1024xi32, #tpu.memory_space<vmem>>, vector<16xi32>,
    %reduce_sum3A_854 = arith.constant true
    %reduce_sum3A_855 = vector.broadcast %reduce_sum3A_854 : i1 to vector<16xi1>
    %reduce_sum3A_856 = tpu.scan <sum>, %min3A_842 masked %reduce_sum3A_855 : vector<16xi32>, vector<16xi1> -> vector<16xi32>
    %reduce_sum3A_857 = vector.extract %reduce_sum3A_856[15] : i32 from vector<16xi32>
    %add3A_858 = arith.addi %add3A_830, %reduce_sum3A_857 : i32
    %dma_wait3A_859 = arith.constant 0 : i32
    %dma_wait3A_860 = tpu.memref_slice %arg5[%select_n3A, %multiple_of3A_796, %dma_wait3A_859] : memref<4x8192x1024xf32, #tpu.memory_space<hbm>> -> memref<1x32x1024xf32, #tpu.memory_space<hbm>>
    %dma_wait3A_861 = tpu.memref_squeeze %dma_wait3A_860 : memref<1x32x1024xf32, #tpu.memory_space<hbm>> -> memref<32x1024xf32, #tpu.memory_space<hbm>>
    %dma_wait3A_862 = arith.constant 0 : i32
    %dma_wait3A_863 = tpu.memref_slice %arg5[%select_n3A, %multiple_of3A_796, %dma_wait3A_862] : memref<4x8192x1024xf32, #tpu.memory_space<hbm>> -> memref<1x32x1024xf32, #tpu.memory_space<hbm>>
    %dma_wait3A_864 = tpu.memref_squeeze %dma_wait3A_863 : memref<1x32x1024xf32, #tpu.memory_space<hbm>> -> memref<32x1024xf32, #tpu.memory_space<hbm>>
    tpu.wait_dma2 semaphore(%arg16 : memref<!tpu.dma_semaphore, #tpu.memory_space<semaphore_mem>>) src(%arg10 : memref<32x1024xf32, #tpu.memory_space<vmem>>) dst(%dma_wait3A_864 : memref<32x1024xf32, #tpu.memory_space<hbm>>)
    %dma_start3A_865 = arith.constant 320 : i32
    %dma_start3A_866 = tpu.memref_slice %arg7[%dma_start3A_865] : memref<1024xi32, #tpu.memory_space<vmem>> -> memref<32xi32, #tpu.memory_space<vmem>>
    %dma_start3A_867 = arith.constant 0 : i32
    %dma_start3A_868 = arith.constant 0 : i32
    %dma_start3A_869 = tpu.memref_slice %arg4[%dma_start3A_867, %dma_start3A_868] : memref<8194x1024xf32, #tpu.memory_space<hbm>> -> memref<8194x1024xf32, #tpu.memory_space<hbm>>
    tpu.enqueue_indirect_dma source(%dma_start3A_869 : memref<8194x1024xf32, #tpu.memory_space<hbm>>) target(%arg10 : memref<32x1024xf32, #tpu.memory_space<vmem>>) offsets(%dma_start3A_866 : memref<32xi32, #tpu.memory_space<vmem>>) semaphore(%arg13 : memref<!tpu.dma_semaphore, #tpu.memory_space<semaphore_mem>>)
    %dma_wait3A_870 = arith.constant 256 : i32
    %dma_wait3A_871 = tpu.memref_slice %arg7[%dma_wait3A_870] : memref<1024xi32, #tpu.memory_space<vmem>> -> memref<32xi32, #tpu.memory_space<vmem>>
    %dma_wait3A_872 = arith.constant 0 : i32
    %dma_wait3A_873 = arith.constant 0 : i32
    %dma_wait3A_874 = tpu.memref_slice %arg4[%dma_wait3A_872, %dma_wait3A_873] : memref<8194x1024xf32, #tpu.memory_space<hbm>> -> memref<8194x1024xf32, #tpu.memory_space<hbm>>
    tpu.wait_indirect_dma semaphore(%arg14 : memref<!tpu.dma_semaphore, #tpu.memory_space<semaphore_mem>>) src(%dma_wait3A_874 : memref<8194x1024xf32, #tpu.memory_space<hbm>>) dst(%arg11 : memref<32x1024xf32, #tpu.memory_space<vmem>>)
    %add3A_875 = arith.constant 256 : i32
    %add3A_876 = arith.addi %multiple_of3A, %add3A_875 : i32
    %multiple_of3A_877 = tpu.assume_multiple %add3A_876, 32 : i32
    %dma_start3A_878 = arith.constant 0 : i32
    %dma_start3A_879 = tpu.memref_slice %arg5[%select_n3A, %multiple_of3A_877, %dma_start3A_878] : memref<4x8192x1024xf32, #tpu.memory_space<hbm>> -> memref<1x32x1024xf32, #tpu.memory_space<hbm>>
    %dma_start3A_880 = tpu.memref_squeeze %dma_start3A_879 : memref<1x32x1024xf32, #tpu.memory_space<hbm>> -> memref<32x1024xf32, #tpu.memory_space<hbm>>
    %dma_start3A_881 = arith.constant 0 : i32
    %dma_start3A_882 = tpu.memref_slice %arg5[%select_n3A, %multiple_of3A_877, %dma_start3A_881] : memref<4x8192x1024xf32, #tpu.memory_space<hbm>> -> memref<1x32x1024xf32, #tpu.memory_space<hbm>>
    %dma_start3A_883 = tpu.memref_squeeze %dma_start3A_882 : memref<1x32x1024xf32, #tpu.memory_space<hbm>> -> memref<32x1024xf32, #tpu.memory_space<hbm>>
    tpu.enqueue_dma source(%arg11 : memref<32x1024xf32, #tpu.memory_space<vmem>>) target(%dma_start3A_883 : memref<32x1024xf32, #tpu.memory_space<hbm>>) target_semaphore(%arg17 : memref<!tpu.dma_semaphore, #tpu.memory_space<semaphore_mem>>)
    %add3A_884 = arith.constant 352 : i32
    %add3A_885 = arith.addi %multiple_of3A, %add3A_884 : i32
    %multiple_of3A_886 = tpu.assume_multiple %add3A_885, 16 : i32
    %get3A_887 = arith.index_cast %multiple_of3A_886 : i32 to index
    %get3A_888 = tpu.vector_load %arg6[%get3A_887] {strides = array<i32>} : memref<8192xi32, #tpu.memory_space<vmem>>, vector<16xi32>,
    %sub3A_889 = arith.constant 1 : i32
    %sub3A_890 = vector.broadcast %sub3A_889 : i32 to vector<16xi32>
    %sub3A_891 = arith.subi %get3A_888, %sub3A_890 : vector<16xi32>
    %abs3A_892 = math.absi %sub3A_891 : vector<16xi32>
    %min3A_893 = arith.constant 1 : i32
    %min3A_894 = vector.broadcast %min3A_893 : i32 to vector<16xi32>
    %min3A_895 = arith.minsi %abs3A_892, %min3A_894 : vector<16xi32>
    %broadcast_in_dim3A_896 = arith.constant true
    %broadcast_in_dim3A_897 = vector.broadcast %broadcast_in_dim3A_896 : i1 to vector<16xi1>
    %masked_cumsum3A_898 = tpu.scan <sum>, %min3A_895 masked %broadcast_in_dim3A_897 : vector<16xi32>, vector<16xi1> -> vector<16xi32>
    %add3A_899 = vector.broadcast %add3A_858 : i32 to vector<16xi32>
    %add3A_900 = arith.addi %masked_cumsum3A_898, %add3A_899 : vector<16xi32>
    %mul3A_901 = arith.muli %add3A_900, %min3A_895 : vector<16xi32>
    %add3A_902 = arith.addi %mul3A_901, %get3A_33 : vector<16xi32>
    %multiple_of3A_903 = arith.constant 352 : i32
    %multiple_of3A_904 = tpu.assume_multiple %multiple_of3A_903, 16 : i32
    %swap3A_905 = arith.index_cast %multiple_of3A_904 : i32 to index
    %swap3A_906 = tpu.vector_load %arg7[%swap3A_905] {strides = array<i32>} : memref<1024xi32, #tpu.memory_space<vmem>>, vector<16xi32>,
    tpu.vector_store %arg7[%swap3A_905], %add3A_902 {strides = array<i32>} : memref<1024xi32, #tpu.memory_space<vmem>>, vector<16xi32>,
    %reduce_sum3A_907 = arith.constant true
    %reduce_sum3A_908 = vector.broadcast %reduce_sum3A_907 : i1 to vector<16xi1>
    %reduce_sum3A_909 = tpu.scan <sum>, %min3A_895 masked %reduce_sum3A_908 : vector<16xi32>, vector<16xi1> -> vector<16xi32>
    %reduce_sum3A_910 = vector.extract %reduce_sum3A_909[15] : i32 from vector<16xi32>
    %add3A_911 = arith.addi %add3A_858, %reduce_sum3A_910 : i32
    %add3A_912 = arith.constant 368 : i32
    %add3A_913 = arith.addi %multiple_of3A, %add3A_912 : i32
    %multiple_of3A_914 = tpu.assume_multiple %add3A_913, 16 : i32
    %get3A_915 = arith.index_cast %multiple_of3A_914 : i32 to index
    %get3A_916 = tpu.vector_load %arg6[%get3A_915] {strides = array<i32>} : memref<8192xi32, #tpu.memory_space<vmem>>, vector<16xi32>,
    %sub3A_917 = arith.constant 1 : i32
    %sub3A_918 = vector.broadcast %sub3A_917 : i32 to vector<16xi32>
    %sub3A_919 = arith.subi %get3A_916, %sub3A_918 : vector<16xi32>
    %abs3A_920 = math.absi %sub3A_919 : vector<16xi32>
    %min3A_921 = arith.constant 1 : i32
    %min3A_922 = vector.broadcast %min3A_921 : i32 to vector<16xi32>
    %min3A_923 = arith.minsi %abs3A_920, %min3A_922 : vector<16xi32>
    %broadcast_in_dim3A_924 = arith.constant true
    %broadcast_in_dim3A_925 = vector.broadcast %broadcast_in_dim3A_924 : i1 to vector<16xi1>
    %masked_cumsum3A_926 = tpu.scan <sum>, %min3A_923 masked %broadcast_in_dim3A_925 : vector<16xi32>, vector<16xi1> -> vector<16xi32>
    %add3A_927 = vector.broadcast %add3A_911 : i32 to vector<16xi32>
    %add3A_928 = arith.addi %masked_cumsum3A_926, %add3A_927 : vector<16xi32>
    %mul3A_929 = arith.muli %add3A_928, %min3A_923 : vector<16xi32>
    %add3A_930 = arith.addi %mul3A_929, %get3A_33 : vector<16xi32>
    %multiple_of3A_931 = arith.constant 368 : i32
    %multiple_of3A_932 = tpu.assume_multiple %multiple_of3A_931, 16 : i32
    %swap3A_933 = arith.index_cast %multiple_of3A_932 : i32 to index
    %swap3A_934 = tpu.vector_load %arg7[%swap3A_933] {strides = array<i32>} : memref<1024xi32, #tpu.memory_space<vmem>>, vector<16xi32>,
    tpu.vector_store %arg7[%swap3A_933], %add3A_930 {strides = array<i32>} : memref<1024xi32, #tpu.memory_space<vmem>>, vector<16xi32>,
    %reduce_sum3A_935 = arith.constant true
    %reduce_sum3A_936 = vector.broadcast %reduce_sum3A_935 : i1 to vector<16xi1>
    %reduce_sum3A_937 = tpu.scan <sum>, %min3A_923 masked %reduce_sum3A_936 : vector<16xi32>, vector<16xi1> -> vector<16xi32>
    %reduce_sum3A_938 = vector.extract %reduce_sum3A_937[15] : i32 from vector<16xi32>
    %add3A_939 = arith.addi %add3A_911, %reduce_sum3A_938 : i32
    %dma_wait3A_940 = arith.constant 0 : i32
    %dma_wait3A_941 = tpu.memref_slice %arg5[%select_n3A, %multiple_of3A_877, %dma_wait3A_940] : memref<4x8192x1024xf32, #tpu.memory_space<hbm>> -> memref<1x32x1024xf32, #tpu.memory_space<hbm>>
    %dma_wait3A_942 = tpu.memref_squeeze %dma_wait3A_941 : memref<1x32x1024xf32, #tpu.memory_space<hbm>> -> memref<32x1024xf32, #tpu.memory_space<hbm>>
    %dma_wait3A_943 = arith.constant 0 : i32
    %dma_wait3A_944 = tpu.memref_slice %arg5[%select_n3A, %multiple_of3A_877, %dma_wait3A_943] : memref<4x8192x1024xf32, #tpu.memory_space<hbm>> -> memref<1x32x1024xf32, #tpu.memory_space<hbm>>
    %dma_wait3A_945 = tpu.memref_squeeze %dma_wait3A_944 : memref<1x32x1024xf32, #tpu.memory_space<hbm>> -> memref<32x1024xf32, #tpu.memory_space<hbm>>
    tpu.wait_dma2 semaphore(%arg17 : memref<!tpu.dma_semaphore, #tpu.memory_space<semaphore_mem>>) src(%arg11 : memref<32x1024xf32, #tpu.memory_space<vmem>>) dst(%dma_wait3A_945 : memref<32x1024xf32, #tpu.memory_space<hbm>>)
    %dma_start3A_946 = arith.constant 352 : i32
    %dma_start3A_947 = tpu.memref_slice %arg7[%dma_start3A_946] : memref<1024xi32, #tpu.memory_space<vmem>> -> memref<32xi32, #tpu.memory_space<vmem>>
    %dma_start3A_948 = arith.constant 0 : i32
    %dma_start3A_949 = arith.constant 0 : i32
    %dma_start3A_950 = tpu.memref_slice %arg4[%dma_start3A_948, %dma_start3A_949] : memref<8194x1024xf32, #tpu.memory_space<hbm>> -> memref<8194x1024xf32, #tpu.memory_space<hbm>>
    tpu.enqueue_indirect_dma source(%dma_start3A_950 : memref<8194x1024xf32, #tpu.memory_space<hbm>>) target(%arg11 : memref<32x1024xf32, #tpu.memory_space<vmem>>) offsets(%dma_start3A_947 : memref<32xi32, #tpu.memory_space<vmem>>) semaphore(%arg14 : memref<!tpu.dma_semaphore, #tpu.memory_space<semaphore_mem>>)
    %dma_wait3A_951 = arith.constant 288 : i32
    %dma_wait3A_952 = tpu.memref_slice %arg7[%dma_wait3A_951] : memref<1024xi32, #tpu.memory_space<vmem>> -> memref<32xi32, #tpu.memory_space<vmem>>
    %dma_wait3A_953 = arith.constant 0 : i32
    %dma_wait3A_954 = arith.constant 0 : i32
    %dma_wait3A_955 = tpu.memref_slice %arg4[%dma_wait3A_953, %dma_wait3A_954] : memref<8194x1024xf32, #tpu.memory_space<hbm>> -> memref<8194x1024xf32, #tpu.memory_space<hbm>>
    tpu.wait_indirect_dma semaphore(%arg12 : memref<!tpu.dma_semaphore, #tpu.memory_space<semaphore_mem>>) src(%dma_wait3A_955 : memref<8194x1024xf32, #tpu.memory_space<hbm>>) dst(%arg9 : memref<32x1024xf32, #tpu.memory_space<vmem>>)
    %add3A_956 = arith.constant 288 : i32
    %add3A_957 = arith.addi %multiple_of3A, %add3A_956 : i32
    %multiple_of3A_958 = tpu.assume_multiple %add3A_957, 32 : i32
    %dma_start3A_959 = arith.constant 0 : i32
    %dma_start3A_960 = tpu.memref_slice %arg5[%select_n3A, %multiple_of3A_958, %dma_start3A_959] : memref<4x8192x1024xf32, #tpu.memory_space<hbm>> -> memref<1x32x1024xf32, #tpu.memory_space<hbm>>
    %dma_start3A_961 = tpu.memref_squeeze %dma_start3A_960 : memref<1x32x1024xf32, #tpu.memory_space<hbm>> -> memref<32x1024xf32, #tpu.memory_space<hbm>>
    %dma_start3A_962 = arith.constant 0 : i32
    %dma_start3A_963 = tpu.memref_slice %arg5[%select_n3A, %multiple_of3A_958, %dma_start3A_962] : memref<4x8192x1024xf32, #tpu.memory_space<hbm>> -> memref<1x32x1024xf32, #tpu.memory_space<hbm>>
    %dma_start3A_964 = tpu.memref_squeeze %dma_start3A_963 : memref<1x32x1024xf32, #tpu.memory_space<hbm>> -> memref<32x1024xf32, #tpu.memory_space<hbm>>
    tpu.enqueue_dma source(%arg9 : memref<32x1024xf32, #tpu.memory_space<vmem>>) target(%dma_start3A_964 : memref<32x1024xf32, #tpu.memory_space<hbm>>) target_semaphore(%arg15 : memref<!tpu.dma_semaphore, #tpu.memory_space<semaphore_mem>>)
    %add3A_965 = arith.constant 384 : i32
    %add3A_966 = arith.addi %multiple_of3A, %add3A_965 : i32
    %multiple_of3A_967 = tpu.assume_multiple %add3A_966, 16 : i32
    %get3A_968 = arith.index_cast %multiple_of3A_967 : i32 to index
    %get3A_969 = tpu.vector_load %arg6[%get3A_968] {strides = array<i32>} : memref<8192xi32, #tpu.memory_space<vmem>>, vector<16xi32>,
    %sub3A_970 = arith.constant 1 : i32
    %sub3A_971 = vector.broadcast %sub3A_970 : i32 to vector<16xi32>
    %sub3A_972 = arith.subi %get3A_969, %sub3A_971 : vector<16xi32>
    %abs3A_973 = math.absi %sub3A_972 : vector<16xi32>
    %min3A_974 = arith.constant 1 : i32
    %min3A_975 = vector.broadcast %min3A_974 : i32 to vector<16xi32>
    %min3A_976 = arith.minsi %abs3A_973, %min3A_975 : vector<16xi32>
    %broadcast_in_dim3A_977 = arith.constant true
    %broadcast_in_dim3A_978 = vector.broadcast %broadcast_in_dim3A_977 : i1 to vector<16xi1>
    %masked_cumsum3A_979 = tpu.scan <sum>, %min3A_976 masked %broadcast_in_dim3A_978 : vector<16xi32>, vector<16xi1> -> vector<16xi32>
    %add3A_980 = vector.broadcast %add3A_939 : i32 to vector<16xi32>
    %add3A_981 = arith.addi %masked_cumsum3A_979, %add3A_980 : vector<16xi32>
    %mul3A_982 = arith.muli %add3A_981, %min3A_976 : vector<16xi32>
    %add3A_983 = arith.addi %mul3A_982, %get3A_33 : vector<16xi32>
    %multiple_of3A_984 = arith.constant 384 : i32
    %multiple_of3A_985 = tpu.assume_multiple %multiple_of3A_984, 16 : i32
    %swap3A_986 = arith.index_cast %multiple_of3A_985 : i32 to index
    %swap3A_987 = tpu.vector_load %arg7[%swap3A_986] {strides = array<i32>} : memref<1024xi32, #tpu.memory_space<vmem>>, vector<16xi32>,
    tpu.vector_store %arg7[%swap3A_986], %add3A_983 {strides = array<i32>} : memref<1024xi32, #tpu.memory_space<vmem>>, vector<16xi32>,
    %reduce_sum3A_988 = arith.constant true
    %reduce_sum3A_989 = vector.broadcast %reduce_sum3A_988 : i1 to vector<16xi1>
    %reduce_sum3A_990 = tpu.scan <sum>, %min3A_976 masked %reduce_sum3A_989 : vector<16xi32>, vector<16xi1> -> vector<16xi32>
    %reduce_sum3A_991 = vector.extract %reduce_sum3A_990[15] : i32 from vector<16xi32>
    %add3A_992 = arith.addi %add3A_939, %reduce_sum3A_991 : i32
    %add3A_993 = arith.constant 400 : i32
    %add3A_994 = arith.addi %multiple_of3A, %add3A_993 : i32
    %multiple_of3A_995 = tpu.assume_multiple %add3A_994, 16 : i32
    %get3A_996 = arith.index_cast %multiple_of3A_995 : i32 to index
    %get3A_997 = tpu.vector_load %arg6[%get3A_996] {strides = array<i32>} : memref<8192xi32, #tpu.memory_space<vmem>>, vector<16xi32>,
    %sub3A_998 = arith.constant 1 : i32
    %sub3A_999 = vector.broadcast %sub3A_998 : i32 to vector<16xi32>
    %sub3A_1000 = arith.subi %get3A_997, %sub3A_999 : vector<16xi32>
    %abs3A_1001 = math.absi %sub3A_1000 : vector<16xi32>
    %min3A_1002 = arith.constant 1 : i32
    %min3A_1003 = vector.broadcast %min3A_1002 : i32 to vector<16xi32>
    %min3A_1004 = arith.minsi %abs3A_1001, %min3A_1003 : vector<16xi32>
    %broadcast_in_dim3A_1005 = arith.constant true
    %broadcast_in_dim3A_1006 = vector.broadcast %broadcast_in_dim3A_1005 : i1 to vector<16xi1>
    %masked_cumsum3A_1007 = tpu.scan <sum>, %min3A_1004 masked %broadcast_in_dim3A_1006 : vector<16xi32>, vector<16xi1> -> vector<16xi32>
    %add3A_1008 = vector.broadcast %add3A_992 : i32 to vector<16xi32>
    %add3A_1009 = arith.addi %masked_cumsum3A_1007, %add3A_1008 : vector<16xi32>
    %mul3A_1010 = arith.muli %add3A_1009, %min3A_1004 : vector<16xi32>
    %add3A_1011 = arith.addi %mul3A_1010, %get3A_33 : vector<16xi32>
    %multiple_of3A_1012 = arith.constant 400 : i32
    %multiple_of3A_1013 = tpu.assume_multiple %multiple_of3A_1012, 16 : i32
    %swap3A_1014 = arith.index_cast %multiple_of3A_1013 : i32 to index
    %swap3A_1015 = tpu.vector_load %arg7[%swap3A_1014] {strides = array<i32>} : memref<1024xi32, #tpu.memory_space<vmem>>, vector<16xi32>,
    tpu.vector_store %arg7[%swap3A_1014], %add3A_1011 {strides = array<i32>} : memref<1024xi32, #tpu.memory_space<vmem>>, vector<16xi32>,
    %reduce_sum3A_1016 = arith.constant true
    %reduce_sum3A_1017 = vector.broadcast %reduce_sum3A_1016 : i1 to vector<16xi1>
    %reduce_sum3A_1018 = tpu.scan <sum>, %min3A_1004 masked %reduce_sum3A_1017 : vector<16xi32>, vector<16xi1> -> vector<16xi32>
    %reduce_sum3A_1019 = vector.extract %reduce_sum3A_1018[15] : i32 from vector<16xi32>
    %add3A_1020 = arith.addi %add3A_992, %reduce_sum3A_1019 : i32
    %dma_wait3A_1021 = arith.constant 0 : i32
    %dma_wait3A_1022 = tpu.memref_slice %arg5[%select_n3A, %multiple_of3A_958, %dma_wait3A_1021] : memref<4x8192x1024xf32, #tpu.memory_space<hbm>> -> memref<1x32x1024xf32, #tpu.memory_space<hbm>>
    %dma_wait3A_1023 = tpu.memref_squeeze %dma_wait3A_1022 : memref<1x32x1024xf32, #tpu.memory_space<hbm>> -> memref<32x1024xf32, #tpu.memory_space<hbm>>
    %dma_wait3A_1024 = arith.constant 0 : i32
    %dma_wait3A_1025 = tpu.memref_slice %arg5[%select_n3A, %multiple_of3A_958, %dma_wait3A_1024] : memref<4x8192x1024xf32, #tpu.memory_space<hbm>> -> memref<1x32x1024xf32, #tpu.memory_space<hbm>>
    %dma_wait3A_1026 = tpu.memref_squeeze %dma_wait3A_1025 : memref<1x32x1024xf32, #tpu.memory_space<hbm>> -> memref<32x1024xf32, #tpu.memory_space<hbm>>
    tpu.wait_dma2 semaphore(%arg15 : memref<!tpu.dma_semaphore, #tpu.memory_space<semaphore_mem>>) src(%arg9 : memref<32x1024xf32, #tpu.memory_space<vmem>>) dst(%dma_wait3A_1026 : memref<32x1024xf32, #tpu.memory_space<hbm>>)
    %dma_start3A_1027 = arith.constant 384 : i32
    %dma_start3A_1028 = tpu.memref_slice %arg7[%dma_start3A_1027] : memref<1024xi32, #tpu.memory_space<vmem>> -> memref<32xi32, #tpu.memory_space<vmem>>
    %dma_start3A_1029 = arith.constant 0 : i32
    %dma_start3A_1030 = arith.constant 0 : i32
    %dma_start3A_1031 = tpu.memref_slice %arg4[%dma_start3A_1029, %dma_start3A_1030] : memref<8194x1024xf32, #tpu.memory_space<hbm>> -> memref<8194x1024xf32, #tpu.memory_space<hbm>>
    tpu.enqueue_indirect_dma source(%dma_start3A_1031 : memref<8194x1024xf32, #tpu.memory_space<hbm>>) target(%arg9 : memref<32x1024xf32, #tpu.memory_space<vmem>>) offsets(%dma_start3A_1028 : memref<32xi32, #tpu.memory_space<vmem>>) semaphore(%arg12 : memref<!tpu.dma_semaphore, #tpu.memory_space<semaphore_mem>>)
    %dma_wait3A_1032 = arith.constant 320 : i32
    %dma_wait3A_1033 = tpu.memref_slice %arg7[%dma_wait3A_1032] : memref<1024xi32, #tpu.memory_space<vmem>> -> memref<32xi32, #tpu.memory_space<vmem>>
    %dma_wait3A_1034 = arith.constant 0 : i32
    %dma_wait3A_1035 = arith.constant 0 : i32
    %dma_wait3A_1036 = tpu.memref_slice %arg4[%dma_wait3A_1034, %dma_wait3A_1035] : memref<8194x1024xf32, #tpu.memory_space<hbm>> -> memref<8194x1024xf32, #tpu.memory_space<hbm>>
    tpu.wait_indirect_dma semaphore(%arg13 : memref<!tpu.dma_semaphore, #tpu.memory_space<semaphore_mem>>) src(%dma_wait3A_1036 : memref<8194x1024xf32, #tpu.memory_space<hbm>>) dst(%arg10 : memref<32x1024xf32, #tpu.memory_space<vmem>>)
    %add3A_1037 = arith.constant 320 : i32
    %add3A_1038 = arith.addi %multiple_of3A, %add3A_1037 : i32
    %multiple_of3A_1039 = tpu.assume_multiple %add3A_1038, 32 : i32
    %dma_start3A_1040 = arith.constant 0 : i32
    %dma_start3A_1041 = tpu.memref_slice %arg5[%select_n3A, %multiple_of3A_1039, %dma_start3A_1040] : memref<4x8192x1024xf32, #tpu.memory_space<hbm>> -> memref<1x32x1024xf32, #tpu.memory_space<hbm>>
    %dma_start3A_1042 = tpu.memref_squeeze %dma_start3A_1041 : memref<1x32x1024xf32, #tpu.memory_space<hbm>> -> memref<32x1024xf32, #tpu.memory_space<hbm>>
    %dma_start3A_1043 = arith.constant 0 : i32
    %dma_start3A_1044 = tpu.memref_slice %arg5[%select_n3A, %multiple_of3A_1039, %dma_start3A_1043] : memref<4x8192x1024xf32, #tpu.memory_space<hbm>> -> memref<1x32x1024xf32, #tpu.memory_space<hbm>>
    %dma_start3A_1045 = tpu.memref_squeeze %dma_start3A_1044 : memref<1x32x1024xf32, #tpu.memory_space<hbm>> -> memref<32x1024xf32, #tpu.memory_space<hbm>>
    tpu.enqueue_dma source(%arg10 : memref<32x1024xf32, #tpu.memory_space<vmem>>) target(%dma_start3A_1045 : memref<32x1024xf32, #tpu.memory_space<hbm>>) target_semaphore(%arg16 : memref<!tpu.dma_semaphore, #tpu.memory_space<semaphore_mem>>)
    %add3A_1046 = arith.constant 416 : i32
    %add3A_1047 = arith.addi %multiple_of3A, %add3A_1046 : i32
    %multiple_of3A_1048 = tpu.assume_multiple %add3A_1047, 16 : i32
    %get3A_1049 = arith.index_cast %multiple_of3A_1048 : i32 to index
    %get3A_1050 = tpu.vector_load %arg6[%get3A_1049] {strides = array<i32>} : memref<8192xi32, #tpu.memory_space<vmem>>, vector<16xi32>,
    %sub3A_1051 = arith.constant 1 : i32
    %sub3A_1052 = vector.broadcast %sub3A_1051 : i32 to vector<16xi32>
    %sub3A_1053 = arith.subi %get3A_1050, %sub3A_1052 : vector<16xi32>
    %abs3A_1054 = math.absi %sub3A_1053 : vector<16xi32>
    %min3A_1055 = arith.constant 1 : i32
    %min3A_1056 = vector.broadcast %min3A_1055 : i32 to vector<16xi32>
    %min3A_1057 = arith.minsi %abs3A_1054, %min3A_1056 : vector<16xi32>
    %broadcast_in_dim3A_1058 = arith.constant true
    %broadcast_in_dim3A_1059 = vector.broadcast %broadcast_in_dim3A_1058 : i1 to vector<16xi1>
    %masked_cumsum3A_1060 = tpu.scan <sum>, %min3A_1057 masked %broadcast_in_dim3A_1059 : vector<16xi32>, vector<16xi1> -> vector<16xi32>
    %add3A_1061 = vector.broadcast %add3A_1020 : i32 to vector<16xi32>
    %add3A_1062 = arith.addi %masked_cumsum3A_1060, %add3A_1061 : vector<16xi32>
    %mul3A_1063 = arith.muli %add3A_1062, %min3A_1057 : vector<16xi32>
    %add3A_1064 = arith.addi %mul3A_1063, %get3A_33 : vector<16xi32>
    %multiple_of3A_1065 = arith.constant 416 : i32
    %multiple_of3A_1066 = tpu.assume_multiple %multiple_of3A_1065, 16 : i32
    %swap3A_1067 = arith.index_cast %multiple_of3A_1066 : i32 to index
    %swap3A_1068 = tpu.vector_load %arg7[%swap3A_1067] {strides = array<i32>} : memref<1024xi32, #tpu.memory_space<vmem>>, vector<16xi32>,
    tpu.vector_store %arg7[%swap3A_1067], %add3A_1064 {strides = array<i32>} : memref<1024xi32, #tpu.memory_space<vmem>>, vector<16xi32>,
    %reduce_sum3A_1069 = arith.constant true
    %reduce_sum3A_1070 = vector.broadcast %reduce_sum3A_1069 : i1 to vector<16xi1>
    %reduce_sum3A_1071 = tpu.scan <sum>, %min3A_1057 masked %reduce_sum3A_1070 : vector<16xi32>, vector<16xi1> -> vector<16xi32>
    %reduce_sum3A_1072 = vector.extract %reduce_sum3A_1071[15] : i32 from vector<16xi32>
    %add3A_1073 = arith.addi %add3A_1020, %reduce_sum3A_1072 : i32
    %add3A_1074 = arith.constant 432 : i32
    %add3A_1075 = arith.addi %multiple_of3A, %add3A_1074 : i32
    %multiple_of3A_1076 = tpu.assume_multiple %add3A_1075, 16 : i32
    %get3A_1077 = arith.index_cast %multiple_of3A_1076 : i32 to index
    %get3A_1078 = tpu.vector_load %arg6[%get3A_1077] {strides = array<i32>} : memref<8192xi32, #tpu.memory_space<vmem>>, vector<16xi32>,
    %sub3A_1079 = arith.constant 1 : i32
    %sub3A_1080 = vector.broadcast %sub3A_1079 : i32 to vector<16xi32>
    %sub3A_1081 = arith.subi %get3A_1078, %sub3A_1080 : vector<16xi32>
    %abs3A_1082 = math.absi %sub3A_1081 : vector<16xi32>
    %min3A_1083 = arith.constant 1 : i32
    %min3A_1084 = vector.broadcast %min3A_1083 : i32 to vector<16xi32>
    %min3A_1085 = arith.minsi %abs3A_1082, %min3A_1084 : vector<16xi32>
    %broadcast_in_dim3A_1086 = arith.constant true
    %broadcast_in_dim3A_1087 = vector.broadcast %broadcast_in_dim3A_1086 : i1 to vector<16xi1>
    %masked_cumsum3A_1088 = tpu.scan <sum>, %min3A_1085 masked %broadcast_in_dim3A_1087 : vector<16xi32>, vector<16xi1> -> vector<16xi32>
    %add3A_1089 = vector.broadcast %add3A_1073 : i32 to vector<16xi32>
    %add3A_1090 = arith.addi %masked_cumsum3A_1088, %add3A_1089 : vector<16xi32>
    %mul3A_1091 = arith.muli %add3A_1090, %min3A_1085 : vector<16xi32>
    %add3A_1092 = arith.addi %mul3A_1091, %get3A_33 : vector<16xi32>
    %multiple_of3A_1093 = arith.constant 432 : i32
    %multiple_of3A_1094 = tpu.assume_multiple %multiple_of3A_1093, 16 : i32
    %swap3A_1095 = arith.index_cast %multiple_of3A_1094 : i32 to index
    %swap3A_1096 = tpu.vector_load %arg7[%swap3A_1095] {strides = array<i32>} : memref<1024xi32, #tpu.memory_space<vmem>>, vector<16xi32>,
    tpu.vector_store %arg7[%swap3A_1095], %add3A_1092 {strides = array<i32>} : memref<1024xi32, #tpu.memory_space<vmem>>, vector<16xi32>,
    %reduce_sum3A_1097 = arith.constant true
    %reduce_sum3A_1098 = vector.broadcast %reduce_sum3A_1097 : i1 to vector<16xi1>
    %reduce_sum3A_1099 = tpu.scan <sum>, %min3A_1085 masked %reduce_sum3A_1098 : vector<16xi32>, vector<16xi1> -> vector<16xi32>
    %reduce_sum3A_1100 = vector.extract %reduce_sum3A_1099[15] : i32 from vector<16xi32>
    %add3A_1101 = arith.addi %add3A_1073, %reduce_sum3A_1100 : i32
    %dma_wait3A_1102 = arith.constant 0 : i32
    %dma_wait3A_1103 = tpu.memref_slice %arg5[%select_n3A, %multiple_of3A_1039, %dma_wait3A_1102] : memref<4x8192x1024xf32, #tpu.memory_space<hbm>> -> memref<1x32x1024xf32, #tpu.memory_space<hbm>>
    %dma_wait3A_1104 = tpu.memref_squeeze %dma_wait3A_1103 : memref<1x32x1024xf32, #tpu.memory_space<hbm>> -> memref<32x1024xf32, #tpu.memory_space<hbm>>
    %dma_wait3A_1105 = arith.constant 0 : i32
    %dma_wait3A_1106 = tpu.memref_slice %arg5[%select_n3A, %multiple_of3A_1039, %dma_wait3A_1105] : memref<4x8192x1024xf32, #tpu.memory_space<hbm>> -> memref<1x32x1024xf32, #tpu.memory_space<hbm>>
    %dma_wait3A_1107 = tpu.memref_squeeze %dma_wait3A_1106 : memref<1x32x1024xf32, #tpu.memory_space<hbm>> -> memref<32x1024xf32, #tpu.memory_space<hbm>>
    tpu.wait_dma2 semaphore(%arg16 : memref<!tpu.dma_semaphore, #tpu.memory_space<semaphore_mem>>) src(%arg10 : memref<32x1024xf32, #tpu.memory_space<vmem>>) dst(%dma_wait3A_1107 : memref<32x1024xf32, #tpu.memory_space<hbm>>)
    %dma_start3A_1108 = arith.constant 416 : i32
    %dma_start3A_1109 = tpu.memref_slice %arg7[%dma_start3A_1108] : memref<1024xi32, #tpu.memory_space<vmem>> -> memref<32xi32, #tpu.memory_space<vmem>>
    %dma_start3A_1110 = arith.constant 0 : i32
    %dma_start3A_1111 = arith.constant 0 : i32
    %dma_start3A_1112 = tpu.memref_slice %arg4[%dma_start3A_1110, %dma_start3A_1111] : memref<8194x1024xf32, #tpu.memory_space<hbm>> -> memref<8194x1024xf32, #tpu.memory_space<hbm>>
    tpu.enqueue_indirect_dma source(%dma_start3A_1112 : memref<8194x1024xf32, #tpu.memory_space<hbm>>) target(%arg10 : memref<32x1024xf32, #tpu.memory_space<vmem>>) offsets(%dma_start3A_1109 : memref<32xi32, #tpu.memory_space<vmem>>) semaphore(%arg13 : memref<!tpu.dma_semaphore, #tpu.memory_space<semaphore_mem>>)
    %dma_wait3A_1113 = arith.constant 352 : i32
    %dma_wait3A_1114 = tpu.memref_slice %arg7[%dma_wait3A_1113] : memref<1024xi32, #tpu.memory_space<vmem>> -> memref<32xi32, #tpu.memory_space<vmem>>
    %dma_wait3A_1115 = arith.constant 0 : i32
    %dma_wait3A_1116 = arith.constant 0 : i32
    %dma_wait3A_1117 = tpu.memref_slice %arg4[%dma_wait3A_1115, %dma_wait3A_1116] : memref<8194x1024xf32, #tpu.memory_space<hbm>> -> memref<8194x1024xf32, #tpu.memory_space<hbm>>
    tpu.wait_indirect_dma semaphore(%arg14 : memref<!tpu.dma_semaphore, #tpu.memory_space<semaphore_mem>>) src(%dma_wait3A_1117 : memref<8194x1024xf32, #tpu.memory_space<hbm>>) dst(%arg11 : memref<32x1024xf32, #tpu.memory_space<vmem>>)
    %add3A_1118 = arith.constant 352 : i32
    %add3A_1119 = arith.addi %multiple_of3A, %add3A_1118 : i32
    %multiple_of3A_1120 = tpu.assume_multiple %add3A_1119, 32 : i32
    %dma_start3A_1121 = arith.constant 0 : i32
    %dma_start3A_1122 = tpu.memref_slice %arg5[%select_n3A, %multiple_of3A_1120, %dma_start3A_1121] : memref<4x8192x1024xf32, #tpu.memory_space<hbm>> -> memref<1x32x1024xf32, #tpu.memory_space<hbm>>
    %dma_start3A_1123 = tpu.memref_squeeze %dma_start3A_1122 : memref<1x32x1024xf32, #tpu.memory_space<hbm>> -> memref<32x1024xf32, #tpu.memory_space<hbm>>
    %dma_start3A_1124 = arith.constant 0 : i32
    %dma_start3A_1125 = tpu.memref_slice %arg5[%select_n3A, %multiple_of3A_1120, %dma_start3A_1124] : memref<4x8192x1024xf32, #tpu.memory_space<hbm>> -> memref<1x32x1024xf32, #tpu.memory_space<hbm>>
    %dma_start3A_1126 = tpu.memref_squeeze %dma_start3A_1125 : memref<1x32x1024xf32, #tpu.memory_space<hbm>> -> memref<32x1024xf32, #tpu.memory_space<hbm>>
    tpu.enqueue_dma source(%arg11 : memref<32x1024xf32, #tpu.memory_space<vmem>>) target(%dma_start3A_1126 : memref<32x1024xf32, #tpu.memory_space<hbm>>) target_semaphore(%arg17 : memref<!tpu.dma_semaphore, #tpu.memory_space<semaphore_mem>>)
    %add3A_1127 = arith.constant 448 : i32
    %add3A_1128 = arith.addi %multiple_of3A, %add3A_1127 : i32
    %multiple_of3A_1129 = tpu.assume_multiple %add3A_1128, 16 : i32
    %get3A_1130 = arith.index_cast %multiple_of3A_1129 : i32 to index
    %get3A_1131 = tpu.vector_load %arg6[%get3A_1130] {strides = array<i32>} : memref<8192xi32, #tpu.memory_space<vmem>>, vector<16xi32>,
    %sub3A_1132 = arith.constant 1 : i32
    %sub3A_1133 = vector.broadcast %sub3A_1132 : i32 to vector<16xi32>
    %sub3A_1134 = arith.subi %get3A_1131, %sub3A_1133 : vector<16xi32>
    %abs3A_1135 = math.absi %sub3A_1134 : vector<16xi32>
    %min3A_1136 = arith.constant 1 : i32
    %min3A_1137 = vector.broadcast %min3A_1136 : i32 to vector<16xi32>
    %min3A_1138 = arith.minsi %abs3A_1135, %min3A_1137 : vector<16xi32>
    %broadcast_in_dim3A_1139 = arith.constant true
    %broadcast_in_dim3A_1140 = vector.broadcast %broadcast_in_dim3A_1139 : i1 to vector<16xi1>
    %masked_cumsum3A_1141 = tpu.scan <sum>, %min3A_1138 masked %broadcast_in_dim3A_1140 : vector<16xi32>, vector<16xi1> -> vector<16xi32>
    %add3A_1142 = vector.broadcast %add3A_1101 : i32 to vector<16xi32>
    %add3A_1143 = arith.addi %masked_cumsum3A_1141, %add3A_1142 : vector<16xi32>
    %mul3A_1144 = arith.muli %add3A_1143, %min3A_1138 : vector<16xi32>
    %add3A_1145 = arith.addi %mul3A_1144, %get3A_33 : vector<16xi32>
    %multiple_of3A_1146 = arith.constant 448 : i32
    %multiple_of3A_1147 = tpu.assume_multiple %multiple_of3A_1146, 16 : i32
    %swap3A_1148 = arith.index_cast %multiple_of3A_1147 : i32 to index
    %swap3A_1149 = tpu.vector_load %arg7[%swap3A_1148] {strides = array<i32>} : memref<1024xi32, #tpu.memory_space<vmem>>, vector<16xi32>,
    tpu.vector_store %arg7[%swap3A_1148], %add3A_1145 {strides = array<i32>} : memref<1024xi32, #tpu.memory_space<vmem>>, vector<16xi32>,
    %reduce_sum3A_1150 = arith.constant true
    %reduce_sum3A_1151 = vector.broadcast %reduce_sum3A_1150 : i1 to vector<16xi1>
    %reduce_sum3A_1152 = tpu.scan <sum>, %min3A_1138 masked %reduce_sum3A_1151 : vector<16xi32>, vector<16xi1> -> vector<16xi32>
    %reduce_sum3A_1153 = vector.extract %reduce_sum3A_1152[15] : i32 from vector<16xi32>
    %add3A_1154 = arith.addi %add3A_1101, %reduce_sum3A_1153 : i32
    %add3A_1155 = arith.constant 464 : i32
    %add3A_1156 = arith.addi %multiple_of3A, %add3A_1155 : i32
    %multiple_of3A_1157 = tpu.assume_multiple %add3A_1156, 16 : i32
    %get3A_1158 = arith.index_cast %multiple_of3A_1157 : i32 to index
    %get3A_1159 = tpu.vector_load %arg6[%get3A_1158] {strides = array<i32>} : memref<8192xi32, #tpu.memory_space<vmem>>, vector<16xi32>,
    %sub3A_1160 = arith.constant 1 : i32
    %sub3A_1161 = vector.broadcast %sub3A_1160 : i32 to vector<16xi32>
    %sub3A_1162 = arith.subi %get3A_1159, %sub3A_1161 : vector<16xi32>
    %abs3A_1163 = math.absi %sub3A_1162 : vector<16xi32>
    %min3A_1164 = arith.constant 1 : i32
    %min3A_1165 = vector.broadcast %min3A_1164 : i32 to vector<16xi32>
    %min3A_1166 = arith.minsi %abs3A_1163, %min3A_1165 : vector<16xi32>
    %broadcast_in_dim3A_1167 = arith.constant true
    %broadcast_in_dim3A_1168 = vector.broadcast %broadcast_in_dim3A_1167 : i1 to vector<16xi1>
    %masked_cumsum3A_1169 = tpu.scan <sum>, %min3A_1166 masked %broadcast_in_dim3A_1168 : vector<16xi32>, vector<16xi1> -> vector<16xi32>
    %add3A_1170 = vector.broadcast %add3A_1154 : i32 to vector<16xi32>
    %add3A_1171 = arith.addi %masked_cumsum3A_1169, %add3A_1170 : vector<16xi32>
    %mul3A_1172 = arith.muli %add3A_1171, %min3A_1166 : vector<16xi32>
    %add3A_1173 = arith.addi %mul3A_1172, %get3A_33 : vector<16xi32>
    %multiple_of3A_1174 = arith.constant 464 : i32
    %multiple_of3A_1175 = tpu.assume_multiple %multiple_of3A_1174, 16 : i32
    %swap3A_1176 = arith.index_cast %multiple_of3A_1175 : i32 to index
    %swap3A_1177 = tpu.vector_load %arg7[%swap3A_1176] {strides = array<i32>} : memref<1024xi32, #tpu.memory_space<vmem>>, vector<16xi32>,
    tpu.vector_store %arg7[%swap3A_1176], %add3A_1173 {strides = array<i32>} : memref<1024xi32, #tpu.memory_space<vmem>>, vector<16xi32>,
    %reduce_sum3A_1178 = arith.constant true
    %reduce_sum3A_1179 = vector.broadcast %reduce_sum3A_1178 : i1 to vector<16xi1>
    %reduce_sum3A_1180 = tpu.scan <sum>, %min3A_1166 masked %reduce_sum3A_1179 : vector<16xi32>, vector<16xi1> -> vector<16xi32>
    %reduce_sum3A_1181 = vector.extract %reduce_sum3A_1180[15] : i32 from vector<16xi32>
    %add3A_1182 = arith.addi %add3A_1154, %reduce_sum3A_1181 : i32
    %dma_wait3A_1183 = arith.constant 0 : i32
    %dma_wait3A_1184 = tpu.memref_slice %arg5[%select_n3A, %multiple_of3A_1120, %dma_wait3A_1183] : memref<4x8192x1024xf32, #tpu.memory_space<hbm>> -> memref<1x32x1024xf32, #tpu.memory_space<hbm>>
    %dma_wait3A_1185 = tpu.memref_squeeze %dma_wait3A_1184 : memref<1x32x1024xf32, #tpu.memory_space<hbm>> -> memref<32x1024xf32, #tpu.memory_space<hbm>>
    %dma_wait3A_1186 = arith.constant 0 : i32
    %dma_wait3A_1187 = tpu.memref_slice %arg5[%select_n3A, %multiple_of3A_1120, %dma_wait3A_1186] : memref<4x8192x1024xf32, #tpu.memory_space<hbm>> -> memref<1x32x1024xf32, #tpu.memory_space<hbm>>
    %dma_wait3A_1188 = tpu.memref_squeeze %dma_wait3A_1187 : memref<1x32x1024xf32, #tpu.memory_space<hbm>> -> memref<32x1024xf32, #tpu.memory_space<hbm>>
    tpu.wait_dma2 semaphore(%arg17 : memref<!tpu.dma_semaphore, #tpu.memory_space<semaphore_mem>>) src(%arg11 : memref<32x1024xf32, #tpu.memory_space<vmem>>) dst(%dma_wait3A_1188 : memref<32x1024xf32, #tpu.memory_space<hbm>>)
    %dma_start3A_1189 = arith.constant 448 : i32
    %dma_start3A_1190 = tpu.memref_slice %arg7[%dma_start3A_1189] : memref<1024xi32, #tpu.memory_space<vmem>> -> memref<32xi32, #tpu.memory_space<vmem>>
    %dma_start3A_1191 = arith.constant 0 : i32
    %dma_start3A_1192 = arith.constant 0 : i32
    %dma_start3A_1193 = tpu.memref_slice %arg4[%dma_start3A_1191, %dma_start3A_1192] : memref<8194x1024xf32, #tpu.memory_space<hbm>> -> memref<8194x1024xf32, #tpu.memory_space<hbm>>
    tpu.enqueue_indirect_dma source(%dma_start3A_1193 : memref<8194x1024xf32, #tpu.memory_space<hbm>>) target(%arg11 : memref<32x1024xf32, #tpu.memory_space<vmem>>) offsets(%dma_start3A_1190 : memref<32xi32, #tpu.memory_space<vmem>>) semaphore(%arg14 : memref<!tpu.dma_semaphore, #tpu.memory_space<semaphore_mem>>)
    %dma_wait3A_1194 = arith.constant 384 : i32
    %dma_wait3A_1195 = tpu.memref_slice %arg7[%dma_wait3A_1194] : memref<1024xi32, #tpu.memory_space<vmem>> -> memref<32xi32, #tpu.memory_space<vmem>>
    %dma_wait3A_1196 = arith.constant 0 : i32
    %dma_wait3A_1197 = arith.constant 0 : i32
    %dma_wait3A_1198 = tpu.memref_slice %arg4[%dma_wait3A_1196, %dma_wait3A_1197] : memref<8194x1024xf32, #tpu.memory_space<hbm>> -> memref<8194x1024xf32, #tpu.memory_space<hbm>>
    tpu.wait_indirect_dma semaphore(%arg12 : memref<!tpu.dma_semaphore, #tpu.memory_space<semaphore_mem>>) src(%dma_wait3A_1198 : memref<8194x1024xf32, #tpu.memory_space<hbm>>) dst(%arg9 : memref<32x1024xf32, #tpu.memory_space<vmem>>)
    %add3A_1199 = arith.constant 384 : i32
    %add3A_1200 = arith.addi %multiple_of3A, %add3A_1199 : i32
    %multiple_of3A_1201 = tpu.assume_multiple %add3A_1200, 32 : i32
    %dma_start3A_1202 = arith.constant 0 : i32
    %dma_start3A_1203 = tpu.memref_slice %arg5[%select_n3A, %multiple_of3A_1201, %dma_start3A_1202] : memref<4x8192x1024xf32, #tpu.memory_space<hbm>> -> memref<1x32x1024xf32, #tpu.memory_space<hbm>>
    %dma_start3A_1204 = tpu.memref_squeeze %dma_start3A_1203 : memref<1x32x1024xf32, #tpu.memory_space<hbm>> -> memref<32x1024xf32, #tpu.memory_space<hbm>>
    %dma_start3A_1205 = arith.constant 0 : i32
    %dma_start3A_1206 = tpu.memref_slice %arg5[%select_n3A, %multiple_of3A_1201, %dma_start3A_1205] : memref<4x8192x1024xf32, #tpu.memory_space<hbm>> -> memref<1x32x1024xf32, #tpu.memory_space<hbm>>
    %dma_start3A_1207 = tpu.memref_squeeze %dma_start3A_1206 : memref<1x32x1024xf32, #tpu.memory_space<hbm>> -> memref<32x1024xf32, #tpu.memory_space<hbm>>
    tpu.enqueue_dma source(%arg9 : memref<32x1024xf32, #tpu.memory_space<vmem>>) target(%dma_start3A_1207 : memref<32x1024xf32, #tpu.memory_space<hbm>>) target_semaphore(%arg15 : memref<!tpu.dma_semaphore, #tpu.memory_space<semaphore_mem>>)
    %add3A_1208 = arith.constant 480 : i32
    %add3A_1209 = arith.addi %multiple_of3A, %add3A_1208 : i32
    %multiple_of3A_1210 = tpu.assume_multiple %add3A_1209, 16 : i32
    %get3A_1211 = arith.index_cast %multiple_of3A_1210 : i32 to index
    %get3A_1212 = tpu.vector_load %arg6[%get3A_1211] {strides = array<i32>} : memref<8192xi32, #tpu.memory_space<vmem>>, vector<16xi32>,
    %sub3A_1213 = arith.constant 1 : i32
    %sub3A_1214 = vector.broadcast %sub3A_1213 : i32 to vector<16xi32>
    %sub3A_1215 = arith.subi %get3A_1212, %sub3A_1214 : vector<16xi32>
    %abs3A_1216 = math.absi %sub3A_1215 : vector<16xi32>
    %min3A_1217 = arith.constant 1 : i32
    %min3A_1218 = vector.broadcast %min3A_1217 : i32 to vector<16xi32>
    %min3A_1219 = arith.minsi %abs3A_1216, %min3A_1218 : vector<16xi32>
    %broadcast_in_dim3A_1220 = arith.constant true
    %broadcast_in_dim3A_1221 = vector.broadcast %broadcast_in_dim3A_1220 : i1 to vector<16xi1>
    %masked_cumsum3A_1222 = tpu.scan <sum>, %min3A_1219 masked %broadcast_in_dim3A_1221 : vector<16xi32>, vector<16xi1> -> vector<16xi32>
    %add3A_1223 = vector.broadcast %add3A_1182 : i32 to vector<16xi32>
    %add3A_1224 = arith.addi %masked_cumsum3A_1222, %add3A_1223 : vector<16xi32>
    %mul3A_1225 = arith.muli %add3A_1224, %min3A_1219 : vector<16xi32>
    %add3A_1226 = arith.addi %mul3A_1225, %get3A_33 : vector<16xi32>
    %multiple_of3A_1227 = arith.constant 480 : i32
    %multiple_of3A_1228 = tpu.assume_multiple %multiple_of3A_1227, 16 : i32
    %swap3A_1229 = arith.index_cast %multiple_of3A_1228 : i32 to index
    %swap3A_1230 = tpu.vector_load %arg7[%swap3A_1229] {strides = array<i32>} : memref<1024xi32, #tpu.memory_space<vmem>>, vector<16xi32>,
    tpu.vector_store %arg7[%swap3A_1229], %add3A_1226 {strides = array<i32>} : memref<1024xi32, #tpu.memory_space<vmem>>, vector<16xi32>,
    %reduce_sum3A_1231 = arith.constant true
    %reduce_sum3A_1232 = vector.broadcast %reduce_sum3A_1231 : i1 to vector<16xi1>
    %reduce_sum3A_1233 = tpu.scan <sum>, %min3A_1219 masked %reduce_sum3A_1232 : vector<16xi32>, vector<16xi1> -> vector<16xi32>
    %reduce_sum3A_1234 = vector.extract %reduce_sum3A_1233[15] : i32 from vector<16xi32>
    %add3A_1235 = arith.addi %add3A_1182, %reduce_sum3A_1234 : i32
    %add3A_1236 = arith.constant 496 : i32
    %add3A_1237 = arith.addi %multiple_of3A, %add3A_1236 : i32
    %multiple_of3A_1238 = tpu.assume_multiple %add3A_1237, 16 : i32
    %get3A_1239 = arith.index_cast %multiple_of3A_1238 : i32 to index
    %get3A_1240 = tpu.vector_load %arg6[%get3A_1239] {strides = array<i32>} : memref<8192xi32, #tpu.memory_space<vmem>>, vector<16xi32>,
    %sub3A_1241 = arith.constant 1 : i32
    %sub3A_1242 = vector.broadcast %sub3A_1241 : i32 to vector<16xi32>
    %sub3A_1243 = arith.subi %get3A_1240, %sub3A_1242 : vector<16xi32>
    %abs3A_1244 = math.absi %sub3A_1243 : vector<16xi32>
    %min3A_1245 = arith.constant 1 : i32
    %min3A_1246 = vector.broadcast %min3A_1245 : i32 to vector<16xi32>
    %min3A_1247 = arith.minsi %abs3A_1244, %min3A_1246 : vector<16xi32>
    %broadcast_in_dim3A_1248 = arith.constant true
    %broadcast_in_dim3A_1249 = vector.broadcast %broadcast_in_dim3A_1248 : i1 to vector<16xi1>
    %masked_cumsum3A_1250 = tpu.scan <sum>, %min3A_1247 masked %broadcast_in_dim3A_1249 : vector<16xi32>, vector<16xi1> -> vector<16xi32>
    %add3A_1251 = vector.broadcast %add3A_1235 : i32 to vector<16xi32>
    %add3A_1252 = arith.addi %masked_cumsum3A_1250, %add3A_1251 : vector<16xi32>
    %mul3A_1253 = arith.muli %add3A_1252, %min3A_1247 : vector<16xi32>
    %add3A_1254 = arith.addi %mul3A_1253, %get3A_33 : vector<16xi32>
    %multiple_of3A_1255 = arith.constant 496 : i32
    %multiple_of3A_1256 = tpu.assume_multiple %multiple_of3A_1255, 16 : i32
    %swap3A_1257 = arith.index_cast %multiple_of3A_1256 : i32 to index
    %swap3A_1258 = tpu.vector_load %arg7[%swap3A_1257] {strides = array<i32>} : memref<1024xi32, #tpu.memory_space<vmem>>, vector<16xi32>,
    tpu.vector_store %arg7[%swap3A_1257], %add3A_1254 {strides = array<i32>} : memref<1024xi32, #tpu.memory_space<vmem>>, vector<16xi32>,
    %reduce_sum3A_1259 = arith.constant true
    %reduce_sum3A_1260 = vector.broadcast %reduce_sum3A_1259 : i1 to vector<16xi1>
    %reduce_sum3A_1261 = tpu.scan <sum>, %min3A_1247 masked %reduce_sum3A_1260 : vector<16xi32>, vector<16xi1> -> vector<16xi32>
    %reduce_sum3A_1262 = vector.extract %reduce_sum3A_1261[15] : i32 from vector<16xi32>
    %add3A_1263 = arith.addi %add3A_1235, %reduce_sum3A_1262 : i32
    %dma_wait3A_1264 = arith.constant 0 : i32
    %dma_wait3A_1265 = tpu.memref_slice %arg5[%select_n3A, %multiple_of3A_1201, %dma_wait3A_1264] : memref<4x8192x1024xf32, #tpu.memory_space<hbm>> -> memref<1x32x1024xf32, #tpu.memory_space<hbm>>
    %dma_wait3A_1266 = tpu.memref_squeeze %dma_wait3A_1265 : memref<1x32x1024xf32, #tpu.memory_space<hbm>> -> memref<32x1024xf32, #tpu.memory_space<hbm>>
    %dma_wait3A_1267 = arith.constant 0 : i32
    %dma_wait3A_1268 = tpu.memref_slice %arg5[%select_n3A, %multiple_of3A_1201, %dma_wait3A_1267] : memref<4x8192x1024xf32, #tpu.memory_space<hbm>> -> memref<1x32x1024xf32, #tpu.memory_space<hbm>>
    %dma_wait3A_1269 = tpu.memref_squeeze %dma_wait3A_1268 : memref<1x32x1024xf32, #tpu.memory_space<hbm>> -> memref<32x1024xf32, #tpu.memory_space<hbm>>
    tpu.wait_dma2 semaphore(%arg15 : memref<!tpu.dma_semaphore, #tpu.memory_space<semaphore_mem>>) src(%arg9 : memref<32x1024xf32, #tpu.memory_space<vmem>>) dst(%dma_wait3A_1269 : memref<32x1024xf32, #tpu.memory_space<hbm>>)
    %dma_start3A_1270 = arith.constant 480 : i32
    %dma_start3A_1271 = tpu.memref_slice %arg7[%dma_start3A_1270] : memref<1024xi32, #tpu.memory_space<vmem>> -> memref<32xi32, #tpu.memory_space<vmem>>
    %dma_start3A_1272 = arith.constant 0 : i32
    %dma_start3A_1273 = arith.constant 0 : i32
    %dma_start3A_1274 = tpu.memref_slice %arg4[%dma_start3A_1272, %dma_start3A_1273] : memref<8194x1024xf32, #tpu.memory_space<hbm>> -> memref<8194x1024xf32, #tpu.memory_space<hbm>>
    tpu.enqueue_indirect_dma source(%dma_start3A_1274 : memref<8194x1024xf32, #tpu.memory_space<hbm>>) target(%arg9 : memref<32x1024xf32, #tpu.memory_space<vmem>>) offsets(%dma_start3A_1271 : memref<32xi32, #tpu.memory_space<vmem>>) semaphore(%arg12 : memref<!tpu.dma_semaphore, #tpu.memory_space<semaphore_mem>>)
    %dma_wait3A_1275 = arith.constant 416 : i32
    %dma_wait3A_1276 = tpu.memref_slice %arg7[%dma_wait3A_1275] : memref<1024xi32, #tpu.memory_space<vmem>> -> memref<32xi32, #tpu.memory_space<vmem>>
    %dma_wait3A_1277 = arith.constant 0 : i32
    %dma_wait3A_1278 = arith.constant 0 : i32
    %dma_wait3A_1279 = tpu.memref_slice %arg4[%dma_wait3A_1277, %dma_wait3A_1278] : memref<8194x1024xf32, #tpu.memory_space<hbm>> -> memref<8194x1024xf32, #tpu.memory_space<hbm>>
    tpu.wait_indirect_dma semaphore(%arg13 : memref<!tpu.dma_semaphore, #tpu.memory_space<semaphore_mem>>) src(%dma_wait3A_1279 : memref<8194x1024xf32, #tpu.memory_space<hbm>>) dst(%arg10 : memref<32x1024xf32, #tpu.memory_space<vmem>>)
    %add3A_1280 = arith.constant 416 : i32
    %add3A_1281 = arith.addi %multiple_of3A, %add3A_1280 : i32
    %multiple_of3A_1282 = tpu.assume_multiple %add3A_1281, 32 : i32
    %dma_start3A_1283 = arith.constant 0 : i32
    %dma_start3A_1284 = tpu.memref_slice %arg5[%select_n3A, %multiple_of3A_1282, %dma_start3A_1283] : memref<4x8192x1024xf32, #tpu.memory_space<hbm>> -> memref<1x32x1024xf32, #tpu.memory_space<hbm>>
    %dma_start3A_1285 = tpu.memref_squeeze %dma_start3A_1284 : memref<1x32x1024xf32, #tpu.memory_space<hbm>> -> memref<32x1024xf32, #tpu.memory_space<hbm>>
    %dma_start3A_1286 = arith.constant 0 : i32
    %dma_start3A_1287 = tpu.memref_slice %arg5[%select_n3A, %multiple_of3A_1282, %dma_start3A_1286] : memref<4x8192x1024xf32, #tpu.memory_space<hbm>> -> memref<1x32x1024xf32, #tpu.memory_space<hbm>>
    %dma_start3A_1288 = tpu.memref_squeeze %dma_start3A_1287 : memref<1x32x1024xf32, #tpu.memory_space<hbm>> -> memref<32x1024xf32, #tpu.memory_space<hbm>>
    tpu.enqueue_dma source(%arg10 : memref<32x1024xf32, #tpu.memory_space<vmem>>) target(%dma_start3A_1288 : memref<32x1024xf32, #tpu.memory_space<hbm>>) target_semaphore(%arg16 : memref<!tpu.dma_semaphore, #tpu.memory_space<semaphore_mem>>)
    %add3A_1289 = arith.constant 512 : i32
    %add3A_1290 = arith.addi %multiple_of3A, %add3A_1289 : i32
    %multiple_of3A_1291 = tpu.assume_multiple %add3A_1290, 16 : i32
    %get3A_1292 = arith.index_cast %multiple_of3A_1291 : i32 to index
    %get3A_1293 = tpu.vector_load %arg6[%get3A_1292] {strides = array<i32>} : memref<8192xi32, #tpu.memory_space<vmem>>, vector<16xi32>,
    %sub3A_1294 = arith.constant 1 : i32
    %sub3A_1295 = vector.broadcast %sub3A_1294 : i32 to vector<16xi32>
    %sub3A_1296 = arith.subi %get3A_1293, %sub3A_1295 : vector<16xi32>
    %abs3A_1297 = math.absi %sub3A_1296 : vector<16xi32>
    %min3A_1298 = arith.constant 1 : i32
    %min3A_1299 = vector.broadcast %min3A_1298 : i32 to vector<16xi32>
    %min3A_1300 = arith.minsi %abs3A_1297, %min3A_1299 : vector<16xi32>
    %broadcast_in_dim3A_1301 = arith.constant true
    %broadcast_in_dim3A_1302 = vector.broadcast %broadcast_in_dim3A_1301 : i1 to vector<16xi1>
    %masked_cumsum3A_1303 = tpu.scan <sum>, %min3A_1300 masked %broadcast_in_dim3A_1302 : vector<16xi32>, vector<16xi1> -> vector<16xi32>
    %add3A_1304 = vector.broadcast %add3A_1263 : i32 to vector<16xi32>
    %add3A_1305 = arith.addi %masked_cumsum3A_1303, %add3A_1304 : vector<16xi32>
    %mul3A_1306 = arith.muli %add3A_1305, %min3A_1300 : vector<16xi32>
    %add3A_1307 = arith.addi %mul3A_1306, %get3A_33 : vector<16xi32>
    %multiple_of3A_1308 = arith.constant 512 : i32
    %multiple_of3A_1309 = tpu.assume_multiple %multiple_of3A_1308, 16 : i32
    %swap3A_1310 = arith.index_cast %multiple_of3A_1309 : i32 to index
    %swap3A_1311 = tpu.vector_load %arg7[%swap3A_1310] {strides = array<i32>} : memref<1024xi32, #tpu.memory_space<vmem>>, vector<16xi32>,
    tpu.vector_store %arg7[%swap3A_1310], %add3A_1307 {strides = array<i32>} : memref<1024xi32, #tpu.memory_space<vmem>>, vector<16xi32>,
    %reduce_sum3A_1312 = arith.constant true
    %reduce_sum3A_1313 = vector.broadcast %reduce_sum3A_1312 : i1 to vector<16xi1>
    %reduce_sum3A_1314 = tpu.scan <sum>, %min3A_1300 masked %reduce_sum3A_1313 : vector<16xi32>, vector<16xi1> -> vector<16xi32>
    %reduce_sum3A_1315 = vector.extract %reduce_sum3A_1314[15] : i32 from vector<16xi32>
    %add3A_1316 = arith.addi %add3A_1263, %reduce_sum3A_1315 : i32
    %add3A_1317 = arith.constant 528 : i32
    %add3A_1318 = arith.addi %multiple_of3A, %add3A_1317 : i32
    %multiple_of3A_1319 = tpu.assume_multiple %add3A_1318, 16 : i32
    %get3A_1320 = arith.index_cast %multiple_of3A_1319 : i32 to index
    %get3A_1321 = tpu.vector_load %arg6[%get3A_1320] {strides = array<i32>} : memref<8192xi32, #tpu.memory_space<vmem>>, vector<16xi32>,
    %sub3A_1322 = arith.constant 1 : i32
    %sub3A_1323 = vector.broadcast %sub3A_1322 : i32 to vector<16xi32>
    %sub3A_1324 = arith.subi %get3A_1321, %sub3A_1323 : vector<16xi32>
    %abs3A_1325 = math.absi %sub3A_1324 : vector<16xi32>
    %min3A_1326 = arith.constant 1 : i32
    %min3A_1327 = vector.broadcast %min3A_1326 : i32 to vector<16xi32>
    %min3A_1328 = arith.minsi %abs3A_1325, %min3A_1327 : vector<16xi32>
    %broadcast_in_dim3A_1329 = arith.constant true
    %broadcast_in_dim3A_1330 = vector.broadcast %broadcast_in_dim3A_1329 : i1 to vector<16xi1>
    %masked_cumsum3A_1331 = tpu.scan <sum>, %min3A_1328 masked %broadcast_in_dim3A_1330 : vector<16xi32>, vector<16xi1> -> vector<16xi32>
    %add3A_1332 = vector.broadcast %add3A_1316 : i32 to vector<16xi32>
    %add3A_1333 = arith.addi %masked_cumsum3A_1331, %add3A_1332 : vector<16xi32>
    %mul3A_1334 = arith.muli %add3A_1333, %min3A_1328 : vector<16xi32>
    %add3A_1335 = arith.addi %mul3A_1334, %get3A_33 : vector<16xi32>
    %multiple_of3A_1336 = arith.constant 528 : i32
    %multiple_of3A_1337 = tpu.assume_multiple %multiple_of3A_1336, 16 : i32
    %swap3A_1338 = arith.index_cast %multiple_of3A_1337 : i32 to index
    %swap3A_1339 = tpu.vector_load %arg7[%swap3A_1338] {strides = array<i32>} : memref<1024xi32, #tpu.memory_space<vmem>>, vector<16xi32>,
    tpu.vector_store %arg7[%swap3A_1338], %add3A_1335 {strides = array<i32>} : memref<1024xi32, #tpu.memory_space<vmem>>, vector<16xi32>,
    %reduce_sum3A_1340 = arith.constant true
    %reduce_sum3A_1341 = vector.broadcast %reduce_sum3A_1340 : i1 to vector<16xi1>
    %reduce_sum3A_1342 = tpu.scan <sum>, %min3A_1328 masked %reduce_sum3A_1341 : vector<16xi32>, vector<16xi1> -> vector<16xi32>
    %reduce_sum3A_1343 = vector.extract %reduce_sum3A_1342[15] : i32 from vector<16xi32>
    %add3A_1344 = arith.addi %add3A_1316, %reduce_sum3A_1343 : i32
    %dma_wait3A_1345 = arith.constant 0 : i32
    %dma_wait3A_1346 = tpu.memref_slice %arg5[%select_n3A, %multiple_of3A_1282, %dma_wait3A_1345] : memref<4x8192x1024xf32, #tpu.memory_space<hbm>> -> memref<1x32x1024xf32, #tpu.memory_space<hbm>>
    %dma_wait3A_1347 = tpu.memref_squeeze %dma_wait3A_1346 : memref<1x32x1024xf32, #tpu.memory_space<hbm>> -> memref<32x1024xf32, #tpu.memory_space<hbm>>
    %dma_wait3A_1348 = arith.constant 0 : i32
    %dma_wait3A_1349 = tpu.memref_slice %arg5[%select_n3A, %multiple_of3A_1282, %dma_wait3A_1348] : memref<4x8192x1024xf32, #tpu.memory_space<hbm>> -> memref<1x32x1024xf32, #tpu.memory_space<hbm>>
    %dma_wait3A_1350 = tpu.memref_squeeze %dma_wait3A_1349 : memref<1x32x1024xf32, #tpu.memory_space<hbm>> -> memref<32x1024xf32, #tpu.memory_space<hbm>>
    tpu.wait_dma2 semaphore(%arg16 : memref<!tpu.dma_semaphore, #tpu.memory_space<semaphore_mem>>) src(%arg10 : memref<32x1024xf32, #tpu.memory_space<vmem>>) dst(%dma_wait3A_1350 : memref<32x1024xf32, #tpu.memory_space<hbm>>)
    %dma_start3A_1351 = arith.constant 512 : i32
    %dma_start3A_1352 = tpu.memref_slice %arg7[%dma_start3A_1351] : memref<1024xi32, #tpu.memory_space<vmem>> -> memref<32xi32, #tpu.memory_space<vmem>>
    %dma_start3A_1353 = arith.constant 0 : i32
    %dma_start3A_1354 = arith.constant 0 : i32
    %dma_start3A_1355 = tpu.memref_slice %arg4[%dma_start3A_1353, %dma_start3A_1354] : memref<8194x1024xf32, #tpu.memory_space<hbm>> -> memref<8194x1024xf32, #tpu.memory_space<hbm>>
    tpu.enqueue_indirect_dma source(%dma_start3A_1355 : memref<8194x1024xf32, #tpu.memory_space<hbm>>) target(%arg10 : memref<32x1024xf32, #tpu.memory_space<vmem>>) offsets(%dma_start3A_1352 : memref<32xi32, #tpu.memory_space<vmem>>) semaphore(%arg13 : memref<!tpu.dma_semaphore, #tpu.memory_space<semaphore_mem>>)
    %dma_wait3A_1356 = arith.constant 448 : i32
    %dma_wait3A_1357 = tpu.memref_slice %arg7[%dma_wait3A_1356] : memref<1024xi32, #tpu.memory_space<vmem>> -> memref<32xi32, #tpu.memory_space<vmem>>
    %dma_wait3A_1358 = arith.constant 0 : i32
    %dma_wait3A_1359 = arith.constant 0 : i32
    %dma_wait3A_1360 = tpu.memref_slice %arg4[%dma_wait3A_1358, %dma_wait3A_1359] : memref<8194x1024xf32, #tpu.memory_space<hbm>> -> memref<8194x1024xf32, #tpu.memory_space<hbm>>
    tpu.wait_indirect_dma semaphore(%arg14 : memref<!tpu.dma_semaphore, #tpu.memory_space<semaphore_mem>>) src(%dma_wait3A_1360 : memref<8194x1024xf32, #tpu.memory_space<hbm>>) dst(%arg11 : memref<32x1024xf32, #tpu.memory_space<vmem>>)
    %add3A_1361 = arith.constant 448 : i32
    %add3A_1362 = arith.addi %multiple_of3A, %add3A_1361 : i32
    %multiple_of3A_1363 = tpu.assume_multiple %add3A_1362, 32 : i32
    %dma_start3A_1364 = arith.constant 0 : i32
    %dma_start3A_1365 = tpu.memref_slice %arg5[%select_n3A, %multiple_of3A_1363, %dma_start3A_1364] : memref<4x8192x1024xf32, #tpu.memory_space<hbm>> -> memref<1x32x1024xf32, #tpu.memory_space<hbm>>
    %dma_start3A_1366 = tpu.memref_squeeze %dma_start3A_1365 : memref<1x32x1024xf32, #tpu.memory_space<hbm>> -> memref<32x1024xf32, #tpu.memory_space<hbm>>
    %dma_start3A_1367 = arith.constant 0 : i32
    %dma_start3A_1368 = tpu.memref_slice %arg5[%select_n3A, %multiple_of3A_1363, %dma_start3A_1367] : memref<4x8192x1024xf32, #tpu.memory_space<hbm>> -> memref<1x32x1024xf32, #tpu.memory_space<hbm>>
    %dma_start3A_1369 = tpu.memref_squeeze %dma_start3A_1368 : memref<1x32x1024xf32, #tpu.memory_space<hbm>> -> memref<32x1024xf32, #tpu.memory_space<hbm>>
    tpu.enqueue_dma source(%arg11 : memref<32x1024xf32, #tpu.memory_space<vmem>>) target(%dma_start3A_1369 : memref<32x1024xf32, #tpu.memory_space<hbm>>) target_semaphore(%arg17 : memref<!tpu.dma_semaphore, #tpu.memory_space<semaphore_mem>>)
    %add3A_1370 = arith.constant 544 : i32
    %add3A_1371 = arith.addi %multiple_of3A, %add3A_1370 : i32
    %multiple_of3A_1372 = tpu.assume_multiple %add3A_1371, 16 : i32
    %get3A_1373 = arith.index_cast %multiple_of3A_1372 : i32 to index
    %get3A_1374 = tpu.vector_load %arg6[%get3A_1373] {strides = array<i32>} : memref<8192xi32, #tpu.memory_space<vmem>>, vector<16xi32>,
    %sub3A_1375 = arith.constant 1 : i32
    %sub3A_1376 = vector.broadcast %sub3A_1375 : i32 to vector<16xi32>
    %sub3A_1377 = arith.subi %get3A_1374, %sub3A_1376 : vector<16xi32>
    %abs3A_1378 = math.absi %sub3A_1377 : vector<16xi32>
    %min3A_1379 = arith.constant 1 : i32
    %min3A_1380 = vector.broadcast %min3A_1379 : i32 to vector<16xi32>
    %min3A_1381 = arith.minsi %abs3A_1378, %min3A_1380 : vector<16xi32>
    %broadcast_in_dim3A_1382 = arith.constant true
    %broadcast_in_dim3A_1383 = vector.broadcast %broadcast_in_dim3A_1382 : i1 to vector<16xi1>
    %masked_cumsum3A_1384 = tpu.scan <sum>, %min3A_1381 masked %broadcast_in_dim3A_1383 : vector<16xi32>, vector<16xi1> -> vector<16xi32>
    %add3A_1385 = vector.broadcast %add3A_1344 : i32 to vector<16xi32>
    %add3A_1386 = arith.addi %masked_cumsum3A_1384, %add3A_1385 : vector<16xi32>
    %mul3A_1387 = arith.muli %add3A_1386, %min3A_1381 : vector<16xi32>
    %add3A_1388 = arith.addi %mul3A_1387, %get3A_33 : vector<16xi32>
    %multiple_of3A_1389 = arith.constant 544 : i32
    %multiple_of3A_1390 = tpu.assume_multiple %multiple_of3A_1389, 16 : i32
    %swap3A_1391 = arith.index_cast %multiple_of3A_1390 : i32 to index
    %swap3A_1392 = tpu.vector_load %arg7[%swap3A_1391] {strides = array<i32>} : memref<1024xi32, #tpu.memory_space<vmem>>, vector<16xi32>,
    tpu.vector_store %arg7[%swap3A_1391], %add3A_1388 {strides = array<i32>} : memref<1024xi32, #tpu.memory_space<vmem>>, vector<16xi32>,
    %reduce_sum3A_1393 = arith.constant true
    %reduce_sum3A_1394 = vector.broadcast %reduce_sum3A_1393 : i1 to vector<16xi1>
    %reduce_sum3A_1395 = tpu.scan <sum>, %min3A_1381 masked %reduce_sum3A_1394 : vector<16xi32>, vector<16xi1> -> vector<16xi32>
    %reduce_sum3A_1396 = vector.extract %reduce_sum3A_1395[15] : i32 from vector<16xi32>
    %add3A_1397 = arith.addi %add3A_1344, %reduce_sum3A_1396 : i32
    %add3A_1398 = arith.constant 560 : i32
    %add3A_1399 = arith.addi %multiple_of3A, %add3A_1398 : i32
    %multiple_of3A_1400 = tpu.assume_multiple %add3A_1399, 16 : i32
    %get3A_1401 = arith.index_cast %multiple_of3A_1400 : i32 to index
    %get3A_1402 = tpu.vector_load %arg6[%get3A_1401] {strides = array<i32>} : memref<8192xi32, #tpu.memory_space<vmem>>, vector<16xi32>,
    %sub3A_1403 = arith.constant 1 : i32
    %sub3A_1404 = vector.broadcast %sub3A_1403 : i32 to vector<16xi32>
    %sub3A_1405 = arith.subi %get3A_1402, %sub3A_1404 : vector<16xi32>
    %abs3A_1406 = math.absi %sub3A_1405 : vector<16xi32>
    %min3A_1407 = arith.constant 1 : i32
    %min3A_1408 = vector.broadcast %min3A_1407 : i32 to vector<16xi32>
    %min3A_1409 = arith.minsi %abs3A_1406, %min3A_1408 : vector<16xi32>
    %broadcast_in_dim3A_1410 = arith.constant true
    %broadcast_in_dim3A_1411 = vector.broadcast %broadcast_in_dim3A_1410 : i1 to vector<16xi1>
    %masked_cumsum3A_1412 = tpu.scan <sum>, %min3A_1409 masked %broadcast_in_dim3A_1411 : vector<16xi32>, vector<16xi1> -> vector<16xi32>
    %add3A_1413 = vector.broadcast %add3A_1397 : i32 to vector<16xi32>
    %add3A_1414 = arith.addi %masked_cumsum3A_1412, %add3A_1413 : vector<16xi32>
    %mul3A_1415 = arith.muli %add3A_1414, %min3A_1409 : vector<16xi32>
    %add3A_1416 = arith.addi %mul3A_1415, %get3A_33 : vector<16xi32>
    %multiple_of3A_1417 = arith.constant 560 : i32
    %multiple_of3A_1418 = tpu.assume_multiple %multiple_of3A_1417, 16 : i32
    %swap3A_1419 = arith.index_cast %multiple_of3A_1418 : i32 to index
    %swap3A_1420 = tpu.vector_load %arg7[%swap3A_1419] {strides = array<i32>} : memref<1024xi32, #tpu.memory_space<vmem>>, vector<16xi32>,
    tpu.vector_store %arg7[%swap3A_1419], %add3A_1416 {strides = array<i32>} : memref<1024xi32, #tpu.memory_space<vmem>>, vector<16xi32>,
    %reduce_sum3A_1421 = arith.constant true
    %reduce_sum3A_1422 = vector.broadcast %reduce_sum3A_1421 : i1 to vector<16xi1>
    %reduce_sum3A_1423 = tpu.scan <sum>, %min3A_1409 masked %reduce_sum3A_1422 : vector<16xi32>, vector<16xi1> -> vector<16xi32>
    %reduce_sum3A_1424 = vector.extract %reduce_sum3A_1423[15] : i32 from vector<16xi32>
    %add3A_1425 = arith.addi %add3A_1397, %reduce_sum3A_1424 : i32
    %dma_wait3A_1426 = arith.constant 0 : i32
    %dma_wait3A_1427 = tpu.memref_slice %arg5[%select_n3A, %multiple_of3A_1363, %dma_wait3A_1426] : memref<4x8192x1024xf32, #tpu.memory_space<hbm>> -> memref<1x32x1024xf32, #tpu.memory_space<hbm>>
    %dma_wait3A_1428 = tpu.memref_squeeze %dma_wait3A_1427 : memref<1x32x1024xf32, #tpu.memory_space<hbm>> -> memref<32x1024xf32, #tpu.memory_space<hbm>>
    %dma_wait3A_1429 = arith.constant 0 : i32
    %dma_wait3A_1430 = tpu.memref_slice %arg5[%select_n3A, %multiple_of3A_1363, %dma_wait3A_1429] : memref<4x8192x1024xf32, #tpu.memory_space<hbm>> -> memref<1x32x1024xf32, #tpu.memory_space<hbm>>
    %dma_wait3A_1431 = tpu.memref_squeeze %dma_wait3A_1430 : memref<1x32x1024xf32, #tpu.memory_space<hbm>> -> memref<32x1024xf32, #tpu.memory_space<hbm>>
    tpu.wait_dma2 semaphore(%arg17 : memref<!tpu.dma_semaphore, #tpu.memory_space<semaphore_mem>>) src(%arg11 : memref<32x1024xf32, #tpu.memory_space<vmem>>) dst(%dma_wait3A_1431 : memref<32x1024xf32, #tpu.memory_space<hbm>>)
    %dma_start3A_1432 = arith.constant 544 : i32
    %dma_start3A_1433 = tpu.memref_slice %arg7[%dma_start3A_1432] : memref<1024xi32, #tpu.memory_space<vmem>> -> memref<32xi32, #tpu.memory_space<vmem>>
    %dma_start3A_1434 = arith.constant 0 : i32
    %dma_start3A_1435 = arith.constant 0 : i32
    %dma_start3A_1436 = tpu.memref_slice %arg4[%dma_start3A_1434, %dma_start3A_1435] : memref<8194x1024xf32, #tpu.memory_space<hbm>> -> memref<8194x1024xf32, #tpu.memory_space<hbm>>
    tpu.enqueue_indirect_dma source(%dma_start3A_1436 : memref<8194x1024xf32, #tpu.memory_space<hbm>>) target(%arg11 : memref<32x1024xf32, #tpu.memory_space<vmem>>) offsets(%dma_start3A_1433 : memref<32xi32, #tpu.memory_space<vmem>>) semaphore(%arg14 : memref<!tpu.dma_semaphore, #tpu.memory_space<semaphore_mem>>)
    %dma_wait3A_1437 = arith.constant 480 : i32
    %dma_wait3A_1438 = tpu.memref_slice %arg7[%dma_wait3A_1437] : memref<1024xi32, #tpu.memory_space<vmem>> -> memref<32xi32, #tpu.memory_space<vmem>>
    %dma_wait3A_1439 = arith.constant 0 : i32
    %dma_wait3A_1440 = arith.constant 0 : i32
    %dma_wait3A_1441 = tpu.memref_slice %arg4[%dma_wait3A_1439, %dma_wait3A_1440] : memref<8194x1024xf32, #tpu.memory_space<hbm>> -> memref<8194x1024xf32, #tpu.memory_space<hbm>>
    tpu.wait_indirect_dma semaphore(%arg12 : memref<!tpu.dma_semaphore, #tpu.memory_space<semaphore_mem>>) src(%dma_wait3A_1441 : memref<8194x1024xf32, #tpu.memory_space<hbm>>) dst(%arg9 : memref<32x1024xf32, #tpu.memory_space<vmem>>)
    %add3A_1442 = arith.constant 480 : i32
    %add3A_1443 = arith.addi %multiple_of3A, %add3A_1442 : i32
    %multiple_of3A_1444 = tpu.assume_multiple %add3A_1443, 32 : i32
    %dma_start3A_1445 = arith.constant 0 : i32
    %dma_start3A_1446 = tpu.memref_slice %arg5[%select_n3A, %multiple_of3A_1444, %dma_start3A_1445] : memref<4x8192x1024xf32, #tpu.memory_space<hbm>> -> memref<1x32x1024xf32, #tpu.memory_space<hbm>>
    %dma_start3A_1447 = tpu.memref_squeeze %dma_start3A_1446 : memref<1x32x1024xf32, #tpu.memory_space<hbm>> -> memref<32x1024xf32, #tpu.memory_space<hbm>>
    %dma_start3A_1448 = arith.constant 0 : i32
    %dma_start3A_1449 = tpu.memref_slice %arg5[%select_n3A, %multiple_of3A_1444, %dma_start3A_1448] : memref<4x8192x1024xf32, #tpu.memory_space<hbm>> -> memref<1x32x1024xf32, #tpu.memory_space<hbm>>
    %dma_start3A_1450 = tpu.memref_squeeze %dma_start3A_1449 : memref<1x32x1024xf32, #tpu.memory_space<hbm>> -> memref<32x1024xf32, #tpu.memory_space<hbm>>
    tpu.enqueue_dma source(%arg9 : memref<32x1024xf32, #tpu.memory_space<vmem>>) target(%dma_start3A_1450 : memref<32x1024xf32, #tpu.memory_space<hbm>>) target_semaphore(%arg15 : memref<!tpu.dma_semaphore, #tpu.memory_space<semaphore_mem>>)
    %add3A_1451 = arith.constant 576 : i32
    %add3A_1452 = arith.addi %multiple_of3A, %add3A_1451 : i32
    %multiple_of3A_1453 = tpu.assume_multiple %add3A_1452, 16 : i32
    %get3A_1454 = arith.index_cast %multiple_of3A_1453 : i32 to index
    %get3A_1455 = tpu.vector_load %arg6[%get3A_1454] {strides = array<i32>} : memref<8192xi32, #tpu.memory_space<vmem>>, vector<16xi32>,
    %sub3A_1456 = arith.constant 1 : i32
    %sub3A_1457 = vector.broadcast %sub3A_1456 : i32 to vector<16xi32>
    %sub3A_1458 = arith.subi %get3A_1455, %sub3A_1457 : vector<16xi32>
    %abs3A_1459 = math.absi %sub3A_1458 : vector<16xi32>
    %min3A_1460 = arith.constant 1 : i32
    %min3A_1461 = vector.broadcast %min3A_1460 : i32 to vector<16xi32>
    %min3A_1462 = arith.minsi %abs3A_1459, %min3A_1461 : vector<16xi32>
    %broadcast_in_dim3A_1463 = arith.constant true
    %broadcast_in_dim3A_1464 = vector.broadcast %broadcast_in_dim3A_1463 : i1 to vector<16xi1>
    %masked_cumsum3A_1465 = tpu.scan <sum>, %min3A_1462 masked %broadcast_in_dim3A_1464 : vector<16xi32>, vector<16xi1> -> vector<16xi32>
    %add3A_1466 = vector.broadcast %add3A_1425 : i32 to vector<16xi32>
    %add3A_1467 = arith.addi %masked_cumsum3A_1465, %add3A_1466 : vector<16xi32>
    %mul3A_1468 = arith.muli %add3A_1467, %min3A_1462 : vector<16xi32>
    %add3A_1469 = arith.addi %mul3A_1468, %get3A_33 : vector<16xi32>
    %multiple_of3A_1470 = arith.constant 576 : i32
    %multiple_of3A_1471 = tpu.assume_multiple %multiple_of3A_1470, 16 : i32
    %swap3A_1472 = arith.index_cast %multiple_of3A_1471 : i32 to index
    %swap3A_1473 = tpu.vector_load %arg7[%swap3A_1472] {strides = array<i32>} : memref<1024xi32, #tpu.memory_space<vmem>>, vector<16xi32>,
    tpu.vector_store %arg7[%swap3A_1472], %add3A_1469 {strides = array<i32>} : memref<1024xi32, #tpu.memory_space<vmem>>, vector<16xi32>,
    %reduce_sum3A_1474 = arith.constant true
    %reduce_sum3A_1475 = vector.broadcast %reduce_sum3A_1474 : i1 to vector<16xi1>
    %reduce_sum3A_1476 = tpu.scan <sum>, %min3A_1462 masked %reduce_sum3A_1475 : vector<16xi32>, vector<16xi1> -> vector<16xi32>
    %reduce_sum3A_1477 = vector.extract %reduce_sum3A_1476[15] : i32 from vector<16xi32>
    %add3A_1478 = arith.addi %add3A_1425, %reduce_sum3A_1477 : i32
    %add3A_1479 = arith.constant 592 : i32
    %add3A_1480 = arith.addi %multiple_of3A, %add3A_1479 : i32
    %multiple_of3A_1481 = tpu.assume_multiple %add3A_1480, 16 : i32
    %get3A_1482 = arith.index_cast %multiple_of3A_1481 : i32 to index
    %get3A_1483 = tpu.vector_load %arg6[%get3A_1482] {strides = array<i32>} : memref<8192xi32, #tpu.memory_space<vmem>>, vector<16xi32>,
    %sub3A_1484 = arith.constant 1 : i32
    %sub3A_1485 = vector.broadcast %sub3A_1484 : i32 to vector<16xi32>
    %sub3A_1486 = arith.subi %get3A_1483, %sub3A_1485 : vector<16xi32>
    %abs3A_1487 = math.absi %sub3A_1486 : vector<16xi32>
    %min3A_1488 = arith.constant 1 : i32
    %min3A_1489 = vector.broadcast %min3A_1488 : i32 to vector<16xi32>
    %min3A_1490 = arith.minsi %abs3A_1487, %min3A_1489 : vector<16xi32>
    %broadcast_in_dim3A_1491 = arith.constant true
    %broadcast_in_dim3A_1492 = vector.broadcast %broadcast_in_dim3A_1491 : i1 to vector<16xi1>
    %masked_cumsum3A_1493 = tpu.scan <sum>, %min3A_1490 masked %broadcast_in_dim3A_1492 : vector<16xi32>, vector<16xi1> -> vector<16xi32>
    %add3A_1494 = vector.broadcast %add3A_1478 : i32 to vector<16xi32>
    %add3A_1495 = arith.addi %masked_cumsum3A_1493, %add3A_1494 : vector<16xi32>
    %mul3A_1496 = arith.muli %add3A_1495, %min3A_1490 : vector<16xi32>
    %add3A_1497 = arith.addi %mul3A_1496, %get3A_33 : vector<16xi32>
    %multiple_of3A_1498 = arith.constant 592 : i32
    %multiple_of3A_1499 = tpu.assume_multiple %multiple_of3A_1498, 16 : i32
    %swap3A_1500 = arith.index_cast %multiple_of3A_1499 : i32 to index
    %swap3A_1501 = tpu.vector_load %arg7[%swap3A_1500] {strides = array<i32>} : memref<1024xi32, #tpu.memory_space<vmem>>, vector<16xi32>,
    tpu.vector_store %arg7[%swap3A_1500], %add3A_1497 {strides = array<i32>} : memref<1024xi32, #tpu.memory_space<vmem>>, vector<16xi32>,
    %reduce_sum3A_1502 = arith.constant true
    %reduce_sum3A_1503 = vector.broadcast %reduce_sum3A_1502 : i1 to vector<16xi1>
    %reduce_sum3A_1504 = tpu.scan <sum>, %min3A_1490 masked %reduce_sum3A_1503 : vector<16xi32>, vector<16xi1> -> vector<16xi32>
    %reduce_sum3A_1505 = vector.extract %reduce_sum3A_1504[15] : i32 from vector<16xi32>
    %add3A_1506 = arith.addi %add3A_1478, %reduce_sum3A_1505 : i32
    %dma_wait3A_1507 = arith.constant 0 : i32
    %dma_wait3A_1508 = tpu.memref_slice %arg5[%select_n3A, %multiple_of3A_1444, %dma_wait3A_1507] : memref<4x8192x1024xf32, #tpu.memory_space<hbm>> -> memref<1x32x1024xf32, #tpu.memory_space<hbm>>
    %dma_wait3A_1509 = tpu.memref_squeeze %dma_wait3A_1508 : memref<1x32x1024xf32, #tpu.memory_space<hbm>> -> memref<32x1024xf32, #tpu.memory_space<hbm>>
    %dma_wait3A_1510 = arith.constant 0 : i32
    %dma_wait3A_1511 = tpu.memref_slice %arg5[%select_n3A, %multiple_of3A_1444, %dma_wait3A_1510] : memref<4x8192x1024xf32, #tpu.memory_space<hbm>> -> memref<1x32x1024xf32, #tpu.memory_space<hbm>>
    %dma_wait3A_1512 = tpu.memref_squeeze %dma_wait3A_1511 : memref<1x32x1024xf32, #tpu.memory_space<hbm>> -> memref<32x1024xf32, #tpu.memory_space<hbm>>
    tpu.wait_dma2 semaphore(%arg15 : memref<!tpu.dma_semaphore, #tpu.memory_space<semaphore_mem>>) src(%arg9 : memref<32x1024xf32, #tpu.memory_space<vmem>>) dst(%dma_wait3A_1512 : memref<32x1024xf32, #tpu.memory_space<hbm>>)
    %dma_start3A_1513 = arith.constant 576 : i32
    %dma_start3A_1514 = tpu.memref_slice %arg7[%dma_start3A_1513] : memref<1024xi32, #tpu.memory_space<vmem>> -> memref<32xi32, #tpu.memory_space<vmem>>
    %dma_start3A_1515 = arith.constant 0 : i32
    %dma_start3A_1516 = arith.constant 0 : i32
    %dma_start3A_1517 = tpu.memref_slice %arg4[%dma_start3A_1515, %dma_start3A_1516] : memref<8194x1024xf32, #tpu.memory_space<hbm>> -> memref<8194x1024xf32, #tpu.memory_space<hbm>>
    tpu.enqueue_indirect_dma source(%dma_start3A_1517 : memref<8194x1024xf32, #tpu.memory_space<hbm>>) target(%arg9 : memref<32x1024xf32, #tpu.memory_space<vmem>>) offsets(%dma_start3A_1514 : memref<32xi32, #tpu.memory_space<vmem>>) semaphore(%arg12 : memref<!tpu.dma_semaphore, #tpu.memory_space<semaphore_mem>>)
    %dma_wait3A_1518 = arith.constant 512 : i32
    %dma_wait3A_1519 = tpu.memref_slice %arg7[%dma_wait3A_1518] : memref<1024xi32, #tpu.memory_space<vmem>> -> memref<32xi32, #tpu.memory_space<vmem>>
    %dma_wait3A_1520 = arith.constant 0 : i32
    %dma_wait3A_1521 = arith.constant 0 : i32
    %dma_wait3A_1522 = tpu.memref_slice %arg4[%dma_wait3A_1520, %dma_wait3A_1521] : memref<8194x1024xf32, #tpu.memory_space<hbm>> -> memref<8194x1024xf32, #tpu.memory_space<hbm>>
    tpu.wait_indirect_dma semaphore(%arg13 : memref<!tpu.dma_semaphore, #tpu.memory_space<semaphore_mem>>) src(%dma_wait3A_1522 : memref<8194x1024xf32, #tpu.memory_space<hbm>>) dst(%arg10 : memref<32x1024xf32, #tpu.memory_space<vmem>>)
    %add3A_1523 = arith.constant 512 : i32
    %add3A_1524 = arith.addi %multiple_of3A, %add3A_1523 : i32
    %multiple_of3A_1525 = tpu.assume_multiple %add3A_1524, 32 : i32
    %dma_start3A_1526 = arith.constant 0 : i32
    %dma_start3A_1527 = tpu.memref_slice %arg5[%select_n3A, %multiple_of3A_1525, %dma_start3A_1526] : memref<4x8192x1024xf32, #tpu.memory_space<hbm>> -> memref<1x32x1024xf32, #tpu.memory_space<hbm>>
    %dma_start3A_1528 = tpu.memref_squeeze %dma_start3A_1527 : memref<1x32x1024xf32, #tpu.memory_space<hbm>> -> memref<32x1024xf32, #tpu.memory_space<hbm>>
    %dma_start3A_1529 = arith.constant 0 : i32
    %dma_start3A_1530 = tpu.memref_slice %arg5[%select_n3A, %multiple_of3A_1525, %dma_start3A_1529] : memref<4x8192x1024xf32, #tpu.memory_space<hbm>> -> memref<1x32x1024xf32, #tpu.memory_space<hbm>>
    %dma_start3A_1531 = tpu.memref_squeeze %dma_start3A_1530 : memref<1x32x1024xf32, #tpu.memory_space<hbm>> -> memref<32x1024xf32, #tpu.memory_space<hbm>>
    tpu.enqueue_dma source(%arg10 : memref<32x1024xf32, #tpu.memory_space<vmem>>) target(%dma_start3A_1531 : memref<32x1024xf32, #tpu.memory_space<hbm>>) target_semaphore(%arg16 : memref<!tpu.dma_semaphore, #tpu.memory_space<semaphore_mem>>)
    %add3A_1532 = arith.constant 608 : i32
    %add3A_1533 = arith.addi %multiple_of3A, %add3A_1532 : i32
    %multiple_of3A_1534 = tpu.assume_multiple %add3A_1533, 16 : i32
    %get3A_1535 = arith.index_cast %multiple_of3A_1534 : i32 to index
    %get3A_1536 = tpu.vector_load %arg6[%get3A_1535] {strides = array<i32>} : memref<8192xi32, #tpu.memory_space<vmem>>, vector<16xi32>,
    %sub3A_1537 = arith.constant 1 : i32
    %sub3A_1538 = vector.broadcast %sub3A_1537 : i32 to vector<16xi32>
    %sub3A_1539 = arith.subi %get3A_1536, %sub3A_1538 : vector<16xi32>
    %abs3A_1540 = math.absi %sub3A_1539 : vector<16xi32>
    %min3A_1541 = arith.constant 1 : i32
    %min3A_1542 = vector.broadcast %min3A_1541 : i32 to vector<16xi32>
    %min3A_1543 = arith.minsi %abs3A_1540, %min3A_1542 : vector<16xi32>
    %broadcast_in_dim3A_1544 = arith.constant true
    %broadcast_in_dim3A_1545 = vector.broadcast %broadcast_in_dim3A_1544 : i1 to vector<16xi1>
    %masked_cumsum3A_1546 = tpu.scan <sum>, %min3A_1543 masked %broadcast_in_dim3A_1545 : vector<16xi32>, vector<16xi1> -> vector<16xi32>
    %add3A_1547 = vector.broadcast %add3A_1506 : i32 to vector<16xi32>
    %add3A_1548 = arith.addi %masked_cumsum3A_1546, %add3A_1547 : vector<16xi32>
    %mul3A_1549 = arith.muli %add3A_1548, %min3A_1543 : vector<16xi32>
    %add3A_1550 = arith.addi %mul3A_1549, %get3A_33 : vector<16xi32>
    %multiple_of3A_1551 = arith.constant 608 : i32
    %multiple_of3A_1552 = tpu.assume_multiple %multiple_of3A_1551, 16 : i32
    %swap3A_1553 = arith.index_cast %multiple_of3A_1552 : i32 to index
    %swap3A_1554 = tpu.vector_load %arg7[%swap3A_1553] {strides = array<i32>} : memref<1024xi32, #tpu.memory_space<vmem>>, vector<16xi32>,
    tpu.vector_store %arg7[%swap3A_1553], %add3A_1550 {strides = array<i32>} : memref<1024xi32, #tpu.memory_space<vmem>>, vector<16xi32>,
    %reduce_sum3A_1555 = arith.constant true
    %reduce_sum3A_1556 = vector.broadcast %reduce_sum3A_1555 : i1 to vector<16xi1>
    %reduce_sum3A_1557 = tpu.scan <sum>, %min3A_1543 masked %reduce_sum3A_1556 : vector<16xi32>, vector<16xi1> -> vector<16xi32>
    %reduce_sum3A_1558 = vector.extract %reduce_sum3A_1557[15] : i32 from vector<16xi32>
    %add3A_1559 = arith.addi %add3A_1506, %reduce_sum3A_1558 : i32
    %add3A_1560 = arith.constant 624 : i32
    %add3A_1561 = arith.addi %multiple_of3A, %add3A_1560 : i32
    %multiple_of3A_1562 = tpu.assume_multiple %add3A_1561, 16 : i32
    %get3A_1563 = arith.index_cast %multiple_of3A_1562 : i32 to index
    %get3A_1564 = tpu.vector_load %arg6[%get3A_1563] {strides = array<i32>} : memref<8192xi32, #tpu.memory_space<vmem>>, vector<16xi32>,
    %sub3A_1565 = arith.constant 1 : i32
    %sub3A_1566 = vector.broadcast %sub3A_1565 : i32 to vector<16xi32>
    %sub3A_1567 = arith.subi %get3A_1564, %sub3A_1566 : vector<16xi32>
    %abs3A_1568 = math.absi %sub3A_1567 : vector<16xi32>
    %min3A_1569 = arith.constant 1 : i32
    %min3A_1570 = vector.broadcast %min3A_1569 : i32 to vector<16xi32>
    %min3A_1571 = arith.minsi %abs3A_1568, %min3A_1570 : vector<16xi32>
    %broadcast_in_dim3A_1572 = arith.constant true
    %broadcast_in_dim3A_1573 = vector.broadcast %broadcast_in_dim3A_1572 : i1 to vector<16xi1>
    %masked_cumsum3A_1574 = tpu.scan <sum>, %min3A_1571 masked %broadcast_in_dim3A_1573 : vector<16xi32>, vector<16xi1> -> vector<16xi32>
    %add3A_1575 = vector.broadcast %add3A_1559 : i32 to vector<16xi32>
    %add3A_1576 = arith.addi %masked_cumsum3A_1574, %add3A_1575 : vector<16xi32>
    %mul3A_1577 = arith.muli %add3A_1576, %min3A_1571 : vector<16xi32>
    %add3A_1578 = arith.addi %mul3A_1577, %get3A_33 : vector<16xi32>
    %multiple_of3A_1579 = arith.constant 624 : i32
    %multiple_of3A_1580 = tpu.assume_multiple %multiple_of3A_1579, 16 : i32
    %swap3A_1581 = arith.index_cast %multiple_of3A_1580 : i32 to index
    %swap3A_1582 = tpu.vector_load %arg7[%swap3A_1581] {strides = array<i32>} : memref<1024xi32, #tpu.memory_space<vmem>>, vector<16xi32>,
    tpu.vector_store %arg7[%swap3A_1581], %add3A_1578 {strides = array<i32>} : memref<1024xi32, #tpu.memory_space<vmem>>, vector<16xi32>,
    %reduce_sum3A_1583 = arith.constant true
    %reduce_sum3A_1584 = vector.broadcast %reduce_sum3A_1583 : i1 to vector<16xi1>
    %reduce_sum3A_1585 = tpu.scan <sum>, %min3A_1571 masked %reduce_sum3A_1584 : vector<16xi32>, vector<16xi1> -> vector<16xi32>
    %reduce_sum3A_1586 = vector.extract %reduce_sum3A_1585[15] : i32 from vector<16xi32>
    %add3A_1587 = arith.addi %add3A_1559, %reduce_sum3A_1586 : i32
    %dma_wait3A_1588 = arith.constant 0 : i32
    %dma_wait3A_1589 = tpu.memref_slice %arg5[%select_n3A, %multiple_of3A_1525, %dma_wait3A_1588] : memref<4x8192x1024xf32, #tpu.memory_space<hbm>> -> memref<1x32x1024xf32, #tpu.memory_space<hbm>>
    %dma_wait3A_1590 = tpu.memref_squeeze %dma_wait3A_1589 : memref<1x32x1024xf32, #tpu.memory_space<hbm>> -> memref<32x1024xf32, #tpu.memory_space<hbm>>
    %dma_wait3A_1591 = arith.constant 0 : i32
    %dma_wait3A_1592 = tpu.memref_slice %arg5[%select_n3A, %multiple_of3A_1525, %dma_wait3A_1591] : memref<4x8192x1024xf32, #tpu.memory_space<hbm>> -> memref<1x32x1024xf32, #tpu.memory_space<hbm>>
    %dma_wait3A_1593 = tpu.memref_squeeze %dma_wait3A_1592 : memref<1x32x1024xf32, #tpu.memory_space<hbm>> -> memref<32x1024xf32, #tpu.memory_space<hbm>>
    tpu.wait_dma2 semaphore(%arg16 : memref<!tpu.dma_semaphore, #tpu.memory_space<semaphore_mem>>) src(%arg10 : memref<32x1024xf32, #tpu.memory_space<vmem>>) dst(%dma_wait3A_1593 : memref<32x1024xf32, #tpu.memory_space<hbm>>)
    %dma_start3A_1594 = arith.constant 608 : i32
    %dma_start3A_1595 = tpu.memref_slice %arg7[%dma_start3A_1594] : memref<1024xi32, #tpu.memory_space<vmem>> -> memref<32xi32, #tpu.memory_space<vmem>>
    %dma_start3A_1596 = arith.constant 0 : i32
    %dma_start3A_1597 = arith.constant 0 : i32
    %dma_start3A_1598 = tpu.memref_slice %arg4[%dma_start3A_1596, %dma_start3A_1597] : memref<8194x1024xf32, #tpu.memory_space<hbm>> -> memref<8194x1024xf32, #tpu.memory_space<hbm>>
    tpu.enqueue_indirect_dma source(%dma_start3A_1598 : memref<8194x1024xf32, #tpu.memory_space<hbm>>) target(%arg10 : memref<32x1024xf32, #tpu.memory_space<vmem>>) offsets(%dma_start3A_1595 : memref<32xi32, #tpu.memory_space<vmem>>) semaphore(%arg13 : memref<!tpu.dma_semaphore, #tpu.memory_space<semaphore_mem>>)
    %dma_wait3A_1599 = arith.constant 544 : i32
    %dma_wait3A_1600 = tpu.memref_slice %arg7[%dma_wait3A_1599] : memref<1024xi32, #tpu.memory_space<vmem>> -> memref<32xi32, #tpu.memory_space<vmem>>
    %dma_wait3A_1601 = arith.constant 0 : i32
    %dma_wait3A_1602 = arith.constant 0 : i32
    %dma_wait3A_1603 = tpu.memref_slice %arg4[%dma_wait3A_1601, %dma_wait3A_1602] : memref<8194x1024xf32, #tpu.memory_space<hbm>> -> memref<8194x1024xf32, #tpu.memory_space<hbm>>
    tpu.wait_indirect_dma semaphore(%arg14 : memref<!tpu.dma_semaphore, #tpu.memory_space<semaphore_mem>>) src(%dma_wait3A_1603 : memref<8194x1024xf32, #tpu.memory_space<hbm>>) dst(%arg11 : memref<32x1024xf32, #tpu.memory_space<vmem>>)
    %add3A_1604 = arith.constant 544 : i32
    %add3A_1605 = arith.addi %multiple_of3A, %add3A_1604 : i32
    %multiple_of3A_1606 = tpu.assume_multiple %add3A_1605, 32 : i32
    %dma_start3A_1607 = arith.constant 0 : i32
    %dma_start3A_1608 = tpu.memref_slice %arg5[%select_n3A, %multiple_of3A_1606, %dma_start3A_1607] : memref<4x8192x1024xf32, #tpu.memory_space<hbm>> -> memref<1x32x1024xf32, #tpu.memory_space<hbm>>
    %dma_start3A_1609 = tpu.memref_squeeze %dma_start3A_1608 : memref<1x32x1024xf32, #tpu.memory_space<hbm>> -> memref<32x1024xf32, #tpu.memory_space<hbm>>
    %dma_start3A_1610 = arith.constant 0 : i32
    %dma_start3A_1611 = tpu.memref_slice %arg5[%select_n3A, %multiple_of3A_1606, %dma_start3A_1610] : memref<4x8192x1024xf32, #tpu.memory_space<hbm>> -> memref<1x32x1024xf32, #tpu.memory_space<hbm>>
    %dma_start3A_1612 = tpu.memref_squeeze %dma_start3A_1611 : memref<1x32x1024xf32, #tpu.memory_space<hbm>> -> memref<32x1024xf32, #tpu.memory_space<hbm>>
    tpu.enqueue_dma source(%arg11 : memref<32x1024xf32, #tpu.memory_space<vmem>>) target(%dma_start3A_1612 : memref<32x1024xf32, #tpu.memory_space<hbm>>) target_semaphore(%arg17 : memref<!tpu.dma_semaphore, #tpu.memory_space<semaphore_mem>>)
    %add3A_1613 = arith.constant 640 : i32
    %add3A_1614 = arith.addi %multiple_of3A, %add3A_1613 : i32
    %multiple_of3A_1615 = tpu.assume_multiple %add3A_1614, 16 : i32
    %get3A_1616 = arith.index_cast %multiple_of3A_1615 : i32 to index
    %get3A_1617 = tpu.vector_load %arg6[%get3A_1616] {strides = array<i32>} : memref<8192xi32, #tpu.memory_space<vmem>>, vector<16xi32>,
    %sub3A_1618 = arith.constant 1 : i32
    %sub3A_1619 = vector.broadcast %sub3A_1618 : i32 to vector<16xi32>
    %sub3A_1620 = arith.subi %get3A_1617, %sub3A_1619 : vector<16xi32>
    %abs3A_1621 = math.absi %sub3A_1620 : vector<16xi32>
    %min3A_1622 = arith.constant 1 : i32
    %min3A_1623 = vector.broadcast %min3A_1622 : i32 to vector<16xi32>
    %min3A_1624 = arith.minsi %abs3A_1621, %min3A_1623 : vector<16xi32>
    %broadcast_in_dim3A_1625 = arith.constant true
    %broadcast_in_dim3A_1626 = vector.broadcast %broadcast_in_dim3A_1625 : i1 to vector<16xi1>
    %masked_cumsum3A_1627 = tpu.scan <sum>, %min3A_1624 masked %broadcast_in_dim3A_1626 : vector<16xi32>, vector<16xi1> -> vector<16xi32>
    %add3A_1628 = vector.broadcast %add3A_1587 : i32 to vector<16xi32>
    %add3A_1629 = arith.addi %masked_cumsum3A_1627, %add3A_1628 : vector<16xi32>
    %mul3A_1630 = arith.muli %add3A_1629, %min3A_1624 : vector<16xi32>
    %add3A_1631 = arith.addi %mul3A_1630, %get3A_33 : vector<16xi32>
    %multiple_of3A_1632 = arith.constant 640 : i32
    %multiple_of3A_1633 = tpu.assume_multiple %multiple_of3A_1632, 16 : i32
    %swap3A_1634 = arith.index_cast %multiple_of3A_1633 : i32 to index
    %swap3A_1635 = tpu.vector_load %arg7[%swap3A_1634] {strides = array<i32>} : memref<1024xi32, #tpu.memory_space<vmem>>, vector<16xi32>,
    tpu.vector_store %arg7[%swap3A_1634], %add3A_1631 {strides = array<i32>} : memref<1024xi32, #tpu.memory_space<vmem>>, vector<16xi32>,
    %reduce_sum3A_1636 = arith.constant true
    %reduce_sum3A_1637 = vector.broadcast %reduce_sum3A_1636 : i1 to vector<16xi1>
    %reduce_sum3A_1638 = tpu.scan <sum>, %min3A_1624 masked %reduce_sum3A_1637 : vector<16xi32>, vector<16xi1> -> vector<16xi32>
    %reduce_sum3A_1639 = vector.extract %reduce_sum3A_1638[15] : i32 from vector<16xi32>
    %add3A_1640 = arith.addi %add3A_1587, %reduce_sum3A_1639 : i32
    %add3A_1641 = arith.constant 656 : i32
    %add3A_1642 = arith.addi %multiple_of3A, %add3A_1641 : i32
    %multiple_of3A_1643 = tpu.assume_multiple %add3A_1642, 16 : i32
    %get3A_1644 = arith.index_cast %multiple_of3A_1643 : i32 to index
    %get3A_1645 = tpu.vector_load %arg6[%get3A_1644] {strides = array<i32>} : memref<8192xi32, #tpu.memory_space<vmem>>, vector<16xi32>,
    %sub3A_1646 = arith.constant 1 : i32
    %sub3A_1647 = vector.broadcast %sub3A_1646 : i32 to vector<16xi32>
    %sub3A_1648 = arith.subi %get3A_1645, %sub3A_1647 : vector<16xi32>
    %abs3A_1649 = math.absi %sub3A_1648 : vector<16xi32>
    %min3A_1650 = arith.constant 1 : i32
    %min3A_1651 = vector.broadcast %min3A_1650 : i32 to vector<16xi32>
    %min3A_1652 = arith.minsi %abs3A_1649, %min3A_1651 : vector<16xi32>
    %broadcast_in_dim3A_1653 = arith.constant true
    %broadcast_in_dim3A_1654 = vector.broadcast %broadcast_in_dim3A_1653 : i1 to vector<16xi1>
    %masked_cumsum3A_1655 = tpu.scan <sum>, %min3A_1652 masked %broadcast_in_dim3A_1654 : vector<16xi32>, vector<16xi1> -> vector<16xi32>
    %add3A_1656 = vector.broadcast %add3A_1640 : i32 to vector<16xi32>
    %add3A_1657 = arith.addi %masked_cumsum3A_1655, %add3A_1656 : vector<16xi32>
    %mul3A_1658 = arith.muli %add3A_1657, %min3A_1652 : vector<16xi32>
    %add3A_1659 = arith.addi %mul3A_1658, %get3A_33 : vector<16xi32>
    %multiple_of3A_1660 = arith.constant 656 : i32
    %multiple_of3A_1661 = tpu.assume_multiple %multiple_of3A_1660, 16 : i32
    %swap3A_1662 = arith.index_cast %multiple_of3A_1661 : i32 to index
    %swap3A_1663 = tpu.vector_load %arg7[%swap3A_1662] {strides = array<i32>} : memref<1024xi32, #tpu.memory_space<vmem>>, vector<16xi32>,
    tpu.vector_store %arg7[%swap3A_1662], %add3A_1659 {strides = array<i32>} : memref<1024xi32, #tpu.memory_space<vmem>>, vector<16xi32>,
    %reduce_sum3A_1664 = arith.constant true
    %reduce_sum3A_1665 = vector.broadcast %reduce_sum3A_1664 : i1 to vector<16xi1>
    %reduce_sum3A_1666 = tpu.scan <sum>, %min3A_1652 masked %reduce_sum3A_1665 : vector<16xi32>, vector<16xi1> -> vector<16xi32>
    %reduce_sum3A_1667 = vector.extract %reduce_sum3A_1666[15] : i32 from vector<16xi32>
    %add3A_1668 = arith.addi %add3A_1640, %reduce_sum3A_1667 : i32
    %dma_wait3A_1669 = arith.constant 0 : i32
    %dma_wait3A_1670 = tpu.memref_slice %arg5[%select_n3A, %multiple_of3A_1606, %dma_wait3A_1669] : memref<4x8192x1024xf32, #tpu.memory_space<hbm>> -> memref<1x32x1024xf32, #tpu.memory_space<hbm>>
    %dma_wait3A_1671 = tpu.memref_squeeze %dma_wait3A_1670 : memref<1x32x1024xf32, #tpu.memory_space<hbm>> -> memref<32x1024xf32, #tpu.memory_space<hbm>>
    %dma_wait3A_1672 = arith.constant 0 : i32
    %dma_wait3A_1673 = tpu.memref_slice %arg5[%select_n3A, %multiple_of3A_1606, %dma_wait3A_1672] : memref<4x8192x1024xf32, #tpu.memory_space<hbm>> -> memref<1x32x1024xf32, #tpu.memory_space<hbm>>
    %dma_wait3A_1674 = tpu.memref_squeeze %dma_wait3A_1673 : memref<1x32x1024xf32, #tpu.memory_space<hbm>> -> memref<32x1024xf32, #tpu.memory_space<hbm>>
    tpu.wait_dma2 semaphore(%arg17 : memref<!tpu.dma_semaphore, #tpu.memory_space<semaphore_mem>>) src(%arg11 : memref<32x1024xf32, #tpu.memory_space<vmem>>) dst(%dma_wait3A_1674 : memref<32x1024xf32, #tpu.memory_space<hbm>>)
    %dma_start3A_1675 = arith.constant 640 : i32
    %dma_start3A_1676 = tpu.memref_slice %arg7[%dma_start3A_1675] : memref<1024xi32, #tpu.memory_space<vmem>> -> memref<32xi32, #tpu.memory_space<vmem>>
    %dma_start3A_1677 = arith.constant 0 : i32
    %dma_start3A_1678 = arith.constant 0 : i32
    %dma_start3A_1679 = tpu.memref_slice %arg4[%dma_start3A_1677, %dma_start3A_1678] : memref<8194x1024xf32, #tpu.memory_space<hbm>> -> memref<8194x1024xf32, #tpu.memory_space<hbm>>
    tpu.enqueue_indirect_dma source(%dma_start3A_1679 : memref<8194x1024xf32, #tpu.memory_space<hbm>>) target(%arg11 : memref<32x1024xf32, #tpu.memory_space<vmem>>) offsets(%dma_start3A_1676 : memref<32xi32, #tpu.memory_space<vmem>>) semaphore(%arg14 : memref<!tpu.dma_semaphore, #tpu.memory_space<semaphore_mem>>)
    %dma_wait3A_1680 = arith.constant 576 : i32
    %dma_wait3A_1681 = tpu.memref_slice %arg7[%dma_wait3A_1680] : memref<1024xi32, #tpu.memory_space<vmem>> -> memref<32xi32, #tpu.memory_space<vmem>>
    %dma_wait3A_1682 = arith.constant 0 : i32
    %dma_wait3A_1683 = arith.constant 0 : i32
    %dma_wait3A_1684 = tpu.memref_slice %arg4[%dma_wait3A_1682, %dma_wait3A_1683] : memref<8194x1024xf32, #tpu.memory_space<hbm>> -> memref<8194x1024xf32, #tpu.memory_space<hbm>>
    tpu.wait_indirect_dma semaphore(%arg12 : memref<!tpu.dma_semaphore, #tpu.memory_space<semaphore_mem>>) src(%dma_wait3A_1684 : memref<8194x1024xf32, #tpu.memory_space<hbm>>) dst(%arg9 : memref<32x1024xf32, #tpu.memory_space<vmem>>)
    %add3A_1685 = arith.constant 576 : i32
    %add3A_1686 = arith.addi %multiple_of3A, %add3A_1685 : i32
    %multiple_of3A_1687 = tpu.assume_multiple %add3A_1686, 32 : i32
    %dma_start3A_1688 = arith.constant 0 : i32
    %dma_start3A_1689 = tpu.memref_slice %arg5[%select_n3A, %multiple_of3A_1687, %dma_start3A_1688] : memref<4x8192x1024xf32, #tpu.memory_space<hbm>> -> memref<1x32x1024xf32, #tpu.memory_space<hbm>>
    %dma_start3A_1690 = tpu.memref_squeeze %dma_start3A_1689 : memref<1x32x1024xf32, #tpu.memory_space<hbm>> -> memref<32x1024xf32, #tpu.memory_space<hbm>>
    %dma_start3A_1691 = arith.constant 0 : i32
    %dma_start3A_1692 = tpu.memref_slice %arg5[%select_n3A, %multiple_of3A_1687, %dma_start3A_1691] : memref<4x8192x1024xf32, #tpu.memory_space<hbm>> -> memref<1x32x1024xf32, #tpu.memory_space<hbm>>
    %dma_start3A_1693 = tpu.memref_squeeze %dma_start3A_1692 : memref<1x32x1024xf32, #tpu.memory_space<hbm>> -> memref<32x1024xf32, #tpu.memory_space<hbm>>
    tpu.enqueue_dma source(%arg9 : memref<32x1024xf32, #tpu.memory_space<vmem>>) target(%dma_start3A_1693 : memref<32x1024xf32, #tpu.memory_space<hbm>>) target_semaphore(%arg15 : memref<!tpu.dma_semaphore, #tpu.memory_space<semaphore_mem>>)
    %add3A_1694 = arith.constant 672 : i32
    %add3A_1695 = arith.addi %multiple_of3A, %add3A_1694 : i32
    %multiple_of3A_1696 = tpu.assume_multiple %add3A_1695, 16 : i32
    %get3A_1697 = arith.index_cast %multiple_of3A_1696 : i32 to index
    %get3A_1698 = tpu.vector_load %arg6[%get3A_1697] {strides = array<i32>} : memref<8192xi32, #tpu.memory_space<vmem>>, vector<16xi32>,
    %sub3A_1699 = arith.constant 1 : i32
    %sub3A_1700 = vector.broadcast %sub3A_1699 : i32 to vector<16xi32>
    %sub3A_1701 = arith.subi %get3A_1698, %sub3A_1700 : vector<16xi32>
    %abs3A_1702 = math.absi %sub3A_1701 : vector<16xi32>
    %min3A_1703 = arith.constant 1 : i32
    %min3A_1704 = vector.broadcast %min3A_1703 : i32 to vector<16xi32>
    %min3A_1705 = arith.minsi %abs3A_1702, %min3A_1704 : vector<16xi32>
    %broadcast_in_dim3A_1706 = arith.constant true
    %broadcast_in_dim3A_1707 = vector.broadcast %broadcast_in_dim3A_1706 : i1 to vector<16xi1>
    %masked_cumsum3A_1708 = tpu.scan <sum>, %min3A_1705 masked %broadcast_in_dim3A_1707 : vector<16xi32>, vector<16xi1> -> vector<16xi32>
    %add3A_1709 = vector.broadcast %add3A_1668 : i32 to vector<16xi32>
    %add3A_1710 = arith.addi %masked_cumsum3A_1708, %add3A_1709 : vector<16xi32>
    %mul3A_1711 = arith.muli %add3A_1710, %min3A_1705 : vector<16xi32>
    %add3A_1712 = arith.addi %mul3A_1711, %get3A_33 : vector<16xi32>
    %multiple_of3A_1713 = arith.constant 672 : i32
    %multiple_of3A_1714 = tpu.assume_multiple %multiple_of3A_1713, 16 : i32
    %swap3A_1715 = arith.index_cast %multiple_of3A_1714 : i32 to index
    %swap3A_1716 = tpu.vector_load %arg7[%swap3A_1715] {strides = array<i32>} : memref<1024xi32, #tpu.memory_space<vmem>>, vector<16xi32>,
    tpu.vector_store %arg7[%swap3A_1715], %add3A_1712 {strides = array<i32>} : memref<1024xi32, #tpu.memory_space<vmem>>, vector<16xi32>,
    %reduce_sum3A_1717 = arith.constant true
    %reduce_sum3A_1718 = vector.broadcast %reduce_sum3A_1717 : i1 to vector<16xi1>
    %reduce_sum3A_1719 = tpu.scan <sum>, %min3A_1705 masked %reduce_sum3A_1718 : vector<16xi32>, vector<16xi1> -> vector<16xi32>
    %reduce_sum3A_1720 = vector.extract %reduce_sum3A_1719[15] : i32 from vector<16xi32>
    %add3A_1721 = arith.addi %add3A_1668, %reduce_sum3A_1720 : i32
    %add3A_1722 = arith.constant 688 : i32
    %add3A_1723 = arith.addi %multiple_of3A, %add3A_1722 : i32
    %multiple_of3A_1724 = tpu.assume_multiple %add3A_1723, 16 : i32
    %get3A_1725 = arith.index_cast %multiple_of3A_1724 : i32 to index
    %get3A_1726 = tpu.vector_load %arg6[%get3A_1725] {strides = array<i32>} : memref<8192xi32, #tpu.memory_space<vmem>>, vector<16xi32>,
    %sub3A_1727 = arith.constant 1 : i32
    %sub3A_1728 = vector.broadcast %sub3A_1727 : i32 to vector<16xi32>
    %sub3A_1729 = arith.subi %get3A_1726, %sub3A_1728 : vector<16xi32>
    %abs3A_1730 = math.absi %sub3A_1729 : vector<16xi32>
    %min3A_1731 = arith.constant 1 : i32
    %min3A_1732 = vector.broadcast %min3A_1731 : i32 to vector<16xi32>
    %min3A_1733 = arith.minsi %abs3A_1730, %min3A_1732 : vector<16xi32>
    %broadcast_in_dim3A_1734 = arith.constant true
    %broadcast_in_dim3A_1735 = vector.broadcast %broadcast_in_dim3A_1734 : i1 to vector<16xi1>
    %masked_cumsum3A_1736 = tpu.scan <sum>, %min3A_1733 masked %broadcast_in_dim3A_1735 : vector<16xi32>, vector<16xi1> -> vector<16xi32>
    %add3A_1737 = vector.broadcast %add3A_1721 : i32 to vector<16xi32>
    %add3A_1738 = arith.addi %masked_cumsum3A_1736, %add3A_1737 : vector<16xi32>
    %mul3A_1739 = arith.muli %add3A_1738, %min3A_1733 : vector<16xi32>
    %add3A_1740 = arith.addi %mul3A_1739, %get3A_33 : vector<16xi32>
    %multiple_of3A_1741 = arith.constant 688 : i32
    %multiple_of3A_1742 = tpu.assume_multiple %multiple_of3A_1741, 16 : i32
    %swap3A_1743 = arith.index_cast %multiple_of3A_1742 : i32 to index
    %swap3A_1744 = tpu.vector_load %arg7[%swap3A_1743] {strides = array<i32>} : memref<1024xi32, #tpu.memory_space<vmem>>, vector<16xi32>,
    tpu.vector_store %arg7[%swap3A_1743], %add3A_1740 {strides = array<i32>} : memref<1024xi32, #tpu.memory_space<vmem>>, vector<16xi32>,
    %reduce_sum3A_1745 = arith.constant true
    %reduce_sum3A_1746 = vector.broadcast %reduce_sum3A_1745 : i1 to vector<16xi1>
    %reduce_sum3A_1747 = tpu.scan <sum>, %min3A_1733 masked %reduce_sum3A_1746 : vector<16xi32>, vector<16xi1> -> vector<16xi32>
    %reduce_sum3A_1748 = vector.extract %reduce_sum3A_1747[15] : i32 from vector<16xi32>
    %add3A_1749 = arith.addi %add3A_1721, %reduce_sum3A_1748 : i32
    %dma_wait3A_1750 = arith.constant 0 : i32
    %dma_wait3A_1751 = tpu.memref_slice %arg5[%select_n3A, %multiple_of3A_1687, %dma_wait3A_1750] : memref<4x8192x1024xf32, #tpu.memory_space<hbm>> -> memref<1x32x1024xf32, #tpu.memory_space<hbm>>
    %dma_wait3A_1752 = tpu.memref_squeeze %dma_wait3A_1751 : memref<1x32x1024xf32, #tpu.memory_space<hbm>> -> memref<32x1024xf32, #tpu.memory_space<hbm>>
    %dma_wait3A_1753 = arith.constant 0 : i32
    %dma_wait3A_1754 = tpu.memref_slice %arg5[%select_n3A, %multiple_of3A_1687, %dma_wait3A_1753] : memref<4x8192x1024xf32, #tpu.memory_space<hbm>> -> memref<1x32x1024xf32, #tpu.memory_space<hbm>>
    %dma_wait3A_1755 = tpu.memref_squeeze %dma_wait3A_1754 : memref<1x32x1024xf32, #tpu.memory_space<hbm>> -> memref<32x1024xf32, #tpu.memory_space<hbm>>
    tpu.wait_dma2 semaphore(%arg15 : memref<!tpu.dma_semaphore, #tpu.memory_space<semaphore_mem>>) src(%arg9 : memref<32x1024xf32, #tpu.memory_space<vmem>>) dst(%dma_wait3A_1755 : memref<32x1024xf32, #tpu.memory_space<hbm>>)
    %dma_start3A_1756 = arith.constant 672 : i32
    %dma_start3A_1757 = tpu.memref_slice %arg7[%dma_start3A_1756] : memref<1024xi32, #tpu.memory_space<vmem>> -> memref<32xi32, #tpu.memory_space<vmem>>
    %dma_start3A_1758 = arith.constant 0 : i32
    %dma_start3A_1759 = arith.constant 0 : i32
    %dma_start3A_1760 = tpu.memref_slice %arg4[%dma_start3A_1758, %dma_start3A_1759] : memref<8194x1024xf32, #tpu.memory_space<hbm>> -> memref<8194x1024xf32, #tpu.memory_space<hbm>>
    tpu.enqueue_indirect_dma source(%dma_start3A_1760 : memref<8194x1024xf32, #tpu.memory_space<hbm>>) target(%arg9 : memref<32x1024xf32, #tpu.memory_space<vmem>>) offsets(%dma_start3A_1757 : memref<32xi32, #tpu.memory_space<vmem>>) semaphore(%arg12 : memref<!tpu.dma_semaphore, #tpu.memory_space<semaphore_mem>>)
    %dma_wait3A_1761 = arith.constant 608 : i32
    %dma_wait3A_1762 = tpu.memref_slice %arg7[%dma_wait3A_1761] : memref<1024xi32, #tpu.memory_space<vmem>> -> memref<32xi32, #tpu.memory_space<vmem>>
    %dma_wait3A_1763 = arith.constant 0 : i32
    %dma_wait3A_1764 = arith.constant 0 : i32
    %dma_wait3A_1765 = tpu.memref_slice %arg4[%dma_wait3A_1763, %dma_wait3A_1764] : memref<8194x1024xf32, #tpu.memory_space<hbm>> -> memref<8194x1024xf32, #tpu.memory_space<hbm>>
    tpu.wait_indirect_dma semaphore(%arg13 : memref<!tpu.dma_semaphore, #tpu.memory_space<semaphore_mem>>) src(%dma_wait3A_1765 : memref<8194x1024xf32, #tpu.memory_space<hbm>>) dst(%arg10 : memref<32x1024xf32, #tpu.memory_space<vmem>>)
    %add3A_1766 = arith.constant 608 : i32
    %add3A_1767 = arith.addi %multiple_of3A, %add3A_1766 : i32
    %multiple_of3A_1768 = tpu.assume_multiple %add3A_1767, 32 : i32
    %dma_start3A_1769 = arith.constant 0 : i32
    %dma_start3A_1770 = tpu.memref_slice %arg5[%select_n3A, %multiple_of3A_1768, %dma_start3A_1769] : memref<4x8192x1024xf32, #tpu.memory_space<hbm>> -> memref<1x32x1024xf32, #tpu.memory_space<hbm>>
    %dma_start3A_1771 = tpu.memref_squeeze %dma_start3A_1770 : memref<1x32x1024xf32, #tpu.memory_space<hbm>> -> memref<32x1024xf32, #tpu.memory_space<hbm>>
    %dma_start3A_1772 = arith.constant 0 : i32
    %dma_start3A_1773 = tpu.memref_slice %arg5[%select_n3A, %multiple_of3A_1768, %dma_start3A_1772] : memref<4x8192x1024xf32, #tpu.memory_space<hbm>> -> memref<1x32x1024xf32, #tpu.memory_space<hbm>>
    %dma_start3A_1774 = tpu.memref_squeeze %dma_start3A_1773 : memref<1x32x1024xf32, #tpu.memory_space<hbm>> -> memref<32x1024xf32, #tpu.memory_space<hbm>>
    tpu.enqueue_dma source(%arg10 : memref<32x1024xf32, #tpu.memory_space<vmem>>) target(%dma_start3A_1774 : memref<32x1024xf32, #tpu.memory_space<hbm>>) target_semaphore(%arg16 : memref<!tpu.dma_semaphore, #tpu.memory_space<semaphore_mem>>)
    %add3A_1775 = arith.constant 704 : i32
    %add3A_1776 = arith.addi %multiple_of3A, %add3A_1775 : i32
    %multiple_of3A_1777 = tpu.assume_multiple %add3A_1776, 16 : i32
    %get3A_1778 = arith.index_cast %multiple_of3A_1777 : i32 to index
    %get3A_1779 = tpu.vector_load %arg6[%get3A_1778] {strides = array<i32>} : memref<8192xi32, #tpu.memory_space<vmem>>, vector<16xi32>,
    %sub3A_1780 = arith.constant 1 : i32
    %sub3A_1781 = vector.broadcast %sub3A_1780 : i32 to vector<16xi32>
    %sub3A_1782 = arith.subi %get3A_1779, %sub3A_1781 : vector<16xi32>
    %abs3A_1783 = math.absi %sub3A_1782 : vector<16xi32>
    %min3A_1784 = arith.constant 1 : i32
    %min3A_1785 = vector.broadcast %min3A_1784 : i32 to vector<16xi32>
    %min3A_1786 = arith.minsi %abs3A_1783, %min3A_1785 : vector<16xi32>
    %broadcast_in_dim3A_1787 = arith.constant true
    %broadcast_in_dim3A_1788 = vector.broadcast %broadcast_in_dim3A_1787 : i1 to vector<16xi1>
    %masked_cumsum3A_1789 = tpu.scan <sum>, %min3A_1786 masked %broadcast_in_dim3A_1788 : vector<16xi32>, vector<16xi1> -> vector<16xi32>
    %add3A_1790 = vector.broadcast %add3A_1749 : i32 to vector<16xi32>
    %add3A_1791 = arith.addi %masked_cumsum3A_1789, %add3A_1790 : vector<16xi32>
    %mul3A_1792 = arith.muli %add3A_1791, %min3A_1786 : vector<16xi32>
    %add3A_1793 = arith.addi %mul3A_1792, %get3A_33 : vector<16xi32>
    %multiple_of3A_1794 = arith.constant 704 : i32
    %multiple_of3A_1795 = tpu.assume_multiple %multiple_of3A_1794, 16 : i32
    %swap3A_1796 = arith.index_cast %multiple_of3A_1795 : i32 to index
    %swap3A_1797 = tpu.vector_load %arg7[%swap3A_1796] {strides = array<i32>} : memref<1024xi32, #tpu.memory_space<vmem>>, vector<16xi32>,
    tpu.vector_store %arg7[%swap3A_1796], %add3A_1793 {strides = array<i32>} : memref<1024xi32, #tpu.memory_space<vmem>>, vector<16xi32>,
    %reduce_sum3A_1798 = arith.constant true
    %reduce_sum3A_1799 = vector.broadcast %reduce_sum3A_1798 : i1 to vector<16xi1>
    %reduce_sum3A_1800 = tpu.scan <sum>, %min3A_1786 masked %reduce_sum3A_1799 : vector<16xi32>, vector<16xi1> -> vector<16xi32>
    %reduce_sum3A_1801 = vector.extract %reduce_sum3A_1800[15] : i32 from vector<16xi32>
    %add3A_1802 = arith.addi %add3A_1749, %reduce_sum3A_1801 : i32
    %add3A_1803 = arith.constant 720 : i32
    %add3A_1804 = arith.addi %multiple_of3A, %add3A_1803 : i32
    %multiple_of3A_1805 = tpu.assume_multiple %add3A_1804, 16 : i32
    %get3A_1806 = arith.index_cast %multiple_of3A_1805 : i32 to index
    %get3A_1807 = tpu.vector_load %arg6[%get3A_1806] {strides = array<i32>} : memref<8192xi32, #tpu.memory_space<vmem>>, vector<16xi32>,
    %sub3A_1808 = arith.constant 1 : i32
    %sub3A_1809 = vector.broadcast %sub3A_1808 : i32 to vector<16xi32>
    %sub3A_1810 = arith.subi %get3A_1807, %sub3A_1809 : vector<16xi32>
    %abs3A_1811 = math.absi %sub3A_1810 : vector<16xi32>
    %min3A_1812 = arith.constant 1 : i32
    %min3A_1813 = vector.broadcast %min3A_1812 : i32 to vector<16xi32>
    %min3A_1814 = arith.minsi %abs3A_1811, %min3A_1813 : vector<16xi32>
    %broadcast_in_dim3A_1815 = arith.constant true
    %broadcast_in_dim3A_1816 = vector.broadcast %broadcast_in_dim3A_1815 : i1 to vector<16xi1>
    %masked_cumsum3A_1817 = tpu.scan <sum>, %min3A_1814 masked %broadcast_in_dim3A_1816 : vector<16xi32>, vector<16xi1> -> vector<16xi32>
    %add3A_1818 = vector.broadcast %add3A_1802 : i32 to vector<16xi32>
    %add3A_1819 = arith.addi %masked_cumsum3A_1817, %add3A_1818 : vector<16xi32>
    %mul3A_1820 = arith.muli %add3A_1819, %min3A_1814 : vector<16xi32>
    %add3A_1821 = arith.addi %mul3A_1820, %get3A_33 : vector<16xi32>
    %multiple_of3A_1822 = arith.constant 720 : i32
    %multiple_of3A_1823 = tpu.assume_multiple %multiple_of3A_1822, 16 : i32
    %swap3A_1824 = arith.index_cast %multiple_of3A_1823 : i32 to index
    %swap3A_1825 = tpu.vector_load %arg7[%swap3A_1824] {strides = array<i32>} : memref<1024xi32, #tpu.memory_space<vmem>>, vector<16xi32>,
    tpu.vector_store %arg7[%swap3A_1824], %add3A_1821 {strides = array<i32>} : memref<1024xi32, #tpu.memory_space<vmem>>, vector<16xi32>,
    %reduce_sum3A_1826 = arith.constant true
    %reduce_sum3A_1827 = vector.broadcast %reduce_sum3A_1826 : i1 to vector<16xi1>
    %reduce_sum3A_1828 = tpu.scan <sum>, %min3A_1814 masked %reduce_sum3A_1827 : vector<16xi32>, vector<16xi1> -> vector<16xi32>
    %reduce_sum3A_1829 = vector.extract %reduce_sum3A_1828[15] : i32 from vector<16xi32>
    %add3A_1830 = arith.addi %add3A_1802, %reduce_sum3A_1829 : i32
    %dma_wait3A_1831 = arith.constant 0 : i32
    %dma_wait3A_1832 = tpu.memref_slice %arg5[%select_n3A, %multiple_of3A_1768, %dma_wait3A_1831] : memref<4x8192x1024xf32, #tpu.memory_space<hbm>> -> memref<1x32x1024xf32, #tpu.memory_space<hbm>>
    %dma_wait3A_1833 = tpu.memref_squeeze %dma_wait3A_1832 : memref<1x32x1024xf32, #tpu.memory_space<hbm>> -> memref<32x1024xf32, #tpu.memory_space<hbm>>
    %dma_wait3A_1834 = arith.constant 0 : i32
    %dma_wait3A_1835 = tpu.memref_slice %arg5[%select_n3A, %multiple_of3A_1768, %dma_wait3A_1834] : memref<4x8192x1024xf32, #tpu.memory_space<hbm>> -> memref<1x32x1024xf32, #tpu.memory_space<hbm>>
    %dma_wait3A_1836 = tpu.memref_squeeze %dma_wait3A_1835 : memref<1x32x1024xf32, #tpu.memory_space<hbm>> -> memref<32x1024xf32, #tpu.memory_space<hbm>>
    tpu.wait_dma2 semaphore(%arg16 : memref<!tpu.dma_semaphore, #tpu.memory_space<semaphore_mem>>) src(%arg10 : memref<32x1024xf32, #tpu.memory_space<vmem>>) dst(%dma_wait3A_1836 : memref<32x1024xf32, #tpu.memory_space<hbm>>)
    %dma_start3A_1837 = arith.constant 704 : i32
    %dma_start3A_1838 = tpu.memref_slice %arg7[%dma_start3A_1837] : memref<1024xi32, #tpu.memory_space<vmem>> -> memref<32xi32, #tpu.memory_space<vmem>>
    %dma_start3A_1839 = arith.constant 0 : i32
    %dma_start3A_1840 = arith.constant 0 : i32
    %dma_start3A_1841 = tpu.memref_slice %arg4[%dma_start3A_1839, %dma_start3A_1840] : memref<8194x1024xf32, #tpu.memory_space<hbm>> -> memref<8194x1024xf32, #tpu.memory_space<hbm>>
    tpu.enqueue_indirect_dma source(%dma_start3A_1841 : memref<8194x1024xf32, #tpu.memory_space<hbm>>) target(%arg10 : memref<32x1024xf32, #tpu.memory_space<vmem>>) offsets(%dma_start3A_1838 : memref<32xi32, #tpu.memory_space<vmem>>) semaphore(%arg13 : memref<!tpu.dma_semaphore, #tpu.memory_space<semaphore_mem>>)
    %dma_wait3A_1842 = arith.constant 640 : i32
    %dma_wait3A_1843 = tpu.memref_slice %arg7[%dma_wait3A_1842] : memref<1024xi32, #tpu.memory_space<vmem>> -> memref<32xi32, #tpu.memory_space<vmem>>
    %dma_wait3A_1844 = arith.constant 0 : i32
    %dma_wait3A_1845 = arith.constant 0 : i32
    %dma_wait3A_1846 = tpu.memref_slice %arg4[%dma_wait3A_1844, %dma_wait3A_1845] : memref<8194x1024xf32, #tpu.memory_space<hbm>> -> memref<8194x1024xf32, #tpu.memory_space<hbm>>
    tpu.wait_indirect_dma semaphore(%arg14 : memref<!tpu.dma_semaphore, #tpu.memory_space<semaphore_mem>>) src(%dma_wait3A_1846 : memref<8194x1024xf32, #tpu.memory_space<hbm>>) dst(%arg11 : memref<32x1024xf32, #tpu.memory_space<vmem>>)
    %add3A_1847 = arith.constant 640 : i32
    %add3A_1848 = arith.addi %multiple_of3A, %add3A_1847 : i32
    %multiple_of3A_1849 = tpu.assume_multiple %add3A_1848, 32 : i32
    %dma_start3A_1850 = arith.constant 0 : i32
    %dma_start3A_1851 = tpu.memref_slice %arg5[%select_n3A, %multiple_of3A_1849, %dma_start3A_1850] : memref<4x8192x1024xf32, #tpu.memory_space<hbm>> -> memref<1x32x1024xf32, #tpu.memory_space<hbm>>
    %dma_start3A_1852 = tpu.memref_squeeze %dma_start3A_1851 : memref<1x32x1024xf32, #tpu.memory_space<hbm>> -> memref<32x1024xf32, #tpu.memory_space<hbm>>
    %dma_start3A_1853 = arith.constant 0 : i32
    %dma_start3A_1854 = tpu.memref_slice %arg5[%select_n3A, %multiple_of3A_1849, %dma_start3A_1853] : memref<4x8192x1024xf32, #tpu.memory_space<hbm>> -> memref<1x32x1024xf32, #tpu.memory_space<hbm>>
    %dma_start3A_1855 = tpu.memref_squeeze %dma_start3A_1854 : memref<1x32x1024xf32, #tpu.memory_space<hbm>> -> memref<32x1024xf32, #tpu.memory_space<hbm>>
    tpu.enqueue_dma source(%arg11 : memref<32x1024xf32, #tpu.memory_space<vmem>>) target(%dma_start3A_1855 : memref<32x1024xf32, #tpu.memory_space<hbm>>) target_semaphore(%arg17 : memref<!tpu.dma_semaphore, #tpu.memory_space<semaphore_mem>>)
    %add3A_1856 = arith.constant 736 : i32
    %add3A_1857 = arith.addi %multiple_of3A, %add3A_1856 : i32
    %multiple_of3A_1858 = tpu.assume_multiple %add3A_1857, 16 : i32
    %get3A_1859 = arith.index_cast %multiple_of3A_1858 : i32 to index
    %get3A_1860 = tpu.vector_load %arg6[%get3A_1859] {strides = array<i32>} : memref<8192xi32, #tpu.memory_space<vmem>>, vector<16xi32>,
    %sub3A_1861 = arith.constant 1 : i32
    %sub3A_1862 = vector.broadcast %sub3A_1861 : i32 to vector<16xi32>
    %sub3A_1863 = arith.subi %get3A_1860, %sub3A_1862 : vector<16xi32>
    %abs3A_1864 = math.absi %sub3A_1863 : vector<16xi32>
    %min3A_1865 = arith.constant 1 : i32
    %min3A_1866 = vector.broadcast %min3A_1865 : i32 to vector<16xi32>
    %min3A_1867 = arith.minsi %abs3A_1864, %min3A_1866 : vector<16xi32>
    %broadcast_in_dim3A_1868 = arith.constant true
    %broadcast_in_dim3A_1869 = vector.broadcast %broadcast_in_dim3A_1868 : i1 to vector<16xi1>
    %masked_cumsum3A_1870 = tpu.scan <sum>, %min3A_1867 masked %broadcast_in_dim3A_1869 : vector<16xi32>, vector<16xi1> -> vector<16xi32>
    %add3A_1871 = vector.broadcast %add3A_1830 : i32 to vector<16xi32>
    %add3A_1872 = arith.addi %masked_cumsum3A_1870, %add3A_1871 : vector<16xi32>
    %mul3A_1873 = arith.muli %add3A_1872, %min3A_1867 : vector<16xi32>
    %add3A_1874 = arith.addi %mul3A_1873, %get3A_33 : vector<16xi32>
    %multiple_of3A_1875 = arith.constant 736 : i32
    %multiple_of3A_1876 = tpu.assume_multiple %multiple_of3A_1875, 16 : i32
    %swap3A_1877 = arith.index_cast %multiple_of3A_1876 : i32 to index
    %swap3A_1878 = tpu.vector_load %arg7[%swap3A_1877] {strides = array<i32>} : memref<1024xi32, #tpu.memory_space<vmem>>, vector<16xi32>,
    tpu.vector_store %arg7[%swap3A_1877], %add3A_1874 {strides = array<i32>} : memref<1024xi32, #tpu.memory_space<vmem>>, vector<16xi32>,
    %reduce_sum3A_1879 = arith.constant true
    %reduce_sum3A_1880 = vector.broadcast %reduce_sum3A_1879 : i1 to vector<16xi1>
    %reduce_sum3A_1881 = tpu.scan <sum>, %min3A_1867 masked %reduce_sum3A_1880 : vector<16xi32>, vector<16xi1> -> vector<16xi32>
    %reduce_sum3A_1882 = vector.extract %reduce_sum3A_1881[15] : i32 from vector<16xi32>
    %add3A_1883 = arith.addi %add3A_1830, %reduce_sum3A_1882 : i32
    %add3A_1884 = arith.constant 752 : i32
    %add3A_1885 = arith.addi %multiple_of3A, %add3A_1884 : i32
    %multiple_of3A_1886 = tpu.assume_multiple %add3A_1885, 16 : i32
    %get3A_1887 = arith.index_cast %multiple_of3A_1886 : i32 to index
    %get3A_1888 = tpu.vector_load %arg6[%get3A_1887] {strides = array<i32>} : memref<8192xi32, #tpu.memory_space<vmem>>, vector<16xi32>,
    %sub3A_1889 = arith.constant 1 : i32
    %sub3A_1890 = vector.broadcast %sub3A_1889 : i32 to vector<16xi32>
    %sub3A_1891 = arith.subi %get3A_1888, %sub3A_1890 : vector<16xi32>
    %abs3A_1892 = math.absi %sub3A_1891 : vector<16xi32>
    %min3A_1893 = arith.constant 1 : i32
    %min3A_1894 = vector.broadcast %min3A_1893 : i32 to vector<16xi32>
    %min3A_1895 = arith.minsi %abs3A_1892, %min3A_1894 : vector<16xi32>
    %broadcast_in_dim3A_1896 = arith.constant true
    %broadcast_in_dim3A_1897 = vector.broadcast %broadcast_in_dim3A_1896 : i1 to vector<16xi1>
    %masked_cumsum3A_1898 = tpu.scan <sum>, %min3A_1895 masked %broadcast_in_dim3A_1897 : vector<16xi32>, vector<16xi1> -> vector<16xi32>
    %add3A_1899 = vector.broadcast %add3A_1883 : i32 to vector<16xi32>
    %add3A_1900 = arith.addi %masked_cumsum3A_1898, %add3A_1899 : vector<16xi32>
    %mul3A_1901 = arith.muli %add3A_1900, %min3A_1895 : vector<16xi32>
    %add3A_1902 = arith.addi %mul3A_1901, %get3A_33 : vector<16xi32>
    %multiple_of3A_1903 = arith.constant 752 : i32
    %multiple_of3A_1904 = tpu.assume_multiple %multiple_of3A_1903, 16 : i32
    %swap3A_1905 = arith.index_cast %multiple_of3A_1904 : i32 to index
    %swap3A_1906 = tpu.vector_load %arg7[%swap3A_1905] {strides = array<i32>} : memref<1024xi32, #tpu.memory_space<vmem>>, vector<16xi32>,
    tpu.vector_store %arg7[%swap3A_1905], %add3A_1902 {strides = array<i32>} : memref<1024xi32, #tpu.memory_space<vmem>>, vector<16xi32>,
    %reduce_sum3A_1907 = arith.constant true
    %reduce_sum3A_1908 = vector.broadcast %reduce_sum3A_1907 : i1 to vector<16xi1>
    %reduce_sum3A_1909 = tpu.scan <sum>, %min3A_1895 masked %reduce_sum3A_1908 : vector<16xi32>, vector<16xi1> -> vector<16xi32>
    %reduce_sum3A_1910 = vector.extract %reduce_sum3A_1909[15] : i32 from vector<16xi32>
    %add3A_1911 = arith.addi %add3A_1883, %reduce_sum3A_1910 : i32
    %dma_wait3A_1912 = arith.constant 0 : i32
    %dma_wait3A_1913 = tpu.memref_slice %arg5[%select_n3A, %multiple_of3A_1849, %dma_wait3A_1912] : memref<4x8192x1024xf32, #tpu.memory_space<hbm>> -> memref<1x32x1024xf32, #tpu.memory_space<hbm>>
    %dma_wait3A_1914 = tpu.memref_squeeze %dma_wait3A_1913 : memref<1x32x1024xf32, #tpu.memory_space<hbm>> -> memref<32x1024xf32, #tpu.memory_space<hbm>>
    %dma_wait3A_1915 = arith.constant 0 : i32
    %dma_wait3A_1916 = tpu.memref_slice %arg5[%select_n3A, %multiple_of3A_1849, %dma_wait3A_1915] : memref<4x8192x1024xf32, #tpu.memory_space<hbm>> -> memref<1x32x1024xf32, #tpu.memory_space<hbm>>
    %dma_wait3A_1917 = tpu.memref_squeeze %dma_wait3A_1916 : memref<1x32x1024xf32, #tpu.memory_space<hbm>> -> memref<32x1024xf32, #tpu.memory_space<hbm>>
    tpu.wait_dma2 semaphore(%arg17 : memref<!tpu.dma_semaphore, #tpu.memory_space<semaphore_mem>>) src(%arg11 : memref<32x1024xf32, #tpu.memory_space<vmem>>) dst(%dma_wait3A_1917 : memref<32x1024xf32, #tpu.memory_space<hbm>>)
    %dma_start3A_1918 = arith.constant 736 : i32
    %dma_start3A_1919 = tpu.memref_slice %arg7[%dma_start3A_1918] : memref<1024xi32, #tpu.memory_space<vmem>> -> memref<32xi32, #tpu.memory_space<vmem>>
    %dma_start3A_1920 = arith.constant 0 : i32
    %dma_start3A_1921 = arith.constant 0 : i32
    %dma_start3A_1922 = tpu.memref_slice %arg4[%dma_start3A_1920, %dma_start3A_1921] : memref<8194x1024xf32, #tpu.memory_space<hbm>> -> memref<8194x1024xf32, #tpu.memory_space<hbm>>
    tpu.enqueue_indirect_dma source(%dma_start3A_1922 : memref<8194x1024xf32, #tpu.memory_space<hbm>>) target(%arg11 : memref<32x1024xf32, #tpu.memory_space<vmem>>) offsets(%dma_start3A_1919 : memref<32xi32, #tpu.memory_space<vmem>>) semaphore(%arg14 : memref<!tpu.dma_semaphore, #tpu.memory_space<semaphore_mem>>)
    %dma_wait3A_1923 = arith.constant 672 : i32
    %dma_wait3A_1924 = tpu.memref_slice %arg7[%dma_wait3A_1923] : memref<1024xi32, #tpu.memory_space<vmem>> -> memref<32xi32, #tpu.memory_space<vmem>>
    %dma_wait3A_1925 = arith.constant 0 : i32
    %dma_wait3A_1926 = arith.constant 0 : i32
    %dma_wait3A_1927 = tpu.memref_slice %arg4[%dma_wait3A_1925, %dma_wait3A_1926] : memref<8194x1024xf32, #tpu.memory_space<hbm>> -> memref<8194x1024xf32, #tpu.memory_space<hbm>>
    tpu.wait_indirect_dma semaphore(%arg12 : memref<!tpu.dma_semaphore, #tpu.memory_space<semaphore_mem>>) src(%dma_wait3A_1927 : memref<8194x1024xf32, #tpu.memory_space<hbm>>) dst(%arg9 : memref<32x1024xf32, #tpu.memory_space<vmem>>)
    %add3A_1928 = arith.constant 672 : i32
    %add3A_1929 = arith.addi %multiple_of3A, %add3A_1928 : i32
    %multiple_of3A_1930 = tpu.assume_multiple %add3A_1929, 32 : i32
    %dma_start3A_1931 = arith.constant 0 : i32
    %dma_start3A_1932 = tpu.memref_slice %arg5[%select_n3A, %multiple_of3A_1930, %dma_start3A_1931] : memref<4x8192x1024xf32, #tpu.memory_space<hbm>> -> memref<1x32x1024xf32, #tpu.memory_space<hbm>>
    %dma_start3A_1933 = tpu.memref_squeeze %dma_start3A_1932 : memref<1x32x1024xf32, #tpu.memory_space<hbm>> -> memref<32x1024xf32, #tpu.memory_space<hbm>>
    %dma_start3A_1934 = arith.constant 0 : i32
    %dma_start3A_1935 = tpu.memref_slice %arg5[%select_n3A, %multiple_of3A_1930, %dma_start3A_1934] : memref<4x8192x1024xf32, #tpu.memory_space<hbm>> -> memref<1x32x1024xf32, #tpu.memory_space<hbm>>
    %dma_start3A_1936 = tpu.memref_squeeze %dma_start3A_1935 : memref<1x32x1024xf32, #tpu.memory_space<hbm>> -> memref<32x1024xf32, #tpu.memory_space<hbm>>
    tpu.enqueue_dma source(%arg9 : memref<32x1024xf32, #tpu.memory_space<vmem>>) target(%dma_start3A_1936 : memref<32x1024xf32, #tpu.memory_space<hbm>>) target_semaphore(%arg15 : memref<!tpu.dma_semaphore, #tpu.memory_space<semaphore_mem>>)
    %add3A_1937 = arith.constant 768 : i32
    %add3A_1938 = arith.addi %multiple_of3A, %add3A_1937 : i32
    %multiple_of3A_1939 = tpu.assume_multiple %add3A_1938, 16 : i32
    %get3A_1940 = arith.index_cast %multiple_of3A_1939 : i32 to index
    %get3A_1941 = tpu.vector_load %arg6[%get3A_1940] {strides = array<i32>} : memref<8192xi32, #tpu.memory_space<vmem>>, vector<16xi32>,
    %sub3A_1942 = arith.constant 1 : i32
    %sub3A_1943 = vector.broadcast %sub3A_1942 : i32 to vector<16xi32>
    %sub3A_1944 = arith.subi %get3A_1941, %sub3A_1943 : vector<16xi32>
    %abs3A_1945 = math.absi %sub3A_1944 : vector<16xi32>
    %min3A_1946 = arith.constant 1 : i32
    %min3A_1947 = vector.broadcast %min3A_1946 : i32 to vector<16xi32>
    %min3A_1948 = arith.minsi %abs3A_1945, %min3A_1947 : vector<16xi32>
    %broadcast_in_dim3A_1949 = arith.constant true
    %broadcast_in_dim3A_1950 = vector.broadcast %broadcast_in_dim3A_1949 : i1 to vector<16xi1>
    %masked_cumsum3A_1951 = tpu.scan <sum>, %min3A_1948 masked %broadcast_in_dim3A_1950 : vector<16xi32>, vector<16xi1> -> vector<16xi32>
    %add3A_1952 = vector.broadcast %add3A_1911 : i32 to vector<16xi32>
    %add3A_1953 = arith.addi %masked_cumsum3A_1951, %add3A_1952 : vector<16xi32>
    %mul3A_1954 = arith.muli %add3A_1953, %min3A_1948 : vector<16xi32>
    %add3A_1955 = arith.addi %mul3A_1954, %get3A_33 : vector<16xi32>
    %multiple_of3A_1956 = arith.constant 768 : i32
    %multiple_of3A_1957 = tpu.assume_multiple %multiple_of3A_1956, 16 : i32
    %swap3A_1958 = arith.index_cast %multiple_of3A_1957 : i32 to index
    %swap3A_1959 = tpu.vector_load %arg7[%swap3A_1958] {strides = array<i32>} : memref<1024xi32, #tpu.memory_space<vmem>>, vector<16xi32>,
    tpu.vector_store %arg7[%swap3A_1958], %add3A_1955 {strides = array<i32>} : memref<1024xi32, #tpu.memory_space<vmem>>, vector<16xi32>,
    %reduce_sum3A_1960 = arith.constant true
    %reduce_sum3A_1961 = vector.broadcast %reduce_sum3A_1960 : i1 to vector<16xi1>
    %reduce_sum3A_1962 = tpu.scan <sum>, %min3A_1948 masked %reduce_sum3A_1961 : vector<16xi32>, vector<16xi1> -> vector<16xi32>
    %reduce_sum3A_1963 = vector.extract %reduce_sum3A_1962[15] : i32 from vector<16xi32>
    %add3A_1964 = arith.addi %add3A_1911, %reduce_sum3A_1963 : i32
    %add3A_1965 = arith.constant 784 : i32
    %add3A_1966 = arith.addi %multiple_of3A, %add3A_1965 : i32
    %multiple_of3A_1967 = tpu.assume_multiple %add3A_1966, 16 : i32
    %get3A_1968 = arith.index_cast %multiple_of3A_1967 : i32 to index
    %get3A_1969 = tpu.vector_load %arg6[%get3A_1968] {strides = array<i32>} : memref<8192xi32, #tpu.memory_space<vmem>>, vector<16xi32>,
    %sub3A_1970 = arith.constant 1 : i32
    %sub3A_1971 = vector.broadcast %sub3A_1970 : i32 to vector<16xi32>
    %sub3A_1972 = arith.subi %get3A_1969, %sub3A_1971 : vector<16xi32>
    %abs3A_1973 = math.absi %sub3A_1972 : vector<16xi32>
    %min3A_1974 = arith.constant 1 : i32
    %min3A_1975 = vector.broadcast %min3A_1974 : i32 to vector<16xi32>
    %min3A_1976 = arith.minsi %abs3A_1973, %min3A_1975 : vector<16xi32>
    %broadcast_in_dim3A_1977 = arith.constant true
    %broadcast_in_dim3A_1978 = vector.broadcast %broadcast_in_dim3A_1977 : i1 to vector<16xi1>
    %masked_cumsum3A_1979 = tpu.scan <sum>, %min3A_1976 masked %broadcast_in_dim3A_1978 : vector<16xi32>, vector<16xi1> -> vector<16xi32>
    %add3A_1980 = vector.broadcast %add3A_1964 : i32 to vector<16xi32>
    %add3A_1981 = arith.addi %masked_cumsum3A_1979, %add3A_1980 : vector<16xi32>
    %mul3A_1982 = arith.muli %add3A_1981, %min3A_1976 : vector<16xi32>
    %add3A_1983 = arith.addi %mul3A_1982, %get3A_33 : vector<16xi32>
    %multiple_of3A_1984 = arith.constant 784 : i32
    %multiple_of3A_1985 = tpu.assume_multiple %multiple_of3A_1984, 16 : i32
    %swap3A_1986 = arith.index_cast %multiple_of3A_1985 : i32 to index
    %swap3A_1987 = tpu.vector_load %arg7[%swap3A_1986] {strides = array<i32>} : memref<1024xi32, #tpu.memory_space<vmem>>, vector<16xi32>,
    tpu.vector_store %arg7[%swap3A_1986], %add3A_1983 {strides = array<i32>} : memref<1024xi32, #tpu.memory_space<vmem>>, vector<16xi32>,
    %reduce_sum3A_1988 = arith.constant true
    %reduce_sum3A_1989 = vector.broadcast %reduce_sum3A_1988 : i1 to vector<16xi1>
    %reduce_sum3A_1990 = tpu.scan <sum>, %min3A_1976 masked %reduce_sum3A_1989 : vector<16xi32>, vector<16xi1> -> vector<16xi32>
    %reduce_sum3A_1991 = vector.extract %reduce_sum3A_1990[15] : i32 from vector<16xi32>
    %add3A_1992 = arith.addi %add3A_1964, %reduce_sum3A_1991 : i32
    %dma_wait3A_1993 = arith.constant 0 : i32
    %dma_wait3A_1994 = tpu.memref_slice %arg5[%select_n3A, %multiple_of3A_1930, %dma_wait3A_1993] : memref<4x8192x1024xf32, #tpu.memory_space<hbm>> -> memref<1x32x1024xf32, #tpu.memory_space<hbm>>
    %dma_wait3A_1995 = tpu.memref_squeeze %dma_wait3A_1994 : memref<1x32x1024xf32, #tpu.memory_space<hbm>> -> memref<32x1024xf32, #tpu.memory_space<hbm>>
    %dma_wait3A_1996 = arith.constant 0 : i32
    %dma_wait3A_1997 = tpu.memref_slice %arg5[%select_n3A, %multiple_of3A_1930, %dma_wait3A_1996] : memref<4x8192x1024xf32, #tpu.memory_space<hbm>> -> memref<1x32x1024xf32, #tpu.memory_space<hbm>>
    %dma_wait3A_1998 = tpu.memref_squeeze %dma_wait3A_1997 : memref<1x32x1024xf32, #tpu.memory_space<hbm>> -> memref<32x1024xf32, #tpu.memory_space<hbm>>
    tpu.wait_dma2 semaphore(%arg15 : memref<!tpu.dma_semaphore, #tpu.memory_space<semaphore_mem>>) src(%arg9 : memref<32x1024xf32, #tpu.memory_space<vmem>>) dst(%dma_wait3A_1998 : memref<32x1024xf32, #tpu.memory_space<hbm>>)
    %dma_start3A_1999 = arith.constant 768 : i32
    %dma_start3A_2000 = tpu.memref_slice %arg7[%dma_start3A_1999] : memref<1024xi32, #tpu.memory_space<vmem>> -> memref<32xi32, #tpu.memory_space<vmem>>
    %dma_start3A_2001 = arith.constant 0 : i32
    %dma_start3A_2002 = arith.constant 0 : i32
    %dma_start3A_2003 = tpu.memref_slice %arg4[%dma_start3A_2001, %dma_start3A_2002] : memref<8194x1024xf32, #tpu.memory_space<hbm>> -> memref<8194x1024xf32, #tpu.memory_space<hbm>>
    tpu.enqueue_indirect_dma source(%dma_start3A_2003 : memref<8194x1024xf32, #tpu.memory_space<hbm>>) target(%arg9 : memref<32x1024xf32, #tpu.memory_space<vmem>>) offsets(%dma_start3A_2000 : memref<32xi32, #tpu.memory_space<vmem>>) semaphore(%arg12 : memref<!tpu.dma_semaphore, #tpu.memory_space<semaphore_mem>>)
    %dma_wait3A_2004 = arith.constant 704 : i32
    %dma_wait3A_2005 = tpu.memref_slice %arg7[%dma_wait3A_2004] : memref<1024xi32, #tpu.memory_space<vmem>> -> memref<32xi32, #tpu.memory_space<vmem>>
    %dma_wait3A_2006 = arith.constant 0 : i32
    %dma_wait3A_2007 = arith.constant 0 : i32
    %dma_wait3A_2008 = tpu.memref_slice %arg4[%dma_wait3A_2006, %dma_wait3A_2007] : memref<8194x1024xf32, #tpu.memory_space<hbm>> -> memref<8194x1024xf32, #tpu.memory_space<hbm>>
    tpu.wait_indirect_dma semaphore(%arg13 : memref<!tpu.dma_semaphore, #tpu.memory_space<semaphore_mem>>) src(%dma_wait3A_2008 : memref<8194x1024xf32, #tpu.memory_space<hbm>>) dst(%arg10 : memref<32x1024xf32, #tpu.memory_space<vmem>>)
    %add3A_2009 = arith.constant 704 : i32
    %add3A_2010 = arith.addi %multiple_of3A, %add3A_2009 : i32
    %multiple_of3A_2011 = tpu.assume_multiple %add3A_2010, 32 : i32
    %dma_start3A_2012 = arith.constant 0 : i32
    %dma_start3A_2013 = tpu.memref_slice %arg5[%select_n3A, %multiple_of3A_2011, %dma_start3A_2012] : memref<4x8192x1024xf32, #tpu.memory_space<hbm>> -> memref<1x32x1024xf32, #tpu.memory_space<hbm>>
    %dma_start3A_2014 = tpu.memref_squeeze %dma_start3A_2013 : memref<1x32x1024xf32, #tpu.memory_space<hbm>> -> memref<32x1024xf32, #tpu.memory_space<hbm>>
    %dma_start3A_2015 = arith.constant 0 : i32
    %dma_start3A_2016 = tpu.memref_slice %arg5[%select_n3A, %multiple_of3A_2011, %dma_start3A_2015] : memref<4x8192x1024xf32, #tpu.memory_space<hbm>> -> memref<1x32x1024xf32, #tpu.memory_space<hbm>>
    %dma_start3A_2017 = tpu.memref_squeeze %dma_start3A_2016 : memref<1x32x1024xf32, #tpu.memory_space<hbm>> -> memref<32x1024xf32, #tpu.memory_space<hbm>>
    tpu.enqueue_dma source(%arg10 : memref<32x1024xf32, #tpu.memory_space<vmem>>) target(%dma_start3A_2017 : memref<32x1024xf32, #tpu.memory_space<hbm>>) target_semaphore(%arg16 : memref<!tpu.dma_semaphore, #tpu.memory_space<semaphore_mem>>)
    %add3A_2018 = arith.constant 800 : i32
    %add3A_2019 = arith.addi %multiple_of3A, %add3A_2018 : i32
    %multiple_of3A_2020 = tpu.assume_multiple %add3A_2019, 16 : i32
    %get3A_2021 = arith.index_cast %multiple_of3A_2020 : i32 to index
    %get3A_2022 = tpu.vector_load %arg6[%get3A_2021] {strides = array<i32>} : memref<8192xi32, #tpu.memory_space<vmem>>, vector<16xi32>,
    %sub3A_2023 = arith.constant 1 : i32
    %sub3A_2024 = vector.broadcast %sub3A_2023 : i32 to vector<16xi32>
    %sub3A_2025 = arith.subi %get3A_2022, %sub3A_2024 : vector<16xi32>
    %abs3A_2026 = math.absi %sub3A_2025 : vector<16xi32>
    %min3A_2027 = arith.constant 1 : i32
    %min3A_2028 = vector.broadcast %min3A_2027 : i32 to vector<16xi32>
    %min3A_2029 = arith.minsi %abs3A_2026, %min3A_2028 : vector<16xi32>
    %broadcast_in_dim3A_2030 = arith.constant true
    %broadcast_in_dim3A_2031 = vector.broadcast %broadcast_in_dim3A_2030 : i1 to vector<16xi1>
    %masked_cumsum3A_2032 = tpu.scan <sum>, %min3A_2029 masked %broadcast_in_dim3A_2031 : vector<16xi32>, vector<16xi1> -> vector<16xi32>
    %add3A_2033 = vector.broadcast %add3A_1992 : i32 to vector<16xi32>
    %add3A_2034 = arith.addi %masked_cumsum3A_2032, %add3A_2033 : vector<16xi32>
    %mul3A_2035 = arith.muli %add3A_2034, %min3A_2029 : vector<16xi32>
    %add3A_2036 = arith.addi %mul3A_2035, %get3A_33 : vector<16xi32>
    %multiple_of3A_2037 = arith.constant 800 : i32
    %multiple_of3A_2038 = tpu.assume_multiple %multiple_of3A_2037, 16 : i32
    %swap3A_2039 = arith.index_cast %multiple_of3A_2038 : i32 to index
    %swap3A_2040 = tpu.vector_load %arg7[%swap3A_2039] {strides = array<i32>} : memref<1024xi32, #tpu.memory_space<vmem>>, vector<16xi32>,
    tpu.vector_store %arg7[%swap3A_2039], %add3A_2036 {strides = array<i32>} : memref<1024xi32, #tpu.memory_space<vmem>>, vector<16xi32>,
    %reduce_sum3A_2041 = arith.constant true
    %reduce_sum3A_2042 = vector.broadcast %reduce_sum3A_2041 : i1 to vector<16xi1>
    %reduce_sum3A_2043 = tpu.scan <sum>, %min3A_2029 masked %reduce_sum3A_2042 : vector<16xi32>, vector<16xi1> -> vector<16xi32>
    %reduce_sum3A_2044 = vector.extract %reduce_sum3A_2043[15] : i32 from vector<16xi32>
    %add3A_2045 = arith.addi %add3A_1992, %reduce_sum3A_2044 : i32
    %add3A_2046 = arith.constant 816 : i32
    %add3A_2047 = arith.addi %multiple_of3A, %add3A_2046 : i32
    %multiple_of3A_2048 = tpu.assume_multiple %add3A_2047, 16 : i32
    %get3A_2049 = arith.index_cast %multiple_of3A_2048 : i32 to index
    %get3A_2050 = tpu.vector_load %arg6[%get3A_2049] {strides = array<i32>} : memref<8192xi32, #tpu.memory_space<vmem>>, vector<16xi32>,
    %sub3A_2051 = arith.constant 1 : i32
    %sub3A_2052 = vector.broadcast %sub3A_2051 : i32 to vector<16xi32>
    %sub3A_2053 = arith.subi %get3A_2050, %sub3A_2052 : vector<16xi32>
    %abs3A_2054 = math.absi %sub3A_2053 : vector<16xi32>
    %min3A_2055 = arith.constant 1 : i32
    %min3A_2056 = vector.broadcast %min3A_2055 : i32 to vector<16xi32>
    %min3A_2057 = arith.minsi %abs3A_2054, %min3A_2056 : vector<16xi32>
    %broadcast_in_dim3A_2058 = arith.constant true
    %broadcast_in_dim3A_2059 = vector.broadcast %broadcast_in_dim3A_2058 : i1 to vector<16xi1>
    %masked_cumsum3A_2060 = tpu.scan <sum>, %min3A_2057 masked %broadcast_in_dim3A_2059 : vector<16xi32>, vector<16xi1> -> vector<16xi32>
    %add3A_2061 = vector.broadcast %add3A_2045 : i32 to vector<16xi32>
    %add3A_2062 = arith.addi %masked_cumsum3A_2060, %add3A_2061 : vector<16xi32>
    %mul3A_2063 = arith.muli %add3A_2062, %min3A_2057 : vector<16xi32>
    %add3A_2064 = arith.addi %mul3A_2063, %get3A_33 : vector<16xi32>
    %multiple_of3A_2065 = arith.constant 816 : i32
    %multiple_of3A_2066 = tpu.assume_multiple %multiple_of3A_2065, 16 : i32
    %swap3A_2067 = arith.index_cast %multiple_of3A_2066 : i32 to index
    %swap3A_2068 = tpu.vector_load %arg7[%swap3A_2067] {strides = array<i32>} : memref<1024xi32, #tpu.memory_space<vmem>>, vector<16xi32>,
    tpu.vector_store %arg7[%swap3A_2067], %add3A_2064 {strides = array<i32>} : memref<1024xi32, #tpu.memory_space<vmem>>, vector<16xi32>,
    %reduce_sum3A_2069 = arith.constant true
    %reduce_sum3A_2070 = vector.broadcast %reduce_sum3A_2069 : i1 to vector<16xi1>
    %reduce_sum3A_2071 = tpu.scan <sum>, %min3A_2057 masked %reduce_sum3A_2070 : vector<16xi32>, vector<16xi1> -> vector<16xi32>
    %reduce_sum3A_2072 = vector.extract %reduce_sum3A_2071[15] : i32 from vector<16xi32>
    %add3A_2073 = arith.addi %add3A_2045, %reduce_sum3A_2072 : i32
    %dma_wait3A_2074 = arith.constant 0 : i32
    %dma_wait3A_2075 = tpu.memref_slice %arg5[%select_n3A, %multiple_of3A_2011, %dma_wait3A_2074] : memref<4x8192x1024xf32, #tpu.memory_space<hbm>> -> memref<1x32x1024xf32, #tpu.memory_space<hbm>>
    %dma_wait3A_2076 = tpu.memref_squeeze %dma_wait3A_2075 : memref<1x32x1024xf32, #tpu.memory_space<hbm>> -> memref<32x1024xf32, #tpu.memory_space<hbm>>
    %dma_wait3A_2077 = arith.constant 0 : i32
    %dma_wait3A_2078 = tpu.memref_slice %arg5[%select_n3A, %multiple_of3A_2011, %dma_wait3A_2077] : memref<4x8192x1024xf32, #tpu.memory_space<hbm>> -> memref<1x32x1024xf32, #tpu.memory_space<hbm>>
    %dma_wait3A_2079 = tpu.memref_squeeze %dma_wait3A_2078 : memref<1x32x1024xf32, #tpu.memory_space<hbm>> -> memref<32x1024xf32, #tpu.memory_space<hbm>>
    tpu.wait_dma2 semaphore(%arg16 : memref<!tpu.dma_semaphore, #tpu.memory_space<semaphore_mem>>) src(%arg10 : memref<32x1024xf32, #tpu.memory_space<vmem>>) dst(%dma_wait3A_2079 : memref<32x1024xf32, #tpu.memory_space<hbm>>)
    %dma_start3A_2080 = arith.constant 800 : i32
    %dma_start3A_2081 = tpu.memref_slice %arg7[%dma_start3A_2080] : memref<1024xi32, #tpu.memory_space<vmem>> -> memref<32xi32, #tpu.memory_space<vmem>>
    %dma_start3A_2082 = arith.constant 0 : i32
    %dma_start3A_2083 = arith.constant 0 : i32
    %dma_start3A_2084 = tpu.memref_slice %arg4[%dma_start3A_2082, %dma_start3A_2083] : memref<8194x1024xf32, #tpu.memory_space<hbm>> -> memref<8194x1024xf32, #tpu.memory_space<hbm>>
    tpu.enqueue_indirect_dma source(%dma_start3A_2084 : memref<8194x1024xf32, #tpu.memory_space<hbm>>) target(%arg10 : memref<32x1024xf32, #tpu.memory_space<vmem>>) offsets(%dma_start3A_2081 : memref<32xi32, #tpu.memory_space<vmem>>) semaphore(%arg13 : memref<!tpu.dma_semaphore, #tpu.memory_space<semaphore_mem>>)
    %dma_wait3A_2085 = arith.constant 736 : i32
    %dma_wait3A_2086 = tpu.memref_slice %arg7[%dma_wait3A_2085] : memref<1024xi32, #tpu.memory_space<vmem>> -> memref<32xi32, #tpu.memory_space<vmem>>
    %dma_wait3A_2087 = arith.constant 0 : i32
    %dma_wait3A_2088 = arith.constant 0 : i32
    %dma_wait3A_2089 = tpu.memref_slice %arg4[%dma_wait3A_2087, %dma_wait3A_2088] : memref<8194x1024xf32, #tpu.memory_space<hbm>> -> memref<8194x1024xf32, #tpu.memory_space<hbm>>
    tpu.wait_indirect_dma semaphore(%arg14 : memref<!tpu.dma_semaphore, #tpu.memory_space<semaphore_mem>>) src(%dma_wait3A_2089 : memref<8194x1024xf32, #tpu.memory_space<hbm>>) dst(%arg11 : memref<32x1024xf32, #tpu.memory_space<vmem>>)
    %add3A_2090 = arith.constant 736 : i32
    %add3A_2091 = arith.addi %multiple_of3A, %add3A_2090 : i32
    %multiple_of3A_2092 = tpu.assume_multiple %add3A_2091, 32 : i32
    %dma_start3A_2093 = arith.constant 0 : i32
    %dma_start3A_2094 = tpu.memref_slice %arg5[%select_n3A, %multiple_of3A_2092, %dma_start3A_2093] : memref<4x8192x1024xf32, #tpu.memory_space<hbm>> -> memref<1x32x1024xf32, #tpu.memory_space<hbm>>
    %dma_start3A_2095 = tpu.memref_squeeze %dma_start3A_2094 : memref<1x32x1024xf32, #tpu.memory_space<hbm>> -> memref<32x1024xf32, #tpu.memory_space<hbm>>
    %dma_start3A_2096 = arith.constant 0 : i32
    %dma_start3A_2097 = tpu.memref_slice %arg5[%select_n3A, %multiple_of3A_2092, %dma_start3A_2096] : memref<4x8192x1024xf32, #tpu.memory_space<hbm>> -> memref<1x32x1024xf32, #tpu.memory_space<hbm>>
    %dma_start3A_2098 = tpu.memref_squeeze %dma_start3A_2097 : memref<1x32x1024xf32, #tpu.memory_space<hbm>> -> memref<32x1024xf32, #tpu.memory_space<hbm>>
    tpu.enqueue_dma source(%arg11 : memref<32x1024xf32, #tpu.memory_space<vmem>>) target(%dma_start3A_2098 : memref<32x1024xf32, #tpu.memory_space<hbm>>) target_semaphore(%arg17 : memref<!tpu.dma_semaphore, #tpu.memory_space<semaphore_mem>>)
    %add3A_2099 = arith.constant 832 : i32
    %add3A_2100 = arith.addi %multiple_of3A, %add3A_2099 : i32
    %multiple_of3A_2101 = tpu.assume_multiple %add3A_2100, 16 : i32
    %get3A_2102 = arith.index_cast %multiple_of3A_2101 : i32 to index
    %get3A_2103 = tpu.vector_load %arg6[%get3A_2102] {strides = array<i32>} : memref<8192xi32, #tpu.memory_space<vmem>>, vector<16xi32>,
    %sub3A_2104 = arith.constant 1 : i32
    %sub3A_2105 = vector.broadcast %sub3A_2104 : i32 to vector<16xi32>
    %sub3A_2106 = arith.subi %get3A_2103, %sub3A_2105 : vector<16xi32>
    %abs3A_2107 = math.absi %sub3A_2106 : vector<16xi32>
    %min3A_2108 = arith.constant 1 : i32
    %min3A_2109 = vector.broadcast %min3A_2108 : i32 to vector<16xi32>
    %min3A_2110 = arith.minsi %abs3A_2107, %min3A_2109 : vector<16xi32>
    %broadcast_in_dim3A_2111 = arith.constant true
    %broadcast_in_dim3A_2112 = vector.broadcast %broadcast_in_dim3A_2111 : i1 to vector<16xi1>
    %masked_cumsum3A_2113 = tpu.scan <sum>, %min3A_2110 masked %broadcast_in_dim3A_2112 : vector<16xi32>, vector<16xi1> -> vector<16xi32>
    %add3A_2114 = vector.broadcast %add3A_2073 : i32 to vector<16xi32>
    %add3A_2115 = arith.addi %masked_cumsum3A_2113, %add3A_2114 : vector<16xi32>
    %mul3A_2116 = arith.muli %add3A_2115, %min3A_2110 : vector<16xi32>
    %add3A_2117 = arith.addi %mul3A_2116, %get3A_33 : vector<16xi32>
    %multiple_of3A_2118 = arith.constant 832 : i32
    %multiple_of3A_2119 = tpu.assume_multiple %multiple_of3A_2118, 16 : i32
    %swap3A_2120 = arith.index_cast %multiple_of3A_2119 : i32 to index
    %swap3A_2121 = tpu.vector_load %arg7[%swap3A_2120] {strides = array<i32>} : memref<1024xi32, #tpu.memory_space<vmem>>, vector<16xi32>,
    tpu.vector_store %arg7[%swap3A_2120], %add3A_2117 {strides = array<i32>} : memref<1024xi32, #tpu.memory_space<vmem>>, vector<16xi32>,
    %reduce_sum3A_2122 = arith.constant true
    %reduce_sum3A_2123 = vector.broadcast %reduce_sum3A_2122 : i1 to vector<16xi1>
    %reduce_sum3A_2124 = tpu.scan <sum>, %min3A_2110 masked %reduce_sum3A_2123 : vector<16xi32>, vector<16xi1> -> vector<16xi32>
    %reduce_sum3A_2125 = vector.extract %reduce_sum3A_2124[15] : i32 from vector<16xi32>
    %add3A_2126 = arith.addi %add3A_2073, %reduce_sum3A_2125 : i32
    %add3A_2127 = arith.constant 848 : i32
    %add3A_2128 = arith.addi %multiple_of3A, %add3A_2127 : i32
    %multiple_of3A_2129 = tpu.assume_multiple %add3A_2128, 16 : i32
    %get3A_2130 = arith.index_cast %multiple_of3A_2129 : i32 to index
    %get3A_2131 = tpu.vector_load %arg6[%get3A_2130] {strides = array<i32>} : memref<8192xi32, #tpu.memory_space<vmem>>, vector<16xi32>,
    %sub3A_2132 = arith.constant 1 : i32
    %sub3A_2133 = vector.broadcast %sub3A_2132 : i32 to vector<16xi32>
    %sub3A_2134 = arith.subi %get3A_2131, %sub3A_2133 : vector<16xi32>
    %abs3A_2135 = math.absi %sub3A_2134 : vector<16xi32>
    %min3A_2136 = arith.constant 1 : i32
    %min3A_2137 = vector.broadcast %min3A_2136 : i32 to vector<16xi32>
    %min3A_2138 = arith.minsi %abs3A_2135, %min3A_2137 : vector<16xi32>
    %broadcast_in_dim3A_2139 = arith.constant true
    %broadcast_in_dim3A_2140 = vector.broadcast %broadcast_in_dim3A_2139 : i1 to vector<16xi1>
    %masked_cumsum3A_2141 = tpu.scan <sum>, %min3A_2138 masked %broadcast_in_dim3A_2140 : vector<16xi32>, vector<16xi1> -> vector<16xi32>
    %add3A_2142 = vector.broadcast %add3A_2126 : i32 to vector<16xi32>
    %add3A_2143 = arith.addi %masked_cumsum3A_2141, %add3A_2142 : vector<16xi32>
    %mul3A_2144 = arith.muli %add3A_2143, %min3A_2138 : vector<16xi32>
    %add3A_2145 = arith.addi %mul3A_2144, %get3A_33 : vector<16xi32>
    %multiple_of3A_2146 = arith.constant 848 : i32
    %multiple_of3A_2147 = tpu.assume_multiple %multiple_of3A_2146, 16 : i32
    %swap3A_2148 = arith.index_cast %multiple_of3A_2147 : i32 to index
    %swap3A_2149 = tpu.vector_load %arg7[%swap3A_2148] {strides = array<i32>} : memref<1024xi32, #tpu.memory_space<vmem>>, vector<16xi32>,
    tpu.vector_store %arg7[%swap3A_2148], %add3A_2145 {strides = array<i32>} : memref<1024xi32, #tpu.memory_space<vmem>>, vector<16xi32>,
    %reduce_sum3A_2150 = arith.constant true
    %reduce_sum3A_2151 = vector.broadcast %reduce_sum3A_2150 : i1 to vector<16xi1>
    %reduce_sum3A_2152 = tpu.scan <sum>, %min3A_2138 masked %reduce_sum3A_2151 : vector<16xi32>, vector<16xi1> -> vector<16xi32>
    %reduce_sum3A_2153 = vector.extract %reduce_sum3A_2152[15] : i32 from vector<16xi32>
    %add3A_2154 = arith.addi %add3A_2126, %reduce_sum3A_2153 : i32
    %dma_wait3A_2155 = arith.constant 0 : i32
    %dma_wait3A_2156 = tpu.memref_slice %arg5[%select_n3A, %multiple_of3A_2092, %dma_wait3A_2155] : memref<4x8192x1024xf32, #tpu.memory_space<hbm>> -> memref<1x32x1024xf32, #tpu.memory_space<hbm>>
    %dma_wait3A_2157 = tpu.memref_squeeze %dma_wait3A_2156 : memref<1x32x1024xf32, #tpu.memory_space<hbm>> -> memref<32x1024xf32, #tpu.memory_space<hbm>>
    %dma_wait3A_2158 = arith.constant 0 : i32
    %dma_wait3A_2159 = tpu.memref_slice %arg5[%select_n3A, %multiple_of3A_2092, %dma_wait3A_2158] : memref<4x8192x1024xf32, #tpu.memory_space<hbm>> -> memref<1x32x1024xf32, #tpu.memory_space<hbm>>
    %dma_wait3A_2160 = tpu.memref_squeeze %dma_wait3A_2159 : memref<1x32x1024xf32, #tpu.memory_space<hbm>> -> memref<32x1024xf32, #tpu.memory_space<hbm>>
    tpu.wait_dma2 semaphore(%arg17 : memref<!tpu.dma_semaphore, #tpu.memory_space<semaphore_mem>>) src(%arg11 : memref<32x1024xf32, #tpu.memory_space<vmem>>) dst(%dma_wait3A_2160 : memref<32x1024xf32, #tpu.memory_space<hbm>>)
    %dma_start3A_2161 = arith.constant 832 : i32
    %dma_start3A_2162 = tpu.memref_slice %arg7[%dma_start3A_2161] : memref<1024xi32, #tpu.memory_space<vmem>> -> memref<32xi32, #tpu.memory_space<vmem>>
    %dma_start3A_2163 = arith.constant 0 : i32
    %dma_start3A_2164 = arith.constant 0 : i32
    %dma_start3A_2165 = tpu.memref_slice %arg4[%dma_start3A_2163, %dma_start3A_2164] : memref<8194x1024xf32, #tpu.memory_space<hbm>> -> memref<8194x1024xf32, #tpu.memory_space<hbm>>
    tpu.enqueue_indirect_dma source(%dma_start3A_2165 : memref<8194x1024xf32, #tpu.memory_space<hbm>>) target(%arg11 : memref<32x1024xf32, #tpu.memory_space<vmem>>) offsets(%dma_start3A_2162 : memref<32xi32, #tpu.memory_space<vmem>>) semaphore(%arg14 : memref<!tpu.dma_semaphore, #tpu.memory_space<semaphore_mem>>)
    %dma_wait3A_2166 = arith.constant 768 : i32
    %dma_wait3A_2167 = tpu.memref_slice %arg7[%dma_wait3A_2166] : memref<1024xi32, #tpu.memory_space<vmem>> -> memref<32xi32, #tpu.memory_space<vmem>>
    %dma_wait3A_2168 = arith.constant 0 : i32
    %dma_wait3A_2169 = arith.constant 0 : i32
    %dma_wait3A_2170 = tpu.memref_slice %arg4[%dma_wait3A_2168, %dma_wait3A_2169] : memref<8194x1024xf32, #tpu.memory_space<hbm>> -> memref<8194x1024xf32, #tpu.memory_space<hbm>>
    tpu.wait_indirect_dma semaphore(%arg12 : memref<!tpu.dma_semaphore, #tpu.memory_space<semaphore_mem>>) src(%dma_wait3A_2170 : memref<8194x1024xf32, #tpu.memory_space<hbm>>) dst(%arg9 : memref<32x1024xf32, #tpu.memory_space<vmem>>)
    %add3A_2171 = arith.constant 768 : i32
    %add3A_2172 = arith.addi %multiple_of3A, %add3A_2171 : i32
    %multiple_of3A_2173 = tpu.assume_multiple %add3A_2172, 32 : i32
    %dma_start3A_2174 = arith.constant 0 : i32
    %dma_start3A_2175 = tpu.memref_slice %arg5[%select_n3A, %multiple_of3A_2173, %dma_start3A_2174] : memref<4x8192x1024xf32, #tpu.memory_space<hbm>> -> memref<1x32x1024xf32, #tpu.memory_space<hbm>>
    %dma_start3A_2176 = tpu.memref_squeeze %dma_start3A_2175 : memref<1x32x1024xf32, #tpu.memory_space<hbm>> -> memref<32x1024xf32, #tpu.memory_space<hbm>>
    %dma_start3A_2177 = arith.constant 0 : i32
    %dma_start3A_2178 = tpu.memref_slice %arg5[%select_n3A, %multiple_of3A_2173, %dma_start3A_2177] : memref<4x8192x1024xf32, #tpu.memory_space<hbm>> -> memref<1x32x1024xf32, #tpu.memory_space<hbm>>
    %dma_start3A_2179 = tpu.memref_squeeze %dma_start3A_2178 : memref<1x32x1024xf32, #tpu.memory_space<hbm>> -> memref<32x1024xf32, #tpu.memory_space<hbm>>
    tpu.enqueue_dma source(%arg9 : memref<32x1024xf32, #tpu.memory_space<vmem>>) target(%dma_start3A_2179 : memref<32x1024xf32, #tpu.memory_space<hbm>>) target_semaphore(%arg15 : memref<!tpu.dma_semaphore, #tpu.memory_space<semaphore_mem>>)
    %add3A_2180 = arith.constant 864 : i32
    %add3A_2181 = arith.addi %multiple_of3A, %add3A_2180 : i32
    %multiple_of3A_2182 = tpu.assume_multiple %add3A_2181, 16 : i32
    %get3A_2183 = arith.index_cast %multiple_of3A_2182 : i32 to index
    %get3A_2184 = tpu.vector_load %arg6[%get3A_2183] {strides = array<i32>} : memref<8192xi32, #tpu.memory_space<vmem>>, vector<16xi32>,
    %sub3A_2185 = arith.constant 1 : i32
    %sub3A_2186 = vector.broadcast %sub3A_2185 : i32 to vector<16xi32>
    %sub3A_2187 = arith.subi %get3A_2184, %sub3A_2186 : vector<16xi32>
    %abs3A_2188 = math.absi %sub3A_2187 : vector<16xi32>
    %min3A_2189 = arith.constant 1 : i32
    %min3A_2190 = vector.broadcast %min3A_2189 : i32 to vector<16xi32>
    %min3A_2191 = arith.minsi %abs3A_2188, %min3A_2190 : vector<16xi32>
    %broadcast_in_dim3A_2192 = arith.constant true
    %broadcast_in_dim3A_2193 = vector.broadcast %broadcast_in_dim3A_2192 : i1 to vector<16xi1>
    %masked_cumsum3A_2194 = tpu.scan <sum>, %min3A_2191 masked %broadcast_in_dim3A_2193 : vector<16xi32>, vector<16xi1> -> vector<16xi32>
    %add3A_2195 = vector.broadcast %add3A_2154 : i32 to vector<16xi32>
    %add3A_2196 = arith.addi %masked_cumsum3A_2194, %add3A_2195 : vector<16xi32>
    %mul3A_2197 = arith.muli %add3A_2196, %min3A_2191 : vector<16xi32>
    %add3A_2198 = arith.addi %mul3A_2197, %get3A_33 : vector<16xi32>
    %multiple_of3A_2199 = arith.constant 864 : i32
    %multiple_of3A_2200 = tpu.assume_multiple %multiple_of3A_2199, 16 : i32
    %swap3A_2201 = arith.index_cast %multiple_of3A_2200 : i32 to index
    %swap3A_2202 = tpu.vector_load %arg7[%swap3A_2201] {strides = array<i32>} : memref<1024xi32, #tpu.memory_space<vmem>>, vector<16xi32>,
    tpu.vector_store %arg7[%swap3A_2201], %add3A_2198 {strides = array<i32>} : memref<1024xi32, #tpu.memory_space<vmem>>, vector<16xi32>,
    %reduce_sum3A_2203 = arith.constant true
    %reduce_sum3A_2204 = vector.broadcast %reduce_sum3A_2203 : i1 to vector<16xi1>
    %reduce_sum3A_2205 = tpu.scan <sum>, %min3A_2191 masked %reduce_sum3A_2204 : vector<16xi32>, vector<16xi1> -> vector<16xi32>
    %reduce_sum3A_2206 = vector.extract %reduce_sum3A_2205[15] : i32 from vector<16xi32>
    %add3A_2207 = arith.addi %add3A_2154, %reduce_sum3A_2206 : i32
    %add3A_2208 = arith.constant 880 : i32
    %add3A_2209 = arith.addi %multiple_of3A, %add3A_2208 : i32
    %multiple_of3A_2210 = tpu.assume_multiple %add3A_2209, 16 : i32
    %get3A_2211 = arith.index_cast %multiple_of3A_2210 : i32 to index
    %get3A_2212 = tpu.vector_load %arg6[%get3A_2211] {strides = array<i32>} : memref<8192xi32, #tpu.memory_space<vmem>>, vector<16xi32>,
    %sub3A_2213 = arith.constant 1 : i32
    %sub3A_2214 = vector.broadcast %sub3A_2213 : i32 to vector<16xi32>
    %sub3A_2215 = arith.subi %get3A_2212, %sub3A_2214 : vector<16xi32>
    %abs3A_2216 = math.absi %sub3A_2215 : vector<16xi32>
    %min3A_2217 = arith.constant 1 : i32
    %min3A_2218 = vector.broadcast %min3A_2217 : i32 to vector<16xi32>
    %min3A_2219 = arith.minsi %abs3A_2216, %min3A_2218 : vector<16xi32>
    %broadcast_in_dim3A_2220 = arith.constant true
    %broadcast_in_dim3A_2221 = vector.broadcast %broadcast_in_dim3A_2220 : i1 to vector<16xi1>
    %masked_cumsum3A_2222 = tpu.scan <sum>, %min3A_2219 masked %broadcast_in_dim3A_2221 : vector<16xi32>, vector<16xi1> -> vector<16xi32>
    %add3A_2223 = vector.broadcast %add3A_2207 : i32 to vector<16xi32>
    %add3A_2224 = arith.addi %masked_cumsum3A_2222, %add3A_2223 : vector<16xi32>
    %mul3A_2225 = arith.muli %add3A_2224, %min3A_2219 : vector<16xi32>
    %add3A_2226 = arith.addi %mul3A_2225, %get3A_33 : vector<16xi32>
    %multiple_of3A_2227 = arith.constant 880 : i32
    %multiple_of3A_2228 = tpu.assume_multiple %multiple_of3A_2227, 16 : i32
    %swap3A_2229 = arith.index_cast %multiple_of3A_2228 : i32 to index
    %swap3A_2230 = tpu.vector_load %arg7[%swap3A_2229] {strides = array<i32>} : memref<1024xi32, #tpu.memory_space<vmem>>, vector<16xi32>,
    tpu.vector_store %arg7[%swap3A_2229], %add3A_2226 {strides = array<i32>} : memref<1024xi32, #tpu.memory_space<vmem>>, vector<16xi32>,
    %reduce_sum3A_2231 = arith.constant true
    %reduce_sum3A_2232 = vector.broadcast %reduce_sum3A_2231 : i1 to vector<16xi1>
    %reduce_sum3A_2233 = tpu.scan <sum>, %min3A_2219 masked %reduce_sum3A_2232 : vector<16xi32>, vector<16xi1> -> vector<16xi32>
    %reduce_sum3A_2234 = vector.extract %reduce_sum3A_2233[15] : i32 from vector<16xi32>
    %add3A_2235 = arith.addi %add3A_2207, %reduce_sum3A_2234 : i32
    %dma_wait3A_2236 = arith.constant 0 : i32
    %dma_wait3A_2237 = tpu.memref_slice %arg5[%select_n3A, %multiple_of3A_2173, %dma_wait3A_2236] : memref<4x8192x1024xf32, #tpu.memory_space<hbm>> -> memref<1x32x1024xf32, #tpu.memory_space<hbm>>
    %dma_wait3A_2238 = tpu.memref_squeeze %dma_wait3A_2237 : memref<1x32x1024xf32, #tpu.memory_space<hbm>> -> memref<32x1024xf32, #tpu.memory_space<hbm>>
    %dma_wait3A_2239 = arith.constant 0 : i32
    %dma_wait3A_2240 = tpu.memref_slice %arg5[%select_n3A, %multiple_of3A_2173, %dma_wait3A_2239] : memref<4x8192x1024xf32, #tpu.memory_space<hbm>> -> memref<1x32x1024xf32, #tpu.memory_space<hbm>>
    %dma_wait3A_2241 = tpu.memref_squeeze %dma_wait3A_2240 : memref<1x32x1024xf32, #tpu.memory_space<hbm>> -> memref<32x1024xf32, #tpu.memory_space<hbm>>
    tpu.wait_dma2 semaphore(%arg15 : memref<!tpu.dma_semaphore, #tpu.memory_space<semaphore_mem>>) src(%arg9 : memref<32x1024xf32, #tpu.memory_space<vmem>>) dst(%dma_wait3A_2241 : memref<32x1024xf32, #tpu.memory_space<hbm>>)
    %dma_start3A_2242 = arith.constant 864 : i32
    %dma_start3A_2243 = tpu.memref_slice %arg7[%dma_start3A_2242] : memref<1024xi32, #tpu.memory_space<vmem>> -> memref<32xi32, #tpu.memory_space<vmem>>
    %dma_start3A_2244 = arith.constant 0 : i32
    %dma_start3A_2245 = arith.constant 0 : i32
    %dma_start3A_2246 = tpu.memref_slice %arg4[%dma_start3A_2244, %dma_start3A_2245] : memref<8194x1024xf32, #tpu.memory_space<hbm>> -> memref<8194x1024xf32, #tpu.memory_space<hbm>>
    tpu.enqueue_indirect_dma source(%dma_start3A_2246 : memref<8194x1024xf32, #tpu.memory_space<hbm>>) target(%arg9 : memref<32x1024xf32, #tpu.memory_space<vmem>>) offsets(%dma_start3A_2243 : memref<32xi32, #tpu.memory_space<vmem>>) semaphore(%arg12 : memref<!tpu.dma_semaphore, #tpu.memory_space<semaphore_mem>>)
    %dma_wait3A_2247 = arith.constant 800 : i32
    %dma_wait3A_2248 = tpu.memref_slice %arg7[%dma_wait3A_2247] : memref<1024xi32, #tpu.memory_space<vmem>> -> memref<32xi32, #tpu.memory_space<vmem>>
    %dma_wait3A_2249 = arith.constant 0 : i32
    %dma_wait3A_2250 = arith.constant 0 : i32
    %dma_wait3A_2251 = tpu.memref_slice %arg4[%dma_wait3A_2249, %dma_wait3A_2250] : memref<8194x1024xf32, #tpu.memory_space<hbm>> -> memref<8194x1024xf32, #tpu.memory_space<hbm>>
    tpu.wait_indirect_dma semaphore(%arg13 : memref<!tpu.dma_semaphore, #tpu.memory_space<semaphore_mem>>) src(%dma_wait3A_2251 : memref<8194x1024xf32, #tpu.memory_space<hbm>>) dst(%arg10 : memref<32x1024xf32, #tpu.memory_space<vmem>>)
    %add3A_2252 = arith.constant 800 : i32
    %add3A_2253 = arith.addi %multiple_of3A, %add3A_2252 : i32
    %multiple_of3A_2254 = tpu.assume_multiple %add3A_2253, 32 : i32
    %dma_start3A_2255 = arith.constant 0 : i32
    %dma_start3A_2256 = tpu.memref_slice %arg5[%select_n3A, %multiple_of3A_2254, %dma_start3A_2255] : memref<4x8192x1024xf32, #tpu.memory_space<hbm>> -> memref<1x32x1024xf32, #tpu.memory_space<hbm>>
    %dma_start3A_2257 = tpu.memref_squeeze %dma_start3A_2256 : memref<1x32x1024xf32, #tpu.memory_space<hbm>> -> memref<32x1024xf32, #tpu.memory_space<hbm>>
    %dma_start3A_2258 = arith.constant 0 : i32
    %dma_start3A_2259 = tpu.memref_slice %arg5[%select_n3A, %multiple_of3A_2254, %dma_start3A_2258] : memref<4x8192x1024xf32, #tpu.memory_space<hbm>> -> memref<1x32x1024xf32, #tpu.memory_space<hbm>>
    %dma_start3A_2260 = tpu.memref_squeeze %dma_start3A_2259 : memref<1x32x1024xf32, #tpu.memory_space<hbm>> -> memref<32x1024xf32, #tpu.memory_space<hbm>>
    tpu.enqueue_dma source(%arg10 : memref<32x1024xf32, #tpu.memory_space<vmem>>) target(%dma_start3A_2260 : memref<32x1024xf32, #tpu.memory_space<hbm>>) target_semaphore(%arg16 : memref<!tpu.dma_semaphore, #tpu.memory_space<semaphore_mem>>)
    %add3A_2261 = arith.constant 896 : i32
    %add3A_2262 = arith.addi %multiple_of3A, %add3A_2261 : i32
    %multiple_of3A_2263 = tpu.assume_multiple %add3A_2262, 16 : i32
    %get3A_2264 = arith.index_cast %multiple_of3A_2263 : i32 to index
    %get3A_2265 = tpu.vector_load %arg6[%get3A_2264] {strides = array<i32>} : memref<8192xi32, #tpu.memory_space<vmem>>, vector<16xi32>,
    %sub3A_2266 = arith.constant 1 : i32
    %sub3A_2267 = vector.broadcast %sub3A_2266 : i32 to vector<16xi32>
    %sub3A_2268 = arith.subi %get3A_2265, %sub3A_2267 : vector<16xi32>
    %abs3A_2269 = math.absi %sub3A_2268 : vector<16xi32>
    %min3A_2270 = arith.constant 1 : i32
    %min3A_2271 = vector.broadcast %min3A_2270 : i32 to vector<16xi32>
    %min3A_2272 = arith.minsi %abs3A_2269, %min3A_2271 : vector<16xi32>
    %broadcast_in_dim3A_2273 = arith.constant true
    %broadcast_in_dim3A_2274 = vector.broadcast %broadcast_in_dim3A_2273 : i1 to vector<16xi1>
    %masked_cumsum3A_2275 = tpu.scan <sum>, %min3A_2272 masked %broadcast_in_dim3A_2274 : vector<16xi32>, vector<16xi1> -> vector<16xi32>
    %add3A_2276 = vector.broadcast %add3A_2235 : i32 to vector<16xi32>
    %add3A_2277 = arith.addi %masked_cumsum3A_2275, %add3A_2276 : vector<16xi32>
    %mul3A_2278 = arith.muli %add3A_2277, %min3A_2272 : vector<16xi32>
    %add3A_2279 = arith.addi %mul3A_2278, %get3A_33 : vector<16xi32>
    %multiple_of3A_2280 = arith.constant 896 : i32
    %multiple_of3A_2281 = tpu.assume_multiple %multiple_of3A_2280, 16 : i32
    %swap3A_2282 = arith.index_cast %multiple_of3A_2281 : i32 to index
    %swap3A_2283 = tpu.vector_load %arg7[%swap3A_2282] {strides = array<i32>} : memref<1024xi32, #tpu.memory_space<vmem>>, vector<16xi32>,
    tpu.vector_store %arg7[%swap3A_2282], %add3A_2279 {strides = array<i32>} : memref<1024xi32, #tpu.memory_space<vmem>>, vector<16xi32>,
    %reduce_sum3A_2284 = arith.constant true
    %reduce_sum3A_2285 = vector.broadcast %reduce_sum3A_2284 : i1 to vector<16xi1>
    %reduce_sum3A_2286 = tpu.scan <sum>, %min3A_2272 masked %reduce_sum3A_2285 : vector<16xi32>, vector<16xi1> -> vector<16xi32>
    %reduce_sum3A_2287 = vector.extract %reduce_sum3A_2286[15] : i32 from vector<16xi32>
    %add3A_2288 = arith.addi %add3A_2235, %reduce_sum3A_2287 : i32
    %add3A_2289 = arith.constant 912 : i32
    %add3A_2290 = arith.addi %multiple_of3A, %add3A_2289 : i32
    %multiple_of3A_2291 = tpu.assume_multiple %add3A_2290, 16 : i32
    %get3A_2292 = arith.index_cast %multiple_of3A_2291 : i32 to index
    %get3A_2293 = tpu.vector_load %arg6[%get3A_2292] {strides = array<i32>} : memref<8192xi32, #tpu.memory_space<vmem>>, vector<16xi32>,
    %sub3A_2294 = arith.constant 1 : i32
    %sub3A_2295 = vector.broadcast %sub3A_2294 : i32 to vector<16xi32>
    %sub3A_2296 = arith.subi %get3A_2293, %sub3A_2295 : vector<16xi32>
    %abs3A_2297 = math.absi %sub3A_2296 : vector<16xi32>
    %min3A_2298 = arith.constant 1 : i32
    %min3A_2299 = vector.broadcast %min3A_2298 : i32 to vector<16xi32>
    %min3A_2300 = arith.minsi %abs3A_2297, %min3A_2299 : vector<16xi32>
    %broadcast_in_dim3A_2301 = arith.constant true
    %broadcast_in_dim3A_2302 = vector.broadcast %broadcast_in_dim3A_2301 : i1 to vector<16xi1>
    %masked_cumsum3A_2303 = tpu.scan <sum>, %min3A_2300 masked %broadcast_in_dim3A_2302 : vector<16xi32>, vector<16xi1> -> vector<16xi32>
    %add3A_2304 = vector.broadcast %add3A_2288 : i32 to vector<16xi32>
    %add3A_2305 = arith.addi %masked_cumsum3A_2303, %add3A_2304 : vector<16xi32>
    %mul3A_2306 = arith.muli %add3A_2305, %min3A_2300 : vector<16xi32>
    %add3A_2307 = arith.addi %mul3A_2306, %get3A_33 : vector<16xi32>
    %multiple_of3A_2308 = arith.constant 912 : i32
    %multiple_of3A_2309 = tpu.assume_multiple %multiple_of3A_2308, 16 : i32
    %swap3A_2310 = arith.index_cast %multiple_of3A_2309 : i32 to index
    %swap3A_2311 = tpu.vector_load %arg7[%swap3A_2310] {strides = array<i32>} : memref<1024xi32, #tpu.memory_space<vmem>>, vector<16xi32>,
    tpu.vector_store %arg7[%swap3A_2310], %add3A_2307 {strides = array<i32>} : memref<1024xi32, #tpu.memory_space<vmem>>, vector<16xi32>,
    %reduce_sum3A_2312 = arith.constant true
    %reduce_sum3A_2313 = vector.broadcast %reduce_sum3A_2312 : i1 to vector<16xi1>
    %reduce_sum3A_2314 = tpu.scan <sum>, %min3A_2300 masked %reduce_sum3A_2313 : vector<16xi32>, vector<16xi1> -> vector<16xi32>
    %reduce_sum3A_2315 = vector.extract %reduce_sum3A_2314[15] : i32 from vector<16xi32>
    %add3A_2316 = arith.addi %add3A_2288, %reduce_sum3A_2315 : i32
    %dma_wait3A_2317 = arith.constant 0 : i32
    %dma_wait3A_2318 = tpu.memref_slice %arg5[%select_n3A, %multiple_of3A_2254, %dma_wait3A_2317] : memref<4x8192x1024xf32, #tpu.memory_space<hbm>> -> memref<1x32x1024xf32, #tpu.memory_space<hbm>>
    %dma_wait3A_2319 = tpu.memref_squeeze %dma_wait3A_2318 : memref<1x32x1024xf32, #tpu.memory_space<hbm>> -> memref<32x1024xf32, #tpu.memory_space<hbm>>
    %dma_wait3A_2320 = arith.constant 0 : i32
    %dma_wait3A_2321 = tpu.memref_slice %arg5[%select_n3A, %multiple_of3A_2254, %dma_wait3A_2320] : memref<4x8192x1024xf32, #tpu.memory_space<hbm>> -> memref<1x32x1024xf32, #tpu.memory_space<hbm>>
    %dma_wait3A_2322 = tpu.memref_squeeze %dma_wait3A_2321 : memref<1x32x1024xf32, #tpu.memory_space<hbm>> -> memref<32x1024xf32, #tpu.memory_space<hbm>>
    tpu.wait_dma2 semaphore(%arg16 : memref<!tpu.dma_semaphore, #tpu.memory_space<semaphore_mem>>) src(%arg10 : memref<32x1024xf32, #tpu.memory_space<vmem>>) dst(%dma_wait3A_2322 : memref<32x1024xf32, #tpu.memory_space<hbm>>)
    %dma_start3A_2323 = arith.constant 896 : i32
    %dma_start3A_2324 = tpu.memref_slice %arg7[%dma_start3A_2323] : memref<1024xi32, #tpu.memory_space<vmem>> -> memref<32xi32, #tpu.memory_space<vmem>>
    %dma_start3A_2325 = arith.constant 0 : i32
    %dma_start3A_2326 = arith.constant 0 : i32
    %dma_start3A_2327 = tpu.memref_slice %arg4[%dma_start3A_2325, %dma_start3A_2326] : memref<8194x1024xf32, #tpu.memory_space<hbm>> -> memref<8194x1024xf32, #tpu.memory_space<hbm>>
    tpu.enqueue_indirect_dma source(%dma_start3A_2327 : memref<8194x1024xf32, #tpu.memory_space<hbm>>) target(%arg10 : memref<32x1024xf32, #tpu.memory_space<vmem>>) offsets(%dma_start3A_2324 : memref<32xi32, #tpu.memory_space<vmem>>) semaphore(%arg13 : memref<!tpu.dma_semaphore, #tpu.memory_space<semaphore_mem>>)
    %dma_wait3A_2328 = arith.constant 832 : i32
    %dma_wait3A_2329 = tpu.memref_slice %arg7[%dma_wait3A_2328] : memref<1024xi32, #tpu.memory_space<vmem>> -> memref<32xi32, #tpu.memory_space<vmem>>
    %dma_wait3A_2330 = arith.constant 0 : i32
    %dma_wait3A_2331 = arith.constant 0 : i32
    %dma_wait3A_2332 = tpu.memref_slice %arg4[%dma_wait3A_2330, %dma_wait3A_2331] : memref<8194x1024xf32, #tpu.memory_space<hbm>> -> memref<8194x1024xf32, #tpu.memory_space<hbm>>
    tpu.wait_indirect_dma semaphore(%arg14 : memref<!tpu.dma_semaphore, #tpu.memory_space<semaphore_mem>>) src(%dma_wait3A_2332 : memref<8194x1024xf32, #tpu.memory_space<hbm>>) dst(%arg11 : memref<32x1024xf32, #tpu.memory_space<vmem>>)
    %add3A_2333 = arith.constant 832 : i32
    %add3A_2334 = arith.addi %multiple_of3A, %add3A_2333 : i32
    %multiple_of3A_2335 = tpu.assume_multiple %add3A_2334, 32 : i32
    %dma_start3A_2336 = arith.constant 0 : i32
    %dma_start3A_2337 = tpu.memref_slice %arg5[%select_n3A, %multiple_of3A_2335, %dma_start3A_2336] : memref<4x8192x1024xf32, #tpu.memory_space<hbm>> -> memref<1x32x1024xf32, #tpu.memory_space<hbm>>
    %dma_start3A_2338 = tpu.memref_squeeze %dma_start3A_2337 : memref<1x32x1024xf32, #tpu.memory_space<hbm>> -> memref<32x1024xf32, #tpu.memory_space<hbm>>
    %dma_start3A_2339 = arith.constant 0 : i32
    %dma_start3A_2340 = tpu.memref_slice %arg5[%select_n3A, %multiple_of3A_2335, %dma_start3A_2339] : memref<4x8192x1024xf32, #tpu.memory_space<hbm>> -> memref<1x32x1024xf32, #tpu.memory_space<hbm>>
    %dma_start3A_2341 = tpu.memref_squeeze %dma_start3A_2340 : memref<1x32x1024xf32, #tpu.memory_space<hbm>> -> memref<32x1024xf32, #tpu.memory_space<hbm>>
    tpu.enqueue_dma source(%arg11 : memref<32x1024xf32, #tpu.memory_space<vmem>>) target(%dma_start3A_2341 : memref<32x1024xf32, #tpu.memory_space<hbm>>) target_semaphore(%arg17 : memref<!tpu.dma_semaphore, #tpu.memory_space<semaphore_mem>>)
    %add3A_2342 = arith.constant 928 : i32
    %add3A_2343 = arith.addi %multiple_of3A, %add3A_2342 : i32
    %multiple_of3A_2344 = tpu.assume_multiple %add3A_2343, 16 : i32
    %get3A_2345 = arith.index_cast %multiple_of3A_2344 : i32 to index
    %get3A_2346 = tpu.vector_load %arg6[%get3A_2345] {strides = array<i32>} : memref<8192xi32, #tpu.memory_space<vmem>>, vector<16xi32>,
    %sub3A_2347 = arith.constant 1 : i32
    %sub3A_2348 = vector.broadcast %sub3A_2347 : i32 to vector<16xi32>
    %sub3A_2349 = arith.subi %get3A_2346, %sub3A_2348 : vector<16xi32>
    %abs3A_2350 = math.absi %sub3A_2349 : vector<16xi32>
    %min3A_2351 = arith.constant 1 : i32
    %min3A_2352 = vector.broadcast %min3A_2351 : i32 to vector<16xi32>
    %min3A_2353 = arith.minsi %abs3A_2350, %min3A_2352 : vector<16xi32>
    %broadcast_in_dim3A_2354 = arith.constant true
    %broadcast_in_dim3A_2355 = vector.broadcast %broadcast_in_dim3A_2354 : i1 to vector<16xi1>
    %masked_cumsum3A_2356 = tpu.scan <sum>, %min3A_2353 masked %broadcast_in_dim3A_2355 : vector<16xi32>, vector<16xi1> -> vector<16xi32>
    %add3A_2357 = vector.broadcast %add3A_2316 : i32 to vector<16xi32>
    %add3A_2358 = arith.addi %masked_cumsum3A_2356, %add3A_2357 : vector<16xi32>
    %mul3A_2359 = arith.muli %add3A_2358, %min3A_2353 : vector<16xi32>
    %add3A_2360 = arith.addi %mul3A_2359, %get3A_33 : vector<16xi32>
    %multiple_of3A_2361 = arith.constant 928 : i32
    %multiple_of3A_2362 = tpu.assume_multiple %multiple_of3A_2361, 16 : i32
    %swap3A_2363 = arith.index_cast %multiple_of3A_2362 : i32 to index
    %swap3A_2364 = tpu.vector_load %arg7[%swap3A_2363] {strides = array<i32>} : memref<1024xi32, #tpu.memory_space<vmem>>, vector<16xi32>,
    tpu.vector_store %arg7[%swap3A_2363], %add3A_2360 {strides = array<i32>} : memref<1024xi32, #tpu.memory_space<vmem>>, vector<16xi32>,
    %reduce_sum3A_2365 = arith.constant true
    %reduce_sum3A_2366 = vector.broadcast %reduce_sum3A_2365 : i1 to vector<16xi1>
    %reduce_sum3A_2367 = tpu.scan <sum>, %min3A_2353 masked %reduce_sum3A_2366 : vector<16xi32>, vector<16xi1> -> vector<16xi32>
    %reduce_sum3A_2368 = vector.extract %reduce_sum3A_2367[15] : i32 from vector<16xi32>
    %add3A_2369 = arith.addi %add3A_2316, %reduce_sum3A_2368 : i32
    %add3A_2370 = arith.constant 944 : i32
    %add3A_2371 = arith.addi %multiple_of3A, %add3A_2370 : i32
    %multiple_of3A_2372 = tpu.assume_multiple %add3A_2371, 16 : i32
    %get3A_2373 = arith.index_cast %multiple_of3A_2372 : i32 to index
    %get3A_2374 = tpu.vector_load %arg6[%get3A_2373] {strides = array<i32>} : memref<8192xi32, #tpu.memory_space<vmem>>, vector<16xi32>,
    %sub3A_2375 = arith.constant 1 : i32
    %sub3A_2376 = vector.broadcast %sub3A_2375 : i32 to vector<16xi32>
    %sub3A_2377 = arith.subi %get3A_2374, %sub3A_2376 : vector<16xi32>
    %abs3A_2378 = math.absi %sub3A_2377 : vector<16xi32>
    %min3A_2379 = arith.constant 1 : i32
    %min3A_2380 = vector.broadcast %min3A_2379 : i32 to vector<16xi32>
    %min3A_2381 = arith.minsi %abs3A_2378, %min3A_2380 : vector<16xi32>
    %broadcast_in_dim3A_2382 = arith.constant true
    %broadcast_in_dim3A_2383 = vector.broadcast %broadcast_in_dim3A_2382 : i1 to vector<16xi1>
    %masked_cumsum3A_2384 = tpu.scan <sum>, %min3A_2381 masked %broadcast_in_dim3A_2383 : vector<16xi32>, vector<16xi1> -> vector<16xi32>
    %add3A_2385 = vector.broadcast %add3A_2369 : i32 to vector<16xi32>
    %add3A_2386 = arith.addi %masked_cumsum3A_2384, %add3A_2385 : vector<16xi32>
    %mul3A_2387 = arith.muli %add3A_2386, %min3A_2381 : vector<16xi32>
    %add3A_2388 = arith.addi %mul3A_2387, %get3A_33 : vector<16xi32>
    %multiple_of3A_2389 = arith.constant 944 : i32
    %multiple_of3A_2390 = tpu.assume_multiple %multiple_of3A_2389, 16 : i32
    %swap3A_2391 = arith.index_cast %multiple_of3A_2390 : i32 to index
    %swap3A_2392 = tpu.vector_load %arg7[%swap3A_2391] {strides = array<i32>} : memref<1024xi32, #tpu.memory_space<vmem>>, vector<16xi32>,
    tpu.vector_store %arg7[%swap3A_2391], %add3A_2388 {strides = array<i32>} : memref<1024xi32, #tpu.memory_space<vmem>>, vector<16xi32>,
    %reduce_sum3A_2393 = arith.constant true
    %reduce_sum3A_2394 = vector.broadcast %reduce_sum3A_2393 : i1 to vector<16xi1>
    %reduce_sum3A_2395 = tpu.scan <sum>, %min3A_2381 masked %reduce_sum3A_2394 : vector<16xi32>, vector<16xi1> -> vector<16xi32>
    %reduce_sum3A_2396 = vector.extract %reduce_sum3A_2395[15] : i32 from vector<16xi32>
    %add3A_2397 = arith.addi %add3A_2369, %reduce_sum3A_2396 : i32
    %dma_wait3A_2398 = arith.constant 0 : i32
    %dma_wait3A_2399 = tpu.memref_slice %arg5[%select_n3A, %multiple_of3A_2335, %dma_wait3A_2398] : memref<4x8192x1024xf32, #tpu.memory_space<hbm>> -> memref<1x32x1024xf32, #tpu.memory_space<hbm>>
    %dma_wait3A_2400 = tpu.memref_squeeze %dma_wait3A_2399 : memref<1x32x1024xf32, #tpu.memory_space<hbm>> -> memref<32x1024xf32, #tpu.memory_space<hbm>>
    %dma_wait3A_2401 = arith.constant 0 : i32
    %dma_wait3A_2402 = tpu.memref_slice %arg5[%select_n3A, %multiple_of3A_2335, %dma_wait3A_2401] : memref<4x8192x1024xf32, #tpu.memory_space<hbm>> -> memref<1x32x1024xf32, #tpu.memory_space<hbm>>
    %dma_wait3A_2403 = tpu.memref_squeeze %dma_wait3A_2402 : memref<1x32x1024xf32, #tpu.memory_space<hbm>> -> memref<32x1024xf32, #tpu.memory_space<hbm>>
    tpu.wait_dma2 semaphore(%arg17 : memref<!tpu.dma_semaphore, #tpu.memory_space<semaphore_mem>>) src(%arg11 : memref<32x1024xf32, #tpu.memory_space<vmem>>) dst(%dma_wait3A_2403 : memref<32x1024xf32, #tpu.memory_space<hbm>>)
    %dma_start3A_2404 = arith.constant 928 : i32
    %dma_start3A_2405 = tpu.memref_slice %arg7[%dma_start3A_2404] : memref<1024xi32, #tpu.memory_space<vmem>> -> memref<32xi32, #tpu.memory_space<vmem>>
    %dma_start3A_2406 = arith.constant 0 : i32
    %dma_start3A_2407 = arith.constant 0 : i32
    %dma_start3A_2408 = tpu.memref_slice %arg4[%dma_start3A_2406, %dma_start3A_2407] : memref<8194x1024xf32, #tpu.memory_space<hbm>> -> memref<8194x1024xf32, #tpu.memory_space<hbm>>
    tpu.enqueue_indirect_dma source(%dma_start3A_2408 : memref<8194x1024xf32, #tpu.memory_space<hbm>>) target(%arg11 : memref<32x1024xf32, #tpu.memory_space<vmem>>) offsets(%dma_start3A_2405 : memref<32xi32, #tpu.memory_space<vmem>>) semaphore(%arg14 : memref<!tpu.dma_semaphore, #tpu.memory_space<semaphore_mem>>)
    %dma_wait3A_2409 = arith.constant 864 : i32
    %dma_wait3A_2410 = tpu.memref_slice %arg7[%dma_wait3A_2409] : memref<1024xi32, #tpu.memory_space<vmem>> -> memref<32xi32, #tpu.memory_space<vmem>>
    %dma_wait3A_2411 = arith.constant 0 : i32
    %dma_wait3A_2412 = arith.constant 0 : i32
    %dma_wait3A_2413 = tpu.memref_slice %arg4[%dma_wait3A_2411, %dma_wait3A_2412] : memref<8194x1024xf32, #tpu.memory_space<hbm>> -> memref<8194x1024xf32, #tpu.memory_space<hbm>>
    tpu.wait_indirect_dma semaphore(%arg12 : memref<!tpu.dma_semaphore, #tpu.memory_space<semaphore_mem>>) src(%dma_wait3A_2413 : memref<8194x1024xf32, #tpu.memory_space<hbm>>) dst(%arg9 : memref<32x1024xf32, #tpu.memory_space<vmem>>)
    %add3A_2414 = arith.constant 864 : i32
    %add3A_2415 = arith.addi %multiple_of3A, %add3A_2414 : i32
    %multiple_of3A_2416 = tpu.assume_multiple %add3A_2415, 32 : i32
    %dma_start3A_2417 = arith.constant 0 : i32
    %dma_start3A_2418 = tpu.memref_slice %arg5[%select_n3A, %multiple_of3A_2416, %dma_start3A_2417] : memref<4x8192x1024xf32, #tpu.memory_space<hbm>> -> memref<1x32x1024xf32, #tpu.memory_space<hbm>>
    %dma_start3A_2419 = tpu.memref_squeeze %dma_start3A_2418 : memref<1x32x1024xf32, #tpu.memory_space<hbm>> -> memref<32x1024xf32, #tpu.memory_space<hbm>>
    %dma_start3A_2420 = arith.constant 0 : i32
    %dma_start3A_2421 = tpu.memref_slice %arg5[%select_n3A, %multiple_of3A_2416, %dma_start3A_2420] : memref<4x8192x1024xf32, #tpu.memory_space<hbm>> -> memref<1x32x1024xf32, #tpu.memory_space<hbm>>
    %dma_start3A_2422 = tpu.memref_squeeze %dma_start3A_2421 : memref<1x32x1024xf32, #tpu.memory_space<hbm>> -> memref<32x1024xf32, #tpu.memory_space<hbm>>
    tpu.enqueue_dma source(%arg9 : memref<32x1024xf32, #tpu.memory_space<vmem>>) target(%dma_start3A_2422 : memref<32x1024xf32, #tpu.memory_space<hbm>>) target_semaphore(%arg15 : memref<!tpu.dma_semaphore, #tpu.memory_space<semaphore_mem>>)
    %add3A_2423 = arith.constant 960 : i32
    %add3A_2424 = arith.addi %multiple_of3A, %add3A_2423 : i32
    %multiple_of3A_2425 = tpu.assume_multiple %add3A_2424, 16 : i32
    %get3A_2426 = arith.index_cast %multiple_of3A_2425 : i32 to index
    %get3A_2427 = tpu.vector_load %arg6[%get3A_2426] {strides = array<i32>} : memref<8192xi32, #tpu.memory_space<vmem>>, vector<16xi32>,
    %sub3A_2428 = arith.constant 1 : i32
    %sub3A_2429 = vector.broadcast %sub3A_2428 : i32 to vector<16xi32>
    %sub3A_2430 = arith.subi %get3A_2427, %sub3A_2429 : vector<16xi32>
    %abs3A_2431 = math.absi %sub3A_2430 : vector<16xi32>
    %min3A_2432 = arith.constant 1 : i32
    %min3A_2433 = vector.broadcast %min3A_2432 : i32 to vector<16xi32>
    %min3A_2434 = arith.minsi %abs3A_2431, %min3A_2433 : vector<16xi32>
    %broadcast_in_dim3A_2435 = arith.constant true
    %broadcast_in_dim3A_2436 = vector.broadcast %broadcast_in_dim3A_2435 : i1 to vector<16xi1>
    %masked_cumsum3A_2437 = tpu.scan <sum>, %min3A_2434 masked %broadcast_in_dim3A_2436 : vector<16xi32>, vector<16xi1> -> vector<16xi32>
    %add3A_2438 = vector.broadcast %add3A_2397 : i32 to vector<16xi32>
    %add3A_2439 = arith.addi %masked_cumsum3A_2437, %add3A_2438 : vector<16xi32>
    %mul3A_2440 = arith.muli %add3A_2439, %min3A_2434 : vector<16xi32>
    %add3A_2441 = arith.addi %mul3A_2440, %get3A_33 : vector<16xi32>
    %multiple_of3A_2442 = arith.constant 960 : i32
    %multiple_of3A_2443 = tpu.assume_multiple %multiple_of3A_2442, 16 : i32
    %swap3A_2444 = arith.index_cast %multiple_of3A_2443 : i32 to index
    %swap3A_2445 = tpu.vector_load %arg7[%swap3A_2444] {strides = array<i32>} : memref<1024xi32, #tpu.memory_space<vmem>>, vector<16xi32>,
    tpu.vector_store %arg7[%swap3A_2444], %add3A_2441 {strides = array<i32>} : memref<1024xi32, #tpu.memory_space<vmem>>, vector<16xi32>,
    %reduce_sum3A_2446 = arith.constant true
    %reduce_sum3A_2447 = vector.broadcast %reduce_sum3A_2446 : i1 to vector<16xi1>
    %reduce_sum3A_2448 = tpu.scan <sum>, %min3A_2434 masked %reduce_sum3A_2447 : vector<16xi32>, vector<16xi1> -> vector<16xi32>
    %reduce_sum3A_2449 = vector.extract %reduce_sum3A_2448[15] : i32 from vector<16xi32>
    %add3A_2450 = arith.addi %add3A_2397, %reduce_sum3A_2449 : i32
    %add3A_2451 = arith.constant 976 : i32
    %add3A_2452 = arith.addi %multiple_of3A, %add3A_2451 : i32
    %multiple_of3A_2453 = tpu.assume_multiple %add3A_2452, 16 : i32
    %get3A_2454 = arith.index_cast %multiple_of3A_2453 : i32 to index
    %get3A_2455 = tpu.vector_load %arg6[%get3A_2454] {strides = array<i32>} : memref<8192xi32, #tpu.memory_space<vmem>>, vector<16xi32>,
    %sub3A_2456 = arith.constant 1 : i32
    %sub3A_2457 = vector.broadcast %sub3A_2456 : i32 to vector<16xi32>
    %sub3A_2458 = arith.subi %get3A_2455, %sub3A_2457 : vector<16xi32>
    %abs3A_2459 = math.absi %sub3A_2458 : vector<16xi32>
    %min3A_2460 = arith.constant 1 : i32
    %min3A_2461 = vector.broadcast %min3A_2460 : i32 to vector<16xi32>
    %min3A_2462 = arith.minsi %abs3A_2459, %min3A_2461 : vector<16xi32>
    %broadcast_in_dim3A_2463 = arith.constant true
    %broadcast_in_dim3A_2464 = vector.broadcast %broadcast_in_dim3A_2463 : i1 to vector<16xi1>
    %masked_cumsum3A_2465 = tpu.scan <sum>, %min3A_2462 masked %broadcast_in_dim3A_2464 : vector<16xi32>, vector<16xi1> -> vector<16xi32>
    %add3A_2466 = vector.broadcast %add3A_2450 : i32 to vector<16xi32>
    %add3A_2467 = arith.addi %masked_cumsum3A_2465, %add3A_2466 : vector<16xi32>
    %mul3A_2468 = arith.muli %add3A_2467, %min3A_2462 : vector<16xi32>
    %add3A_2469 = arith.addi %mul3A_2468, %get3A_33 : vector<16xi32>
    %multiple_of3A_2470 = arith.constant 976 : i32
    %multiple_of3A_2471 = tpu.assume_multiple %multiple_of3A_2470, 16 : i32
    %swap3A_2472 = arith.index_cast %multiple_of3A_2471 : i32 to index
    %swap3A_2473 = tpu.vector_load %arg7[%swap3A_2472] {strides = array<i32>} : memref<1024xi32, #tpu.memory_space<vmem>>, vector<16xi32>,
    tpu.vector_store %arg7[%swap3A_2472], %add3A_2469 {strides = array<i32>} : memref<1024xi32, #tpu.memory_space<vmem>>, vector<16xi32>,
    %reduce_sum3A_2474 = arith.constant true
    %reduce_sum3A_2475 = vector.broadcast %reduce_sum3A_2474 : i1 to vector<16xi1>
    %reduce_sum3A_2476 = tpu.scan <sum>, %min3A_2462 masked %reduce_sum3A_2475 : vector<16xi32>, vector<16xi1> -> vector<16xi32>
    %reduce_sum3A_2477 = vector.extract %reduce_sum3A_2476[15] : i32 from vector<16xi32>
    %add3A_2478 = arith.addi %add3A_2450, %reduce_sum3A_2477 : i32
    %dma_wait3A_2479 = arith.constant 0 : i32
    %dma_wait3A_2480 = tpu.memref_slice %arg5[%select_n3A, %multiple_of3A_2416, %dma_wait3A_2479] : memref<4x8192x1024xf32, #tpu.memory_space<hbm>> -> memref<1x32x1024xf32, #tpu.memory_space<hbm>>
    %dma_wait3A_2481 = tpu.memref_squeeze %dma_wait3A_2480 : memref<1x32x1024xf32, #tpu.memory_space<hbm>> -> memref<32x1024xf32, #tpu.memory_space<hbm>>
    %dma_wait3A_2482 = arith.constant 0 : i32
    %dma_wait3A_2483 = tpu.memref_slice %arg5[%select_n3A, %multiple_of3A_2416, %dma_wait3A_2482] : memref<4x8192x1024xf32, #tpu.memory_space<hbm>> -> memref<1x32x1024xf32, #tpu.memory_space<hbm>>
    %dma_wait3A_2484 = tpu.memref_squeeze %dma_wait3A_2483 : memref<1x32x1024xf32, #tpu.memory_space<hbm>> -> memref<32x1024xf32, #tpu.memory_space<hbm>>
    tpu.wait_dma2 semaphore(%arg15 : memref<!tpu.dma_semaphore, #tpu.memory_space<semaphore_mem>>) src(%arg9 : memref<32x1024xf32, #tpu.memory_space<vmem>>) dst(%dma_wait3A_2484 : memref<32x1024xf32, #tpu.memory_space<hbm>>)
    %dma_start3A_2485 = arith.constant 960 : i32
    %dma_start3A_2486 = tpu.memref_slice %arg7[%dma_start3A_2485] : memref<1024xi32, #tpu.memory_space<vmem>> -> memref<32xi32, #tpu.memory_space<vmem>>
    %dma_start3A_2487 = arith.constant 0 : i32
    %dma_start3A_2488 = arith.constant 0 : i32
    %dma_start3A_2489 = tpu.memref_slice %arg4[%dma_start3A_2487, %dma_start3A_2488] : memref<8194x1024xf32, #tpu.memory_space<hbm>> -> memref<8194x1024xf32, #tpu.memory_space<hbm>>
    tpu.enqueue_indirect_dma source(%dma_start3A_2489 : memref<8194x1024xf32, #tpu.memory_space<hbm>>) target(%arg9 : memref<32x1024xf32, #tpu.memory_space<vmem>>) offsets(%dma_start3A_2486 : memref<32xi32, #tpu.memory_space<vmem>>) semaphore(%arg12 : memref<!tpu.dma_semaphore, #tpu.memory_space<semaphore_mem>>)
    %dma_wait3A_2490 = arith.constant 896 : i32
    %dma_wait3A_2491 = tpu.memref_slice %arg7[%dma_wait3A_2490] : memref<1024xi32, #tpu.memory_space<vmem>> -> memref<32xi32, #tpu.memory_space<vmem>>
    %dma_wait3A_2492 = arith.constant 0 : i32
    %dma_wait3A_2493 = arith.constant 0 : i32
    %dma_wait3A_2494 = tpu.memref_slice %arg4[%dma_wait3A_2492, %dma_wait3A_2493] : memref<8194x1024xf32, #tpu.memory_space<hbm>> -> memref<8194x1024xf32, #tpu.memory_space<hbm>>
    tpu.wait_indirect_dma semaphore(%arg13 : memref<!tpu.dma_semaphore, #tpu.memory_space<semaphore_mem>>) src(%dma_wait3A_2494 : memref<8194x1024xf32, #tpu.memory_space<hbm>>) dst(%arg10 : memref<32x1024xf32, #tpu.memory_space<vmem>>)
    %add3A_2495 = arith.constant 896 : i32
    %add3A_2496 = arith.addi %multiple_of3A, %add3A_2495 : i32
    %multiple_of3A_2497 = tpu.assume_multiple %add3A_2496, 32 : i32
    %dma_start3A_2498 = arith.constant 0 : i32
    %dma_start3A_2499 = tpu.memref_slice %arg5[%select_n3A, %multiple_of3A_2497, %dma_start3A_2498] : memref<4x8192x1024xf32, #tpu.memory_space<hbm>> -> memref<1x32x1024xf32, #tpu.memory_space<hbm>>
    %dma_start3A_2500 = tpu.memref_squeeze %dma_start3A_2499 : memref<1x32x1024xf32, #tpu.memory_space<hbm>> -> memref<32x1024xf32, #tpu.memory_space<hbm>>
    %dma_start3A_2501 = arith.constant 0 : i32
    %dma_start3A_2502 = tpu.memref_slice %arg5[%select_n3A, %multiple_of3A_2497, %dma_start3A_2501] : memref<4x8192x1024xf32, #tpu.memory_space<hbm>> -> memref<1x32x1024xf32, #tpu.memory_space<hbm>>
    %dma_start3A_2503 = tpu.memref_squeeze %dma_start3A_2502 : memref<1x32x1024xf32, #tpu.memory_space<hbm>> -> memref<32x1024xf32, #tpu.memory_space<hbm>>
    tpu.enqueue_dma source(%arg10 : memref<32x1024xf32, #tpu.memory_space<vmem>>) target(%dma_start3A_2503 : memref<32x1024xf32, #tpu.memory_space<hbm>>) target_semaphore(%arg16 : memref<!tpu.dma_semaphore, #tpu.memory_space<semaphore_mem>>)
    %add3A_2504 = arith.constant 992 : i32
    %add3A_2505 = arith.addi %multiple_of3A, %add3A_2504 : i32
    %multiple_of3A_2506 = tpu.assume_multiple %add3A_2505, 16 : i32
    %get3A_2507 = arith.index_cast %multiple_of3A_2506 : i32 to index
    %get3A_2508 = tpu.vector_load %arg6[%get3A_2507] {strides = array<i32>} : memref<8192xi32, #tpu.memory_space<vmem>>, vector<16xi32>,
    %sub3A_2509 = arith.constant 1 : i32
    %sub3A_2510 = vector.broadcast %sub3A_2509 : i32 to vector<16xi32>
    %sub3A_2511 = arith.subi %get3A_2508, %sub3A_2510 : vector<16xi32>
    %abs3A_2512 = math.absi %sub3A_2511 : vector<16xi32>
    %min3A_2513 = arith.constant 1 : i32
    %min3A_2514 = vector.broadcast %min3A_2513 : i32 to vector<16xi32>
    %min3A_2515 = arith.minsi %abs3A_2512, %min3A_2514 : vector<16xi32>
    %broadcast_in_dim3A_2516 = arith.constant true
    %broadcast_in_dim3A_2517 = vector.broadcast %broadcast_in_dim3A_2516 : i1 to vector<16xi1>
    %masked_cumsum3A_2518 = tpu.scan <sum>, %min3A_2515 masked %broadcast_in_dim3A_2517 : vector<16xi32>, vector<16xi1> -> vector<16xi32>
    %add3A_2519 = vector.broadcast %add3A_2478 : i32 to vector<16xi32>
    %add3A_2520 = arith.addi %masked_cumsum3A_2518, %add3A_2519 : vector<16xi32>
    %mul3A_2521 = arith.muli %add3A_2520, %min3A_2515 : vector<16xi32>
    %add3A_2522 = arith.addi %mul3A_2521, %get3A_33 : vector<16xi32>
    %multiple_of3A_2523 = arith.constant 992 : i32
    %multiple_of3A_2524 = tpu.assume_multiple %multiple_of3A_2523, 16 : i32
    %swap3A_2525 = arith.index_cast %multiple_of3A_2524 : i32 to index
    %swap3A_2526 = tpu.vector_load %arg7[%swap3A_2525] {strides = array<i32>} : memref<1024xi32, #tpu.memory_space<vmem>>, vector<16xi32>,
    tpu.vector_store %arg7[%swap3A_2525], %add3A_2522 {strides = array<i32>} : memref<1024xi32, #tpu.memory_space<vmem>>, vector<16xi32>,
    %reduce_sum3A_2527 = arith.constant true
    %reduce_sum3A_2528 = vector.broadcast %reduce_sum3A_2527 : i1 to vector<16xi1>
    %reduce_sum3A_2529 = tpu.scan <sum>, %min3A_2515 masked %reduce_sum3A_2528 : vector<16xi32>, vector<16xi1> -> vector<16xi32>
    %reduce_sum3A_2530 = vector.extract %reduce_sum3A_2529[15] : i32 from vector<16xi32>
    %add3A_2531 = arith.addi %add3A_2478, %reduce_sum3A_2530 : i32
    %add3A_2532 = arith.constant 1008 : i32
    %add3A_2533 = arith.addi %multiple_of3A, %add3A_2532 : i32
    %multiple_of3A_2534 = tpu.assume_multiple %add3A_2533, 16 : i32
    %get3A_2535 = arith.index_cast %multiple_of3A_2534 : i32 to index
    %get3A_2536 = tpu.vector_load %arg6[%get3A_2535] {strides = array<i32>} : memref<8192xi32, #tpu.memory_space<vmem>>, vector<16xi32>,
    %sub3A_2537 = arith.constant 1 : i32
    %sub3A_2538 = vector.broadcast %sub3A_2537 : i32 to vector<16xi32>
    %sub3A_2539 = arith.subi %get3A_2536, %sub3A_2538 : vector<16xi32>
    %abs3A_2540 = math.absi %sub3A_2539 : vector<16xi32>
    %min3A_2541 = arith.constant 1 : i32
    %min3A_2542 = vector.broadcast %min3A_2541 : i32 to vector<16xi32>
    %min3A_2543 = arith.minsi %abs3A_2540, %min3A_2542 : vector<16xi32>
    %broadcast_in_dim3A_2544 = arith.constant true
    %broadcast_in_dim3A_2545 = vector.broadcast %broadcast_in_dim3A_2544 : i1 to vector<16xi1>
    %masked_cumsum3A_2546 = tpu.scan <sum>, %min3A_2543 masked %broadcast_in_dim3A_2545 : vector<16xi32>, vector<16xi1> -> vector<16xi32>
    %add3A_2547 = vector.broadcast %add3A_2531 : i32 to vector<16xi32>
    %add3A_2548 = arith.addi %masked_cumsum3A_2546, %add3A_2547 : vector<16xi32>
    %mul3A_2549 = arith.muli %add3A_2548, %min3A_2543 : vector<16xi32>
    %add3A_2550 = arith.addi %mul3A_2549, %get3A_33 : vector<16xi32>
    %multiple_of3A_2551 = arith.constant 1008 : i32
    %multiple_of3A_2552 = tpu.assume_multiple %multiple_of3A_2551, 16 : i32
    %swap3A_2553 = arith.index_cast %multiple_of3A_2552 : i32 to index
    %swap3A_2554 = tpu.vector_load %arg7[%swap3A_2553] {strides = array<i32>} : memref<1024xi32, #tpu.memory_space<vmem>>, vector<16xi32>,
    tpu.vector_store %arg7[%swap3A_2553], %add3A_2550 {strides = array<i32>} : memref<1024xi32, #tpu.memory_space<vmem>>, vector<16xi32>,
    %reduce_sum3A_2555 = arith.constant true
    %reduce_sum3A_2556 = vector.broadcast %reduce_sum3A_2555 : i1 to vector<16xi1>
    %reduce_sum3A_2557 = tpu.scan <sum>, %min3A_2543 masked %reduce_sum3A_2556 : vector<16xi32>, vector<16xi1> -> vector<16xi32>
    %reduce_sum3A_2558 = vector.extract %reduce_sum3A_2557[15] : i32 from vector<16xi32>
    %add3A_2559 = arith.addi %add3A_2531, %reduce_sum3A_2558 : i32
    %dma_wait3A_2560 = arith.constant 0 : i32
    %dma_wait3A_2561 = tpu.memref_slice %arg5[%select_n3A, %multiple_of3A_2497, %dma_wait3A_2560] : memref<4x8192x1024xf32, #tpu.memory_space<hbm>> -> memref<1x32x1024xf32, #tpu.memory_space<hbm>>
    %dma_wait3A_2562 = tpu.memref_squeeze %dma_wait3A_2561 : memref<1x32x1024xf32, #tpu.memory_space<hbm>> -> memref<32x1024xf32, #tpu.memory_space<hbm>>
    %dma_wait3A_2563 = arith.constant 0 : i32
    %dma_wait3A_2564 = tpu.memref_slice %arg5[%select_n3A, %multiple_of3A_2497, %dma_wait3A_2563] : memref<4x8192x1024xf32, #tpu.memory_space<hbm>> -> memref<1x32x1024xf32, #tpu.memory_space<hbm>>
    %dma_wait3A_2565 = tpu.memref_squeeze %dma_wait3A_2564 : memref<1x32x1024xf32, #tpu.memory_space<hbm>> -> memref<32x1024xf32, #tpu.memory_space<hbm>>
    tpu.wait_dma2 semaphore(%arg16 : memref<!tpu.dma_semaphore, #tpu.memory_space<semaphore_mem>>) src(%arg10 : memref<32x1024xf32, #tpu.memory_space<vmem>>) dst(%dma_wait3A_2565 : memref<32x1024xf32, #tpu.memory_space<hbm>>)
    %dma_start3A_2566 = arith.constant 992 : i32
    %dma_start3A_2567 = tpu.memref_slice %arg7[%dma_start3A_2566] : memref<1024xi32, #tpu.memory_space<vmem>> -> memref<32xi32, #tpu.memory_space<vmem>>
    %dma_start3A_2568 = arith.constant 0 : i32
    %dma_start3A_2569 = arith.constant 0 : i32
    %dma_start3A_2570 = tpu.memref_slice %arg4[%dma_start3A_2568, %dma_start3A_2569] : memref<8194x1024xf32, #tpu.memory_space<hbm>> -> memref<8194x1024xf32, #tpu.memory_space<hbm>>
    tpu.enqueue_indirect_dma source(%dma_start3A_2570 : memref<8194x1024xf32, #tpu.memory_space<hbm>>) target(%arg10 : memref<32x1024xf32, #tpu.memory_space<vmem>>) offsets(%dma_start3A_2567 : memref<32xi32, #tpu.memory_space<vmem>>) semaphore(%arg13 : memref<!tpu.dma_semaphore, #tpu.memory_space<semaphore_mem>>)
    %dma_wait3A_2571 = arith.constant 928 : i32
    %dma_wait3A_2572 = tpu.memref_slice %arg7[%dma_wait3A_2571] : memref<1024xi32, #tpu.memory_space<vmem>> -> memref<32xi32, #tpu.memory_space<vmem>>
    %dma_wait3A_2573 = arith.constant 0 : i32
    %dma_wait3A_2574 = arith.constant 0 : i32
    %dma_wait3A_2575 = tpu.memref_slice %arg4[%dma_wait3A_2573, %dma_wait3A_2574] : memref<8194x1024xf32, #tpu.memory_space<hbm>> -> memref<8194x1024xf32, #tpu.memory_space<hbm>>
    tpu.wait_indirect_dma semaphore(%arg14 : memref<!tpu.dma_semaphore, #tpu.memory_space<semaphore_mem>>) src(%dma_wait3A_2575 : memref<8194x1024xf32, #tpu.memory_space<hbm>>) dst(%arg11 : memref<32x1024xf32, #tpu.memory_space<vmem>>)
    %add3A_2576 = arith.constant 928 : i32
    %add3A_2577 = arith.addi %multiple_of3A, %add3A_2576 : i32
    %multiple_of3A_2578 = tpu.assume_multiple %add3A_2577, 32 : i32
    %dma_start3A_2579 = arith.constant 0 : i32
    %dma_start3A_2580 = tpu.memref_slice %arg5[%select_n3A, %multiple_of3A_2578, %dma_start3A_2579] : memref<4x8192x1024xf32, #tpu.memory_space<hbm>> -> memref<1x32x1024xf32, #tpu.memory_space<hbm>>
    %dma_start3A_2581 = tpu.memref_squeeze %dma_start3A_2580 : memref<1x32x1024xf32, #tpu.memory_space<hbm>> -> memref<32x1024xf32, #tpu.memory_space<hbm>>
    %dma_start3A_2582 = arith.constant 0 : i32
    %dma_start3A_2583 = tpu.memref_slice %arg5[%select_n3A, %multiple_of3A_2578, %dma_start3A_2582] : memref<4x8192x1024xf32, #tpu.memory_space<hbm>> -> memref<1x32x1024xf32, #tpu.memory_space<hbm>>
    %dma_start3A_2584 = tpu.memref_squeeze %dma_start3A_2583 : memref<1x32x1024xf32, #tpu.memory_space<hbm>> -> memref<32x1024xf32, #tpu.memory_space<hbm>>
    tpu.enqueue_dma source(%arg11 : memref<32x1024xf32, #tpu.memory_space<vmem>>) target(%dma_start3A_2584 : memref<32x1024xf32, #tpu.memory_space<hbm>>) target_semaphore(%arg17 : memref<!tpu.dma_semaphore, #tpu.memory_space<semaphore_mem>>)
    %dma_wait3A_2585 = arith.constant 960 : i32
    %dma_wait3A_2586 = tpu.memref_slice %arg7[%dma_wait3A_2585] : memref<1024xi32, #tpu.memory_space<vmem>> -> memref<32xi32, #tpu.memory_space<vmem>>
    %dma_wait3A_2587 = arith.constant 0 : i32
    %dma_wait3A_2588 = arith.constant 0 : i32
    %dma_wait3A_2589 = tpu.memref_slice %arg4[%dma_wait3A_2587, %dma_wait3A_2588] : memref<8194x1024xf32, #tpu.memory_space<hbm>> -> memref<8194x1024xf32, #tpu.memory_space<hbm>>
    tpu.wait_indirect_dma semaphore(%arg12 : memref<!tpu.dma_semaphore, #tpu.memory_space<semaphore_mem>>) src(%dma_wait3A_2589 : memref<8194x1024xf32, #tpu.memory_space<hbm>>) dst(%arg9 : memref<32x1024xf32, #tpu.memory_space<vmem>>)
    %add3A_2590 = arith.constant 960 : i32
    %add3A_2591 = arith.addi %multiple_of3A, %add3A_2590 : i32
    %multiple_of3A_2592 = tpu.assume_multiple %add3A_2591, 32 : i32
    %dma_start3A_2593 = arith.constant 0 : i32
    %dma_start3A_2594 = tpu.memref_slice %arg5[%select_n3A, %multiple_of3A_2592, %dma_start3A_2593] : memref<4x8192x1024xf32, #tpu.memory_space<hbm>> -> memref<1x32x1024xf32, #tpu.memory_space<hbm>>
    %dma_start3A_2595 = tpu.memref_squeeze %dma_start3A_2594 : memref<1x32x1024xf32, #tpu.memory_space<hbm>> -> memref<32x1024xf32, #tpu.memory_space<hbm>>
    %dma_start3A_2596 = arith.constant 0 : i32
    %dma_start3A_2597 = tpu.memref_slice %arg5[%select_n3A, %multiple_of3A_2592, %dma_start3A_2596] : memref<4x8192x1024xf32, #tpu.memory_space<hbm>> -> memref<1x32x1024xf32, #tpu.memory_space<hbm>>
    %dma_start3A_2598 = tpu.memref_squeeze %dma_start3A_2597 : memref<1x32x1024xf32, #tpu.memory_space<hbm>> -> memref<32x1024xf32, #tpu.memory_space<hbm>>
    tpu.enqueue_dma source(%arg9 : memref<32x1024xf32, #tpu.memory_space<vmem>>) target(%dma_start3A_2598 : memref<32x1024xf32, #tpu.memory_space<hbm>>) target_semaphore(%arg15 : memref<!tpu.dma_semaphore, #tpu.memory_space<semaphore_mem>>)
    %dma_wait3A_2599 = arith.constant 992 : i32
    %dma_wait3A_2600 = tpu.memref_slice %arg7[%dma_wait3A_2599] : memref<1024xi32, #tpu.memory_space<vmem>> -> memref<32xi32, #tpu.memory_space<vmem>>
    %dma_wait3A_2601 = arith.constant 0 : i32
    %dma_wait3A_2602 = arith.constant 0 : i32
    %dma_wait3A_2603 = tpu.memref_slice %arg4[%dma_wait3A_2601, %dma_wait3A_2602] : memref<8194x1024xf32, #tpu.memory_space<hbm>> -> memref<8194x1024xf32, #tpu.memory_space<hbm>>
    tpu.wait_indirect_dma semaphore(%arg13 : memref<!tpu.dma_semaphore, #tpu.memory_space<semaphore_mem>>) src(%dma_wait3A_2603 : memref<8194x1024xf32, #tpu.memory_space<hbm>>) dst(%arg10 : memref<32x1024xf32, #tpu.memory_space<vmem>>)
    %add3A_2604 = arith.constant 992 : i32
    %add3A_2605 = arith.addi %multiple_of3A, %add3A_2604 : i32
    %multiple_of3A_2606 = tpu.assume_multiple %add3A_2605, 32 : i32
    %dma_start3A_2607 = arith.constant 0 : i32
    %dma_start3A_2608 = tpu.memref_slice %arg5[%select_n3A, %multiple_of3A_2606, %dma_start3A_2607] : memref<4x8192x1024xf32, #tpu.memory_space<hbm>> -> memref<1x32x1024xf32, #tpu.memory_space<hbm>>
    %dma_start3A_2609 = tpu.memref_squeeze %dma_start3A_2608 : memref<1x32x1024xf32, #tpu.memory_space<hbm>> -> memref<32x1024xf32, #tpu.memory_space<hbm>>
    %dma_start3A_2610 = arith.constant 0 : i32
    %dma_start3A_2611 = tpu.memref_slice %arg5[%select_n3A, %multiple_of3A_2606, %dma_start3A_2610] : memref<4x8192x1024xf32, #tpu.memory_space<hbm>> -> memref<1x32x1024xf32, #tpu.memory_space<hbm>>
    %dma_start3A_2612 = tpu.memref_squeeze %dma_start3A_2611 : memref<1x32x1024xf32, #tpu.memory_space<hbm>> -> memref<32x1024xf32, #tpu.memory_space<hbm>>
    tpu.enqueue_dma source(%arg10 : memref<32x1024xf32, #tpu.memory_space<vmem>>) target(%dma_start3A_2612 : memref<32x1024xf32, #tpu.memory_space<hbm>>) target_semaphore(%arg16 : memref<!tpu.dma_semaphore, #tpu.memory_space<semaphore_mem>>)
    %dma_wait3A_2613 = arith.constant 0 : i32
    %dma_wait3A_2614 = tpu.memref_slice %arg5[%select_n3A, %multiple_of3A_2578, %dma_wait3A_2613] : memref<4x8192x1024xf32, #tpu.memory_space<hbm>> -> memref<1x32x1024xf32, #tpu.memory_space<hbm>>
    %dma_wait3A_2615 = tpu.memref_squeeze %dma_wait3A_2614 : memref<1x32x1024xf32, #tpu.memory_space<hbm>> -> memref<32x1024xf32, #tpu.memory_space<hbm>>
    %dma_wait3A_2616 = arith.constant 0 : i32
    %dma_wait3A_2617 = tpu.memref_slice %arg5[%select_n3A, %multiple_of3A_2578, %dma_wait3A_2616] : memref<4x8192x1024xf32, #tpu.memory_space<hbm>> -> memref<1x32x1024xf32, #tpu.memory_space<hbm>>
    %dma_wait3A_2618 = tpu.memref_squeeze %dma_wait3A_2617 : memref<1x32x1024xf32, #tpu.memory_space<hbm>> -> memref<32x1024xf32, #tpu.memory_space<hbm>>
    tpu.wait_dma2 semaphore(%arg17 : memref<!tpu.dma_semaphore, #tpu.memory_space<semaphore_mem>>) src(%arg11 : memref<32x1024xf32, #tpu.memory_space<vmem>>) dst(%dma_wait3A_2618 : memref<32x1024xf32, #tpu.memory_space<hbm>>)
    %dma_wait3A_2619 = arith.constant 0 : i32
    %dma_wait3A_2620 = tpu.memref_slice %arg5[%select_n3A, %multiple_of3A_2592, %dma_wait3A_2619] : memref<4x8192x1024xf32, #tpu.memory_space<hbm>> -> memref<1x32x1024xf32, #tpu.memory_space<hbm>>
    %dma_wait3A_2621 = tpu.memref_squeeze %dma_wait3A_2620 : memref<1x32x1024xf32, #tpu.memory_space<hbm>> -> memref<32x1024xf32, #tpu.memory_space<hbm>>
    %dma_wait3A_2622 = arith.constant 0 : i32
    %dma_wait3A_2623 = tpu.memref_slice %arg5[%select_n3A, %multiple_of3A_2592, %dma_wait3A_2622] : memref<4x8192x1024xf32, #tpu.memory_space<hbm>> -> memref<1x32x1024xf32, #tpu.memory_space<hbm>>
    %dma_wait3A_2624 = tpu.memref_squeeze %dma_wait3A_2623 : memref<1x32x1024xf32, #tpu.memory_space<hbm>> -> memref<32x1024xf32, #tpu.memory_space<hbm>>
    tpu.wait_dma2 semaphore(%arg15 : memref<!tpu.dma_semaphore, #tpu.memory_space<semaphore_mem>>) src(%arg9 : memref<32x1024xf32, #tpu.memory_space<vmem>>) dst(%dma_wait3A_2624 : memref<32x1024xf32, #tpu.memory_space<hbm>>)
    %dma_wait3A_2625 = arith.constant 0 : i32
    %dma_wait3A_2626 = tpu.memref_slice %arg5[%select_n3A, %multiple_of3A_2606, %dma_wait3A_2625] : memref<4x8192x1024xf32, #tpu.memory_space<hbm>> -> memref<1x32x1024xf32, #tpu.memory_space<hbm>>
    %dma_wait3A_2627 = tpu.memref_squeeze %dma_wait3A_2626 : memref<1x32x1024xf32, #tpu.memory_space<hbm>> -> memref<32x1024xf32, #tpu.memory_space<hbm>>
    %dma_wait3A_2628 = arith.constant 0 : i32
    %dma_wait3A_2629 = tpu.memref_slice %arg5[%select_n3A, %multiple_of3A_2606, %dma_wait3A_2628] : memref<4x8192x1024xf32, #tpu.memory_space<hbm>> -> memref<1x32x1024xf32, #tpu.memory_space<hbm>>
    %dma_wait3A_2630 = tpu.memref_squeeze %dma_wait3A_2629 : memref<1x32x1024xf32, #tpu.memory_space<hbm>> -> memref<32x1024xf32, #tpu.memory_space<hbm>>
    tpu.wait_dma2 semaphore(%arg16 : memref<!tpu.dma_semaphore, #tpu.memory_space<semaphore_mem>>) src(%arg10 : memref<32x1024xf32, #tpu.memory_space<vmem>>) dst(%dma_wait3A_2630 : memref<32x1024xf32, #tpu.memory_space<hbm>>)
    return
  }
}

</mosaic_0001>

<sc_bundles>
// kernel: sinusoidal_pos_emb_lookup.3.cloned.1.call-start
scs
__scs_entry_jumppad:
0x0: {  	(pc) =	sbr.rel $0x88, $3  }
0x1: {  	(tag) =	ssettag $0x0;
	lr =	simm.s32 $0x1  }
0x2: {  	[smem:$0x3F9E] =	sst lr;
	_ =	strace $0xD0000000  }
0x3: {  	_ = 	snop  }
0x4: {  	_ = 	snop  }
0x5: {  	_ = 	snop  }
0x6: {  	_ = 	snop  }
0x7: {  	_ = 	snop  }
__scs_overlays_trampoline_lowered:
0x8: {  	[smem:$0x3FAD] =	sst s0  }
0x9: {  	[smem:$0x3FAE] =	sst s1  }
0xa: {  	[smem:$0x3FAF] =	sst s2  }
0xb: {  	[smem:$0x3FB0] =	sst s3  }
0xc: {  	[smem:$0x3FB1] =	sst s4  }
0xd: {  	[smem:$0x3FB2] =	sst s5  }
0xe: {  	[smem:$0x3FB3] =	sst s6  }
0xf: {  	[smem:$0x3FB4] =	sst s7  }
0x10: {  	[smem:$0x3FB5] =	sst s8  }
0x11: {  	[smem:$0x3FB6] =	sst s9;
	s0 =	simm.s32 @!p0 $0x0  }
0x12: {  	s1 =	sld [smem:$0x3F9C];
	s0 =	simm.s32 @p0 $0x1  }
0x13: {  	[smem:$0x3FB7] =	sst s0;
	s0 =	simm.s32 @!p1 $0x0  }
0x14: {  	s2 =	sld [smem:$0x3F9B];
	s0 =	simm.s32 @p1 $0x1  }
0x15: {  	[smem:$0x3FB8] =	sst s0;
	s0 =	simm.s32 @!p2 $0x0  }
0x16: {  	s3 =	sld [smem:$0x3FDB];
	s0 =	simm.s32 @p2 $0x1  }
0x17: {  	s4 =	simm.s32 $0x1BF5;
	[smem:$0x3FBA] =	sst s0  }
0x18: {  	s0 =	sld [smem:$0x3F9D];
	_ =	swait.ge [sflag:s4], $0x0  }
0x19: {  	s7 =	sld [smem:$0x3F9E]  }
0x1a: {  	s8 =	sadd.s32 $0xFFFFE003, lr  }
0x1b: {  	s9 =	sadd.s32 $0xFFFFFEF7, lr;
	s5 =	simm.s32 $0xFFFFFFFF;
	p2 =	slt.u32 s8, $0xFFFFF086  }
0x1c: {  	p1 =	slt.u32 s9, $0xF7A;
	s5 =	simm.s32 @!p2 $0x0  }
0x1d: {  	s5 =	simm.s32 @p1 $0x1;
	p0 =	seq.s32 s7, s2  }
0x1e: {  	s7 =	smul.u32 @!p0 $0xF7A, s2;
	p2 =	seq.s32 @!p0 s5, $0x0  }
0x1f: {  	s9 =	smul.u32 $0xF7A, s1;
	s8 =	simm.s32 @!p0 $0x1BF5;
	p2 =	por !p2, p0  }
0x20: {  	[sflag:s8] =	ssyncset.s32 @!p0 $0xFFFFF086;
	s6 =	sadd.s32 @!p0 s3, s7;
	s7 =	simm.s32 @!p0 $0x108  }
0x21: {  	s3 =	sadd.s32 s3, s9;
	s6 =	sadd.s32 @!p0 $0x88, s6;
	s7 =	simm.s32 @p2 $0x1082  }
0x22: {  	[simem:s7], [sflag:s8] =	dma.local @!p0 [hbm:s6], $0xF7A  }
0x23: {  	s9 =	sor.u32 $0xD0000000, s2;
	s6 =	simm.s32 $0x108;
	_ =	swait.ge @!p0 [sflag:s8], $0x0  }
0x24: {  	s3 =	sadd.s32 $0x88, s3;
	s6 =	simm.s32 @!p1 $0x1082;
	[sflag:s4] =	ssyncset.s32 $0xFFFFF086  }
0x25: {  	[simem:s6], [sflag:s4] =	dma.local [hbm:s3], $0xF7A  }
0x26: {  	[smem:$0x3F9E] =	sst s1;
	(tag) =	ssettag s2;
	_ =	strace s9  }
0x27: {  	s1 =	sld [smem:$0x3FAE]  }
0x28: {  	s2 =	sld [smem:$0x3FAF]  }
0x29: {  	s4 =	sld [smem:$0x3FB1]  }
0x2a: {  	p0 =	seq.s32 s5, $0x0;
	s5 =	sld [smem:$0x3FB2]  }
0x2b: {  	s6 =	sld [smem:$0x3FB3]  }
0x2c: {  	s7 =	sld [smem:$0x3FB4]  }
0x2d: {  	s3 =	simm.s32 $0x108;
	s8 =	sld [smem:$0x3FB5]  }
0x2e: {  	s3 =	simm.s32 @!p0 $0x1082;
	s9 =	sld [smem:$0x3FB6]  }
0x2f: {  	lr =	sadd.s32 s0, s3;
	s0 =	sld [smem:$0x3FAD]  }
0x30: {  	s3 =	sld [smem:$0x3FB0]  }
0x31: {  	[smem:$0x3FB9] =	sst s10  }
0x32: {  	s10 =	sld [smem:$0x3FB7];
	_ =	sdelay $0x3  }
0x33: {  	p0 =	seq.s32 s10, $0x1;
	s10 =	sld [smem:$0x3FB9];
	_ =	sdelay $0x3  }
0x34: {  	[smem:$0x3FB9] =	sst s10  }
0x35: {  	s10 =	sld [smem:$0x3FB8];
	_ =	sdelay $0x3  }
0x36: {  	p1 =	seq.s32 s10, $0x1;
	s10 =	sld [smem:$0x3FB9];
	_ =	sdelay $0x3  }
0x37: {  	[smem:$0x3FB9] =	sst s10  }
0x38: {  	s10 =	sld [smem:$0x3FBA]  }
0x39: {  	_ = 	snop;
	(pc) =	sbr.ind lr, $3  }
0x3a: {  	_ = 	snop  }
0x3b: {  	_ = 	snop  }
0x3c: {  	p2 =	seq.s32 s10, $0x1;
	s10 =	sld [smem:$0x3FB9]  }
0x3d: {  	_ =	shalt  }
0x3e: {  	_ =	shalt  }
0x3f: {  	_ =	shalt  }
0x40: {  	_ =	shalt  }
0x41: {  	_ =	shalt  }
0x42: {  	_ =	shalt  }
0x43: {  	_ =	shalt  }
0x44: {  	_ =	shalt  }
0x45: {  	_ =	shalt  }
0x46: {  	_ =	shalt  }
0x47: {  	_ =	shalt  }
0x48: {  	_ =	shalt  }
0x49: {  	_ =	shalt  }
0x4a: {  	_ =	shalt  }
0x4b: {  	_ =	shalt  }
0x4c: {  	_ =	shalt  }
0x4d: {  	_ =	shalt  }
0x4e: {  	_ =	shalt  }
0x4f: {  	_ =	shalt  }
0x50: {  	_ =	shalt  }
0x51: {  	_ =	shalt  }
0x52: {  	_ =	shalt  }
0x53: {  	_ =	shalt  }
0x54: {  	_ =	shalt  }
0x55: {  	_ =	shalt  }
0x56: {  	_ =	shalt  }
0x57: {  	_ =	shalt  }
0x58: {  	_ =	shalt  }
0x59: {  	_ =	shalt  }
0x5a: {  	_ =	shalt  }
0x5b: {  	_ =	shalt  }
0x5c: {  	_ =	shalt  }
0x5d: {  	_ =	shalt  }
0x5e: {  	_ =	shalt  }
0x5f: {  	_ =	shalt  }
0x60: {  	_ =	shalt  }
0x61: {  	_ =	shalt  }
0x62: {  	_ =	shalt  }
0x63: {  	_ =	shalt  }
0x64: {  	_ =	shalt  }
0x65: {  	_ =	shalt  }
0x66: {  	_ =	shalt  }
0x67: {  	_ =	shalt  }
0x68: {  	_ =	shalt  }
0x69: {  	_ =	shalt  }
0x6a: {  	_ =	shalt  }
0x6b: {  	_ =	shalt  }
0x6c: {  	_ =	shalt  }
0x6d: {  	_ =	shalt  }
0x6e: {  	_ =	shalt  }
0x6f: {  	_ =	shalt  }
0x70: {  	_ =	shalt  }
0x71: {  	_ =	shalt  }
0x72: {  	_ =	shalt  }
0x73: {  	_ =	shalt  }
0x74: {  	_ =	shalt  }
0x75: {  	_ =	shalt  }
0x76: {  	_ =	shalt  }
0x77: {  	_ =	shalt  }
0x78: {  	_ =	shalt  }
0x79: {  	_ =	shalt  }
0x7a: {  	_ =	shalt  }
0x7b: {  	_ =	shalt  }
0x7c: {  	_ =	shalt  }
0x7d: {  	_ =	shalt  }
0x7e: {  	_ =	shalt  }
0x7f: {  	_ =	shalt  }
0x80: {  	_ =	shalt  }
0x81: {  	_ =	shalt  }
0x82: {  	_ =	shalt  }
0x83: {  	_ =	shalt  }
0x84: {  	_ =	shalt  }
0x85: {  	_ =	shalt  }
0x86: {  	_ =	shalt  }
0x87: {  	_ =	shalt  }
.Lfunc_end0:
.L_simem_size_0:
called_computation_lowered:
.L_overlay_start_0:
0x88: {  	s2 =	sld [smem:$0x3FD9]  }
0x89: {  	s3 =	sld [smem:$0x3FFE];
	_ =	sdelay $0x1  }
0x8a: {  	s1 =	srdreg.scid  }
0x8b: {  	s0 =	sand.u32 $0x1, s1  }
0x8c: {  	s17 =	sshll.u32 s0, $0xA;
	s2 =	sadd.s32 s3, s2  }
0x8d: {  	s2 =	sadd.s32 s2, s17  }
0x8e: {  	[smem:$0x3FC5] =	sst s2  }
0x8f: {  	_ = 	snop  }
0x90: {  	s2 =	sld [smem:$0x3FC9]  }
0x91: {  	s18 =	sld [smem:$0x3FC7]  }
0x92: {  	s4 =	sld [smem:$0x3FD0];
	(tm) =	ssettm $0x1  }
0x93: {  	s5 =	sld [smem:$0x3FFB];
	_ =	sdelay $0x3  }
0x94: {  	_ =	strace s5  }
0x95: {  	s5 =	sld [smem:$0x3FFC];
	_ =	sdelay $0x3  }
0x96: {  	_ =	strace s5  }
0x97: {  	s5 =	sld [smem:$0x3FFD];
	_ =	sdelay $0x3  }
0x98: {  	_ =	strace s5  }
0x99: {  	_ =	strace $0x8FFFFFFF  }
0x9a: {  	s19 =	sld [smem:$0x3FDB];
	_ =	sdelay $0x1  }
0x9b: {  	s6 =	simm.s32 $_scs_section_size  }
0x9c: {  	s7 =	simm.s32 $_size__tile_overlayer_lowered;
	s8 =	simm.s32 $_tile_overlayer_lowered  }
0x9d: {  	s22 =	simm.s32 $0x1BFF;
	s21 =	sshll.u32 s8, $0x1;
	s5 =	sadd.s32 s6, s19  }
0x9e: {  	s9 =	simm.s32 $0x0;
	s20 =	sshll.u32 s7, $0x1;
	s7 =	sadd.s32 s21, s5  }
0x9f: {  	[timem:s9], [sflag:s22] =	dma.local [hbm:s7], s20  }
0xa0: {  	_ =	swait.ge [sflag:s22], s20  }
0xa1: {  	s6 =	ssub.s32 $0x0, s20;
	[sflag:s22] =	ssyncset.done $0x0  }
0xa2: {  	[sflag:s22] =	ssyncadd.s32 s6;
	_ =	sdelay $0x1  }
0xa3: {  	s23 =	simm.s32 $0x1B8B  }
0xa4: {  	_ =	swait.ge [sflag:s23], $0x1  }
0xa5: {  	[sflag:s23] =	ssyncset.done $0x0  }
0xa6: {  	s25 =	simm.s32 $0x1B8E;
	s24 =	sld [smem:$0x3FFE];
	[sflag:s23] =	ssyncadd.s32 $0xFFFFFFFF  }
0xa7: {  	s26 =	simm.s32 $execute0_lowered;
	[smem:$0x3FD2] =	sst s25  }
0xa8: {  	s7 =	sshll.u32 s26, $0x1;
	_ =	strace $0x80000046;
	[dreg:$0x1] =	wrdreg $0xFFFFFFFF  }
0xa9: {  	s28 =	simm.s32 $_size_execute0_lowered;
	s5 =	sadd.s32 s5, s7;
	[dreg:$0x0] =	wrdreg $0x0  }
0xaa: {  	s7 =	sshll.u32 s28, $0x1;
	[dreg:$0x2] =	wrdreg s5  }
0xab: {  	[dreg:$0x3] =	wrdreg s7  }
0xac: {  	[dreg:$0x4] =	wrdreg $0xC0  }
0xad: {  	_ =	task [dreg:s9], $0x5FFFF  }
0xae: {  	[dreg:$0x1] =	wrdreg $0xFFFFFFFF  }
0xaf: {  	[dreg:$0x0] =	wrdreg $0x60  }
0xb0: {  	[dreg:$0x2] =	wrdreg s2  }
0xb1: {  	[dreg:$0x3] =	wrdreg s24  }
0xb2: {  	[dreg:$0x4] =	wrdreg s18  }
0xb3: {  	[dreg:$0x5] =	wrdreg s4  }
0xb4: {  	[dreg:$0x6] =	wrdreg $0x9  }
0xb5: {  	_ =	task.clear_ibuf [dreg:s9], $0x7FFFF;
	_ =	strace $0x90000046  }
0xb6: {  	s29 =	simm.s32 $0x9;
	_ =	strace $0x80000048  }
0xb7: {  	_ =	swait.ge [sflag:s29], $0x1  }
0xb8: {  	[sflag:s29] =	ssyncadd.s32 $0xFFFFFFFF  }
0xb9: {  	_ =	strace $0x90000048  }
0xba: {  	_ =	sfence  }
0xbb: {  	s30 =	sld [smem:$0x0];
	_ =	sdelay $0x2  }
0xbc: {  	s31 =	sshll.u32 s1, $0xD;
	s1 =	sshrl.u32 s1, $0x2  }
0xbd: {  	s3 =	sand.u32 $0x4000, s31;
	s1 =	sadd.s32 s1, s30  }
0xbe: {  	s0 =	sor.u32 s3, s0;
	s1 =	sshll.u32 s1, $0x11  }
0xbf: {  	s0 =	sor.u32 s1, s0  }
0xc0: {  	s0 =	sadd.s32 $0x8F2B, s0  }
0xc1: {  	[sflag:s0] =	ssyncadd.remote.s32 $0x1  }
0xc2: {  	_ =	sfence.sel $0xFFFF  }
0xc3: {  	[dreg:$0x0] =	wrdreg $0xFFFFFFFF;
	(pc) =	sbr.abs _section_cstart, $3  }
0xc4: {  	[dreg:$0x1] =	wrdreg $0xFFFFFFFF  }
0xc5: {  	_ =	task.clear_ibuf [dreg:s9], $0x2FFFF;
	_ =	strace $0x9FFFFFFF  }
0xc6: {  	(tm) =	ssettm $0x7FFFFFFF  }
0xc7: {  	_ =	shalt  }
tec
execute0_lowered:
.L_overlay_start_1:
0x0: {  	(tag) =	ssettag $0x1  }
0x1: {  	s0 =	srdreg.scid  }
0x2: {  	s2 =	stileid.u32;
	s5 =	rddreg [dreg:$0x0];
	s17 =	sand.u32 $0x1, s0  }
0x3: {  	s31 =	sshll.u32 s2, $0x1;
	s6 =	sshrl.u32 s2, $0x2;
	s1 =	ssub.s32 $0x2, s17  }
0x4: {  	s0 =	sand.u32 $0x6, s31;
	s2 =	sshll.u32 s6, $0x4;
	s3 =	sshrl.u32 s1, $0x1  }
0x5: {  	s14 =	sor.u32 s17, s0;
	s0 =	sadd.s32 s5, s2;
	s1 =	ssub.s32 s1, s3  }
0x6: {  	[dreg:$0x5] =	wrdreg s0;
	s0 =	sshll.u32 s6, $0x17;
	s4 =	sshll.u32 s14, $0x14  }
0x7: {  	[smem:$0x7F7] =	sst s1;
	s1 =	sshll.u32 s14, $0xA;
	s7 =	sor.u32 s0, s4  }
0x8: {  	s6 =	sor.u32 $0x80, s1;
	[smem:$0x7D4] =	sst s7  }
0x9: {  	s8 =	sor.u32 $0xA0, s1;
	[dreg:$0x6] =	wrdreg s6  }
0xa: {  	s10 =	sor.u32 $0xC0, s1;
	[dreg:$0x7] =	wrdreg s8  }
0xb: {  	s11 =	sor.u32 $0xE0, s1;
	[dreg:$0x8] =	wrdreg s10  }
0xc: {  	s13 =	sor.u32 $0x100, s1;
	[dreg:$0x9] =	wrdreg s11  }
0xd: {  	s16 =	sor.u32 $0x120, s1;
	[dreg:$0xa] =	wrdreg s13  }
0xe: {  	s19 =	sor.u32 $0x140, s1;
	[dreg:$0xb] =	wrdreg s16  }
0xf: {  	s21 =	sor.u32 $0x160, s1;
	[dreg:$0xc] =	wrdreg s19  }
0x10: {  	s22 =	sor.u32 $0x180, s1;
	[dreg:$0xd] =	wrdreg s21  }
0x11: {  	s23 =	sor.u32 $0x1A0, s1;
	s24 =	sor.u32 $0x1C0, s1;
	[dreg:$0xe] =	wrdreg s22  }
0x12: {  	s25 =	sor.u32 $0x1E0, s1;
	s26 =	sor.u32 $0x200, s1;
	[dreg:$0xf] =	wrdreg s23  }
0x13: {  	s29 =	sor.u32 $0x220, s1;
	s30 =	sor.u32 $0x240, s1;
	[dreg:$0x10] =	wrdreg s24  }
0x14: {  	s31 =	sor.u32 $0x260, s1;
	s3 =	sor.u32 $0x280, s1;
	[dreg:$0x11] =	wrdreg s25  }
0x15: {  	s5 =	sor.u32 $0x2C0, s1;
	s9 =	sshll.u32 s6, $0xA;
	[dreg:$0x12] =	wrdreg s26  }
0x16: {  	s7 =	sshll.u32 s8, $0xA;
	s8 =	sshll.u32 s10, $0xA;
	[dreg:$0x13] =	wrdreg s29  }
0x17: {  	s10 =	sshll.u32 s13, $0xA;
	s13 =	sshll.u32 s21, $0xA;
	[dreg:$0x14] =	wrdreg s30  }
0x18: {  	s28 =	sshll.u32 s24, $0xA;
	s2 =	sshll.u32 s29, $0xA;
	[dreg:$0x15] =	wrdreg s31  }
0x19: {  	s21 =	sshll.u32 s30, $0xA;
	[dreg:$0x16] =	wrdreg s3;
	s6 =	sshll.u32 s3, $0xA  }
0x1a: {  	[dreg:$0x18] =	wrdreg s5;
	s4 =	sor.u32 s0, s9;
	s12 =	sor.u32 s0, s7  }
0x1b: {  	s15 =	sor.u32 s0, s8;
	s9 =	sshll.u32 s11, $0xA;
	[smem:$0x7D5] =	sst s4  }
0x1c: {  	s20 =	sor.u32 s0, s10;
	s11 =	sshll.u32 s16, $0xA;
	[smem:$0x7D7] =	sst s12  }
0x1d: {  	s16 =	sshll.u32 s23, $0xA;
	s10 =	sor.u32 s0, s13;
	[smem:$0x7D8] =	sst s15  }
0x1e: {  	s8 =	sor.u32 $0x300, s1;
	s18 =	sor.u32 s0, s9;
	[smem:$0x7DD] =	sst s20  }
0x1f: {  	s12 =	sshll.u32 s19, $0xA;
	s15 =	sshll.u32 s22, $0xA;
	s13 =	sor.u32 s0, s16  }
0x20: {  	s19 =	sshll.u32 s26, $0xA;
	s22 =	sshll.u32 s31, $0xA;
	s20 =	sor.u32 s0, s2  }
0x21: {  	s4 =	sor.u32 $0x2A0, s1;
	s31 =	sor.u32 $0x380, s1;
	[smem:$0x7DB] =	sst s18  }
0x22: {  	s18 =	sshll.u32 s25, $0xA;
	s16 =	sor.u32 s0, s19;
	s19 =	sor.u32 s0, s22  }
0x23: {  	[dreg:$0x17] =	wrdreg s4;
	s24 =	sshll.u32 s4, $0xA;
	s25 =	sshll.u32 s5, $0xA  }
0x24: {  	[dreg:$0x1e] =	wrdreg s31;
	s31 =	sshll.u32 s31, $0xA;
	s5 =	sor.u32 $0x3A0, s1  }
0x25: {  	s4 =	sld [smem:$0x7D4];
	s22 =	sor.u32 s0, s25;
	s25 =	sor.u32 $0x320, s1  }
0x26: {  	[dreg:$0x1f] =	wrdreg s5;
	s5 =	sshll.u32 s5, $0xA;
	s29 =	sshll.u32 s25, $0xA  }
0x27: {  	[dreg:$0x1b] =	wrdreg s25;
	s25 =	sor.u32 s0, s29;
	s29 =	sor.u32 $0x340, s1  }
0x28: {  	[dreg:$0x1c] =	wrdreg s29;
	s2 =	sshll.u32 s29, $0xA;
	s29 =	sor.u32 s0, s31  }
0x29: {  	s31 =	sor.u32 s0, s5;
	s5 =	sshrl.u32 s4, $0x3;
	s4 =	sld [smem:$0x7D5]  }
0x2a: {  	s30 =	sor.u32 $0x360, s1;
	s9 =	sor.u32 s0, s28;
	[dreg:$0x1a] =	wrdreg s8  }
0x2b: {  	s28 =	sshll.u32 s8, $0xA;
	s8 =	sor.u32 s0, s2;
	s2 =	rddreg [dreg:$0x3]  }
0x2c: {  	s21 =	sor.u32 s0, s21;
	s3 =	sshrl.u32 s4, $0x3;
	s4 =	sld [smem:$0x7D7]  }
0x2d: {  	s23 =	sor.u32 s0, s6;
	[dreg:$0x1d] =	wrdreg s30;
	s3 =	sadd.s32 s2, s3  }
0x2e: {  	s7 =	sor.u32 $0x2E0, s1;
	s30 =	sshll.u32 s30, $0xA;
	[smem:$0x7D6] =	sst s3  }
0x2f: {  	s6 =	sor.u32 $0x3C0, s1;
	s3 =	sshrl.u32 s4, $0x3;
	s4 =	sld [smem:$0x7D8]  }
0x30: {  	s11 =	sor.u32 s0, s11;
	[dreg:$0x19] =	wrdreg s7;
	s26 =	sshll.u32 s7, $0xA  }
0x31: {  	s30 =	sor.u32 s0, s30;
	s7 =	sor.u32 $0x3E0, s1;
	[smem:$0x7D2] =	sst s6  }
0x32: {  	s6 =	sshll.u32 s6, $0xA;
	s12 =	sor.u32 s0, s12;
	s4 =	sshrl.u32 s4, $0x3  }
0x33: {  	s15 =	sor.u32 s0, s15;
	[smem:$0x7D3] =	sst s7;
	s4 =	sadd.s32 s2, s4  }
0x34: {  	s26 =	sor.u32 s0, s26;
	s28 =	sor.u32 s0, s28;
	[smem:$0x7DA] =	sst s4  }
0x35: {  	s7 =	sshll.u32 s7, $0xA;
	s6 =	sor.u32 s0, s6;
	s4 =	sld [smem:$0x7DB]  }
0x36: {  	s11 =	sshrl.u32 s11, $0x3;
	s18 =	sor.u32 s0, s18;
	s3 =	sadd.s32 s2, s3  }
0x37: {  	s24 =	sor.u32 s0, s24;
	s7 =	sor.u32 s0, s7;
	[smem:$0x7D9] =	sst s3  }
0x38: {  	s0 =	simm.s32 $0x0;
	s3 =	sshrl.u32 s4, $0x3;
	s4 =	sld [smem:$0x7DD]  }
0x39: {  	[smem:$0x7FF] =	sst s0;
	s11 =	sadd.s32 s2, s11  }
0x3a: {  	[smem:$0x7DF] =	sst s11;
	s3 =	sadd.s32 s2, s3  }
0x3b: {  	[smem:$0x7DC] =	sst s3;
	s3 =	sshrl.u32 s4, $0x3  }
0x3c: {  	s4 =	sshrl.u32 s12, $0x3;
	s12 =	sshrl.u32 s15, $0x3;
	s3 =	sadd.s32 s2, s3  }
0x3d: {  	s15 =	sadd.s32 s2, s12;
	[smem:$0x7DE] =	sst s3  }
0x3e: {  	s11 =	sshrl.u32 s10, $0x3;
	s3 =	sadd.s32 s2, s4;
	[smem:$0x7E2] =	sst s15  }
0x3f: {  	s4 =	sshrl.u32 s13, $0x3;
	s13 =	sshrl.u32 s16, $0x3;
	s16 =	sshrl.u32 s21, $0x3  }
0x40: {  	s21 =	sshrl.u32 s23, $0x3;
	s23 =	sshrl.u32 s24, $0x3;
	[smem:$0x7E0] =	sst s3  }
0x41: {  	s3 =	sadd.s32 s2, s11;
	s24 =	sadd.s32 s2, s23;
	s23 =	rddreg [dreg:$0x1]  }
0x42: {  	s11 =	sshrl.u32 s18, $0x3;
	s18 =	sadd.s32 s2, s16;
	[smem:$0x7E1] =	sst s3  }
0x43: {  	[smem:$0x7E8] =	sst s18  }
0x44: {  	s3 =	sadd.s32 s2, s4;
	[smem:$0x7EB] =	sst s24  }
0x45: {  	s10 =	sshrl.u32 s9, $0x3;
	s12 =	sadd.s32 s2, s11;
	[smem:$0x7E3] =	sst s3  }
0x46: {  	p0 =	seq.s32 s14, $0x0;
	s3 =	sadd.s32 s2, s10;
	[smem:$0x7E5] =	sst s12  }
0x47: {  	s12 =	sshrl.u32 s25, $0x3;
	s25 =	sshll.u32 s17, $0x6;
	s17 =	rddreg [dreg:$0x2]  }
0x48: {  	s10 =	sshrl.u32 s28, $0x3;
	[smem:$0x7E4] =	sst s3;
	s3 =	sadd.s32 s2, s13  }
0x49: {  	s15 =	sshrl.u32 s20, $0x3;
	s11 =	sadd.s32 s2, s10;
	[smem:$0x7E6] =	sst s3  }
0x4a: {  	s20 =	sshrl.u32 s19, $0x3;
	s3 =	sadd.s32 s2, s15;
	[smem:$0x7EE] =	sst s11  }
0x4b: {  	s15 =	sshrl.u32 s30, $0x3;
	[smem:$0x7E7] =	sst s3;
	s3 =	sadd.s32 s2, s20  }
0x4c: {  	s5 =	sadd.s32 s2, s5;
	s16 =	sadd.s32 s2, s15;
	[smem:$0x7E9] =	sst s3  }
0x4d: {  	s20 =	sshrl.u32 s6, $0x3;
	s3 =	sadd.s32 s2, s21;
	[smem:$0x7F1] =	sst s16  }
0x4e: {  	s4 =	sshrl.u32 s22, $0x3;
	s21 =	sadd.s32 s2, s20;
	[smem:$0x7EA] =	sst s3  }
0x4f: {  	s9 =	sshrl.u32 s26, $0x3;
	s3 =	sadd.s32 s2, s4;
	[smem:$0x7F4] =	sst s21  }
0x50: {  	s19 =	sshrl.u32 s31, $0x3;
	[smem:$0x7EC] =	sst s3;
	s3 =	sadd.s32 s2, s9  }
0x51: {  	s13 =	sshrl.u32 s8, $0x3;
	[smem:$0x7ED] =	sst s3;
	s3 =	sadd.s32 s2, s12  }
0x52: {  	s18 =	sshrl.u32 s29, $0x3;
	[smem:$0x7EF] =	sst s3;
	s3 =	sadd.s32 s2, s13  }
0x53: {  	s31 =	sadd.s32 $0x3000, s5;
	[smem:$0x7F0] =	sst s3;
	s3 =	sadd.s32 s2, s18  }
0x54: {  	s22 =	sshrl.u32 s7, $0x3;
	[smem:$0x7F2] =	sst s3;
	s3 =	sadd.s32 s2, s19  }
0x55: {  	s24 =	stileid.u32;
	s2 =	sadd.s32 s2, s22;
	[smem:$0x7F3] =	sst s3  }
0x56: {  	s29 =	sadd.s32 $0x1000, s5;
	[smem:$0x7F5] =	sst s2;
	s2 =	sadd.s32 $0x400, s23  }
0x57: {  	s7 =	simm.s32 $0x5;
	_ =	strace $0x80000047;
	[smem:$0x7F6] =	sst s2  }
0x58: {  	s8 =	sadd.s32 $0x100, s17;
	s30 =	sadd.s32 $0x2000, s5;
	[smem:$0x7FA] =	sst s29  }
0x59: {  	s21 =	simm.s32 $0x1;
	s3 =	sshll.u32 s24, $0x7;
	[smem:$0x7FB] =	sst s30  }
.Ltmp0:
0x5a: {  	s3 =	sand.u32 $0x180, s3;
	s26 =	sld [smem:$0x7F7];
	(pc) =	sbr.rel .LBB2_1-.Ltmp0, $4  }
0x5b: {  	s9 =	sadd.s32 $0x200, s17;
	[smem:$0x7FC] =	sst s5;
	s3 =	sor.u32 s25, s3  }
0x5c: {  	v2 =	vlaneseq.u32;
	s19 =	sadd.s32 $0x300, s17;
	[smem:$0x7FD] =	sst s31;
	s28 =	smax.u32 s3, $0x1  }
0x5d: {  	vm0 =	vmmov $0xffff;
	v1 =	vshrl.u32 v2, $0x3;
	s25 =	simm.s32 $0x4;
	[smem:$0x7F9] =	sst s28;
	s2 =	smax.u32 s26, $0x1  }
0x5e: {  	v0 =	vand.u32 $0x7, v2;
	v2 =	vor.u32 $0x8, v2;
	v1 =	vmul.u32 $0x8, v1;
	s26 =	simm.s32 $0x2;
	[smem:$0x7F8] =	sst s2;
	s2 =	simm.s32 $0x0  }
.LBB2_3:
0x5f: {  	s3 =	simm.s32 $0x0  }
.LBB2_13:
0x60: {  	v4 =	vsub.s32 $0x0, v3  }
0x61: {  	v3 =	vmin.u32 v3, v4  }
0x62: {  	vm1 =	vlt.s32 v3, $0x1  }
0x63: {  	v3 =	vnsel vm1, $0x1, v3  }
0x64: {  	(xrf0) =	vadd.scan.msk.s32 $0xffff, v3;
	_ =	sdelay $0x3  }
0x65: {  	v3, _, _ =	vpop @p1 (xrf0)  }
0x66: {  	(v2sf) =	vpush @p1 v3, $0xF  }
0x67: {  	v3, _, _ =	vpop (xrf0)  }
0x68: {  	(v2sf) =	vpush v3, $0xF;
	_ =	sdelay $0x6  }
0x69: {  	s4 =	spop @p4 (v2sf)  }
0x6a: {  	s3 =	sadd.s32 @p4 s3, s4;
	s4 =	simm.s32 $0x0  }
0x6b: {  	s4 =	smov.u32 @p4 s3;
	s3 =	spop @p3 (v2sf)  }
0x6c: {  	s3 =	sadd.s32 @p3 s4, s3;
	s4 =	simm.s32 $0x0  }
0x6d: {  	s4 =	smov.u32 @p3 s3;
	s3 =	spop @p2 (v2sf)  }
0x6e: {  	s3 =	sadd.s32 @p2 s4, s3;
	s4 =	simm.s32 $0x0  }
0x6f: {  	s4 =	smov.u32 @p2 s3;
	s3 =	spop @p1 (v2sf)  }
0x70: {  	s3 =	sadd.s32 @p1 s4, s3;
	s4 =	simm.s32 $0x0  }
0x71: {  	s4 =	smov.u32 @p1 s3;
	s31 =	spop (v2sf)  }
0x72: {  	s3 =	sadd.s32 s4, s31  }
.LBB2_14:
0x73: {  	v3 =	vld [tilespmem:s1+$0x0];
	_ =	sdelay $0x4  }
0x74: {  	v3 =	vadd.s32 $0xFFFFFFFF, v3  }
0x75: {  	v4 =	vsub.s32 $0x0, v3  }
0x76: {  	v3 =	vmin.u32 v3, v4  }
0x77: {  	vm1 =	vlt.s32 v3, $0x1  }
0x78: {  	v4 =	vnsel vm1, $0x1, v3  }
0x79: {  	(xrf0) =	vadd.scan.msk.s32 $0xffff, v4;
	_ =	sdelay $0x4  }
0x7a: {  	v3 =	vld [tilespmem:$0x2400]  }
0x7b: {  	v5, _, _ =	vpop (xrf0)  }
0x7c: {  	v6 =	vadd.s32 s3, v5  }
0x7d: {  	v4 =	vmul.u32 v4, v6;
	_ =	sdelay $0x1  }
0x7e: {  	v4 =	vadd.s32 v3, v4  }
0x7f: {  	[tilespmem:$0x2000] =	vst v4  }
0x80: {  	(v2sf) =	vpush v5, $0xF;
	v52 =	vld [tilespmem:s1+$0x10];
	_ =	sdelay $0x4  }
0x81: {  	v5 =	vadd.s32 $0xFFFFFFFF, v52  }
0x82: {  	v53 =	vsub.s32 $0x0, v5  }
0x83: {  	v5 =	vmin.u32 v5, v53  }
0x84: {  	vm1 =	vlt.s32 v5, $0x1  }
0x85: {  	v5 =	vnsel vm1, $0x1, v5  }
0x86: {  	(xrf0) =	vadd.scan.msk.s32 $0xffff, v5;
	_ =	sdelay $0x1  }
0x87: {  	v54 =	vshll.u32 v4, $0x3  }
0x88: {  	v4 =	vand.u32 $0x7, v4;
	v6 =	vand.u32 $0xFFFFFFC0, v54  }
0x89: {  	v4 =	vor.u32 v4, v6  }
0x8a: {  	v6 =	vperm.xlane v4, v0;
	s4 =	spop (v2sf)  }
0x8b: {  	s3 =	sadd.s32 s3, s4;
	v7, _, _ =	vpop (xrf0)  }
0x8c: {  	v6 =	vadd.s32 v1, v6;
	v8 =	vadd.s32 s3, v7  }
0x8d: {  	v5 =	vmul.u32 v5, v8;
	_ =	sdelay $0x1  }
0x8e: {  	v5 =	vadd.s32 v3, v5  }
0x8f: {  	s10 =	simm.s32 $0x2480;
	[tilespmem:$0x2010] =	vst v5  }
0x90: {  	[tilespmem:s10], [sflag:$0x1] =	stream.indirect_vreg.gather [hbm4b:s17+s0], $0x80, v6, vm0, $0xb8;
	[tilespmem:$0x1A480] =	vst v63  }
0x91: {  	s11 =	simm.s32 $0x2C80;
	v4 =	vperm.xlane v4, v2  }
0x92: {  	[tilespmem:s11], [sflag:$0x1] =	stream.indirect_vreg.gather [hbm4b:s8+s0], $0x80, v6, vm0, $0xb8;
	[tilespmem:$0x1A480] =	vst v63  }
0x93: {  	s12 =	simm.s32 $0x3480;
	v4 =	vadd.s32 v1, v4  }
0x94: {  	[tilespmem:s12], [sflag:$0x1] =	stream.indirect_vreg.gather [hbm4b:s9+s0], $0x80, v6, vm0, $0xb8;
	[tilespmem:$0x1A480] =	vst v63  }
0x95: {  	s13 =	simm.s32 $0x3C80  }
0x96: {  	[tilespmem:s13], [sflag:$0x1] =	stream.indirect_vreg.gather [hbm4b:s19+s0], $0x80, v6, vm0, $0xb8;
	[tilespmem:$0x1A480] =	vst v63  }
0x97: {  	s14 =	simm.s32 $0x4480  }
0x98: {  	[tilespmem:s14], [sflag:$0x1] =	stream.indirect_vreg.gather [hbm4b:s17+s0], $0x80, v4, vm0, $0xb8;
	[tilespmem:$0x1A480] =	vst v63  }
0x99: {  	s15 =	simm.s32 $0x4C80  }
0x9a: {  	[tilespmem:s15], [sflag:$0x1] =	stream.indirect_vreg.gather [hbm4b:s8+s0], $0x80, v4, vm0, $0xb8;
	[tilespmem:$0x1A480] =	vst v63  }
0x9b: {  	s16 =	simm.s32 $0x5480  }
0x9c: {  	[tilespmem:s16], [sflag:$0x1] =	stream.indirect_vreg.gather [hbm4b:s9+s0], $0x80, v4, vm0, $0xb8;
	[tilespmem:$0x1A480] =	vst v63  }
0x9d: {  	s18 =	simm.s32 $0x5C80  }
0x9e: {  	[tilespmem:s18], [sflag:$0x1] =	stream.indirect_vreg.gather [hbm4b:s19+s0], $0x80, v4, vm0, $0xb8;
	[tilespmem:$0x1A480] =	vst v63  }
0x9f: {  	v4 =	vld [tilespmem:$0x2010];
	_ =	sdelay $0x4  }
0xa0: {  	v55 =	vshll.u32 v4, $0x3  }
0xa1: {  	v4 =	vand.u32 $0x7, v4;
	v5 =	vand.u32 $0xFFFFFFC0, v55  }
0xa2: {  	v4 =	vor.u32 v4, v5  }
0xa3: {  	v5 =	vperm.xlane v4, v0;
	_ =	sdelay $0x1  }
0xa4: {  	v5 =	vadd.s32 v1, v5;
	_ =	sdelay $0x3  }
0xa5: {  	s20 =	simm.s32 $0x6480  }
0xa6: {  	[tilespmem:s20], [sflag:$0x1] =	stream.indirect_vreg.gather [hbm4b:s17+s0], $0x80, v5, vm0, $0xb8;
	[tilespmem:$0x1A480] =	vst v63  }
0xa7: {  	s23 =	simm.s32 $0x6C80;
	v4 =	vperm.xlane v4, v2  }
0xa8: {  	[tilespmem:s23], [sflag:$0x1] =	stream.indirect_vreg.gather [hbm4b:s8+s0], $0x80, v5, vm0, $0xb8;
	[tilespmem:$0x1A480] =	vst v63  }
0xa9: {  	s24 =	simm.s32 $0x7480;
	v4 =	vadd.s32 v1, v4  }
0xaa: {  	[tilespmem:s24], [sflag:$0x1] =	stream.indirect_vreg.gather [hbm4b:s9+s0], $0x80, v5, vm0, $0xb8;
	[tilespmem:$0x1A480] =	vst v63  }
0xab: {  	s28 =	simm.s32 $0x7C80  }
0xac: {  	[tilespmem:s28], [sflag:$0x1] =	stream.indirect_vreg.gather [hbm4b:s19+s0], $0x80, v5, vm0, $0xb8;
	[tilespmem:$0x1A480] =	vst v63  }
0xad: {  	s29 =	simm.s32 $0x8480  }
0xae: {  	[tilespmem:s29], [sflag:$0x1] =	stream.indirect_vreg.gather [hbm4b:s17+s0], $0x80, v4, vm0, $0xb8;
	[tilespmem:$0x1A480] =	vst v63  }
0xaf: {  	s31 =	simm.s32 $0x8C80  }
0xb0: {  	[tilespmem:s31], [sflag:$0x1] =	stream.indirect_vreg.gather [hbm4b:s8+s0], $0x80, v4, vm0, $0xb8;
	[tilespmem:$0x1A480] =	vst v63  }
0xb1: {  	s4 =	simm.s32 $0x9480  }
0xb2: {  	[tilespmem:s4], [sflag:$0x1] =	stream.indirect_vreg.gather [hbm4b:s9+s0], $0x80, v4, vm0, $0xb8;
	[tilespmem:$0x1A480] =	vst v63  }
0xb3: {  	s13 =	simm.s32 $0x9C80  }
0xb4: {  	[tilespmem:s13], [sflag:$0x1] =	stream.indirect_vreg.gather [hbm4b:s19+s0], $0x80, v4, vm0, $0xb8;
	[tilespmem:$0x1A480] =	vst v63  }
0xb5: {  	(v2sf) =	vpush v7, $0xF;
	v4 =	vld [tilespmem:s1+$0x20];
	_ =	sdelay $0x4  }
0xb6: {  	v4 =	vadd.s32 $0xFFFFFFFF, v4  }
0xb7: {  	v56 =	vsub.s32 $0x0, v4  }
0xb8: {  	v4 =	vmin.u32 v4, v56  }
0xb9: {  	vm1 =	vlt.s32 v4, $0x1  }
0xba: {  	v4 =	vnsel vm1, $0x1, v4  }
0xbb: {  	(xrf0) =	vadd.scan.msk.s32 $0xffff, v4;
	_ =	sdelay $0x4  }
0xbc: {  	s15 =	spop (v2sf)  }
0xbd: {  	s3 =	sadd.s32 s3, s15;
	v57, _, _ =	vpop (xrf0)  }
0xbe: {  	v58 =	vadd.s32 s3, v57  }
0xbf: {  	v4 =	vmul.u32 v4, v58;
	_ =	sdelay $0x1  }
0xc0: {  	v4 =	vadd.s32 v3, v4  }
0xc1: {  	[tilespmem:$0x2020] =	vst v4  }
0xc2: {  	(v2sf) =	vpush v57, $0xF;
	v59 =	vld [tilespmem:s1+$0x30];
	_ =	sdelay $0x4  }
0xc3: {  	v5 =	vadd.s32 $0xFFFFFFFF, v59  }
0xc4: {  	v60 =	vsub.s32 $0x0, v5  }
0xc5: {  	v5 =	vmin.u32 v5, v60  }
0xc6: {  	vm1 =	vlt.s32 v5, $0x1  }
0xc7: {  	v5 =	vnsel vm1, $0x1, v5  }
0xc8: {  	(xrf0) =	vadd.scan.msk.s32 $0xffff, v5;
	_ =	sdelay $0x1  }
0xc9: {  	v61 =	vshll.u32 v4, $0x3  }
0xca: {  	v4 =	vand.u32 $0x7, v4;
	v6 =	vand.u32 $0xFFFFFFC0, v61  }
0xcb: {  	v4 =	vor.u32 v4, v6  }
0xcc: {  	v6 =	vperm.xlane v4, v0;
	s16 =	spop (v2sf)  }
0xcd: {  	s3 =	sadd.s32 s3, s16;
	v62, _, _ =	vpop (xrf0)  }
0xce: {  	v6 =	vadd.s32 v1, v6;
	v63 =	vadd.s32 s3, v62  }
0xcf: {  	v5 =	vmul.u32 v5, v63;
	_ =	sdelay $0x1  }
0xd0: {  	v5 =	vadd.s32 v3, v5  }
0xd1: {  	s18 =	simm.s32 $0xA480;
	[tilespmem:$0x2030] =	vst v5  }
0xd2: {  	[tilespmem:s18], [sflag:$0x2] =	stream.indirect_vreg.gather [hbm4b:s17+s0], $0x80, v6, vm0, $0xb8;
	[tilespmem:$0x1A480] =	vst v63  }
0xd3: {  	s20 =	simm.s32 $0xAC80;
	v4 =	vperm.xlane v4, v2  }
0xd4: {  	[tilespmem:s20], [sflag:$0x2] =	stream.indirect_vreg.gather [hbm4b:s8+s0], $0x80, v6, vm0, $0xb8;
	[tilespmem:$0x1A480] =	vst v63  }
0xd5: {  	s28 =	simm.s32 $0xB480;
	v4 =	vadd.s32 v1, v4  }
0xd6: {  	[tilespmem:s28], [sflag:$0x2] =	stream.indirect_vreg.gather [hbm4b:s9+s0], $0x80, v6, vm0, $0xb8;
	[tilespmem:$0x1A480] =	vst v63  }
0xd7: {  	s29 =	simm.s32 $0xBC80  }
0xd8: {  	[tilespmem:s29], [sflag:$0x2] =	stream.indirect_vreg.gather [hbm4b:s19+s0], $0x80, v6, vm0, $0xb8;
	[tilespmem:$0x1A480] =	vst v63  }
0xd9: {  	s31 =	simm.s32 $0xC480  }
0xda: {  	[tilespmem:s31], [sflag:$0x2] =	stream.indirect_vreg.gather [hbm4b:s17+s0], $0x80, v4, vm0, $0xb8;
	[tilespmem:$0x1A480] =	vst v63  }
0xdb: {  	s4 =	simm.s32 $0xCC80  }
0xdc: {  	[tilespmem:s4], [sflag:$0x2] =	stream.indirect_vreg.gather [hbm4b:s8+s0], $0x80, v4, vm0, $0xb8;
	[tilespmem:$0x1A480] =	vst v63  }
0xdd: {  	s13 =	simm.s32 $0xD480  }
0xde: {  	[tilespmem:s13], [sflag:$0x2] =	stream.indirect_vreg.gather [hbm4b:s9+s0], $0x80, v4, vm0, $0xb8;
	[tilespmem:$0x1A480] =	vst v63  }
0xdf: {  	s15 =	simm.s32 $0xDC80  }
0xe0: {  	[tilespmem:s15], [sflag:$0x2] =	stream.indirect_vreg.gather [hbm4b:s19+s0], $0x80, v4, vm0, $0xb8;
	[tilespmem:$0x1A480] =	vst v63  }
0xe1: {  	v4 =	vld [tilespmem:$0x2030];
	_ =	sdelay $0x4  }
0xe2: {  	v11 =	vshll.u32 v4, $0x3  }
0xe3: {  	v4 =	vand.u32 $0x7, v4;
	v5 =	vand.u32 $0xFFFFFFC0, v11  }
0xe4: {  	v4 =	vor.u32 v4, v5  }
0xe5: {  	v5 =	vperm.xlane v4, v0;
	_ =	sdelay $0x1  }
0xe6: {  	v5 =	vadd.s32 v1, v5;
	_ =	sdelay $0x3  }
0xe7: {  	s18 =	simm.s32 $0xE480  }
0xe8: {  	[tilespmem:s18], [sflag:$0x2] =	stream.indirect_vreg.gather [hbm4b:s17+s0], $0x80, v5, vm0, $0xb8;
	[tilespmem:$0x1A480] =	vst v63  }
0xe9: {  	s20 =	simm.s32 $0xEC80;
	v4 =	vperm.xlane v4, v2  }
0xea: {  	[tilespmem:s20], [sflag:$0x2] =	stream.indirect_vreg.gather [hbm4b:s8+s0], $0x80, v5, vm0, $0xb8;
	[tilespmem:$0x1A480] =	vst v63  }
0xeb: {  	s28 =	simm.s32 $0xF480;
	v4 =	vadd.s32 v1, v4  }
0xec: {  	[tilespmem:s28], [sflag:$0x2] =	stream.indirect_vreg.gather [hbm4b:s9+s0], $0x80, v5, vm0, $0xb8;
	[tilespmem:$0x1A480] =	vst v63  }
0xed: {  	s31 =	simm.s32 $0xFC80  }
0xee: {  	[tilespmem:s31], [sflag:$0x2] =	stream.indirect_vreg.gather [hbm4b:s19+s0], $0x80, v5, vm0, $0xb8;
	[tilespmem:$0x1A480] =	vst v63  }
0xef: {  	s4 =	simm.s32 $0x10480  }
0xf0: {  	[tilespmem:s4], [sflag:$0x2] =	stream.indirect_vreg.gather [hbm4b:s17+s0], $0x80, v4, vm0, $0xb8;
	[tilespmem:$0x1A480] =	vst v63  }
0xf1: {  	s18 =	simm.s32 $0x10C80  }
0xf2: {  	[tilespmem:s18], [sflag:$0x2] =	stream.indirect_vreg.gather [hbm4b:s8+s0], $0x80, v4, vm0, $0xb8;
	[tilespmem:$0x1A480] =	vst v63  }
0xf3: {  	s20 =	simm.s32 $0x11480  }
0xf4: {  	[tilespmem:s20], [sflag:$0x2] =	stream.indirect_vreg.gather [hbm4b:s9+s0], $0x80, v4, vm0, $0xb8;
	[tilespmem:$0x1A480] =	vst v63  }
0xf5: {  	s28 =	simm.s32 $0x11C80  }
0xf6: {  	[tilespmem:s28], [sflag:$0x2] =	stream.indirect_vreg.gather [hbm4b:s19+s0], $0x80, v4, vm0, $0xb8;
	[tilespmem:$0x1A480] =	vst v63  }
0xf7: {  	(v2sf) =	vpush v62, $0xF;
	v4 =	vld [tilespmem:s1+$0x40];
	_ =	sdelay $0x4  }
0xf8: {  	v4 =	vadd.s32 $0xFFFFFFFF, v4  }
0xf9: {  	v12 =	vsub.s32 $0x0, v4  }
0xfa: {  	v4 =	vmin.u32 v4, v12  }
0xfb: {  	vm1 =	vlt.s32 v4, $0x1  }
0xfc: {  	v4 =	vnsel vm1, $0x1, v4  }
0xfd: {  	(xrf0) =	vadd.scan.msk.s32 $0xffff, v4;
	_ =	sdelay $0x4  }
0xfe: {  	s31 =	spop (v2sf)  }
0xff: {  	s3 =	sadd.s32 s3, s31;
	v13, _, _ =	vpop (xrf0)  }
0x100: {  	v14 =	vadd.s32 s3, v13  }
0x101: {  	v4 =	vmul.u32 v4, v14;
	_ =	sdelay $0x1  }
0x102: {  	v4 =	vadd.s32 v3, v4  }
0x103: {  	[tilespmem:$0x2040] =	vst v4  }
0x104: {  	(v2sf) =	vpush v13, $0xF;
	v15 =	vld [tilespmem:s1+$0x50];
	_ =	sdelay $0x4  }
0x105: {  	v5 =	vadd.s32 $0xFFFFFFFF, v15  }
0x106: {  	v16 =	vsub.s32 $0x0, v5  }
0x107: {  	v5 =	vmin.u32 v5, v16  }
0x108: {  	vm1 =	vlt.s32 v5, $0x1  }
0x109: {  	v5 =	vnsel vm1, $0x1, v5  }
0x10a: {  	(xrf0) =	vadd.scan.msk.s32 $0xffff, v5;
	_ =	sdelay $0x1  }
0x10b: {  	v17 =	vshll.u32 v4, $0x3  }
0x10c: {  	v4 =	vand.u32 $0x7, v4;
	v6 =	vand.u32 $0xFFFFFFC0, v17  }
0x10d: {  	v4 =	vor.u32 v4, v6  }
0x10e: {  	[smem:$0x7D1] =	sst s2;
	v6 =	vperm.xlane v4, v0;
	s2 =	spop (v2sf)  }
0x10f: {  	s3 =	sadd.s32 s3, s2;
	v18, _, _ =	vpop (xrf0)  }
0x110: {  	v6 =	vadd.s32 v1, v6;
	v19 =	vadd.s32 s3, v18  }
0x111: {  	v5 =	vmul.u32 v5, v19;
	_ =	sdelay $0x1  }
0x112: {  	v5 =	vadd.s32 v3, v5  }
0x113: {  	s4 =	simm.s32 $0x12480;
	[tilespmem:$0x2050] =	vst v5  }
0x114: {  	[tilespmem:s4], [sflag:$0x3] =	stream.indirect_vreg.gather [hbm4b:s17+s0], $0x80, v6, vm0, $0xb8;
	[tilespmem:$0x1A480] =	vst v63  }
0x115: {  	s18 =	simm.s32 $0x12C80;
	v4 =	vperm.xlane v4, v2  }
0x116: {  	[tilespmem:s18], [sflag:$0x3] =	stream.indirect_vreg.gather [hbm4b:s8+s0], $0x80, v6, vm0, $0xb8;
	[tilespmem:$0x1A480] =	vst v63  }
0x117: {  	s20 =	simm.s32 $0x13480;
	v4 =	vadd.s32 v1, v4  }
0x118: {  	[tilespmem:s20], [sflag:$0x3] =	stream.indirect_vreg.gather [hbm4b:s9+s0], $0x80, v6, vm0, $0xb8;
	[tilespmem:$0x1A480] =	vst v63  }
0x119: {  	s28 =	simm.s32 $0x13C80  }
0x11a: {  	[tilespmem:s28], [sflag:$0x3] =	stream.indirect_vreg.gather [hbm4b:s19+s0], $0x80, v6, vm0, $0xb8;
	[tilespmem:$0x1A480] =	vst v63  }
0x11b: {  	s31 =	simm.s32 $0x14480  }
0x11c: {  	[tilespmem:s31], [sflag:$0x3] =	stream.indirect_vreg.gather [hbm4b:s17+s0], $0x80, v4, vm0, $0xb8;
	[tilespmem:$0x1A480] =	vst v63  }
0x11d: {  	s4 =	simm.s32 $0x14C80  }
0x11e: {  	[tilespmem:s4], [sflag:$0x3] =	stream.indirect_vreg.gather [hbm4b:s8+s0], $0x80, v4, vm0, $0xb8;
	[tilespmem:$0x1A480] =	vst v63  }
0x11f: {  	s18 =	simm.s32 $0x15480  }
0x120: {  	[tilespmem:s18], [sflag:$0x3] =	stream.indirect_vreg.gather [hbm4b:s9+s0], $0x80, v4, vm0, $0xb8;
	[tilespmem:$0x1A480] =	vst v63  }
0x121: {  	s20 =	simm.s32 $0x15C80  }
0x122: {  	[tilespmem:s20], [sflag:$0x3] =	stream.indirect_vreg.gather [hbm4b:s19+s0], $0x80, v4, vm0, $0xb8;
	[tilespmem:$0x1A480] =	vst v63  }
0x123: {  	v4 =	vld [tilespmem:$0x2050];
	_ =	sdelay $0x4  }
0x124: {  	v20 =	vshll.u32 v4, $0x3  }
0x125: {  	v4 =	vand.u32 $0x7, v4;
	v5 =	vand.u32 $0xFFFFFFC0, v20  }
0x126: {  	v4 =	vor.u32 v4, v5  }
0x127: {  	v5 =	vperm.xlane v4, v0;
	_ =	sdelay $0x1  }
0x128: {  	v5 =	vadd.s32 v1, v5;
	_ =	sdelay $0x3  }
0x129: {  	s28 =	simm.s32 $0x16480  }
0x12a: {  	[tilespmem:s28], [sflag:$0x3] =	stream.indirect_vreg.gather [hbm4b:s17+s0], $0x80, v5, vm0, $0xb8;
	[tilespmem:$0x1A480] =	vst v63  }
0x12b: {  	s31 =	simm.s32 $0x16C80;
	v4 =	vperm.xlane v4, v2  }
0x12c: {  	[tilespmem:s31], [sflag:$0x3] =	stream.indirect_vreg.gather [hbm4b:s8+s0], $0x80, v5, vm0, $0xb8;
	[tilespmem:$0x1A480] =	vst v63  }
0x12d: {  	s4 =	simm.s32 $0x17480;
	v4 =	vadd.s32 v1, v4  }
0x12e: {  	[tilespmem:s4], [sflag:$0x3] =	stream.indirect_vreg.gather [hbm4b:s9+s0], $0x80, v5, vm0, $0xb8;
	[tilespmem:$0x1A480] =	vst v63  }
0x12f: {  	s18 =	simm.s32 $0x17C80  }
0x130: {  	[tilespmem:s18], [sflag:$0x3] =	stream.indirect_vreg.gather [hbm4b:s19+s0], $0x80, v5, vm0, $0xb8;
	[tilespmem:$0x1A480] =	vst v63  }
0x131: {  	s20 =	simm.s32 $0x18480  }
0x132: {  	[tilespmem:s20], [sflag:$0x3] =	stream.indirect_vreg.gather [hbm4b:s17+s0], $0x80, v4, vm0, $0xb8;
	[tilespmem:$0x1A480] =	vst v63  }
0x133: {  	s28 =	simm.s32 $0x18C80  }
0x134: {  	[tilespmem:s28], [sflag:$0x3] =	stream.indirect_vreg.gather [hbm4b:s8+s0], $0x80, v4, vm0, $0xb8;
	[tilespmem:$0x1A480] =	vst v63  }
0x135: {  	s31 =	simm.s32 $0x19480  }
0x136: {  	[tilespmem:s31], [sflag:$0x3] =	stream.indirect_vreg.gather [hbm4b:s9+s0], $0x80, v4, vm0, $0xb8;
	[tilespmem:$0x1A480] =	vst v63  }
0x137: {  	s4 =	simm.s32 $0x19C80  }
0x138: {  	[tilespmem:s4], [sflag:$0x3] =	stream.indirect_vreg.gather [hbm4b:s19+s0], $0x80, v4, vm0, $0xb8;
	[tilespmem:$0x1A480] =	vst v63  }
0x139: {  	_ =	swait.ge [sflag:s21], $0x8000  }
0x13a: {  	s18 =	sld [smem:$0x7FC]  }
0x13b: {  	[sflag:s21] =	ssyncset.done $0x0  }
0x13c: {  	s20 =	simm.s32 $0x2480;
	[sflag:s21] =	ssyncadd.s32 $0xFFFF8000  }
0x13d: {  	[hbm4b:s18+s0] =	stream.linear.scatter [tilespmem:s20], [sflag:$0x4], $0x8000, $0x38;
	[tilespmem:$0x1A480] =	vst v63  }
0x13e: {  	(v2sf) =	vpush v18, $0xF;
	v21 =	vld [tilespmem:s1+$0x60];
	_ =	sdelay $0x4  }
0x13f: {  	v4 =	vadd.s32 $0xFFFFFFFF, v21  }
0x140: {  	v22 =	vsub.s32 $0x0, v4  }
0x141: {  	v4 =	vmin.u32 v4, v22  }
0x142: {  	vm1 =	vlt.s32 v4, $0x1  }
0x143: {  	v4 =	vnsel vm1, $0x1, v4  }
0x144: {  	(xrf0) =	vadd.scan.msk.s32 $0xffff, v4;
	_ =	sdelay $0x4  }
0x145: {  	s28 =	spop (v2sf)  }
0x146: {  	s3 =	sadd.s32 s3, s28;
	v23, _, _ =	vpop (xrf0)  }
0x147: {  	v24 =	vadd.s32 s3, v23  }
0x148: {  	v4 =	vmul.u32 v4, v24;
	_ =	sdelay $0x1  }
0x149: {  	v4 =	vadd.s32 v3, v4  }
0x14a: {  	[tilespmem:$0x2060] =	vst v4  }
0x14b: {  	(v2sf) =	vpush v23, $0xF;
	v25 =	vld [tilespmem:s1+$0x70];
	_ =	sdelay $0x4  }
0x14c: {  	v5 =	vadd.s32 $0xFFFFFFFF, v25  }
0x14d: {  	v26 =	vsub.s32 $0x0, v5  }
0x14e: {  	v5 =	vmin.u32 v5, v26  }
0x14f: {  	vm1 =	vlt.s32 v5, $0x1  }
0x150: {  	v5 =	vnsel vm1, $0x1, v5  }
0x151: {  	(xrf0) =	vadd.scan.msk.s32 $0xffff, v5;
	_ =	sdelay $0x4  }
0x152: {  	v27 =	vshll.u32 v4, $0x3;
	s31 =	spop (v2sf)  }
0x153: {  	v4 =	vand.u32 $0x7, v4;
	v6 =	vand.u32 $0xFFFFFFC0, v27;
	s3 =	sadd.s32 s3, s31;
	v28, _, _ =	vpop (xrf0)  }
0x154: {  	v4 =	vor.u32 v4, v6;
	v29 =	vadd.s32 s3, v28  }
0x155: {  	v30 =	vperm.xlane v4, v0;
	v5 =	vmul.u32 v5, v29;
	_ =	sdelay $0x1  }
0x156: {  	v6 =	vadd.s32 v1, v30;
	v5 =	vadd.s32 v3, v5  }
0x157: {  	[tilespmem:$0x2070] =	vst v5  }
0x158: {  	_ =	swait.ge [sflag:s25], $0x8000  }
0x159: {  	[sflag:s25] =	ssyncset.done $0x0  }
0x15a: {  	[sflag:s25] =	ssyncadd.s32 $0xFFFF8000  }
0x15b: {  	[tilespmem:s20], [sflag:$0x1] =	stream.indirect_vreg.gather [hbm4b:s17+s0], $0x80, v6, vm0, $0xb8;
	[tilespmem:$0x1A480] =	vst v63  }
0x15c: {  	s5 =	simm.s32 $0x2C80;
	v4 =	vperm.xlane v4, v2  }
0x15d: {  	[tilespmem:s5], [sflag:$0x1] =	stream.indirect_vreg.gather [hbm4b:s8+s0], $0x80, v6, vm0, $0xb8;
	[tilespmem:$0x1A480] =	vst v63  }
0x15e: {  	s11 =	simm.s32 $0x3480;
	v4 =	vadd.s32 v1, v4  }
0x15f: {  	[tilespmem:s11], [sflag:$0x1] =	stream.indirect_vreg.gather [hbm4b:s9+s0], $0x80, v6, vm0, $0xb8;
	[tilespmem:$0x1A480] =	vst v63  }
0x160: {  	s12 =	simm.s32 $0x3C80  }
0x161: {  	[tilespmem:s12], [sflag:$0x1] =	stream.indirect_vreg.gather [hbm4b:s19+s0], $0x80, v6, vm0, $0xb8;
	[tilespmem:$0x1A480] =	vst v63  }
0x162: {  	s14 =	simm.s32 $0x4480  }
0x163: {  	[tilespmem:s14], [sflag:$0x1] =	stream.indirect_vreg.gather [hbm4b:s17+s0], $0x80, v4, vm0, $0xb8;
	[tilespmem:$0x1A480] =	vst v63  }
0x164: {  	s22 =	simm.s32 $0x4C80  }
0x165: {  	[tilespmem:s22], [sflag:$0x1] =	stream.indirect_vreg.gather [hbm4b:s8+s0], $0x80, v4, vm0, $0xb8;
	[tilespmem:$0x1A480] =	vst v63  }
0x166: {  	s30 =	simm.s32 $0x5480  }
0x167: {  	[tilespmem:s30], [sflag:$0x1] =	stream.indirect_vreg.gather [hbm4b:s9+s0], $0x80, v4, vm0, $0xb8;
	[tilespmem:$0x1A480] =	vst v63  }
0x168: {  	s28 =	simm.s32 $0x5C80  }
0x169: {  	[tilespmem:s28], [sflag:$0x1] =	stream.indirect_vreg.gather [hbm4b:s19+s0], $0x80, v4, vm0, $0xb8;
	[tilespmem:$0x1A480] =	vst v63  }
0x16a: {  	v4 =	vld [tilespmem:$0x2070];
	_ =	sdelay $0x4  }
0x16b: {  	v31 =	vshll.u32 v4, $0x3  }
0x16c: {  	v4 =	vand.u32 $0x7, v4;
	v5 =	vand.u32 $0xFFFFFFC0, v31  }
0x16d: {  	v4 =	vor.u32 v4, v5  }
0x16e: {  	v5 =	vperm.xlane v4, v0;
	_ =	sdelay $0x1  }
0x16f: {  	v5 =	vadd.s32 v1, v5;
	_ =	sdelay $0x3  }
0x170: {  	s11 =	simm.s32 $0x6480  }
0x171: {  	[tilespmem:s11], [sflag:$0x1] =	stream.indirect_vreg.gather [hbm4b:s17+s0], $0x80, v5, vm0, $0xb8;
	[tilespmem:$0x1A480] =	vst v63  }
0x172: {  	s18 =	simm.s32 $0x6C80;
	v4 =	vperm.xlane v4, v2  }
0x173: {  	[tilespmem:s18], [sflag:$0x1] =	stream.indirect_vreg.gather [hbm4b:s8+s0], $0x80, v5, vm0, $0xb8;
	[tilespmem:$0x1A480] =	vst v63  }
0x174: {  	s10 =	simm.s32 $0x7480;
	v4 =	vadd.s32 v1, v4  }
0x175: {  	[tilespmem:s10], [sflag:$0x1] =	stream.indirect_vreg.gather [hbm4b:s9+s0], $0x80, v5, vm0, $0xb8;
	[tilespmem:$0x1A480] =	vst v63  }
0x176: {  	s23 =	simm.s32 $0x7C80  }
0x177: {  	[tilespmem:s23], [sflag:$0x1] =	stream.indirect_vreg.gather [hbm4b:s19+s0], $0x80, v5, vm0, $0xb8;
	[tilespmem:$0x1A480] =	vst v63  }
0x178: {  	s6 =	simm.s32 $0x8480  }
0x179: {  	[tilespmem:s6], [sflag:$0x1] =	stream.indirect_vreg.gather [hbm4b:s17+s0], $0x80, v4, vm0, $0xb8;
	[tilespmem:$0x1A480] =	vst v63  }
0x17a: {  	s23 =	simm.s32 $0x8C80  }
0x17b: {  	[tilespmem:s23], [sflag:$0x1] =	stream.indirect_vreg.gather [hbm4b:s8+s0], $0x80, v4, vm0, $0xb8;
	[tilespmem:$0x1A480] =	vst v63  }
0x17c: {  	s5 =	simm.s32 $0x9480  }
0x17d: {  	[tilespmem:s5], [sflag:$0x1] =	stream.indirect_vreg.gather [hbm4b:s9+s0], $0x80, v4, vm0, $0xb8;
	[tilespmem:$0x1A480] =	vst v63  }
0x17e: {  	s20 =	simm.s32 $0x9C80  }
0x17f: {  	[tilespmem:s20], [sflag:$0x1] =	stream.indirect_vreg.gather [hbm4b:s19+s0], $0x80, v4, vm0, $0xb8;
	[tilespmem:$0x1A480] =	vst v63  }
0x180: {  	_ =	swait.ge [sflag:s26], $0x8000  }
0x181: {  	s10 =	sld [smem:$0x7FA]  }
0x182: {  	[sflag:s26] =	ssyncset.done $0x0  }
0x183: {  	s24 =	simm.s32 $0xA480;
	s12 =	rddreg [dreg:$0x6];
	[sflag:s26] =	ssyncadd.s32 $0xFFFF8000  }
0x184: {  	[hbm4b:s10+s0] =	stream.linear.scatter [tilespmem:s24], [sflag:$0x5], $0x8000, $0x38;
	[tilespmem:$0x1A480] =	vst v63  }
0x185: {  	(v2sf) =	vpush v28, $0xF;
	v32 =	vld [tilespmem:s12+$0x0];
	_ =	sdelay $0x4  }
0x186: {  	v4 =	vadd.s32 $0xFFFFFFFF, v32  }
0x187: {  	v33 =	vsub.s32 $0x0, v4  }
0x188: {  	v4 =	vmin.u32 v4, v33  }
0x189: {  	vm1 =	vlt.s32 v4, $0x1  }
0x18a: {  	v4 =	vnsel vm1, $0x1, v4  }
0x18b: {  	(xrf0) =	vadd.scan.msk.s32 $0xffff, v4;
	_ =	sdelay $0x4  }
0x18c: {  	s14 =	spop (v2sf)  }
0x18d: {  	s3 =	sadd.s32 s3, s14;
	v34, _, _ =	vpop (xrf0)  }
0x18e: {  	v35 =	vadd.s32 s3, v34  }
0x18f: {  	v4 =	vmul.u32 v4, v35;
	_ =	sdelay $0x1  }
0x190: {  	v4 =	vadd.s32 v3, v4  }
0x191: {  	[tilespmem:$0x2080] =	vst v4  }
0x192: {  	(v2sf) =	vpush v34, $0xF;
	v36 =	vld [tilespmem:s1+$0x90];
	_ =	sdelay $0x4  }
0x193: {  	v5 =	vadd.s32 $0xFFFFFFFF, v36  }
0x194: {  	v37 =	vsub.s32 $0x0, v5  }
0x195: {  	v5 =	vmin.u32 v5, v37  }
0x196: {  	vm1 =	vlt.s32 v5, $0x1  }
0x197: {  	v5 =	vnsel vm1, $0x1, v5  }
0x198: {  	(xrf0) =	vadd.scan.msk.s32 $0xffff, v5;
	_ =	sdelay $0x4  }
0x199: {  	v38 =	vshll.u32 v4, $0x3;
	s22 =	spop (v2sf)  }
0x19a: {  	v4 =	vand.u32 $0x7, v4;
	v6 =	vand.u32 $0xFFFFFFC0, v38;
	s3 =	sadd.s32 s3, s22;
	v39, _, _ =	vpop (xrf0)  }
0x19b: {  	v4 =	vor.u32 v4, v6;
	v40 =	vadd.s32 s3, v39  }
0x19c: {  	v41 =	vperm.xlane v4, v0;
	v5 =	vmul.u32 v5, v40;
	_ =	sdelay $0x1  }
0x19d: {  	v6 =	vadd.s32 v1, v41;
	v5 =	vadd.s32 v3, v5  }
0x19e: {  	[tilespmem:$0x2090] =	vst v5  }
0x19f: {  	_ =	swait.ge [sflag:s7], $0x8000  }
0x1a0: {  	[sflag:s7] =	ssyncset.done $0x0  }
0x1a1: {  	[sflag:s7] =	ssyncadd.s32 $0xFFFF8000  }
0x1a2: {  	[tilespmem:s24], [sflag:$0x2] =	stream.indirect_vreg.gather [hbm4b:s17+s0], $0x80, v6, vm0, $0xb8;
	[tilespmem:$0x1A480] =	vst v63  }
0x1a3: {  	s16 =	simm.s32 $0xAC80;
	v4 =	vperm.xlane v4, v2  }
0x1a4: {  	[tilespmem:s16], [sflag:$0x2] =	stream.indirect_vreg.gather [hbm4b:s8+s0], $0x80, v6, vm0, $0xb8;
	[tilespmem:$0x1A480] =	vst v63  }
0x1a5: {  	s31 =	simm.s32 $0xB480;
	v4 =	vadd.s32 v1, v4  }
0x1a6: {  	[tilespmem:s31], [sflag:$0x2] =	stream.indirect_vreg.gather [hbm4b:s9+s0], $0x80, v6, vm0, $0xb8;
	[tilespmem:$0x1A480] =	vst v63  }
0x1a7: {  	s30 =	simm.s32 $0xBC80  }
0x1a8: {  	[tilespmem:s30], [sflag:$0x2] =	stream.indirect_vreg.gather [hbm4b:s19+s0], $0x80, v6, vm0, $0xb8;
	[tilespmem:$0x1A480] =	vst v63  }
0x1a9: {  	s6 =	simm.s32 $0xC480  }
0x1aa: {  	[tilespmem:s6], [sflag:$0x2] =	stream.indirect_vreg.gather [hbm4b:s17+s0], $0x80, v4, vm0, $0xb8;
	[tilespmem:$0x1A480] =	vst v63  }
0x1ab: {  	s16 =	simm.s32 $0xCC80  }
0x1ac: {  	[tilespmem:s16], [sflag:$0x2] =	stream.indirect_vreg.gather [hbm4b:s8+s0], $0x80, v4, vm0, $0xb8;
	[tilespmem:$0x1A480] =	vst v63  }
0x1ad: {  	s12 =	simm.s32 $0xD480  }
0x1ae: {  	[tilespmem:s12], [sflag:$0x2] =	stream.indirect_vreg.gather [hbm4b:s9+s0], $0x80, v4, vm0, $0xb8;
	[tilespmem:$0x1A480] =	vst v63  }
0x1af: {  	s29 =	simm.s32 $0xDC80  }
0x1b0: {  	[tilespmem:s29], [sflag:$0x2] =	stream.indirect_vreg.gather [hbm4b:s19+s0], $0x80, v4, vm0, $0xb8;
	[tilespmem:$0x1A480] =	vst v63  }
0x1b1: {  	v4 =	vld [tilespmem:$0x2090];
	_ =	sdelay $0x4  }
0x1b2: {  	v42 =	vshll.u32 v4, $0x3  }
0x1b3: {  	v4 =	vand.u32 $0x7, v4;
	v5 =	vand.u32 $0xFFFFFFC0, v42  }
0x1b4: {  	v4 =	vor.u32 v4, v5  }
0x1b5: {  	v5 =	vperm.xlane v4, v0;
	_ =	sdelay $0x1  }
0x1b6: {  	v5 =	vadd.s32 v1, v5;
	_ =	sdelay $0x3  }
0x1b7: {  	s13 =	simm.s32 $0xE480  }
0x1b8: {  	[tilespmem:s13], [sflag:$0x2] =	stream.indirect_vreg.gather [hbm4b:s17+s0], $0x80, v5, vm0, $0xb8;
	[tilespmem:$0x1A480] =	vst v63  }
0x1b9: {  	s15 =	simm.s32 $0xEC80;
	v4 =	vperm.xlane v4, v2  }
0x1ba: {  	[tilespmem:s15], [sflag:$0x2] =	stream.indirect_vreg.gather [hbm4b:s8+s0], $0x80, v5, vm0, $0xb8;
	[tilespmem:$0x1A480] =	vst v63  }
0x1bb: {  	s10 =	simm.s32 $0xF480;
	v4 =	vadd.s32 v1, v4  }
0x1bc: {  	[tilespmem:s10], [sflag:$0x2] =	stream.indirect_vreg.gather [hbm4b:s9+s0], $0x80, v5, vm0, $0xb8;
	[tilespmem:$0x1A480] =	vst v63  }
0x1bd: {  	s13 =	simm.s32 $0xFC80  }
0x1be: {  	[tilespmem:s13], [sflag:$0x2] =	stream.indirect_vreg.gather [hbm4b:s19+s0], $0x80, v5, vm0, $0xb8;
	[tilespmem:$0x1A480] =	vst v63  }
0x1bf: {  	s15 =	simm.s32 $0x10480  }
0x1c0: {  	[tilespmem:s15], [sflag:$0x2] =	stream.indirect_vreg.gather [hbm4b:s17+s0], $0x80, v4, vm0, $0xb8;
	[tilespmem:$0x1A480] =	vst v63  }
0x1c1: {  	s14 =	simm.s32 $0x10C80  }
0x1c2: {  	[tilespmem:s14], [sflag:$0x2] =	stream.indirect_vreg.gather [hbm4b:s8+s0], $0x80, v4, vm0, $0xb8;
	[tilespmem:$0x1A480] =	vst v63  }
0x1c3: {  	s22 =	simm.s32 $0x11480  }
0x1c4: {  	[tilespmem:s22], [sflag:$0x2] =	stream.indirect_vreg.gather [hbm4b:s9+s0], $0x80, v4, vm0, $0xb8;
	[tilespmem:$0x1A480] =	vst v63  }
0x1c5: {  	s29 =	simm.s32 $0x11C80  }
0x1c6: {  	[tilespmem:s29], [sflag:$0x2] =	stream.indirect_vreg.gather [hbm4b:s19+s0], $0x80, v4, vm0, $0xb8;
	[tilespmem:$0x1A480] =	vst v63  }
0x1c7: {  	s29 =	simm.s32 $0x3  }
0x1c8: {  	_ =	swait.ge [sflag:s29], $0x8000  }
0x1c9: {  	s2 =	sld [smem:$0x7FB]  }
0x1ca: {  	[sflag:s29] =	ssyncset.done $0x0  }
0x1cb: {  	s24 =	simm.s32 $0x12480;
	[sflag:s29] =	ssyncadd.s32 $0xFFFF8000  }
0x1cc: {  	[hbm4b:s2+s0] =	stream.linear.scatter [tilespmem:s24], [sflag:$0x6], $0x8000, $0x38;
	[tilespmem:$0x1A480] =	vst v63  }
0x1cd: {  	s2 =	rddreg [dreg:$0x7]  }
0x1ce: {  	(v2sf) =	vpush v39, $0xF;
	v43 =	vld [tilespmem:s2+$0x0];
	_ =	sdelay $0x4  }
0x1cf: {  	v4 =	vadd.s32 $0xFFFFFFFF, v43  }
0x1d0: {  	v44 =	vsub.s32 $0x0, v4  }
0x1d1: {  	v4 =	vmin.u32 v4, v44  }
0x1d2: {  	vm1 =	vlt.s32 v4, $0x1  }
0x1d3: {  	v4 =	vnsel vm1, $0x1, v4  }
0x1d4: {  	(xrf0) =	vadd.scan.msk.s32 $0xffff, v4;
	_ =	sdelay $0x4  }
0x1d5: {  	s2 =	spop (v2sf)  }
0x1d6: {  	s3 =	sadd.s32 s3, s2;
	v45, _, _ =	vpop (xrf0)  }
0x1d7: {  	v46 =	vadd.s32 s3, v45  }
0x1d8: {  	v4 =	vmul.u32 v4, v46;
	_ =	sdelay $0x1  }
0x1d9: {  	v4 =	vadd.s32 v3, v4  }
0x1da: {  	[tilespmem:$0x20A0] =	vst v4  }
0x1db: {  	(v2sf) =	vpush v45, $0xF;
	v47 =	vld [tilespmem:s1+$0xB0];
	_ =	sdelay $0x4  }
0x1dc: {  	v5 =	vadd.s32 $0xFFFFFFFF, v47  }
0x1dd: {  	v48 =	vsub.s32 $0x0, v5  }
0x1de: {  	v5 =	vmin.u32 v5, v48  }
0x1df: {  	vm1 =	vlt.s32 v5, $0x1  }
0x1e0: {  	v5 =	vnsel vm1, $0x1, v5  }
0x1e1: {  	(xrf0) =	vadd.scan.msk.s32 $0xffff, v5;
	_ =	sdelay $0x4  }
0x1e2: {  	v49 =	vshll.u32 v4, $0x3;
	s2 =	spop (v2sf)  }
0x1e3: {  	v4 =	vand.u32 $0x7, v4;
	v6 =	vand.u32 $0xFFFFFFC0, v49;
	s3 =	sadd.s32 s3, s2;
	v50, _, _ =	vpop (xrf0)  }
0x1e4: {  	v4 =	vor.u32 v4, v6;
	v51 =	vadd.s32 s3, v50  }
0x1e5: {  	v52 =	vperm.xlane v4, v0;
	v5 =	vmul.u32 v5, v51;
	_ =	sdelay $0x1  }
0x1e6: {  	v6 =	vadd.s32 v1, v52;
	v5 =	vadd.s32 v3, v5  }
0x1e7: {  	s2 =	simm.s32 $0x6;
	[tilespmem:$0x20B0] =	vst v5  }
0x1e8: {  	_ =	swait.ge [sflag:s2], $0x8000  }
0x1e9: {  	[sflag:s2] =	ssyncset.done $0x0  }
0x1ea: {  	[sflag:s2] =	ssyncadd.s32 $0xFFFF8000  }
0x1eb: {  	[tilespmem:s24], [sflag:$0x3] =	stream.indirect_vreg.gather [hbm4b:s17+s0], $0x80, v6, vm0, $0xb8;
	[tilespmem:$0x1A480] =	vst v63  }
0x1ec: {  	v4 =	vperm.xlane v4, v2;
	s24 =	simm.s32 $0x12C80  }
0x1ed: {  	[tilespmem:s24], [sflag:$0x3] =	stream.indirect_vreg.gather [hbm4b:s8+s0], $0x80, v6, vm0, $0xb8;
	[tilespmem:$0x1A480] =	vst v63  }
0x1ee: {  	v4 =	vadd.s32 v1, v4;
	s24 =	simm.s32 $0x13480  }
0x1ef: {  	[tilespmem:s24], [sflag:$0x3] =	stream.indirect_vreg.gather [hbm4b:s9+s0], $0x80, v6, vm0, $0xb8;
	[tilespmem:$0x1A480] =	vst v63  }
0x1f0: {  	s24 =	simm.s32 $0x13C80  }
0x1f1: {  	[tilespmem:s24], [sflag:$0x3] =	stream.indirect_vreg.gather [hbm4b:s19+s0], $0x80, v6, vm0, $0xb8;
	[tilespmem:$0x1A480] =	vst v63  }
0x1f2: {  	s24 =	simm.s32 $0x14480  }
0x1f3: {  	[tilespmem:s24], [sflag:$0x3] =	stream.indirect_vreg.gather [hbm4b:s17+s0], $0x80, v4, vm0, $0xb8;
	[tilespmem:$0x1A480] =	vst v63  }
0x1f4: {  	s24 =	simm.s32 $0x14C80  }
0x1f5: {  	[tilespmem:s24], [sflag:$0x3] =	stream.indirect_vreg.gather [hbm4b:s8+s0], $0x80, v4, vm0, $0xb8;
	[tilespmem:$0x1A480] =	vst v63  }
0x1f6: {  	s24 =	simm.s32 $0x15480  }
0x1f7: {  	[tilespmem:s24], [sflag:$0x3] =	stream.indirect_vreg.gather [hbm4b:s9+s0], $0x80, v4, vm0, $0xb8;
	[tilespmem:$0x1A480] =	vst v63  }
0x1f8: {  	s24 =	simm.s32 $0x15C80  }
0x1f9: {  	[tilespmem:s24], [sflag:$0x3] =	stream.indirect_vreg.gather [hbm4b:s19+s0], $0x80, v4, vm0, $0xb8;
	[tilespmem:$0x1A480] =	vst v63  }
0x1fa: {  	v4 =	vld [tilespmem:$0x20B0];
	_ =	sdelay $0x4  }
0x1fb: {  	v53 =	vshll.u32 v4, $0x3  }
0x1fc: {  	v4 =	vand.u32 $0x7, v4;
	v5 =	vand.u32 $0xFFFFFFC0, v53  }
0x1fd: {  	v4 =	vor.u32 v4, v5  }
0x1fe: {  	v5 =	vperm.xlane v4, v0;
	_ =	sdelay $0x1  }
0x1ff: {  	v5 =	vadd.s32 v1, v5;
	_ =	sdelay $0x3  }
0x200: {  	s24 =	simm.s32 $0x16480  }
0x201: {  	[tilespmem:s24], [sflag:$0x3] =	stream.indirect_vreg.gather [hbm4b:s17+s0], $0x80, v5, vm0, $0xb8;
	[tilespmem:$0x1A480] =	vst v63  }
0x202: {  	v4 =	vperm.xlane v4, v2;
	s24 =	simm.s32 $0x16C80  }
0x203: {  	[tilespmem:s24], [sflag:$0x3] =	stream.indirect_vreg.gather [hbm4b:s8+s0], $0x80, v5, vm0, $0xb8;
	[tilespmem:$0x1A480] =	vst v63  }
0x204: {  	v4 =	vadd.s32 v1, v4;
	s24 =	simm.s32 $0x17480  }
0x205: {  	[tilespmem:s24], [sflag:$0x3] =	stream.indirect_vreg.gather [hbm4b:s9+s0], $0x80, v5, vm0, $0xb8;
	[tilespmem:$0x1A480] =	vst v63  }
0x206: {  	s24 =	simm.s32 $0x17C80  }
0x207: {  	[tilespmem:s24], [sflag:$0x3] =	stream.indirect_vreg.gather [hbm4b:s19+s0], $0x80, v5, vm0, $0xb8;
	[tilespmem:$0x1A480] =	vst v63  }
0x208: {  	s24 =	simm.s32 $0x18480  }
0x209: {  	[tilespmem:s24], [sflag:$0x3] =	stream.indirect_vreg.gather [hbm4b:s17+s0], $0x80, v4, vm0, $0xb8;
	[tilespmem:$0x1A480] =	vst v63  }
0x20a: {  	s24 =	simm.s32 $0x18C80  }
0x20b: {  	[tilespmem:s24], [sflag:$0x3] =	stream.indirect_vreg.gather [hbm4b:s8+s0], $0x80, v4, vm0, $0xb8;
	[tilespmem:$0x1A480] =	vst v63  }
0x20c: {  	s24 =	simm.s32 $0x19480  }
0x20d: {  	[tilespmem:s24], [sflag:$0x3] =	stream.indirect_vreg.gather [hbm4b:s9+s0], $0x80, v4, vm0, $0xb8;
	[tilespmem:$0x1A480] =	vst v63  }
0x20e: {  	s24 =	simm.s32 $0x19C80  }
0x20f: {  	[tilespmem:s24], [sflag:$0x3] =	stream.indirect_vreg.gather [hbm4b:s19+s0], $0x80, v4, vm0, $0xb8;
	[tilespmem:$0x1A480] =	vst v63  }
0x210: {  	_ =	swait.ge [sflag:s21], $0x8000  }
0x211: {  	s4 =	sld [smem:$0x7FD]  }
0x212: {  	[sflag:s21] =	ssyncset.done $0x0  }
0x213: {  	s24 =	simm.s32 $0x2480;
	[sflag:s21] =	ssyncadd.s32 $0xFFFF8000  }
0x214: {  	[hbm4b:s4+s0] =	stream.linear.scatter [tilespmem:s24], [sflag:$0x4], $0x8000, $0x38;
	[tilespmem:$0x1A480] =	vst v63  }
0x215: {  	s4 =	rddreg [dreg:$0x8]  }
0x216: {  	(v2sf) =	vpush v50, $0xF;
	v54 =	vld [tilespmem:s4+$0x0];
	_ =	sdelay $0x4  }
0x217: {  	v4 =	vadd.s32 $0xFFFFFFFF, v54  }
0x218: {  	v55 =	vsub.s32 $0x0, v4  }
0x219: {  	v4 =	vmin.u32 v4, v55  }
0x21a: {  	vm1 =	vlt.s32 v4, $0x1  }
0x21b: {  	v4 =	vnsel vm1, $0x1, v4  }
0x21c: {  	(xrf0) =	vadd.scan.msk.s32 $0xffff, v4;
	_ =	sdelay $0x4  }
0x21d: {  	s4 =	spop (v2sf)  }
0x21e: {  	s3 =	sadd.s32 s3, s4;
	v56, _, _ =	vpop (xrf0)  }
0x21f: {  	v57 =	vadd.s32 s3, v56  }
0x220: {  	v4 =	vmul.u32 v4, v57;
	_ =	sdelay $0x1  }
0x221: {  	v4 =	vadd.s32 v3, v4  }
0x222: {  	[tilespmem:$0x20C0] =	vst v4  }
0x223: {  	(v2sf) =	vpush v56, $0xF;
	v58 =	vld [tilespmem:s1+$0xD0];
	_ =	sdelay $0x4  }
0x224: {  	v5 =	vadd.s32 $0xFFFFFFFF, v58  }
0x225: {  	v59 =	vsub.s32 $0x0, v5  }
0x226: {  	v5 =	vmin.u32 v5, v59  }
0x227: {  	vm1 =	vlt.s32 v5, $0x1  }
0x228: {  	v5 =	vnsel vm1, $0x1, v5  }
0x229: {  	(xrf0) =	vadd.scan.msk.s32 $0xffff, v5;
	_ =	sdelay $0x4  }
0x22a: {  	v60 =	vshll.u32 v4, $0x3;
	s4 =	spop (v2sf)  }
0x22b: {  	v4 =	vand.u32 $0x7, v4;
	v6 =	vand.u32 $0xFFFFFFC0, v60;
	s3 =	sadd.s32 s3, s4;
	v61, _, _ =	vpop (xrf0)  }
0x22c: {  	v4 =	vor.u32 v4, v6;
	v62 =	vadd.s32 s3, v61  }
0x22d: {  	v63 =	vperm.xlane v4, v0;
	v5 =	vmul.u32 v5, v62;
	_ =	sdelay $0x1  }
0x22e: {  	v6 =	vadd.s32 v1, v63;
	v5 =	vadd.s32 v3, v5  }
0x22f: {  	[tilespmem:$0x20D0] =	vst v5  }
0x230: {  	_ =	swait.ge [sflag:s25], $0x8000  }
0x231: {  	[sflag:s25] =	ssyncset.done $0x0  }
0x232: {  	[sflag:s25] =	ssyncadd.s32 $0xFFFF8000  }
0x233: {  	[tilespmem:s24], [sflag:$0x1] =	stream.indirect_vreg.gather [hbm4b:s17+s0], $0x80, v6, vm0, $0xb8;
	[tilespmem:$0x1A480] =	vst v63  }
0x234: {  	v4 =	vperm.xlane v4, v2;
	s24 =	simm.s32 $0x2C80  }
0x235: {  	[tilespmem:s24], [sflag:$0x1] =	stream.indirect_vreg.gather [hbm4b:s8+s0], $0x80, v6, vm0, $0xb8;
	[tilespmem:$0x1A480] =	vst v63  }
0x236: {  	v4 =	vadd.s32 v1, v4;
	s24 =	simm.s32 $0x3480  }
0x237: {  	[tilespmem:s24], [sflag:$0x1] =	stream.indirect_vreg.gather [hbm4b:s9+s0], $0x80, v6, vm0, $0xb8;
	[tilespmem:$0x1A480] =	vst v63  }
0x238: {  	s4 =	simm.s32 $0x3C80  }
0x239: {  	[tilespmem:s4], [sflag:$0x1] =	stream.indirect_vreg.gather [hbm4b:s19+s0], $0x80, v6, vm0, $0xb8;
	[tilespmem:$0x1A480] =	vst v63  }
0x23a: {  	s4 =	simm.s32 $0x4480  }
0x23b: {  	[tilespmem:s4], [sflag:$0x1] =	stream.indirect_vreg.gather [hbm4b:s17+s0], $0x80, v4, vm0, $0xb8;
	[tilespmem:$0x1A480] =	vst v63  }
0x23c: {  	s4 =	simm.s32 $0x4C80  }
0x23d: {  	[tilespmem:s4], [sflag:$0x1] =	stream.indirect_vreg.gather [hbm4b:s8+s0], $0x80, v4, vm0, $0xb8;
	[tilespmem:$0x1A480] =	vst v63  }
0x23e: {  	s4 =	simm.s32 $0x5480  }
0x23f: {  	[tilespmem:s4], [sflag:$0x1] =	stream.indirect_vreg.gather [hbm4b:s9+s0], $0x80, v4, vm0, $0xb8;
	[tilespmem:$0x1A480] =	vst v63  }
0x240: {  	_ = 	snop  }
0x241: {  	[tilespmem:s28], [sflag:$0x1] =	stream.indirect_vreg.gather [hbm4b:s19+s0], $0x80, v4, vm0, $0xb8;
	[tilespmem:$0x1A480] =	vst v63  }
0x242: {  	v4 =	vld [tilespmem:$0x20D0];
	_ =	sdelay $0x4  }
0x243: {  	v9 =	vshll.u32 v4, $0x3  }
0x244: {  	v4 =	vand.u32 $0x7, v4;
	v5 =	vand.u32 $0xFFFFFFC0, v9  }
0x245: {  	v4 =	vor.u32 v4, v5  }
0x246: {  	v5 =	vperm.xlane v4, v0;
	_ =	sdelay $0x1  }
0x247: {  	v5 =	vadd.s32 v1, v5;
	_ =	sdelay $0x4  }
0x248: {  	[tilespmem:s11], [sflag:$0x1] =	stream.indirect_vreg.gather [hbm4b:s17+s0], $0x80, v5, vm0, $0xb8;
	[tilespmem:$0x1A480] =	vst v63  }
0x249: {  	v4 =	vperm.xlane v4, v2  }
0x24a: {  	[tilespmem:s18], [sflag:$0x1] =	stream.indirect_vreg.gather [hbm4b:s8+s0], $0x80, v5, vm0, $0xb8;
	[tilespmem:$0x1A480] =	vst v63  }
0x24b: {  	s28 =	simm.s32 $0x7480;
	v4 =	vadd.s32 v1, v4  }
0x24c: {  	[tilespmem:s28], [sflag:$0x1] =	stream.indirect_vreg.gather [hbm4b:s9+s0], $0x80, v5, vm0, $0xb8;
	[tilespmem:$0x1A480] =	vst v63  }
0x24d: {  	s11 =	simm.s32 $0x7C80  }
0x24e: {  	[tilespmem:s11], [sflag:$0x1] =	stream.indirect_vreg.gather [hbm4b:s19+s0], $0x80, v5, vm0, $0xb8;
	[tilespmem:$0x1A480] =	vst v63  }
0x24f: {  	s18 =	simm.s32 $0x8480  }
0x250: {  	[tilespmem:s18], [sflag:$0x1] =	stream.indirect_vreg.gather [hbm4b:s17+s0], $0x80, v4, vm0, $0xb8;
	[tilespmem:$0x1A480] =	vst v63  }
0x251: {  	_ = 	snop  }
0x252: {  	[tilespmem:s23], [sflag:$0x1] =	stream.indirect_vreg.gather [hbm4b:s8+s0], $0x80, v4, vm0, $0xb8;
	[tilespmem:$0x1A480] =	vst v63  }
0x253: {  	_ = 	snop  }
0x254: {  	[tilespmem:s5], [sflag:$0x1] =	stream.indirect_vreg.gather [hbm4b:s9+s0], $0x80, v4, vm0, $0xb8;
	[tilespmem:$0x1A480] =	vst v63  }
0x255: {  	_ = 	snop  }
0x256: {  	[tilespmem:s20], [sflag:$0x1] =	stream.indirect_vreg.gather [hbm4b:s19+s0], $0x80, v4, vm0, $0xb8;
	[tilespmem:$0x1A480] =	vst v63  }
0x257: {  	_ =	swait.ge [sflag:s26], $0x8000  }
0x258: {  	s20 =	sld [smem:$0x7D6]  }
0x259: {  	[sflag:s26] =	ssyncset.done $0x0  }
0x25a: {  	s23 =	simm.s32 $0xA480;
	s28 =	rddreg [dreg:$0x9];
	[sflag:s26] =	ssyncadd.s32 $0xFFFF8000  }
0x25b: {  	[hbm4b:s20+s0] =	stream.linear.scatter [tilespmem:s23], [sflag:$0x5], $0x8000, $0x38;
	[tilespmem:$0x1A480] =	vst v63  }
0x25c: {  	(v2sf) =	vpush v61, $0xF;
	v10 =	vld [tilespmem:s28+$0x0];
	_ =	sdelay $0x4  }
0x25d: {  	v4 =	vadd.s32 $0xFFFFFFFF, v10  }
0x25e: {  	v11 =	vsub.s32 $0x0, v4  }
0x25f: {  	v4 =	vmin.u32 v4, v11  }
0x260: {  	vm1 =	vlt.s32 v4, $0x1  }
0x261: {  	v4 =	vnsel vm1, $0x1, v4  }
0x262: {  	(xrf0) =	vadd.scan.msk.s32 $0xffff, v4;
	_ =	sdelay $0x4  }
0x263: {  	s5 =	spop (v2sf)  }
0x264: {  	s3 =	sadd.s32 s3, s5;
	v12, _, _ =	vpop (xrf0)  }
0x265: {  	v13 =	vadd.s32 s3, v12  }
0x266: {  	v4 =	vmul.u32 v4, v13;
	_ =	sdelay $0x1  }
0x267: {  	v4 =	vadd.s32 v3, v4  }
0x268: {  	[tilespmem:$0x20E0] =	vst v4  }
0x269: {  	(v2sf) =	vpush v12, $0xF;
	v14 =	vld [tilespmem:s1+$0xF0];
	_ =	sdelay $0x4  }
0x26a: {  	v5 =	vadd.s32 $0xFFFFFFFF, v14  }
0x26b: {  	v15 =	vsub.s32 $0x0, v5  }
0x26c: {  	v5 =	vmin.u32 v5, v15  }
0x26d: {  	vm1 =	vlt.s32 v5, $0x1  }
0x26e: {  	v5 =	vnsel vm1, $0x1, v5  }
0x26f: {  	(xrf0) =	vadd.scan.msk.s32 $0xffff, v5;
	_ =	sdelay $0x4  }
0x270: {  	v16 =	vshll.u32 v4, $0x3;
	s11 =	spop (v2sf)  }
0x271: {  	v4 =	vand.u32 $0x7, v4;
	v6 =	vand.u32 $0xFFFFFFC0, v16;
	s3 =	sadd.s32 s3, s11;
	v17, _, _ =	vpop (xrf0)  }
0x272: {  	v4 =	vor.u32 v4, v6;
	v18 =	vadd.s32 s3, v17  }
0x273: {  	v19 =	vperm.xlane v4, v0;
	v5 =	vmul.u32 v5, v18;
	_ =	sdelay $0x1  }
0x274: {  	v6 =	vadd.s32 v1, v19;
	v5 =	vadd.s32 v3, v5  }
0x275: {  	[tilespmem:$0x20F0] =	vst v5  }
0x276: {  	_ =	swait.ge [sflag:s7], $0x8000  }
0x277: {  	[sflag:s7] =	ssyncset.done $0x0  }
0x278: {  	[sflag:s7] =	ssyncadd.s32 $0xFFFF8000  }
0x279: {  	[tilespmem:s23], [sflag:$0x2] =	stream.indirect_vreg.gather [hbm4b:s17+s0], $0x80, v6, vm0, $0xb8;
	[tilespmem:$0x1A480] =	vst v63  }
0x27a: {  	s18 =	simm.s32 $0xAC80;
	v4 =	vperm.xlane v4, v2  }
0x27b: {  	[tilespmem:s18], [sflag:$0x2] =	stream.indirect_vreg.gather [hbm4b:s8+s0], $0x80, v6, vm0, $0xb8;
	[tilespmem:$0x1A480] =	vst v63  }
0x27c: {  	v4 =	vadd.s32 v1, v4  }
0x27d: {  	[tilespmem:s31], [sflag:$0x2] =	stream.indirect_vreg.gather [hbm4b:s9+s0], $0x80, v6, vm0, $0xb8;
	[tilespmem:$0x1A480] =	vst v63  }
0x27e: {  	_ = 	snop  }
0x27f: {  	[tilespmem:s30], [sflag:$0x2] =	stream.indirect_vreg.gather [hbm4b:s19+s0], $0x80, v6, vm0, $0xb8;
	[tilespmem:$0x1A480] =	vst v63  }
0x280: {  	_ = 	snop  }
0x281: {  	[tilespmem:s6], [sflag:$0x2] =	stream.indirect_vreg.gather [hbm4b:s17+s0], $0x80, v4, vm0, $0xb8;
	[tilespmem:$0x1A480] =	vst v63  }
0x282: {  	_ = 	snop  }
0x283: {  	[tilespmem:s16], [sflag:$0x2] =	stream.indirect_vreg.gather [hbm4b:s8+s0], $0x80, v4, vm0, $0xb8;
	[tilespmem:$0x1A480] =	vst v63  }
0x284: {  	_ = 	snop  }
0x285: {  	[tilespmem:s12], [sflag:$0x2] =	stream.indirect_vreg.gather [hbm4b:s9+s0], $0x80, v4, vm0, $0xb8;
	[tilespmem:$0x1A480] =	vst v63  }
0x286: {  	s31 =	simm.s32 $0xDC80  }
0x287: {  	[tilespmem:s31], [sflag:$0x2] =	stream.indirect_vreg.gather [hbm4b:s19+s0], $0x80, v4, vm0, $0xb8;
	[tilespmem:$0x1A480] =	vst v63  }
0x288: {  	v4 =	vld [tilespmem:$0x20F0];
	_ =	sdelay $0x4  }
0x289: {  	v20 =	vshll.u32 v4, $0x3  }
0x28a: {  	v4 =	vand.u32 $0x7, v4;
	v5 =	vand.u32 $0xFFFFFFC0, v20  }
0x28b: {  	v4 =	vor.u32 v4, v5  }
0x28c: {  	v5 =	vperm.xlane v4, v0;
	_ =	sdelay $0x1  }
0x28d: {  	v5 =	vadd.s32 v1, v5;
	_ =	sdelay $0x3  }
0x28e: {  	s28 =	simm.s32 $0xE480  }
0x28f: {  	[tilespmem:s28], [sflag:$0x2] =	stream.indirect_vreg.gather [hbm4b:s17+s0], $0x80, v5, vm0, $0xb8;
	[tilespmem:$0x1A480] =	vst v63  }
0x290: {  	s30 =	simm.s32 $0xEC80;
	v4 =	vperm.xlane v4, v2  }
0x291: {  	[tilespmem:s30], [sflag:$0x2] =	stream.indirect_vreg.gather [hbm4b:s8+s0], $0x80, v5, vm0, $0xb8;
	[tilespmem:$0x1A480] =	vst v63  }
0x292: {  	v4 =	vadd.s32 v1, v4  }
0x293: {  	[tilespmem:s10], [sflag:$0x2] =	stream.indirect_vreg.gather [hbm4b:s9+s0], $0x80, v5, vm0, $0xb8;
	[tilespmem:$0x1A480] =	vst v63  }
0x294: {  	_ = 	snop  }
0x295: {  	[tilespmem:s13], [sflag:$0x2] =	stream.indirect_vreg.gather [hbm4b:s19+s0], $0x80, v5, vm0, $0xb8;
	[tilespmem:$0x1A480] =	vst v63  }
0x296: {  	_ = 	snop  }
0x297: {  	[tilespmem:s15], [sflag:$0x2] =	stream.indirect_vreg.gather [hbm4b:s17+s0], $0x80, v4, vm0, $0xb8;
	[tilespmem:$0x1A480] =	vst v63  }
0x298: {  	_ = 	snop  }
0x299: {  	[tilespmem:s14], [sflag:$0x2] =	stream.indirect_vreg.gather [hbm4b:s8+s0], $0x80, v4, vm0, $0xb8;
	[tilespmem:$0x1A480] =	vst v63  }
0x29a: {  	_ = 	snop  }
0x29b: {  	[tilespmem:s22], [sflag:$0x2] =	stream.indirect_vreg.gather [hbm4b:s9+s0], $0x80, v4, vm0, $0xb8;
	[tilespmem:$0x1A480] =	vst v63  }
0x29c: {  	s5 =	simm.s32 $0x11C80  }
0x29d: {  	[tilespmem:s5], [sflag:$0x2] =	stream.indirect_vreg.gather [hbm4b:s19+s0], $0x80, v4, vm0, $0xb8;
	[tilespmem:$0x1A480] =	vst v63  }
0x29e: {  	_ =	swait.ge [sflag:s29], $0x8000  }
0x29f: {  	s15 =	sld [smem:$0x7D9]  }
0x2a0: {  	[sflag:s29] =	ssyncset.done $0x0  }
0x2a1: {  	s16 =	simm.s32 $0x12480;
	s20 =	rddreg [dreg:$0xa];
	[sflag:s29] =	ssyncadd.s32 $0xFFFF8000  }
0x2a2: {  	[hbm4b:s15+s0] =	stream.linear.scatter [tilespmem:s16], [sflag:$0x6], $0x8000, $0x38;
	[tilespmem:$0x1A480] =	vst v63  }
0x2a3: {  	(v2sf) =	vpush v17, $0xF;
	v21 =	vld [tilespmem:s20+$0x0];
	_ =	sdelay $0x4  }
0x2a4: {  	v4 =	vadd.s32 $0xFFFFFFFF, v21  }
0x2a5: {  	v22 =	vsub.s32 $0x0, v4  }
0x2a6: {  	v4 =	vmin.u32 v4, v22  }
0x2a7: {  	vm1 =	vlt.s32 v4, $0x1  }
0x2a8: {  	v4 =	vnsel vm1, $0x1, v4  }
0x2a9: {  	(xrf0) =	vadd.scan.msk.s32 $0xffff, v4;
	_ =	sdelay $0x4  }
0x2aa: {  	s22 =	spop (v2sf)  }
0x2ab: {  	s3 =	sadd.s32 s3, s22;
	v23, _, _ =	vpop (xrf0)  }
0x2ac: {  	v24 =	vadd.s32 s3, v23  }
0x2ad: {  	v4 =	vmul.u32 v4, v24;
	_ =	sdelay $0x1  }
0x2ae: {  	v4 =	vadd.s32 v3, v4  }
0x2af: {  	[tilespmem:$0x2100] =	vst v4  }
0x2b0: {  	(v2sf) =	vpush v23, $0xF;
	v25 =	vld [tilespmem:s1+$0x110];
	_ =	sdelay $0x4  }
0x2b1: {  	v5 =	vadd.s32 $0xFFFFFFFF, v25  }
0x2b2: {  	v26 =	vsub.s32 $0x0, v5  }
0x2b3: {  	v5 =	vmin.u32 v5, v26  }
0x2b4: {  	vm1 =	vlt.s32 v5, $0x1  }
0x2b5: {  	v5 =	vnsel vm1, $0x1, v5  }
0x2b6: {  	(xrf0) =	vadd.scan.msk.s32 $0xffff, v5;
	_ =	sdelay $0x4  }
0x2b7: {  	v27 =	vshll.u32 v4, $0x3;
	s23 =	spop (v2sf)  }
0x2b8: {  	v4 =	vand.u32 $0x7, v4;
	v6 =	vand.u32 $0xFFFFFFC0, v27;
	s3 =	sadd.s32 s3, s23;
	v28, _, _ =	vpop (xrf0)  }
0x2b9: {  	v4 =	vor.u32 v4, v6;
	v29 =	vadd.s32 s3, v28  }
0x2ba: {  	v30 =	vperm.xlane v4, v0;
	v5 =	vmul.u32 v5, v29;
	_ =	sdelay $0x1  }
0x2bb: {  	v6 =	vadd.s32 v1, v30;
	v5 =	vadd.s32 v3, v5  }
0x2bc: {  	[tilespmem:$0x2110] =	vst v5  }
0x2bd: {  	_ =	swait.ge [sflag:s2], $0x8000  }
0x2be: {  	[sflag:s2] =	ssyncset.done $0x0  }
0x2bf: {  	[sflag:s2] =	ssyncadd.s32 $0xFFFF8000  }
0x2c0: {  	[tilespmem:s16], [sflag:$0x3] =	stream.indirect_vreg.gather [hbm4b:s17+s0], $0x80, v6, vm0, $0xb8;
	[tilespmem:$0x1A480] =	vst v63  }
0x2c1: {  	v4 =	vperm.xlane v4, v2;
	s23 =	simm.s32 $0x12C80  }
0x2c2: {  	[tilespmem:s23], [sflag:$0x3] =	stream.indirect_vreg.gather [hbm4b:s8+s0], $0x80, v6, vm0, $0xb8;
	[tilespmem:$0x1A480] =	vst v63  }
0x2c3: {  	s22 =	simm.s32 $0x13480;
	v4 =	vadd.s32 v1, v4  }
0x2c4: {  	[tilespmem:s22], [sflag:$0x3] =	stream.indirect_vreg.gather [hbm4b:s9+s0], $0x80, v6, vm0, $0xb8;
	[tilespmem:$0x1A480] =	vst v63  }
0x2c5: {  	s20 =	simm.s32 $0x13C80  }
0x2c6: {  	[tilespmem:s20], [sflag:$0x3] =	stream.indirect_vreg.gather [hbm4b:s19+s0], $0x80, v6, vm0, $0xb8;
	[tilespmem:$0x1A480] =	vst v63  }
0x2c7: {  	s14 =	simm.s32 $0x14480  }
0x2c8: {  	[tilespmem:s14], [sflag:$0x3] =	stream.indirect_vreg.gather [hbm4b:s17+s0], $0x80, v4, vm0, $0xb8;
	[tilespmem:$0x1A480] =	vst v63  }
0x2c9: {  	s6 =	simm.s32 $0x14C80  }
0x2ca: {  	[tilespmem:s6], [sflag:$0x3] =	stream.indirect_vreg.gather [hbm4b:s8+s0], $0x80, v4, vm0, $0xb8;
	[tilespmem:$0x1A480] =	vst v63  }
0x2cb: {  	s10 =	simm.s32 $0x15480  }
0x2cc: {  	[tilespmem:s10], [sflag:$0x3] =	stream.indirect_vreg.gather [hbm4b:s9+s0], $0x80, v4, vm0, $0xb8;
	[tilespmem:$0x1A480] =	vst v63  }
0x2cd: {  	s11 =	simm.s32 $0x15C80  }
0x2ce: {  	[tilespmem:s11], [sflag:$0x3] =	stream.indirect_vreg.gather [hbm4b:s19+s0], $0x80, v4, vm0, $0xb8;
	[tilespmem:$0x1A480] =	vst v63  }
0x2cf: {  	v4 =	vld [tilespmem:$0x2110];
	_ =	sdelay $0x4  }
0x2d0: {  	v31 =	vshll.u32 v4, $0x3  }
0x2d1: {  	v4 =	vand.u32 $0x7, v4;
	v5 =	vand.u32 $0xFFFFFFC0, v31  }
0x2d2: {  	v4 =	vor.u32 v4, v5  }
0x2d3: {  	v5 =	vperm.xlane v4, v0;
	_ =	sdelay $0x1  }
0x2d4: {  	v5 =	vadd.s32 v1, v5;
	_ =	sdelay $0x3  }
0x2d5: {  	s12 =	simm.s32 $0x16480  }
0x2d6: {  	[tilespmem:s12], [sflag:$0x3] =	stream.indirect_vreg.gather [hbm4b:s17+s0], $0x80, v5, vm0, $0xb8;
	[tilespmem:$0x1A480] =	vst v63  }
0x2d7: {  	s13 =	simm.s32 $0x16C80;
	v4 =	vperm.xlane v4, v2  }
0x2d8: {  	[tilespmem:s13], [sflag:$0x3] =	stream.indirect_vreg.gather [hbm4b:s8+s0], $0x80, v5, vm0, $0xb8;
	[tilespmem:$0x1A480] =	vst v63  }
0x2d9: {  	s15 =	simm.s32 $0x17480;
	v4 =	vadd.s32 v1, v4  }
0x2da: {  	[tilespmem:s15], [sflag:$0x3] =	stream.indirect_vreg.gather [hbm4b:s9+s0], $0x80, v5, vm0, $0xb8;
	[tilespmem:$0x1A480] =	vst v63  }
0x2db: {  	s12 =	simm.s32 $0x17C80  }
0x2dc: {  	[tilespmem:s12], [sflag:$0x3] =	stream.indirect_vreg.gather [hbm4b:s19+s0], $0x80, v5, vm0, $0xb8;
	[tilespmem:$0x1A480] =	vst v63  }
0x2dd: {  	s10 =	simm.s32 $0x18480  }
0x2de: {  	[tilespmem:s10], [sflag:$0x3] =	stream.indirect_vreg.gather [hbm4b:s17+s0], $0x80, v4, vm0, $0xb8;
	[tilespmem:$0x1A480] =	vst v63  }
0x2df: {  	s13 =	simm.s32 $0x18C80  }
0x2e0: {  	[tilespmem:s13], [sflag:$0x3] =	stream.indirect_vreg.gather [hbm4b:s8+s0], $0x80, v4, vm0, $0xb8;
	[tilespmem:$0x1A480] =	vst v63  }
0x2e1: {  	s15 =	simm.s32 $0x19480  }
0x2e2: {  	[tilespmem:s15], [sflag:$0x3] =	stream.indirect_vreg.gather [hbm4b:s9+s0], $0x80, v4, vm0, $0xb8;
	[tilespmem:$0x1A480] =	vst v63  }
0x2e3: {  	s16 =	simm.s32 $0x19C80  }
0x2e4: {  	[tilespmem:s16], [sflag:$0x3] =	stream.indirect_vreg.gather [hbm4b:s19+s0], $0x80, v4, vm0, $0xb8;
	[tilespmem:$0x1A480] =	vst v63  }
0x2e5: {  	_ =	swait.ge [sflag:s21], $0x8000  }
0x2e6: {  	s6 =	sld [smem:$0x7DA]  }
0x2e7: {  	[sflag:s21] =	ssyncset.done $0x0  }
0x2e8: {  	s16 =	simm.s32 $0x2480;
	s11 =	rddreg [dreg:$0xb];
	[sflag:s21] =	ssyncadd.s32 $0xFFFF8000  }
0x2e9: {  	[hbm4b:s6+s0] =	stream.linear.scatter [tilespmem:s16], [sflag:$0x4], $0x8000, $0x38;
	[tilespmem:$0x1A480] =	vst v63  }
0x2ea: {  	(v2sf) =	vpush v28, $0xF;
	v32 =	vld [tilespmem:s11+$0x0];
	_ =	sdelay $0x4  }
0x2eb: {  	v4 =	vadd.s32 $0xFFFFFFFF, v32  }
0x2ec: {  	v33 =	vsub.s32 $0x0, v4  }
0x2ed: {  	v4 =	vmin.u32 v4, v33  }
0x2ee: {  	vm1 =	vlt.s32 v4, $0x1  }
0x2ef: {  	v4 =	vnsel vm1, $0x1, v4  }
0x2f0: {  	(xrf0) =	vadd.scan.msk.s32 $0xffff, v4;
	_ =	sdelay $0x4  }
0x2f1: {  	s6 =	spop (v2sf)  }
0x2f2: {  	s3 =	sadd.s32 s3, s6;
	v34, _, _ =	vpop (xrf0)  }
0x2f3: {  	v35 =	vadd.s32 s3, v34  }
0x2f4: {  	v4 =	vmul.u32 v4, v35;
	_ =	sdelay $0x1  }
0x2f5: {  	v4 =	vadd.s32 v3, v4  }
0x2f6: {  	[tilespmem:$0x2120] =	vst v4  }
0x2f7: {  	(v2sf) =	vpush v34, $0xF;
	v36 =	vld [tilespmem:s1+$0x130];
	_ =	sdelay $0x4  }
0x2f8: {  	v5 =	vadd.s32 $0xFFFFFFFF, v36  }
0x2f9: {  	v37 =	vsub.s32 $0x0, v5  }
0x2fa: {  	v5 =	vmin.u32 v5, v37  }
0x2fb: {  	vm1 =	vlt.s32 v5, $0x1  }
0x2fc: {  	v5 =	vnsel vm1, $0x1, v5  }
0x2fd: {  	(xrf0) =	vadd.scan.msk.s32 $0xffff, v5;
	_ =	sdelay $0x4  }
0x2fe: {  	v38 =	vshll.u32 v4, $0x3;
	s11 =	spop (v2sf)  }
0x2ff: {  	v4 =	vand.u32 $0x7, v4;
	v6 =	vand.u32 $0xFFFFFFC0, v38;
	s3 =	sadd.s32 s3, s11;
	v39, _, _ =	vpop (xrf0)  }
0x300: {  	v4 =	vor.u32 v4, v6;
	v40 =	vadd.s32 s3, v39  }
0x301: {  	v41 =	vperm.xlane v4, v0;
	v5 =	vmul.u32 v5, v40;
	_ =	sdelay $0x1  }
0x302: {  	v6 =	vadd.s32 v1, v41;
	v5 =	vadd.s32 v3, v5  }
0x303: {  	[tilespmem:$0x2130] =	vst v5  }
0x304: {  	_ =	swait.ge [sflag:s25], $0x8000  }
0x305: {  	[sflag:s25] =	ssyncset.done $0x0  }
0x306: {  	[sflag:s25] =	ssyncadd.s32 $0xFFFF8000  }
0x307: {  	[tilespmem:s16], [sflag:$0x1] =	stream.indirect_vreg.gather [hbm4b:s17+s0], $0x80, v6, vm0, $0xb8;
	[tilespmem:$0x1A480] =	vst v63  }
0x308: {  	v4 =	vperm.xlane v4, v2;
	s16 =	simm.s32 $0x2C80  }
0x309: {  	[tilespmem:s16], [sflag:$0x1] =	stream.indirect_vreg.gather [hbm4b:s8+s0], $0x80, v6, vm0, $0xb8;
	[tilespmem:$0x1A480] =	vst v63  }
0x30a: {  	v4 =	vadd.s32 v1, v4  }
0x30b: {  	[tilespmem:s24], [sflag:$0x1] =	stream.indirect_vreg.gather [hbm4b:s9+s0], $0x80, v6, vm0, $0xb8;
	[tilespmem:$0x1A480] =	vst v63  }
0x30c: {  	s6 =	simm.s32 $0x3C80  }
0x30d: {  	[tilespmem:s6], [sflag:$0x1] =	stream.indirect_vreg.gather [hbm4b:s19+s0], $0x80, v6, vm0, $0xb8;
	[tilespmem:$0x1A480] =	vst v63  }
0x30e: {  	s11 =	simm.s32 $0x4480  }
0x30f: {  	[tilespmem:s11], [sflag:$0x1] =	stream.indirect_vreg.gather [hbm4b:s17+s0], $0x80, v4, vm0, $0xb8;
	[tilespmem:$0x1A480] =	vst v63  }
0x310: {  	s16 =	simm.s32 $0x4C80  }
0x311: {  	[tilespmem:s16], [sflag:$0x1] =	stream.indirect_vreg.gather [hbm4b:s8+s0], $0x80, v4, vm0, $0xb8;
	[tilespmem:$0x1A480] =	vst v63  }
0x312: {  	s24 =	simm.s32 $0x5480  }
0x313: {  	[tilespmem:s24], [sflag:$0x1] =	stream.indirect_vreg.gather [hbm4b:s9+s0], $0x80, v4, vm0, $0xb8;
	[tilespmem:$0x1A480] =	vst v63  }
0x314: {  	s11 =	simm.s32 $0x5C80  }
0x315: {  	[tilespmem:s11], [sflag:$0x1] =	stream.indirect_vreg.gather [hbm4b:s19+s0], $0x80, v4, vm0, $0xb8;
	[tilespmem:$0x1A480] =	vst v63  }
0x316: {  	v4 =	vld [tilespmem:$0x2130];
	_ =	sdelay $0x4  }
0x317: {  	v42 =	vshll.u32 v4, $0x3  }
0x318: {  	v4 =	vand.u32 $0x7, v4;
	v5 =	vand.u32 $0xFFFFFFC0, v42  }
0x319: {  	v4 =	vor.u32 v4, v5  }
0x31a: {  	v5 =	vperm.xlane v4, v0;
	_ =	sdelay $0x1  }
0x31b: {  	v5 =	vadd.s32 v1, v5;
	_ =	sdelay $0x3  }
0x31c: {  	s6 =	simm.s32 $0x6480  }
0x31d: {  	[tilespmem:s6], [sflag:$0x1] =	stream.indirect_vreg.gather [hbm4b:s17+s0], $0x80, v5, vm0, $0xb8;
	[tilespmem:$0x1A480] =	vst v63  }
0x31e: {  	s16 =	simm.s32 $0x6C80;
	v4 =	vperm.xlane v4, v2  }
0x31f: {  	[tilespmem:s16], [sflag:$0x1] =	stream.indirect_vreg.gather [hbm4b:s8+s0], $0x80, v5, vm0, $0xb8;
	[tilespmem:$0x1A480] =	vst v63  }
0x320: {  	s24 =	simm.s32 $0x7480;
	v4 =	vadd.s32 v1, v4  }
0x321: {  	[tilespmem:s24], [sflag:$0x1] =	stream.indirect_vreg.gather [hbm4b:s9+s0], $0x80, v5, vm0, $0xb8;
	[tilespmem:$0x1A480] =	vst v63  }
0x322: {  	s6 =	simm.s32 $0x7C80  }
0x323: {  	[tilespmem:s6], [sflag:$0x1] =	stream.indirect_vreg.gather [hbm4b:s19+s0], $0x80, v5, vm0, $0xb8;
	[tilespmem:$0x1A480] =	vst v63  }
0x324: {  	s16 =	simm.s32 $0x8480  }
0x325: {  	[tilespmem:s16], [sflag:$0x1] =	stream.indirect_vreg.gather [hbm4b:s17+s0], $0x80, v4, vm0, $0xb8;
	[tilespmem:$0x1A480] =	vst v63  }
0x326: {  	s6 =	simm.s32 $0x8C80  }
0x327: {  	[tilespmem:s6], [sflag:$0x1] =	stream.indirect_vreg.gather [hbm4b:s8+s0], $0x80, v4, vm0, $0xb8;
	[tilespmem:$0x1A480] =	vst v63  }
0x328: {  	s24 =	simm.s32 $0x9480  }
0x329: {  	[tilespmem:s24], [sflag:$0x1] =	stream.indirect_vreg.gather [hbm4b:s9+s0], $0x80, v4, vm0, $0xb8;
	[tilespmem:$0x1A480] =	vst v63  }
0x32a: {  	s16 =	simm.s32 $0x9C80  }
0x32b: {  	[tilespmem:s16], [sflag:$0x1] =	stream.indirect_vreg.gather [hbm4b:s19+s0], $0x80, v4, vm0, $0xb8;
	[tilespmem:$0x1A480] =	vst v63  }
0x32c: {  	_ =	swait.ge [sflag:s26], $0x8000  }
0x32d: {  	s24 =	sld [smem:$0x7DC]  }
0x32e: {  	[sflag:s26] =	ssyncset.done $0x0  }
0x32f: {  	s16 =	simm.s32 $0xA480;
	[sflag:s26] =	ssyncadd.s32 $0xFFFF8000  }
0x330: {  	[hbm4b:s24+s0] =	stream.linear.scatter [tilespmem:s16], [sflag:$0x5], $0x8000, $0x38;
	[tilespmem:$0x1A480] =	vst v63  }
0x331: {  	s24 =	rddreg [dreg:$0xc]  }
0x332: {  	(v2sf) =	vpush v39, $0xF;
	v43 =	vld [tilespmem:s24+$0x0];
	_ =	sdelay $0x4  }
0x333: {  	v4 =	vadd.s32 $0xFFFFFFFF, v43  }
0x334: {  	v44 =	vsub.s32 $0x0, v4  }
0x335: {  	v4 =	vmin.u32 v4, v44  }
0x336: {  	vm1 =	vlt.s32 v4, $0x1  }
0x337: {  	v4 =	vnsel vm1, $0x1, v4  }
0x338: {  	(xrf0) =	vadd.scan.msk.s32 $0xffff, v4;
	_ =	sdelay $0x4  }
0x339: {  	s24 =	spop (v2sf)  }
0x33a: {  	s3 =	sadd.s32 s3, s24;
	v45, _, _ =	vpop (xrf0)  }
0x33b: {  	v46 =	vadd.s32 s3, v45  }
0x33c: {  	v4 =	vmul.u32 v4, v46;
	_ =	sdelay $0x1  }
0x33d: {  	v4 =	vadd.s32 v3, v4  }
0x33e: {  	[tilespmem:$0x2140] =	vst v4  }
0x33f: {  	(v2sf) =	vpush v45, $0xF;
	v47 =	vld [tilespmem:s1+$0x150];
	_ =	sdelay $0x4  }
0x340: {  	v5 =	vadd.s32 $0xFFFFFFFF, v47  }
0x341: {  	v48 =	vsub.s32 $0x0, v5  }
0x342: {  	v5 =	vmin.u32 v5, v48  }
0x343: {  	vm1 =	vlt.s32 v5, $0x1  }
0x344: {  	v5 =	vnsel vm1, $0x1, v5  }
0x345: {  	(xrf0) =	vadd.scan.msk.s32 $0xffff, v5;
	_ =	sdelay $0x4  }
0x346: {  	v49 =	vshll.u32 v4, $0x3;
	s24 =	spop (v2sf)  }
0x347: {  	v4 =	vand.u32 $0x7, v4;
	v6 =	vand.u32 $0xFFFFFFC0, v49;
	s3 =	sadd.s32 s3, s24;
	v50, _, _ =	vpop (xrf0)  }
0x348: {  	v4 =	vor.u32 v4, v6;
	v51 =	vadd.s32 s3, v50  }
0x349: {  	v52 =	vperm.xlane v4, v0;
	v5 =	vmul.u32 v5, v51;
	_ =	sdelay $0x1  }
0x34a: {  	v6 =	vadd.s32 v1, v52;
	v5 =	vadd.s32 v3, v5  }
0x34b: {  	[tilespmem:$0x2150] =	vst v5  }
0x34c: {  	_ =	swait.ge [sflag:s7], $0x8000  }
0x34d: {  	[sflag:s7] =	ssyncset.done $0x0  }
0x34e: {  	[sflag:s7] =	ssyncadd.s32 $0xFFFF8000  }
0x34f: {  	[tilespmem:s16], [sflag:$0x2] =	stream.indirect_vreg.gather [hbm4b:s17+s0], $0x80, v6, vm0, $0xb8;
	[tilespmem:$0x1A480] =	vst v63  }
0x350: {  	v4 =	vperm.xlane v4, v2  }
0x351: {  	[tilespmem:s18], [sflag:$0x2] =	stream.indirect_vreg.gather [hbm4b:s8+s0], $0x80, v6, vm0, $0xb8;
	[tilespmem:$0x1A480] =	vst v63  }
0x352: {  	v4 =	vadd.s32 v1, v4;
	s16 =	simm.s32 $0xB480  }
0x353: {  	[tilespmem:s16], [sflag:$0x2] =	stream.indirect_vreg.gather [hbm4b:s9+s0], $0x80, v6, vm0, $0xb8;
	[tilespmem:$0x1A480] =	vst v63  }
0x354: {  	s18 =	simm.s32 $0xBC80  }
0x355: {  	[tilespmem:s18], [sflag:$0x2] =	stream.indirect_vreg.gather [hbm4b:s19+s0], $0x80, v6, vm0, $0xb8;
	[tilespmem:$0x1A480] =	vst v63  }
0x356: {  	s24 =	simm.s32 $0xC480  }
0x357: {  	[tilespmem:s24], [sflag:$0x2] =	stream.indirect_vreg.gather [hbm4b:s17+s0], $0x80, v4, vm0, $0xb8;
	[tilespmem:$0x1A480] =	vst v63  }
0x358: {  	s4 =	simm.s32 $0xCC80  }
0x359: {  	[tilespmem:s4], [sflag:$0x2] =	stream.indirect_vreg.gather [hbm4b:s8+s0], $0x80, v4, vm0, $0xb8;
	[tilespmem:$0x1A480] =	vst v63  }
0x35a: {  	s4 =	simm.s32 $0xD480  }
0x35b: {  	[tilespmem:s4], [sflag:$0x2] =	stream.indirect_vreg.gather [hbm4b:s9+s0], $0x80, v4, vm0, $0xb8;
	[tilespmem:$0x1A480] =	vst v63  }
0x35c: {  	_ = 	snop  }
0x35d: {  	[tilespmem:s31], [sflag:$0x2] =	stream.indirect_vreg.gather [hbm4b:s19+s0], $0x80, v4, vm0, $0xb8;
	[tilespmem:$0x1A480] =	vst v63  }
0x35e: {  	v4 =	vld [tilespmem:$0x2150];
	_ =	sdelay $0x4  }
0x35f: {  	v53 =	vshll.u32 v4, $0x3  }
0x360: {  	v4 =	vand.u32 $0x7, v4;
	v5 =	vand.u32 $0xFFFFFFC0, v53  }
0x361: {  	v4 =	vor.u32 v4, v5  }
0x362: {  	v5 =	vperm.xlane v4, v0;
	_ =	sdelay $0x1  }
0x363: {  	v5 =	vadd.s32 v1, v5;
	_ =	sdelay $0x4  }
0x364: {  	[tilespmem:s28], [sflag:$0x2] =	stream.indirect_vreg.gather [hbm4b:s17+s0], $0x80, v5, vm0, $0xb8;
	[tilespmem:$0x1A480] =	vst v63  }
0x365: {  	v4 =	vperm.xlane v4, v2  }
0x366: {  	[tilespmem:s30], [sflag:$0x2] =	stream.indirect_vreg.gather [hbm4b:s8+s0], $0x80, v5, vm0, $0xb8;
	[tilespmem:$0x1A480] =	vst v63  }
0x367: {  	v4 =	vadd.s32 v1, v4;
	s28 =	simm.s32 $0xF480  }
0x368: {  	[tilespmem:s28], [sflag:$0x2] =	stream.indirect_vreg.gather [hbm4b:s9+s0], $0x80, v5, vm0, $0xb8;
	[tilespmem:$0x1A480] =	vst v63  }
0x369: {  	s30 =	simm.s32 $0xFC80  }
0x36a: {  	[tilespmem:s30], [sflag:$0x2] =	stream.indirect_vreg.gather [hbm4b:s19+s0], $0x80, v5, vm0, $0xb8;
	[tilespmem:$0x1A480] =	vst v63  }
0x36b: {  	s31 =	simm.s32 $0x10480  }
0x36c: {  	[tilespmem:s31], [sflag:$0x2] =	stream.indirect_vreg.gather [hbm4b:s17+s0], $0x80, v4, vm0, $0xb8;
	[tilespmem:$0x1A480] =	vst v63  }
0x36d: {  	s4 =	simm.s32 $0x10C80  }
0x36e: {  	[tilespmem:s4], [sflag:$0x2] =	stream.indirect_vreg.gather [hbm4b:s8+s0], $0x80, v4, vm0, $0xb8;
	[tilespmem:$0x1A480] =	vst v63  }
0x36f: {  	s4 =	simm.s32 $0x11480  }
0x370: {  	[tilespmem:s4], [sflag:$0x2] =	stream.indirect_vreg.gather [hbm4b:s9+s0], $0x80, v4, vm0, $0xb8;
	[tilespmem:$0x1A480] =	vst v63  }
0x371: {  	_ = 	snop  }
0x372: {  	[tilespmem:s5], [sflag:$0x2] =	stream.indirect_vreg.gather [hbm4b:s19+s0], $0x80, v4, vm0, $0xb8;
	[tilespmem:$0x1A480] =	vst v63  }
0x373: {  	_ =	swait.ge [sflag:s29], $0x8000  }
0x374: {  	s4 =	sld [smem:$0x7DE]  }
0x375: {  	[sflag:s29] =	ssyncset.done $0x0  }
0x376: {  	s5 =	simm.s32 $0x12480;
	[sflag:s29] =	ssyncadd.s32 $0xFFFF8000  }
0x377: {  	[hbm4b:s4+s0] =	stream.linear.scatter [tilespmem:s5], [sflag:$0x6], $0x8000, $0x38;
	[tilespmem:$0x1A480] =	vst v63  }
0x378: {  	s4 =	rddreg [dreg:$0xd]  }
0x379: {  	(v2sf) =	vpush v50, $0xF;
	v54 =	vld [tilespmem:s4+$0x0];
	_ =	sdelay $0x4  }
0x37a: {  	v4 =	vadd.s32 $0xFFFFFFFF, v54  }
0x37b: {  	v55 =	vsub.s32 $0x0, v4  }
0x37c: {  	v4 =	vmin.u32 v4, v55  }
0x37d: {  	vm1 =	vlt.s32 v4, $0x1  }
0x37e: {  	v4 =	vnsel vm1, $0x1, v4  }
0x37f: {  	(xrf0) =	vadd.scan.msk.s32 $0xffff, v4;
	_ =	sdelay $0x4  }
0x380: {  	s4 =	spop (v2sf)  }
0x381: {  	s3 =	sadd.s32 s3, s4;
	v56, _, _ =	vpop (xrf0)  }
0x382: {  	v57 =	vadd.s32 s3, v56  }
0x383: {  	v4 =	vmul.u32 v4, v57;
	_ =	sdelay $0x1  }
0x384: {  	v4 =	vadd.s32 v3, v4  }
0x385: {  	[tilespmem:$0x2160] =	vst v4  }
0x386: {  	(v2sf) =	vpush v56, $0xF;
	v58 =	vld [tilespmem:s1+$0x170];
	_ =	sdelay $0x4  }
0x387: {  	v5 =	vadd.s32 $0xFFFFFFFF, v58  }
0x388: {  	v59 =	vsub.s32 $0x0, v5  }
0x389: {  	v5 =	vmin.u32 v5, v59  }
0x38a: {  	vm1 =	vlt.s32 v5, $0x1  }
0x38b: {  	v5 =	vnsel vm1, $0x1, v5  }
0x38c: {  	(xrf0) =	vadd.scan.msk.s32 $0xffff, v5;
	_ =	sdelay $0x4  }
0x38d: {  	v60 =	vshll.u32 v4, $0x3;
	s4 =	spop (v2sf)  }
0x38e: {  	v4 =	vand.u32 $0x7, v4;
	v6 =	vand.u32 $0xFFFFFFC0, v60;
	s3 =	sadd.s32 s3, s4;
	v61, _, _ =	vpop (xrf0)  }
0x38f: {  	v4 =	vor.u32 v4, v6;
	v62 =	vadd.s32 s3, v61  }
0x390: {  	v63 =	vperm.xlane v4, v0;
	v5 =	vmul.u32 v5, v62;
	_ =	sdelay $0x1  }
0x391: {  	v6 =	vadd.s32 v1, v63;
	v5 =	vadd.s32 v3, v5  }
0x392: {  	[tilespmem:$0x2170] =	vst v5  }
0x393: {  	_ =	swait.ge [sflag:s2], $0x8000  }
0x394: {  	[sflag:s2] =	ssyncset.done $0x0  }
0x395: {  	[sflag:s2] =	ssyncadd.s32 $0xFFFF8000  }
0x396: {  	[tilespmem:s5], [sflag:$0x3] =	stream.indirect_vreg.gather [hbm4b:s17+s0], $0x80, v6, vm0, $0xb8;
	[tilespmem:$0x1A480] =	vst v63  }
0x397: {  	v4 =	vperm.xlane v4, v2  }
0x398: {  	[tilespmem:s23], [sflag:$0x3] =	stream.indirect_vreg.gather [hbm4b:s8+s0], $0x80, v6, vm0, $0xb8;
	[tilespmem:$0x1A480] =	vst v63  }
0x399: {  	v4 =	vadd.s32 v1, v4  }
0x39a: {  	[tilespmem:s22], [sflag:$0x3] =	stream.indirect_vreg.gather [hbm4b:s9+s0], $0x80, v6, vm0, $0xb8;
	[tilespmem:$0x1A480] =	vst v63  }
0x39b: {  	_ = 	snop  }
0x39c: {  	[tilespmem:s20], [sflag:$0x3] =	stream.indirect_vreg.gather [hbm4b:s19+s0], $0x80, v6, vm0, $0xb8;
	[tilespmem:$0x1A480] =	vst v63  }
0x39d: {  	_ = 	snop  }
0x39e: {  	[tilespmem:s14], [sflag:$0x3] =	stream.indirect_vreg.gather [hbm4b:s17+s0], $0x80, v4, vm0, $0xb8;
	[tilespmem:$0x1A480] =	vst v63  }
0x39f: {  	s5 =	simm.s32 $0x14C80  }
0x3a0: {  	[tilespmem:s5], [sflag:$0x3] =	stream.indirect_vreg.gather [hbm4b:s8+s0], $0x80, v4, vm0, $0xb8;
	[tilespmem:$0x1A480] =	vst v63  }
0x3a1: {  	s14 =	simm.s32 $0x15480  }
0x3a2: {  	[tilespmem:s14], [sflag:$0x3] =	stream.indirect_vreg.gather [hbm4b:s9+s0], $0x80, v4, vm0, $0xb8;
	[tilespmem:$0x1A480] =	vst v63  }
0x3a3: {  	s20 =	simm.s32 $0x15C80  }
0x3a4: {  	[tilespmem:s20], [sflag:$0x3] =	stream.indirect_vreg.gather [hbm4b:s19+s0], $0x80, v4, vm0, $0xb8;
	[tilespmem:$0x1A480] =	vst v63  }
0x3a5: {  	v4 =	vld [tilespmem:$0x2170];
	_ =	sdelay $0x4  }
0x3a6: {  	v9 =	vshll.u32 v4, $0x3  }
0x3a7: {  	v4 =	vand.u32 $0x7, v4;
	v5 =	vand.u32 $0xFFFFFFC0, v9  }
0x3a8: {  	v4 =	vor.u32 v4, v5  }
0x3a9: {  	v5 =	vperm.xlane v4, v0;
	_ =	sdelay $0x1  }
0x3aa: {  	v5 =	vadd.s32 v1, v5;
	_ =	sdelay $0x3  }
0x3ab: {  	s22 =	simm.s32 $0x16480  }
0x3ac: {  	[tilespmem:s22], [sflag:$0x3] =	stream.indirect_vreg.gather [hbm4b:s17+s0], $0x80, v5, vm0, $0xb8;
	[tilespmem:$0x1A480] =	vst v63  }
0x3ad: {  	s23 =	simm.s32 $0x16C80;
	v4 =	vperm.xlane v4, v2  }
0x3ae: {  	[tilespmem:s23], [sflag:$0x3] =	stream.indirect_vreg.gather [hbm4b:s8+s0], $0x80, v5, vm0, $0xb8;
	[tilespmem:$0x1A480] =	vst v63  }
0x3af: {  	s5 =	simm.s32 $0x17480;
	v4 =	vadd.s32 v1, v4  }
0x3b0: {  	[tilespmem:s5], [sflag:$0x3] =	stream.indirect_vreg.gather [hbm4b:s9+s0], $0x80, v5, vm0, $0xb8;
	[tilespmem:$0x1A480] =	vst v63  }
0x3b1: {  	_ = 	snop  }
0x3b2: {  	[tilespmem:s12], [sflag:$0x3] =	stream.indirect_vreg.gather [hbm4b:s19+s0], $0x80, v5, vm0, $0xb8;
	[tilespmem:$0x1A480] =	vst v63  }
0x3b3: {  	_ = 	snop  }
0x3b4: {  	[tilespmem:s10], [sflag:$0x3] =	stream.indirect_vreg.gather [hbm4b:s17+s0], $0x80, v4, vm0, $0xb8;
	[tilespmem:$0x1A480] =	vst v63  }
0x3b5: {  	_ = 	snop  }
0x3b6: {  	[tilespmem:s13], [sflag:$0x3] =	stream.indirect_vreg.gather [hbm4b:s8+s0], $0x80, v4, vm0, $0xb8;
	[tilespmem:$0x1A480] =	vst v63  }
0x3b7: {  	_ = 	snop  }
0x3b8: {  	[tilespmem:s15], [sflag:$0x3] =	stream.indirect_vreg.gather [hbm4b:s9+s0], $0x80, v4, vm0, $0xb8;
	[tilespmem:$0x1A480] =	vst v63  }
0x3b9: {  	s13 =	simm.s32 $0x19C80  }
0x3ba: {  	[tilespmem:s13], [sflag:$0x3] =	stream.indirect_vreg.gather [hbm4b:s19+s0], $0x80, v4, vm0, $0xb8;
	[tilespmem:$0x1A480] =	vst v63  }
0x3bb: {  	_ =	swait.ge [sflag:s21], $0x8000  }
0x3bc: {  	s14 =	sld [smem:$0x7DF]  }
0x3bd: {  	[sflag:s21] =	ssyncset.done $0x0  }
0x3be: {  	s15 =	simm.s32 $0x2480;
	s20 =	rddreg [dreg:$0xe];
	[sflag:s21] =	ssyncadd.s32 $0xFFFF8000  }
0x3bf: {  	[hbm4b:s14+s0] =	stream.linear.scatter [tilespmem:s15], [sflag:$0x4], $0x8000, $0x38;
	[tilespmem:$0x1A480] =	vst v63  }
0x3c0: {  	(v2sf) =	vpush v61, $0xF;
	v10 =	vld [tilespmem:s20+$0x0];
	_ =	sdelay $0x4  }
0x3c1: {  	v4 =	vadd.s32 $0xFFFFFFFF, v10  }
0x3c2: {  	v11 =	vsub.s32 $0x0, v4  }
0x3c3: {  	v4 =	vmin.u32 v4, v11  }
0x3c4: {  	vm1 =	vlt.s32 v4, $0x1  }
0x3c5: {  	v4 =	vnsel vm1, $0x1, v4  }
0x3c6: {  	(xrf0) =	vadd.scan.msk.s32 $0xffff, v4;
	_ =	sdelay $0x4  }
0x3c7: {  	s22 =	spop (v2sf)  }
0x3c8: {  	s3 =	sadd.s32 s3, s22;
	v12, _, _ =	vpop (xrf0)  }
0x3c9: {  	v13 =	vadd.s32 s3, v12  }
0x3ca: {  	v4 =	vmul.u32 v4, v13;
	_ =	sdelay $0x1  }
0x3cb: {  	v4 =	vadd.s32 v3, v4  }
0x3cc: {  	[tilespmem:$0x2180] =	vst v4  }
0x3cd: {  	(v2sf) =	vpush v12, $0xF;
	v14 =	vld [tilespmem:s1+$0x190];
	_ =	sdelay $0x4  }
0x3ce: {  	v5 =	vadd.s32 $0xFFFFFFFF, v14  }
0x3cf: {  	v15 =	vsub.s32 $0x0, v5  }
0x3d0: {  	v5 =	vmin.u32 v5, v15  }
0x3d1: {  	vm1 =	vlt.s32 v5, $0x1  }
0x3d2: {  	v5 =	vnsel vm1, $0x1, v5  }
0x3d3: {  	(xrf0) =	vadd.scan.msk.s32 $0xffff, v5;
	_ =	sdelay $0x4  }
0x3d4: {  	v16 =	vshll.u32 v4, $0x3;
	s23 =	spop (v2sf)  }
0x3d5: {  	v4 =	vand.u32 $0x7, v4;
	v6 =	vand.u32 $0xFFFFFFC0, v16;
	s3 =	sadd.s32 s3, s23;
	v17, _, _ =	vpop (xrf0)  }
0x3d6: {  	v4 =	vor.u32 v4, v6;
	v18 =	vadd.s32 s3, v17  }
0x3d7: {  	v19 =	vperm.xlane v4, v0;
	v5 =	vmul.u32 v5, v18;
	_ =	sdelay $0x1  }
0x3d8: {  	v6 =	vadd.s32 v1, v19;
	v5 =	vadd.s32 v3, v5  }
0x3d9: {  	[tilespmem:$0x2190] =	vst v5  }
0x3da: {  	_ =	swait.ge [sflag:s25], $0x8000  }
0x3db: {  	[sflag:s25] =	ssyncset.done $0x0  }
0x3dc: {  	[sflag:s25] =	ssyncadd.s32 $0xFFFF8000  }
0x3dd: {  	[tilespmem:s15], [sflag:$0x1] =	stream.indirect_vreg.gather [hbm4b:s17+s0], $0x80, v6, vm0, $0xb8;
	[tilespmem:$0x1A480] =	vst v63  }
0x3de: {  	s5 =	simm.s32 $0x2C80;
	v4 =	vperm.xlane v4, v2  }
0x3df: {  	[tilespmem:s5], [sflag:$0x1] =	stream.indirect_vreg.gather [hbm4b:s8+s0], $0x80, v6, vm0, $0xb8;
	[tilespmem:$0x1A480] =	vst v63  }
0x3e0: {  	s10 =	simm.s32 $0x3480;
	v4 =	vadd.s32 v1, v4  }
0x3e1: {  	[tilespmem:s10], [sflag:$0x1] =	stream.indirect_vreg.gather [hbm4b:s9+s0], $0x80, v6, vm0, $0xb8;
	[tilespmem:$0x1A480] =	vst v63  }
0x3e2: {  	s12 =	simm.s32 $0x3C80  }
0x3e3: {  	[tilespmem:s12], [sflag:$0x1] =	stream.indirect_vreg.gather [hbm4b:s19+s0], $0x80, v6, vm0, $0xb8;
	[tilespmem:$0x1A480] =	vst v63  }
0x3e4: {  	s20 =	simm.s32 $0x4480  }
0x3e5: {  	[tilespmem:s20], [sflag:$0x1] =	stream.indirect_vreg.gather [hbm4b:s17+s0], $0x80, v4, vm0, $0xb8;
	[tilespmem:$0x1A480] =	vst v63  }
0x3e6: {  	s14 =	simm.s32 $0x4C80  }
0x3e7: {  	[tilespmem:s14], [sflag:$0x1] =	stream.indirect_vreg.gather [hbm4b:s8+s0], $0x80, v4, vm0, $0xb8;
	[tilespmem:$0x1A480] =	vst v63  }
0x3e8: {  	s22 =	simm.s32 $0x5480  }
0x3e9: {  	[tilespmem:s22], [sflag:$0x1] =	stream.indirect_vreg.gather [hbm4b:s9+s0], $0x80, v4, vm0, $0xb8;
	[tilespmem:$0x1A480] =	vst v63  }
0x3ea: {  	_ = 	snop  }
0x3eb: {  	[tilespmem:s11], [sflag:$0x1] =	stream.indirect_vreg.gather [hbm4b:s19+s0], $0x80, v4, vm0, $0xb8;
	[tilespmem:$0x1A480] =	vst v63  }
0x3ec: {  	v4 =	vld [tilespmem:$0x2190];
	_ =	sdelay $0x4  }
0x3ed: {  	v20 =	vshll.u32 v4, $0x3  }
0x3ee: {  	v4 =	vand.u32 $0x7, v4;
	v5 =	vand.u32 $0xFFFFFFC0, v20  }
0x3ef: {  	v4 =	vor.u32 v4, v5  }
0x3f0: {  	v5 =	vperm.xlane v4, v0;
	_ =	sdelay $0x1  }
0x3f1: {  	v5 =	vadd.s32 v1, v5;
	_ =	sdelay $0x3  }
0x3f2: {  	s11 =	simm.s32 $0x6480  }
0x3f3: {  	[tilespmem:s11], [sflag:$0x1] =	stream.indirect_vreg.gather [hbm4b:s17+s0], $0x80, v5, vm0, $0xb8;
	[tilespmem:$0x1A480] =	vst v63  }
0x3f4: {  	s13 =	simm.s32 $0x6C80;
	v4 =	vperm.xlane v4, v2  }
0x3f5: {  	[tilespmem:s13], [sflag:$0x1] =	stream.indirect_vreg.gather [hbm4b:s8+s0], $0x80, v5, vm0, $0xb8;
	[tilespmem:$0x1A480] =	vst v63  }
0x3f6: {  	s23 =	simm.s32 $0x7480;
	v4 =	vadd.s32 v1, v4  }
0x3f7: {  	[tilespmem:s23], [sflag:$0x1] =	stream.indirect_vreg.gather [hbm4b:s9+s0], $0x80, v5, vm0, $0xb8;
	[tilespmem:$0x1A480] =	vst v63  }
0x3f8: {  	s15 =	simm.s32 $0x7C80  }
0x3f9: {  	[tilespmem:s15], [sflag:$0x1] =	stream.indirect_vreg.gather [hbm4b:s19+s0], $0x80, v5, vm0, $0xb8;
	[tilespmem:$0x1A480] =	vst v63  }
0x3fa: {  	s5 =	simm.s32 $0x8480  }
0x3fb: {  	[tilespmem:s5], [sflag:$0x1] =	stream.indirect_vreg.gather [hbm4b:s17+s0], $0x80, v4, vm0, $0xb8;
	[tilespmem:$0x1A480] =	vst v63  }
0x3fc: {  	_ = 	snop  }
0x3fd: {  	[tilespmem:s6], [sflag:$0x1] =	stream.indirect_vreg.gather [hbm4b:s8+s0], $0x80, v4, vm0, $0xb8;
	[tilespmem:$0x1A480] =	vst v63  }
0x3fe: {  	s10 =	simm.s32 $0x9480  }
0x3ff: {  	[tilespmem:s10], [sflag:$0x1] =	stream.indirect_vreg.gather [hbm4b:s9+s0], $0x80, v4, vm0, $0xb8;
	[tilespmem:$0x1A480] =	vst v63  }
0x400: {  	s11 =	simm.s32 $0x9C80  }
0x401: {  	[tilespmem:s11], [sflag:$0x1] =	stream.indirect_vreg.gather [hbm4b:s19+s0], $0x80, v4, vm0, $0xb8;
	[tilespmem:$0x1A480] =	vst v63  }
0x402: {  	_ =	swait.ge [sflag:s26], $0x8000  }
0x403: {  	s13 =	sld [smem:$0x7E0]  }
0x404: {  	[sflag:s26] =	ssyncset.done $0x0  }
0x405: {  	s15 =	simm.s32 $0xA480;
	s6 =	rddreg [dreg:$0xf];
	[sflag:s26] =	ssyncadd.s32 $0xFFFF8000  }
0x406: {  	[hbm4b:s13+s0] =	stream.linear.scatter [tilespmem:s15], [sflag:$0x5], $0x8000, $0x38;
	[tilespmem:$0x1A480] =	vst v63  }
0x407: {  	(v2sf) =	vpush v17, $0xF;
	v21 =	vld [tilespmem:s6+$0x0];
	_ =	sdelay $0x4  }
0x408: {  	v4 =	vadd.s32 $0xFFFFFFFF, v21  }
0x409: {  	v22 =	vsub.s32 $0x0, v4  }
0x40a: {  	v4 =	vmin.u32 v4, v22  }
0x40b: {  	vm1 =	vlt.s32 v4, $0x1  }
0x40c: {  	v4 =	vnsel vm1, $0x1, v4  }
0x40d: {  	(xrf0) =	vadd.scan.msk.s32 $0xffff, v4;
	_ =	sdelay $0x4  }
0x40e: {  	s10 =	spop (v2sf)  }
0x40f: {  	s3 =	sadd.s32 s3, s10;
	v23, _, _ =	vpop (xrf0)  }
0x410: {  	v24 =	vadd.s32 s3, v23  }
0x411: {  	v4 =	vmul.u32 v4, v24;
	_ =	sdelay $0x1  }
0x412: {  	v4 =	vadd.s32 v3, v4  }
0x413: {  	[tilespmem:$0x21A0] =	vst v4  }
0x414: {  	(v2sf) =	vpush v23, $0xF;
	v25 =	vld [tilespmem:s1+$0x1B0];
	_ =	sdelay $0x4  }
0x415: {  	v5 =	vadd.s32 $0xFFFFFFFF, v25  }
0x416: {  	v26 =	vsub.s32 $0x0, v5  }
0x417: {  	v5 =	vmin.u32 v5, v26  }
0x418: {  	vm1 =	vlt.s32 v5, $0x1  }
0x419: {  	v5 =	vnsel vm1, $0x1, v5  }
0x41a: {  	(xrf0) =	vadd.scan.msk.s32 $0xffff, v5;
	_ =	sdelay $0x4  }
0x41b: {  	v27 =	vshll.u32 v4, $0x3;
	s11 =	spop (v2sf)  }
0x41c: {  	v4 =	vand.u32 $0x7, v4;
	v6 =	vand.u32 $0xFFFFFFC0, v27;
	s3 =	sadd.s32 s3, s11;
	v28, _, _ =	vpop (xrf0)  }
0x41d: {  	v4 =	vor.u32 v4, v6;
	v29 =	vadd.s32 s3, v28  }
0x41e: {  	v30 =	vperm.xlane v4, v0;
	v5 =	vmul.u32 v5, v29;
	_ =	sdelay $0x1  }
0x41f: {  	v6 =	vadd.s32 v1, v30;
	v5 =	vadd.s32 v3, v5  }
0x420: {  	[tilespmem:$0x21B0] =	vst v5  }
0x421: {  	_ =	swait.ge [sflag:s7], $0x8000  }
0x422: {  	[sflag:s7] =	ssyncset.done $0x0  }
0x423: {  	[sflag:s7] =	ssyncadd.s32 $0xFFFF8000  }
0x424: {  	[tilespmem:s15], [sflag:$0x2] =	stream.indirect_vreg.gather [hbm4b:s17+s0], $0x80, v6, vm0, $0xb8;
	[tilespmem:$0x1A480] =	vst v63  }
0x425: {  	s6 =	simm.s32 $0xAC80;
	v4 =	vperm.xlane v4, v2  }
0x426: {  	[tilespmem:s6], [sflag:$0x2] =	stream.indirect_vreg.gather [hbm4b:s8+s0], $0x80, v6, vm0, $0xb8;
	[tilespmem:$0x1A480] =	vst v63  }
0x427: {  	v4 =	vadd.s32 v1, v4  }
0x428: {  	[tilespmem:s16], [sflag:$0x2] =	stream.indirect_vreg.gather [hbm4b:s9+s0], $0x80, v6, vm0, $0xb8;
	[tilespmem:$0x1A480] =	vst v63  }
0x429: {  	_ = 	snop  }
0x42a: {  	[tilespmem:s18], [sflag:$0x2] =	stream.indirect_vreg.gather [hbm4b:s19+s0], $0x80, v6, vm0, $0xb8;
	[tilespmem:$0x1A480] =	vst v63  }
0x42b: {  	_ = 	snop  }
0x42c: {  	[tilespmem:s24], [sflag:$0x2] =	stream.indirect_vreg.gather [hbm4b:s17+s0], $0x80, v4, vm0, $0xb8;
	[tilespmem:$0x1A480] =	vst v63  }
0x42d: {  	s13 =	simm.s32 $0xCC80  }
0x42e: {  	[tilespmem:s13], [sflag:$0x2] =	stream.indirect_vreg.gather [hbm4b:s8+s0], $0x80, v4, vm0, $0xb8;
	[tilespmem:$0x1A480] =	vst v63  }
0x42f: {  	s15 =	simm.s32 $0xD480  }
0x430: {  	[tilespmem:s15], [sflag:$0x2] =	stream.indirect_vreg.gather [hbm4b:s9+s0], $0x80, v4, vm0, $0xb8;
	[tilespmem:$0x1A480] =	vst v63  }
0x431: {  	s11 =	simm.s32 $0xDC80  }
0x432: {  	[tilespmem:s11], [sflag:$0x2] =	stream.indirect_vreg.gather [hbm4b:s19+s0], $0x80, v4, vm0, $0xb8;
	[tilespmem:$0x1A480] =	vst v63  }
0x433: {  	v4 =	vld [tilespmem:$0x21B0];
	_ =	sdelay $0x4  }
0x434: {  	v31 =	vshll.u32 v4, $0x3  }
0x435: {  	v4 =	vand.u32 $0x7, v4;
	v5 =	vand.u32 $0xFFFFFFC0, v31  }
0x436: {  	v4 =	vor.u32 v4, v5  }
0x437: {  	v5 =	vperm.xlane v4, v0;
	_ =	sdelay $0x1  }
0x438: {  	v5 =	vadd.s32 v1, v5;
	_ =	sdelay $0x3  }
0x439: {  	s10 =	simm.s32 $0xE480  }
0x43a: {  	[tilespmem:s10], [sflag:$0x2] =	stream.indirect_vreg.gather [hbm4b:s17+s0], $0x80, v5, vm0, $0xb8;
	[tilespmem:$0x1A480] =	vst v63  }
0x43b: {  	s13 =	simm.s32 $0xEC80;
	v4 =	vperm.xlane v4, v2  }
0x43c: {  	[tilespmem:s13], [sflag:$0x2] =	stream.indirect_vreg.gather [hbm4b:s8+s0], $0x80, v5, vm0, $0xb8;
	[tilespmem:$0x1A480] =	vst v63  }
0x43d: {  	v4 =	vadd.s32 v1, v4  }
0x43e: {  	[tilespmem:s28], [sflag:$0x2] =	stream.indirect_vreg.gather [hbm4b:s9+s0], $0x80, v5, vm0, $0xb8;
	[tilespmem:$0x1A480] =	vst v63  }
0x43f: {  	_ = 	snop  }
0x440: {  	[tilespmem:s30], [sflag:$0x2] =	stream.indirect_vreg.gather [hbm4b:s19+s0], $0x80, v5, vm0, $0xb8;
	[tilespmem:$0x1A480] =	vst v63  }
0x441: {  	_ = 	snop  }
0x442: {  	[tilespmem:s31], [sflag:$0x2] =	stream.indirect_vreg.gather [hbm4b:s17+s0], $0x80, v4, vm0, $0xb8;
	[tilespmem:$0x1A480] =	vst v63  }
0x443: {  	s5 =	simm.s32 $0x10C80  }
0x444: {  	[tilespmem:s5], [sflag:$0x2] =	stream.indirect_vreg.gather [hbm4b:s8+s0], $0x80, v4, vm0, $0xb8;
	[tilespmem:$0x1A480] =	vst v63  }
0x445: {  	s15 =	simm.s32 $0x11480  }
0x446: {  	[tilespmem:s15], [sflag:$0x2] =	stream.indirect_vreg.gather [hbm4b:s9+s0], $0x80, v4, vm0, $0xb8;
	[tilespmem:$0x1A480] =	vst v63  }
0x447: {  	s15 =	simm.s32 $0x11C80  }
0x448: {  	[tilespmem:s15], [sflag:$0x2] =	stream.indirect_vreg.gather [hbm4b:s19+s0], $0x80, v4, vm0, $0xb8;
	[tilespmem:$0x1A480] =	vst v63  }
0x449: {  	_ =	swait.ge [sflag:s29], $0x8000  }
0x44a: {  	s28 =	sld [smem:$0x7E1]  }
0x44b: {  	[sflag:s29] =	ssyncset.done $0x0  }
0x44c: {  	s5 =	simm.s32 $0x12480;
	[sflag:s29] =	ssyncadd.s32 $0xFFFF8000  }
0x44d: {  	[hbm4b:s28+s0] =	stream.linear.scatter [tilespmem:s5], [sflag:$0x6], $0x8000, $0x38;
	[tilespmem:$0x1A480] =	vst v63  }
0x44e: {  	s28 =	rddreg [dreg:$0x10]  }
0x44f: {  	(v2sf) =	vpush v28, $0xF;
	v32 =	vld [tilespmem:s28+$0x0];
	_ =	sdelay $0x4  }
0x450: {  	v4 =	vadd.s32 $0xFFFFFFFF, v32  }
0x451: {  	v33 =	vsub.s32 $0x0, v4  }
0x452: {  	v4 =	vmin.u32 v4, v33  }
0x453: {  	vm1 =	vlt.s32 v4, $0x1  }
0x454: {  	v4 =	vnsel vm1, $0x1, v4  }
0x455: {  	(xrf0) =	vadd.scan.msk.s32 $0xffff, v4;
	_ =	sdelay $0x4  }
0x456: {  	s28 =	spop (v2sf)  }
0x457: {  	s3 =	sadd.s32 s3, s28;
	v34, _, _ =	vpop (xrf0)  }
0x458: {  	v35 =	vadd.s32 s3, v34  }
0x459: {  	v4 =	vmul.u32 v4, v35;
	_ =	sdelay $0x1  }
0x45a: {  	v4 =	vadd.s32 v3, v4  }
0x45b: {  	[tilespmem:$0x21C0] =	vst v4  }
0x45c: {  	(v2sf) =	vpush v34, $0xF;
	v36 =	vld [tilespmem:s1+$0x1D0];
	_ =	sdelay $0x4  }
0x45d: {  	v5 =	vadd.s32 $0xFFFFFFFF, v36  }
0x45e: {  	v37 =	vsub.s32 $0x0, v5  }
0x45f: {  	v5 =	vmin.u32 v5, v37  }
0x460: {  	vm1 =	vlt.s32 v5, $0x1  }
0x461: {  	v5 =	vnsel vm1, $0x1, v5  }
0x462: {  	(xrf0) =	vadd.scan.msk.s32 $0xffff, v5;
	_ =	sdelay $0x4  }
0x463: {  	v38 =	vshll.u32 v4, $0x3;
	s28 =	spop (v2sf)  }
0x464: {  	v4 =	vand.u32 $0x7, v4;
	v6 =	vand.u32 $0xFFFFFFC0, v38;
	s3 =	sadd.s32 s3, s28;
	v39, _, _ =	vpop (xrf0)  }
0x465: {  	v4 =	vor.u32 v4, v6;
	v40 =	vadd.s32 s3, v39  }
0x466: {  	v41 =	vperm.xlane v4, v0;
	v5 =	vmul.u32 v5, v40;
	_ =	sdelay $0x1  }
0x467: {  	v6 =	vadd.s32 v1, v41;
	v5 =	vadd.s32 v3, v5  }
0x468: {  	[tilespmem:$0x21D0] =	vst v5  }
0x469: {  	_ =	swait.ge [sflag:s2], $0x8000  }
0x46a: {  	[sflag:s2] =	ssyncset.done $0x0  }
0x46b: {  	[sflag:s2] =	ssyncadd.s32 $0xFFFF8000  }
0x46c: {  	[tilespmem:s5], [sflag:$0x3] =	stream.indirect_vreg.gather [hbm4b:s17+s0], $0x80, v6, vm0, $0xb8;
	[tilespmem:$0x1A480] =	vst v63  }
0x46d: {  	v4 =	vperm.xlane v4, v2;
	s5 =	simm.s32 $0x12C80  }
0x46e: {  	[tilespmem:s5], [sflag:$0x3] =	stream.indirect_vreg.gather [hbm4b:s8+s0], $0x80, v6, vm0, $0xb8;
	[tilespmem:$0x1A480] =	vst v63  }
0x46f: {  	v4 =	vadd.s32 v1, v4;
	s28 =	simm.s32 $0x13480  }
0x470: {  	[tilespmem:s28], [sflag:$0x3] =	stream.indirect_vreg.gather [hbm4b:s9+s0], $0x80, v6, vm0, $0xb8;
	[tilespmem:$0x1A480] =	vst v63  }
0x471: {  	s5 =	simm.s32 $0x13C80  }
0x472: {  	[tilespmem:s5], [sflag:$0x3] =	stream.indirect_vreg.gather [hbm4b:s19+s0], $0x80, v6, vm0, $0xb8;
	[tilespmem:$0x1A480] =	vst v63  }
0x473: {  	s28 =	simm.s32 $0x14480  }
0x474: {  	[tilespmem:s28], [sflag:$0x3] =	stream.indirect_vreg.gather [hbm4b:s17+s0], $0x80, v4, vm0, $0xb8;
	[tilespmem:$0x1A480] =	vst v63  }
0x475: {  	s5 =	simm.s32 $0x14C80  }
0x476: {  	[tilespmem:s5], [sflag:$0x3] =	stream.indirect_vreg.gather [hbm4b:s8+s0], $0x80, v4, vm0, $0xb8;
	[tilespmem:$0x1A480] =	vst v63  }
0x477: {  	s28 =	simm.s32 $0x15480  }
0x478: {  	[tilespmem:s28], [sflag:$0x3] =	stream.indirect_vreg.gather [hbm4b:s9+s0], $0x80, v4, vm0, $0xb8;
	[tilespmem:$0x1A480] =	vst v63  }
0x479: {  	s5 =	simm.s32 $0x15C80  }
0x47a: {  	[tilespmem:s5], [sflag:$0x3] =	stream.indirect_vreg.gather [hbm4b:s19+s0], $0x80, v4, vm0, $0xb8;
	[tilespmem:$0x1A480] =	vst v63  }
0x47b: {  	v4 =	vld [tilespmem:$0x21D0];
	_ =	sdelay $0x4  }
0x47c: {  	v42 =	vshll.u32 v4, $0x3  }
0x47d: {  	v4 =	vand.u32 $0x7, v4;
	v5 =	vand.u32 $0xFFFFFFC0, v42  }
0x47e: {  	v4 =	vor.u32 v4, v5  }
0x47f: {  	v5 =	vperm.xlane v4, v0;
	_ =	sdelay $0x1  }
0x480: {  	v5 =	vadd.s32 v1, v5;
	_ =	sdelay $0x3  }
0x481: {  	s28 =	simm.s32 $0x16480  }
0x482: {  	[tilespmem:s28], [sflag:$0x3] =	stream.indirect_vreg.gather [hbm4b:s17+s0], $0x80, v5, vm0, $0xb8;
	[tilespmem:$0x1A480] =	vst v63  }
0x483: {  	s5 =	simm.s32 $0x16C80;
	v4 =	vperm.xlane v4, v2  }
0x484: {  	[tilespmem:s5], [sflag:$0x3] =	stream.indirect_vreg.gather [hbm4b:s8+s0], $0x80, v5, vm0, $0xb8;
	[tilespmem:$0x1A480] =	vst v63  }
0x485: {  	v4 =	vadd.s32 v1, v4;
	s28 =	simm.s32 $0x17480  }
0x486: {  	[tilespmem:s28], [sflag:$0x3] =	stream.indirect_vreg.gather [hbm4b:s9+s0], $0x80, v5, vm0, $0xb8;
	[tilespmem:$0x1A480] =	vst v63  }
0x487: {  	s5 =	simm.s32 $0x17C80  }
0x488: {  	[tilespmem:s5], [sflag:$0x3] =	stream.indirect_vreg.gather [hbm4b:s19+s0], $0x80, v5, vm0, $0xb8;
	[tilespmem:$0x1A480] =	vst v63  }
0x489: {  	s28 =	simm.s32 $0x18480  }
0x48a: {  	[tilespmem:s28], [sflag:$0x3] =	stream.indirect_vreg.gather [hbm4b:s17+s0], $0x80, v4, vm0, $0xb8;
	[tilespmem:$0x1A480] =	vst v63  }
0x48b: {  	s5 =	simm.s32 $0x18C80  }
0x48c: {  	[tilespmem:s5], [sflag:$0x3] =	stream.indirect_vreg.gather [hbm4b:s8+s0], $0x80, v4, vm0, $0xb8;
	[tilespmem:$0x1A480] =	vst v63  }
0x48d: {  	s28 =	simm.s32 $0x19480  }
0x48e: {  	[tilespmem:s28], [sflag:$0x3] =	stream.indirect_vreg.gather [hbm4b:s9+s0], $0x80, v4, vm0, $0xb8;
	[tilespmem:$0x1A480] =	vst v63  }
0x48f: {  	s5 =	simm.s32 $0x19C80  }
0x490: {  	[tilespmem:s5], [sflag:$0x3] =	stream.indirect_vreg.gather [hbm4b:s19+s0], $0x80, v4, vm0, $0xb8;
	[tilespmem:$0x1A480] =	vst v63  }
0x491: {  	_ =	swait.ge [sflag:s21], $0x8000  }
0x492: {  	s28 =	sld [smem:$0x7E2]  }
0x493: {  	[sflag:s21] =	ssyncset.done $0x0  }
0x494: {  	s5 =	simm.s32 $0x2480;
	[sflag:s21] =	ssyncadd.s32 $0xFFFF8000  }
0x495: {  	[hbm4b:s28+s0] =	stream.linear.scatter [tilespmem:s5], [sflag:$0x4], $0x8000, $0x38;
	[tilespmem:$0x1A480] =	vst v63  }
0x496: {  	s28 =	rddreg [dreg:$0x11]  }
0x497: {  	(v2sf) =	vpush v39, $0xF;
	v43 =	vld [tilespmem:s28+$0x0];
	_ =	sdelay $0x4  }
0x498: {  	v4 =	vadd.s32 $0xFFFFFFFF, v43  }
0x499: {  	v44 =	vsub.s32 $0x0, v4  }
0x49a: {  	v4 =	vmin.u32 v4, v44  }
0x49b: {  	vm1 =	vlt.s32 v4, $0x1  }
0x49c: {  	v4 =	vnsel vm1, $0x1, v4  }
0x49d: {  	(xrf0) =	vadd.scan.msk.s32 $0xffff, v4;
	_ =	sdelay $0x4  }
0x49e: {  	s28 =	spop (v2sf)  }
0x49f: {  	s3 =	sadd.s32 s3, s28;
	v45, _, _ =	vpop (xrf0)  }
0x4a0: {  	v46 =	vadd.s32 s3, v45  }
0x4a1: {  	v4 =	vmul.u32 v4, v46;
	_ =	sdelay $0x1  }
0x4a2: {  	v4 =	vadd.s32 v3, v4  }
0x4a3: {  	[tilespmem:$0x21E0] =	vst v4  }
0x4a4: {  	(v2sf) =	vpush v45, $0xF;
	v47 =	vld [tilespmem:s1+$0x1F0];
	_ =	sdelay $0x4  }
0x4a5: {  	v5 =	vadd.s32 $0xFFFFFFFF, v47  }
0x4a6: {  	v48 =	vsub.s32 $0x0, v5  }
0x4a7: {  	v5 =	vmin.u32 v5, v48  }
0x4a8: {  	vm1 =	vlt.s32 v5, $0x1  }
0x4a9: {  	v5 =	vnsel vm1, $0x1, v5  }
0x4aa: {  	(xrf0) =	vadd.scan.msk.s32 $0xffff, v5;
	_ =	sdelay $0x4  }
0x4ab: {  	v49 =	vshll.u32 v4, $0x3;
	s28 =	spop (v2sf)  }
0x4ac: {  	v4 =	vand.u32 $0x7, v4;
	v6 =	vand.u32 $0xFFFFFFC0, v49;
	s3 =	sadd.s32 s3, s28;
	v50, _, _ =	vpop (xrf0)  }
0x4ad: {  	v4 =	vor.u32 v4, v6;
	v51 =	vadd.s32 s3, v50  }
0x4ae: {  	v52 =	vperm.xlane v4, v0;
	v5 =	vmul.u32 v5, v51;
	_ =	sdelay $0x1  }
0x4af: {  	v6 =	vadd.s32 v1, v52;
	v5 =	vadd.s32 v3, v5  }
0x4b0: {  	[tilespmem:$0x21F0] =	vst v5  }
0x4b1: {  	_ =	swait.ge [sflag:s25], $0x8000  }
0x4b2: {  	[sflag:s25] =	ssyncset.done $0x0  }
0x4b3: {  	[sflag:s25] =	ssyncadd.s32 $0xFFFF8000  }
0x4b4: {  	[tilespmem:s5], [sflag:$0x1] =	stream.indirect_vreg.gather [hbm4b:s17+s0], $0x80, v6, vm0, $0xb8;
	[tilespmem:$0x1A480] =	vst v63  }
0x4b5: {  	v4 =	vperm.xlane v4, v2;
	s28 =	simm.s32 $0x2C80  }
0x4b6: {  	[tilespmem:s28], [sflag:$0x1] =	stream.indirect_vreg.gather [hbm4b:s8+s0], $0x80, v6, vm0, $0xb8;
	[tilespmem:$0x1A480] =	vst v63  }
0x4b7: {  	v4 =	vadd.s32 v1, v4;
	s28 =	simm.s32 $0x3480  }
0x4b8: {  	[tilespmem:s28], [sflag:$0x1] =	stream.indirect_vreg.gather [hbm4b:s9+s0], $0x80, v6, vm0, $0xb8;
	[tilespmem:$0x1A480] =	vst v63  }
0x4b9: {  	_ = 	snop  }
0x4ba: {  	[tilespmem:s12], [sflag:$0x1] =	stream.indirect_vreg.gather [hbm4b:s19+s0], $0x80, v6, vm0, $0xb8;
	[tilespmem:$0x1A480] =	vst v63  }
0x4bb: {  	_ = 	snop  }
0x4bc: {  	[tilespmem:s20], [sflag:$0x1] =	stream.indirect_vreg.gather [hbm4b:s17+s0], $0x80, v4, vm0, $0xb8;
	[tilespmem:$0x1A480] =	vst v63  }
0x4bd: {  	_ = 	snop  }
0x4be: {  	[tilespmem:s14], [sflag:$0x1] =	stream.indirect_vreg.gather [hbm4b:s8+s0], $0x80, v4, vm0, $0xb8;
	[tilespmem:$0x1A480] =	vst v63  }
0x4bf: {  	_ = 	snop  }
0x4c0: {  	[tilespmem:s22], [sflag:$0x1] =	stream.indirect_vreg.gather [hbm4b:s9+s0], $0x80, v4, vm0, $0xb8;
	[tilespmem:$0x1A480] =	vst v63  }
0x4c1: {  	s5 =	simm.s32 $0x5C80  }
0x4c2: {  	[tilespmem:s5], [sflag:$0x1] =	stream.indirect_vreg.gather [hbm4b:s19+s0], $0x80, v4, vm0, $0xb8;
	[tilespmem:$0x1A480] =	vst v63  }
0x4c3: {  	v4 =	vld [tilespmem:$0x21F0];
	_ =	sdelay $0x4  }
0x4c4: {  	v53 =	vshll.u32 v4, $0x3  }
0x4c5: {  	v4 =	vand.u32 $0x7, v4;
	v5 =	vand.u32 $0xFFFFFFC0, v53  }
0x4c6: {  	v4 =	vor.u32 v4, v5  }
0x4c7: {  	v5 =	vperm.xlane v4, v0;
	_ =	sdelay $0x1  }
0x4c8: {  	v5 =	vadd.s32 v1, v5;
	_ =	sdelay $0x3  }
0x4c9: {  	s12 =	simm.s32 $0x6480  }
0x4ca: {  	[tilespmem:s12], [sflag:$0x1] =	stream.indirect_vreg.gather [hbm4b:s17+s0], $0x80, v5, vm0, $0xb8;
	[tilespmem:$0x1A480] =	vst v63  }
0x4cb: {  	s14 =	simm.s32 $0x6C80;
	v4 =	vperm.xlane v4, v2  }
0x4cc: {  	[tilespmem:s14], [sflag:$0x1] =	stream.indirect_vreg.gather [hbm4b:s8+s0], $0x80, v5, vm0, $0xb8;
	[tilespmem:$0x1A480] =	vst v63  }
0x4cd: {  	v4 =	vadd.s32 v1, v4  }
0x4ce: {  	[tilespmem:s23], [sflag:$0x1] =	stream.indirect_vreg.gather [hbm4b:s9+s0], $0x80, v5, vm0, $0xb8;
	[tilespmem:$0x1A480] =	vst v63  }
0x4cf: {  	s20 =	simm.s32 $0x7C80  }
0x4d0: {  	[tilespmem:s20], [sflag:$0x1] =	stream.indirect_vreg.gather [hbm4b:s19+s0], $0x80, v5, vm0, $0xb8;
	[tilespmem:$0x1A480] =	vst v63  }
0x4d1: {  	s22 =	simm.s32 $0x8480  }
0x4d2: {  	[tilespmem:s22], [sflag:$0x1] =	stream.indirect_vreg.gather [hbm4b:s17+s0], $0x80, v4, vm0, $0xb8;
	[tilespmem:$0x1A480] =	vst v63  }
0x4d3: {  	s23 =	simm.s32 $0x8C80  }
0x4d4: {  	[tilespmem:s23], [sflag:$0x1] =	stream.indirect_vreg.gather [hbm4b:s8+s0], $0x80, v4, vm0, $0xb8;
	[tilespmem:$0x1A480] =	vst v63  }
0x4d5: {  	s5 =	simm.s32 $0x9480  }
0x4d6: {  	[tilespmem:s5], [sflag:$0x1] =	stream.indirect_vreg.gather [hbm4b:s9+s0], $0x80, v4, vm0, $0xb8;
	[tilespmem:$0x1A480] =	vst v63  }
0x4d7: {  	s12 =	simm.s32 $0x9C80  }
0x4d8: {  	[tilespmem:s12], [sflag:$0x1] =	stream.indirect_vreg.gather [hbm4b:s19+s0], $0x80, v4, vm0, $0xb8;
	[tilespmem:$0x1A480] =	vst v63  }
0x4d9: {  	_ =	swait.ge [sflag:s26], $0x8000  }
0x4da: {  	s14 =	sld [smem:$0x7E3]  }
0x4db: {  	[sflag:s26] =	ssyncset.done $0x0  }
0x4dc: {  	s20 =	simm.s32 $0xA480;
	s22 =	rddreg [dreg:$0x12];
	[sflag:s26] =	ssyncadd.s32 $0xFFFF8000  }
0x4dd: {  	[hbm4b:s14+s0] =	stream.linear.scatter [tilespmem:s20], [sflag:$0x5], $0x8000, $0x38;
	[tilespmem:$0x1A480] =	vst v63  }
0x4de: {  	(v2sf) =	vpush v50, $0xF;
	v54 =	vld [tilespmem:s22+$0x0];
	_ =	sdelay $0x4  }
0x4df: {  	v4 =	vadd.s32 $0xFFFFFFFF, v54  }
0x4e0: {  	v55 =	vsub.s32 $0x0, v4  }
0x4e1: {  	v4 =	vmin.u32 v4, v55  }
0x4e2: {  	vm1 =	vlt.s32 v4, $0x1  }
0x4e3: {  	v4 =	vnsel vm1, $0x1, v4  }
0x4e4: {  	(xrf0) =	vadd.scan.msk.s32 $0xffff, v4;
	_ =	sdelay $0x4  }
0x4e5: {  	s23 =	spop (v2sf)  }
0x4e6: {  	s3 =	sadd.s32 s3, s23;
	v56, _, _ =	vpop (xrf0)  }
0x4e7: {  	v57 =	vadd.s32 s3, v56  }
0x4e8: {  	v4 =	vmul.u32 v4, v57;
	_ =	sdelay $0x1  }
0x4e9: {  	v4 =	vadd.s32 v3, v4  }
0x4ea: {  	[tilespmem:$0x2200] =	vst v4  }
0x4eb: {  	(v2sf) =	vpush v56, $0xF;
	v58 =	vld [tilespmem:s1+$0x210];
	_ =	sdelay $0x4  }
0x4ec: {  	v5 =	vadd.s32 $0xFFFFFFFF, v58  }
0x4ed: {  	v59 =	vsub.s32 $0x0, v5  }
0x4ee: {  	v5 =	vmin.u32 v5, v59  }
0x4ef: {  	vm1 =	vlt.s32 v5, $0x1  }
0x4f0: {  	v5 =	vnsel vm1, $0x1, v5  }
0x4f1: {  	(xrf0) =	vadd.scan.msk.s32 $0xffff, v5;
	_ =	sdelay $0x4  }
0x4f2: {  	v60 =	vshll.u32 v4, $0x3;
	s5 =	spop (v2sf)  }
0x4f3: {  	v4 =	vand.u32 $0x7, v4;
	v6 =	vand.u32 $0xFFFFFFC0, v60;
	s3 =	sadd.s32 s3, s5;
	v61, _, _ =	vpop (xrf0)  }
0x4f4: {  	v4 =	vor.u32 v4, v6;
	v62 =	vadd.s32 s3, v61  }
0x4f5: {  	v63 =	vperm.xlane v4, v0;
	v5 =	vmul.u32 v5, v62;
	_ =	sdelay $0x1  }
0x4f6: {  	v6 =	vadd.s32 v1, v63;
	v5 =	vadd.s32 v3, v5  }
0x4f7: {  	[tilespmem:$0x2210] =	vst v5  }
0x4f8: {  	_ =	swait.ge [sflag:s7], $0x8000  }
0x4f9: {  	[sflag:s7] =	ssyncset.done $0x0  }
0x4fa: {  	[sflag:s7] =	ssyncadd.s32 $0xFFFF8000  }
0x4fb: {  	[tilespmem:s20], [sflag:$0x2] =	stream.indirect_vreg.gather [hbm4b:s17+s0], $0x80, v6, vm0, $0xb8;
	[tilespmem:$0x1A480] =	vst v63  }
0x4fc: {  	v4 =	vperm.xlane v4, v2  }
0x4fd: {  	[tilespmem:s6], [sflag:$0x2] =	stream.indirect_vreg.gather [hbm4b:s8+s0], $0x80, v6, vm0, $0xb8;
	[tilespmem:$0x1A480] =	vst v63  }
0x4fe: {  	s16 =	simm.s32 $0xB480;
	v4 =	vadd.s32 v1, v4  }
0x4ff: {  	[tilespmem:s16], [sflag:$0x2] =	stream.indirect_vreg.gather [hbm4b:s9+s0], $0x80, v6, vm0, $0xb8;
	[tilespmem:$0x1A480] =	vst v63  }
0x500: {  	s18 =	simm.s32 $0xBC80  }
0x501: {  	[tilespmem:s18], [sflag:$0x2] =	stream.indirect_vreg.gather [hbm4b:s19+s0], $0x80, v6, vm0, $0xb8;
	[tilespmem:$0x1A480] =	vst v63  }
0x502: {  	s24 =	simm.s32 $0xC480  }
0x503: {  	[tilespmem:s24], [sflag:$0x2] =	stream.indirect_vreg.gather [hbm4b:s17+s0], $0x80, v4, vm0, $0xb8;
	[tilespmem:$0x1A480] =	vst v63  }
0x504: {  	s5 =	simm.s32 $0xCC80  }
0x505: {  	[tilespmem:s5], [sflag:$0x2] =	stream.indirect_vreg.gather [hbm4b:s8+s0], $0x80, v4, vm0, $0xb8;
	[tilespmem:$0x1A480] =	vst v63  }
0x506: {  	s12 =	simm.s32 $0xD480  }
0x507: {  	[tilespmem:s12], [sflag:$0x2] =	stream.indirect_vreg.gather [hbm4b:s9+s0], $0x80, v4, vm0, $0xb8;
	[tilespmem:$0x1A480] =	vst v63  }
0x508: {  	_ = 	snop  }
0x509: {  	[tilespmem:s11], [sflag:$0x2] =	stream.indirect_vreg.gather [hbm4b:s19+s0], $0x80, v4, vm0, $0xb8;
	[tilespmem:$0x1A480] =	vst v63  }
0x50a: {  	v4 =	vld [tilespmem:$0x2210];
	_ =	sdelay $0x4  }
0x50b: {  	v9 =	vshll.u32 v4, $0x3  }
0x50c: {  	v4 =	vand.u32 $0x7, v4;
	v5 =	vand.u32 $0xFFFFFFC0, v9  }
0x50d: {  	v4 =	vor.u32 v4, v5  }
0x50e: {  	v5 =	vperm.xlane v4, v0;
	_ =	sdelay $0x1  }
0x50f: {  	v5 =	vadd.s32 v1, v5;
	_ =	sdelay $0x4  }
0x510: {  	[tilespmem:s10], [sflag:$0x2] =	stream.indirect_vreg.gather [hbm4b:s17+s0], $0x80, v5, vm0, $0xb8;
	[tilespmem:$0x1A480] =	vst v63  }
0x511: {  	v4 =	vperm.xlane v4, v2  }
0x512: {  	[tilespmem:s13], [sflag:$0x2] =	stream.indirect_vreg.gather [hbm4b:s8+s0], $0x80, v5, vm0, $0xb8;
	[tilespmem:$0x1A480] =	vst v63  }
0x513: {  	v4 =	vadd.s32 v1, v4;
	s13 =	simm.s32 $0xF480  }
0x514: {  	[tilespmem:s13], [sflag:$0x2] =	stream.indirect_vreg.gather [hbm4b:s9+s0], $0x80, v5, vm0, $0xb8;
	[tilespmem:$0x1A480] =	vst v63  }
0x515: {  	s30 =	simm.s32 $0xFC80  }
0x516: {  	[tilespmem:s30], [sflag:$0x2] =	stream.indirect_vreg.gather [hbm4b:s19+s0], $0x80, v5, vm0, $0xb8;
	[tilespmem:$0x1A480] =	vst v63  }
0x517: {  	s31 =	simm.s32 $0x10480  }
0x518: {  	[tilespmem:s31], [sflag:$0x2] =	stream.indirect_vreg.gather [hbm4b:s17+s0], $0x80, v4, vm0, $0xb8;
	[tilespmem:$0x1A480] =	vst v63  }
0x519: {  	s6 =	simm.s32 $0x10C80  }
0x51a: {  	[tilespmem:s6], [sflag:$0x2] =	stream.indirect_vreg.gather [hbm4b:s8+s0], $0x80, v4, vm0, $0xb8;
	[tilespmem:$0x1A480] =	vst v63  }
0x51b: {  	s14 =	simm.s32 $0x11480  }
0x51c: {  	[tilespmem:s14], [sflag:$0x2] =	stream.indirect_vreg.gather [hbm4b:s9+s0], $0x80, v4, vm0, $0xb8;
	[tilespmem:$0x1A480] =	vst v63  }
0x51d: {  	_ = 	snop  }
0x51e: {  	[tilespmem:s15], [sflag:$0x2] =	stream.indirect_vreg.gather [hbm4b:s19+s0], $0x80, v4, vm0, $0xb8;
	[tilespmem:$0x1A480] =	vst v63  }
0x51f: {  	_ =	swait.ge [sflag:s29], $0x8000  }
0x520: {  	s16 =	sld [smem:$0x7E4]  }
0x521: {  	[sflag:s29] =	ssyncset.done $0x0  }
0x522: {  	s18 =	simm.s32 $0x12480;
	s20 =	rddreg [dreg:$0x13];
	[sflag:s29] =	ssyncadd.s32 $0xFFFF8000  }
0x523: {  	[hbm4b:s16+s0] =	stream.linear.scatter [tilespmem:s18], [sflag:$0x6], $0x8000, $0x38;
	[tilespmem:$0x1A480] =	vst v63  }
0x524: {  	(v2sf) =	vpush v61, $0xF;
	v10 =	vld [tilespmem:s20+$0x0];
	_ =	sdelay $0x4  }
0x525: {  	v4 =	vadd.s32 $0xFFFFFFFF, v10  }
0x526: {  	v11 =	vsub.s32 $0x0, v4  }
0x527: {  	v4 =	vmin.u32 v4, v11  }
0x528: {  	vm1 =	vlt.s32 v4, $0x1  }
0x529: {  	v4 =	vnsel vm1, $0x1, v4  }
0x52a: {  	(xrf0) =	vadd.scan.msk.s32 $0xffff, v4;
	_ =	sdelay $0x4  }
0x52b: {  	s22 =	spop (v2sf)  }
0x52c: {  	s3 =	sadd.s32 s3, s22;
	v12, _, _ =	vpop (xrf0)  }
0x52d: {  	v13 =	vadd.s32 s3, v12  }
0x52e: {  	v4 =	vmul.u32 v4, v13;
	_ =	sdelay $0x1  }
0x52f: {  	v4 =	vadd.s32 v3, v4  }
0x530: {  	[tilespmem:$0x2220] =	vst v4  }
0x531: {  	(v2sf) =	vpush v12, $0xF;
	v14 =	vld [tilespmem:s1+$0x230];
	_ =	sdelay $0x4  }
0x532: {  	v5 =	vadd.s32 $0xFFFFFFFF, v14  }
0x533: {  	v15 =	vsub.s32 $0x0, v5  }
0x534: {  	v5 =	vmin.u32 v5, v15  }
0x535: {  	vm1 =	vlt.s32 v5, $0x1  }
0x536: {  	v5 =	vnsel vm1, $0x1, v5  }
0x537: {  	(xrf0) =	vadd.scan.msk.s32 $0xffff, v5;
	_ =	sdelay $0x4  }
0x538: {  	v16 =	vshll.u32 v4, $0x3;
	s23 =	spop (v2sf)  }
0x539: {  	v4 =	vand.u32 $0x7, v4;
	v6 =	vand.u32 $0xFFFFFFC0, v16;
	s3 =	sadd.s32 s3, s23;
	v17, _, _ =	vpop (xrf0)  }
0x53a: {  	v4 =	vor.u32 v4, v6;
	v18 =	vadd.s32 s3, v17  }
0x53b: {  	v19 =	vperm.xlane v4, v0;
	v5 =	vmul.u32 v5, v18;
	_ =	sdelay $0x1  }
0x53c: {  	v6 =	vadd.s32 v1, v19;
	v5 =	vadd.s32 v3, v5  }
0x53d: {  	[tilespmem:$0x2230] =	vst v5  }
0x53e: {  	_ =	swait.ge [sflag:s2], $0x8000  }
0x53f: {  	[sflag:s2] =	ssyncset.done $0x0  }
0x540: {  	[sflag:s2] =	ssyncadd.s32 $0xFFFF8000  }
0x541: {  	[tilespmem:s18], [sflag:$0x3] =	stream.indirect_vreg.gather [hbm4b:s17+s0], $0x80, v6, vm0, $0xb8;
	[tilespmem:$0x1A480] =	vst v63  }
0x542: {  	v4 =	vperm.xlane v4, v2;
	s23 =	simm.s32 $0x12C80  }
0x543: {  	[tilespmem:s23], [sflag:$0x3] =	stream.indirect_vreg.gather [hbm4b:s8+s0], $0x80, v6, vm0, $0xb8;
	[tilespmem:$0x1A480] =	vst v63  }
0x544: {  	s24 =	simm.s32 $0x13480;
	v4 =	vadd.s32 v1, v4  }
0x545: {  	[tilespmem:s24], [sflag:$0x3] =	stream.indirect_vreg.gather [hbm4b:s9+s0], $0x80, v6, vm0, $0xb8;
	[tilespmem:$0x1A480] =	vst v63  }
0x546: {  	s30 =	simm.s32 $0x13C80  }
0x547: {  	[tilespmem:s30], [sflag:$0x3] =	stream.indirect_vreg.gather [hbm4b:s19+s0], $0x80, v6, vm0, $0xb8;
	[tilespmem:$0x1A480] =	vst v63  }
0x548: {  	s12 =	simm.s32 $0x14480  }
0x549: {  	[tilespmem:s12], [sflag:$0x3] =	stream.indirect_vreg.gather [hbm4b:s17+s0], $0x80, v4, vm0, $0xb8;
	[tilespmem:$0x1A480] =	vst v63  }
0x54a: {  	s31 =	simm.s32 $0x14C80  }
0x54b: {  	[tilespmem:s31], [sflag:$0x3] =	stream.indirect_vreg.gather [hbm4b:s8+s0], $0x80, v4, vm0, $0xb8;
	[tilespmem:$0x1A480] =	vst v63  }
0x54c: {  	s10 =	simm.s32 $0x15480  }
0x54d: {  	[tilespmem:s10], [sflag:$0x3] =	stream.indirect_vreg.gather [hbm4b:s9+s0], $0x80, v4, vm0, $0xb8;
	[tilespmem:$0x1A480] =	vst v63  }
0x54e: {  	s30 =	simm.s32 $0x15C80  }
0x54f: {  	[tilespmem:s30], [sflag:$0x3] =	stream.indirect_vreg.gather [hbm4b:s19+s0], $0x80, v4, vm0, $0xb8;
	[tilespmem:$0x1A480] =	vst v63  }
0x550: {  	v4 =	vld [tilespmem:$0x2230];
	_ =	sdelay $0x4  }
0x551: {  	v20 =	vshll.u32 v4, $0x3  }
0x552: {  	v4 =	vand.u32 $0x7, v4;
	v5 =	vand.u32 $0xFFFFFFC0, v20  }
0x553: {  	v4 =	vor.u32 v4, v5  }
0x554: {  	v5 =	vperm.xlane v4, v0;
	_ =	sdelay $0x1  }
0x555: {  	v5 =	vadd.s32 v1, v5;
	_ =	sdelay $0x3  }
0x556: {  	s31 =	simm.s32 $0x16480  }
0x557: {  	[tilespmem:s31], [sflag:$0x3] =	stream.indirect_vreg.gather [hbm4b:s17+s0], $0x80, v5, vm0, $0xb8;
	[tilespmem:$0x1A480] =	vst v63  }
0x558: {  	s22 =	simm.s32 $0x16C80;
	v4 =	vperm.xlane v4, v2  }
0x559: {  	[tilespmem:s22], [sflag:$0x3] =	stream.indirect_vreg.gather [hbm4b:s8+s0], $0x80, v5, vm0, $0xb8;
	[tilespmem:$0x1A480] =	vst v63  }
0x55a: {  	s15 =	simm.s32 $0x17480;
	v4 =	vadd.s32 v1, v4  }
0x55b: {  	[tilespmem:s15], [sflag:$0x3] =	stream.indirect_vreg.gather [hbm4b:s9+s0], $0x80, v5, vm0, $0xb8;
	[tilespmem:$0x1A480] =	vst v63  }
0x55c: {  	s16 =	simm.s32 $0x17C80  }
0x55d: {  	[tilespmem:s16], [sflag:$0x3] =	stream.indirect_vreg.gather [hbm4b:s19+s0], $0x80, v5, vm0, $0xb8;
	[tilespmem:$0x1A480] =	vst v63  }
0x55e: {  	s18 =	simm.s32 $0x18480  }
0x55f: {  	[tilespmem:s18], [sflag:$0x3] =	stream.indirect_vreg.gather [hbm4b:s17+s0], $0x80, v4, vm0, $0xb8;
	[tilespmem:$0x1A480] =	vst v63  }
0x560: {  	s20 =	simm.s32 $0x18C80  }
0x561: {  	[tilespmem:s20], [sflag:$0x3] =	stream.indirect_vreg.gather [hbm4b:s8+s0], $0x80, v4, vm0, $0xb8;
	[tilespmem:$0x1A480] =	vst v63  }
0x562: {  	s14 =	simm.s32 $0x19480  }
0x563: {  	[tilespmem:s14], [sflag:$0x3] =	stream.indirect_vreg.gather [hbm4b:s9+s0], $0x80, v4, vm0, $0xb8;
	[tilespmem:$0x1A480] =	vst v63  }
0x564: {  	s24 =	simm.s32 $0x19C80  }
0x565: {  	[tilespmem:s24], [sflag:$0x3] =	stream.indirect_vreg.gather [hbm4b:s19+s0], $0x80, v4, vm0, $0xb8;
	[tilespmem:$0x1A480] =	vst v63  }
0x566: {  	_ =	swait.ge [sflag:s21], $0x8000  }
0x567: {  	s11 =	sld [smem:$0x7E5]  }
0x568: {  	[sflag:s21] =	ssyncset.done $0x0  }
0x569: {  	s10 =	simm.s32 $0x2480;
	[sflag:s21] =	ssyncadd.s32 $0xFFFF8000  }
0x56a: {  	[hbm4b:s11+s0] =	stream.linear.scatter [tilespmem:s10], [sflag:$0x4], $0x8000, $0x38;
	[tilespmem:$0x1A480] =	vst v63  }
0x56b: {  	s11 =	rddreg [dreg:$0x14]  }
0x56c: {  	(v2sf) =	vpush v17, $0xF;
	v21 =	vld [tilespmem:s11+$0x0];
	_ =	sdelay $0x4  }
0x56d: {  	v4 =	vadd.s32 $0xFFFFFFFF, v21  }
0x56e: {  	v22 =	vsub.s32 $0x0, v4  }
0x56f: {  	v4 =	vmin.u32 v4, v22  }
0x570: {  	vm1 =	vlt.s32 v4, $0x1  }
0x571: {  	v4 =	vnsel vm1, $0x1, v4  }
0x572: {  	(xrf0) =	vadd.scan.msk.s32 $0xffff, v4;
	_ =	sdelay $0x4  }
0x573: {  	s11 =	spop (v2sf)  }
0x574: {  	s3 =	sadd.s32 s3, s11;
	v23, _, _ =	vpop (xrf0)  }
0x575: {  	v24 =	vadd.s32 s3, v23  }
0x576: {  	v4 =	vmul.u32 v4, v24;
	_ =	sdelay $0x1  }
0x577: {  	v4 =	vadd.s32 v3, v4  }
0x578: {  	[tilespmem:$0x2240] =	vst v4  }
0x579: {  	(v2sf) =	vpush v23, $0xF;
	v25 =	vld [tilespmem:s1+$0x250];
	_ =	sdelay $0x4  }
0x57a: {  	v5 =	vadd.s32 $0xFFFFFFFF, v25  }
0x57b: {  	v26 =	vsub.s32 $0x0, v5  }
0x57c: {  	v5 =	vmin.u32 v5, v26  }
0x57d: {  	vm1 =	vlt.s32 v5, $0x1  }
0x57e: {  	v5 =	vnsel vm1, $0x1, v5  }
0x57f: {  	(xrf0) =	vadd.scan.msk.s32 $0xffff, v5;
	_ =	sdelay $0x4  }
0x580: {  	v27 =	vshll.u32 v4, $0x3;
	s11 =	spop (v2sf)  }
0x581: {  	v4 =	vand.u32 $0x7, v4;
	v6 =	vand.u32 $0xFFFFFFC0, v27;
	s3 =	sadd.s32 s3, s11;
	v28, _, _ =	vpop (xrf0)  }
0x582: {  	v4 =	vor.u32 v4, v6;
	v29 =	vadd.s32 s3, v28  }
0x583: {  	v30 =	vperm.xlane v4, v0;
	v5 =	vmul.u32 v5, v29;
	_ =	sdelay $0x1  }
0x584: {  	v6 =	vadd.s32 v1, v30;
	v5 =	vadd.s32 v3, v5  }
0x585: {  	[tilespmem:$0x2250] =	vst v5  }
0x586: {  	_ =	swait.ge [sflag:s25], $0x8000  }
0x587: {  	[sflag:s25] =	ssyncset.done $0x0  }
0x588: {  	[sflag:s25] =	ssyncadd.s32 $0xFFFF8000  }
0x589: {  	[tilespmem:s10], [sflag:$0x1] =	stream.indirect_vreg.gather [hbm4b:s17+s0], $0x80, v6, vm0, $0xb8;
	[tilespmem:$0x1A480] =	vst v63  }
0x58a: {  	v4 =	vperm.xlane v4, v2;
	s11 =	simm.s32 $0x2C80  }
0x58b: {  	[tilespmem:s11], [sflag:$0x1] =	stream.indirect_vreg.gather [hbm4b:s8+s0], $0x80, v6, vm0, $0xb8;
	[tilespmem:$0x1A480] =	vst v63  }
0x58c: {  	v4 =	vadd.s32 v1, v4  }
0x58d: {  	[tilespmem:s28], [sflag:$0x1] =	stream.indirect_vreg.gather [hbm4b:s9+s0], $0x80, v6, vm0, $0xb8;
	[tilespmem:$0x1A480] =	vst v63  }
0x58e: {  	s11 =	simm.s32 $0x3C80  }
0x58f: {  	[tilespmem:s11], [sflag:$0x1] =	stream.indirect_vreg.gather [hbm4b:s19+s0], $0x80, v6, vm0, $0xb8;
	[tilespmem:$0x1A480] =	vst v63  }
0x590: {  	s28 =	simm.s32 $0x4480  }
0x591: {  	[tilespmem:s28], [sflag:$0x1] =	stream.indirect_vreg.gather [hbm4b:s17+s0], $0x80, v4, vm0, $0xb8;
	[tilespmem:$0x1A480] =	vst v63  }
0x592: {  	s10 =	simm.s32 $0x4C80  }
0x593: {  	[tilespmem:s10], [sflag:$0x1] =	stream.indirect_vreg.gather [hbm4b:s8+s0], $0x80, v4, vm0, $0xb8;
	[tilespmem:$0x1A480] =	vst v63  }
0x594: {  	s28 =	simm.s32 $0x5480  }
0x595: {  	[tilespmem:s28], [sflag:$0x1] =	stream.indirect_vreg.gather [hbm4b:s9+s0], $0x80, v4, vm0, $0xb8;
	[tilespmem:$0x1A480] =	vst v63  }
0x596: {  	s10 =	simm.s32 $0x5C80  }
0x597: {  	[tilespmem:s10], [sflag:$0x1] =	stream.indirect_vreg.gather [hbm4b:s19+s0], $0x80, v4, vm0, $0xb8;
	[tilespmem:$0x1A480] =	vst v63  }
0x598: {  	v4 =	vld [tilespmem:$0x2250];
	_ =	sdelay $0x4  }
0x599: {  	v31 =	vshll.u32 v4, $0x3  }
0x59a: {  	v4 =	vand.u32 $0x7, v4;
	v5 =	vand.u32 $0xFFFFFFC0, v31  }
0x59b: {  	v4 =	vor.u32 v4, v5  }
0x59c: {  	v5 =	vperm.xlane v4, v0;
	_ =	sdelay $0x1  }
0x59d: {  	v5 =	vadd.s32 v1, v5;
	_ =	sdelay $0x3  }
0x59e: {  	s28 =	simm.s32 $0x6480  }
0x59f: {  	[tilespmem:s28], [sflag:$0x1] =	stream.indirect_vreg.gather [hbm4b:s17+s0], $0x80, v5, vm0, $0xb8;
	[tilespmem:$0x1A480] =	vst v63  }
0x5a0: {  	s10 =	simm.s32 $0x6C80;
	v4 =	vperm.xlane v4, v2  }
0x5a1: {  	[tilespmem:s10], [sflag:$0x1] =	stream.indirect_vreg.gather [hbm4b:s8+s0], $0x80, v5, vm0, $0xb8;
	[tilespmem:$0x1A480] =	vst v63  }
0x5a2: {  	v4 =	vadd.s32 v1, v4;
	s28 =	simm.s32 $0x7480  }
0x5a3: {  	[tilespmem:s28], [sflag:$0x1] =	stream.indirect_vreg.gather [hbm4b:s9+s0], $0x80, v5, vm0, $0xb8;
	[tilespmem:$0x1A480] =	vst v63  }
0x5a4: {  	s10 =	simm.s32 $0x7C80  }
0x5a5: {  	[tilespmem:s10], [sflag:$0x1] =	stream.indirect_vreg.gather [hbm4b:s19+s0], $0x80, v5, vm0, $0xb8;
	[tilespmem:$0x1A480] =	vst v63  }
0x5a6: {  	s28 =	simm.s32 $0x8480  }
0x5a7: {  	[tilespmem:s28], [sflag:$0x1] =	stream.indirect_vreg.gather [hbm4b:s17+s0], $0x80, v4, vm0, $0xb8;
	[tilespmem:$0x1A480] =	vst v63  }
0x5a8: {  	s28 =	simm.s32 $0x8C80  }
0x5a9: {  	[tilespmem:s28], [sflag:$0x1] =	stream.indirect_vreg.gather [hbm4b:s8+s0], $0x80, v4, vm0, $0xb8;
	[tilespmem:$0x1A480] =	vst v63  }
0x5aa: {  	s10 =	simm.s32 $0x9480  }
0x5ab: {  	[tilespmem:s10], [sflag:$0x1] =	stream.indirect_vreg.gather [hbm4b:s9+s0], $0x80, v4, vm0, $0xb8;
	[tilespmem:$0x1A480] =	vst v63  }
0x5ac: {  	s10 =	simm.s32 $0x9C80  }
0x5ad: {  	[tilespmem:s10], [sflag:$0x1] =	stream.indirect_vreg.gather [hbm4b:s19+s0], $0x80, v4, vm0, $0xb8;
	[tilespmem:$0x1A480] =	vst v63  }
0x5ae: {  	_ =	swait.ge [sflag:s26], $0x8000  }
0x5af: {  	s4 =	sld [smem:$0x7E6]  }
0x5b0: {  	[sflag:s26] =	ssyncset.done $0x0  }
0x5b1: {  	s10 =	simm.s32 $0xA480;
	[sflag:s26] =	ssyncadd.s32 $0xFFFF8000  }
0x5b2: {  	[hbm4b:s4+s0] =	stream.linear.scatter [tilespmem:s10], [sflag:$0x5], $0x8000, $0x38;
	[tilespmem:$0x1A480] =	vst v63  }
0x5b3: {  	s4 =	rddreg [dreg:$0x15]  }
0x5b4: {  	(v2sf) =	vpush v28, $0xF;
	v32 =	vld [tilespmem:s4+$0x0];
	_ =	sdelay $0x4  }
0x5b5: {  	v4 =	vadd.s32 $0xFFFFFFFF, v32  }
0x5b6: {  	v33 =	vsub.s32 $0x0, v4  }
0x5b7: {  	v4 =	vmin.u32 v4, v33  }
0x5b8: {  	vm1 =	vlt.s32 v4, $0x1  }
0x5b9: {  	v4 =	vnsel vm1, $0x1, v4  }
0x5ba: {  	(xrf0) =	vadd.scan.msk.s32 $0xffff, v4;
	_ =	sdelay $0x4  }
0x5bb: {  	s4 =	spop (v2sf)  }
0x5bc: {  	s3 =	sadd.s32 s3, s4;
	v34, _, _ =	vpop (xrf0)  }
0x5bd: {  	v35 =	vadd.s32 s3, v34  }
0x5be: {  	v4 =	vmul.u32 v4, v35;
	_ =	sdelay $0x1  }
0x5bf: {  	v4 =	vadd.s32 v3, v4  }
0x5c0: {  	[tilespmem:$0x2260] =	vst v4  }
0x5c1: {  	(v2sf) =	vpush v34, $0xF;
	v36 =	vld [tilespmem:s1+$0x270];
	_ =	sdelay $0x4  }
0x5c2: {  	v5 =	vadd.s32 $0xFFFFFFFF, v36  }
0x5c3: {  	v37 =	vsub.s32 $0x0, v5  }
0x5c4: {  	v5 =	vmin.u32 v5, v37  }
0x5c5: {  	vm1 =	vlt.s32 v5, $0x1  }
0x5c6: {  	v5 =	vnsel vm1, $0x1, v5  }
0x5c7: {  	(xrf0) =	vadd.scan.msk.s32 $0xffff, v5;
	_ =	sdelay $0x4  }
0x5c8: {  	v38 =	vshll.u32 v4, $0x3;
	s4 =	spop (v2sf)  }
0x5c9: {  	v4 =	vand.u32 $0x7, v4;
	v6 =	vand.u32 $0xFFFFFFC0, v38;
	s3 =	sadd.s32 s3, s4;
	v39, _, _ =	vpop (xrf0)  }
0x5ca: {  	v4 =	vor.u32 v4, v6;
	v40 =	vadd.s32 s3, v39  }
0x5cb: {  	v41 =	vperm.xlane v4, v0;
	v5 =	vmul.u32 v5, v40;
	_ =	sdelay $0x1  }
0x5cc: {  	v6 =	vadd.s32 v1, v41;
	v5 =	vadd.s32 v3, v5  }
0x5cd: {  	[tilespmem:$0x2270] =	vst v5  }
0x5ce: {  	_ =	swait.ge [sflag:s7], $0x8000  }
0x5cf: {  	[sflag:s7] =	ssyncset.done $0x0  }
0x5d0: {  	[sflag:s7] =	ssyncadd.s32 $0xFFFF8000  }
0x5d1: {  	[tilespmem:s10], [sflag:$0x2] =	stream.indirect_vreg.gather [hbm4b:s17+s0], $0x80, v6, vm0, $0xb8;
	[tilespmem:$0x1A480] =	vst v63  }
0x5d2: {  	v4 =	vperm.xlane v4, v2;
	s10 =	simm.s32 $0xAC80  }
0x5d3: {  	[tilespmem:s10], [sflag:$0x2] =	stream.indirect_vreg.gather [hbm4b:s8+s0], $0x80, v6, vm0, $0xb8;
	[tilespmem:$0x1A480] =	vst v63  }
0x5d4: {  	v4 =	vadd.s32 v1, v4;
	s10 =	simm.s32 $0xB480  }
0x5d5: {  	[tilespmem:s10], [sflag:$0x2] =	stream.indirect_vreg.gather [hbm4b:s9+s0], $0x80, v6, vm0, $0xb8;
	[tilespmem:$0x1A480] =	vst v63  }
0x5d6: {  	s10 =	simm.s32 $0xBC80  }
0x5d7: {  	[tilespmem:s10], [sflag:$0x2] =	stream.indirect_vreg.gather [hbm4b:s19+s0], $0x80, v6, vm0, $0xb8;
	[tilespmem:$0x1A480] =	vst v63  }
0x5d8: {  	s10 =	simm.s32 $0xC480  }
0x5d9: {  	[tilespmem:s10], [sflag:$0x2] =	stream.indirect_vreg.gather [hbm4b:s17+s0], $0x80, v4, vm0, $0xb8;
	[tilespmem:$0x1A480] =	vst v63  }
0x5da: {  	_ = 	snop  }
0x5db: {  	[tilespmem:s5], [sflag:$0x2] =	stream.indirect_vreg.gather [hbm4b:s8+s0], $0x80, v4, vm0, $0xb8;
	[tilespmem:$0x1A480] =	vst v63  }
0x5dc: {  	s5 =	simm.s32 $0xD480  }
0x5dd: {  	[tilespmem:s5], [sflag:$0x2] =	stream.indirect_vreg.gather [hbm4b:s9+s0], $0x80, v4, vm0, $0xb8;
	[tilespmem:$0x1A480] =	vst v63  }
0x5de: {  	s5 =	simm.s32 $0xDC80  }
0x5df: {  	[tilespmem:s5], [sflag:$0x2] =	stream.indirect_vreg.gather [hbm4b:s19+s0], $0x80, v4, vm0, $0xb8;
	[tilespmem:$0x1A480] =	vst v63  }
0x5e0: {  	v4 =	vld [tilespmem:$0x2270];
	_ =	sdelay $0x4  }
0x5e1: {  	v42 =	vshll.u32 v4, $0x3  }
0x5e2: {  	v4 =	vand.u32 $0x7, v4;
	v5 =	vand.u32 $0xFFFFFFC0, v42  }
0x5e3: {  	v4 =	vor.u32 v4, v5  }
0x5e4: {  	v5 =	vperm.xlane v4, v0;
	_ =	sdelay $0x1  }
0x5e5: {  	v5 =	vadd.s32 v1, v5;
	_ =	sdelay $0x3  }
0x5e6: {  	s10 =	simm.s32 $0xE480  }
0x5e7: {  	[tilespmem:s10], [sflag:$0x2] =	stream.indirect_vreg.gather [hbm4b:s17+s0], $0x80, v5, vm0, $0xb8;
	[tilespmem:$0x1A480] =	vst v63  }
0x5e8: {  	v4 =	vperm.xlane v4, v2;
	s10 =	simm.s32 $0xEC80  }
0x5e9: {  	[tilespmem:s10], [sflag:$0x2] =	stream.indirect_vreg.gather [hbm4b:s8+s0], $0x80, v5, vm0, $0xb8;
	[tilespmem:$0x1A480] =	vst v63  }
0x5ea: {  	v4 =	vadd.s32 v1, v4  }
0x5eb: {  	[tilespmem:s13], [sflag:$0x2] =	stream.indirect_vreg.gather [hbm4b:s9+s0], $0x80, v5, vm0, $0xb8;
	[tilespmem:$0x1A480] =	vst v63  }
0x5ec: {  	s10 =	simm.s32 $0xFC80  }
0x5ed: {  	[tilespmem:s10], [sflag:$0x2] =	stream.indirect_vreg.gather [hbm4b:s19+s0], $0x80, v5, vm0, $0xb8;
	[tilespmem:$0x1A480] =	vst v63  }
0x5ee: {  	s13 =	simm.s32 $0x10480  }
0x5ef: {  	[tilespmem:s13], [sflag:$0x2] =	stream.indirect_vreg.gather [hbm4b:s17+s0], $0x80, v4, vm0, $0xb8;
	[tilespmem:$0x1A480] =	vst v63  }
0x5f0: {  	_ = 	snop  }
0x5f1: {  	[tilespmem:s6], [sflag:$0x2] =	stream.indirect_vreg.gather [hbm4b:s8+s0], $0x80, v4, vm0, $0xb8;
	[tilespmem:$0x1A480] =	vst v63  }
0x5f2: {  	s6 =	simm.s32 $0x11480  }
0x5f3: {  	[tilespmem:s6], [sflag:$0x2] =	stream.indirect_vreg.gather [hbm4b:s9+s0], $0x80, v4, vm0, $0xb8;
	[tilespmem:$0x1A480] =	vst v63  }
0x5f4: {  	s6 =	simm.s32 $0x11C80  }
0x5f5: {  	[tilespmem:s6], [sflag:$0x2] =	stream.indirect_vreg.gather [hbm4b:s19+s0], $0x80, v4, vm0, $0xb8;
	[tilespmem:$0x1A480] =	vst v63  }
0x5f6: {  	_ =	swait.ge [sflag:s29], $0x8000  }
0x5f7: {  	s4 =	sld [smem:$0x7E7]  }
0x5f8: {  	[sflag:s29] =	ssyncset.done $0x0  }
0x5f9: {  	s13 =	simm.s32 $0x12480;
	[sflag:s29] =	ssyncadd.s32 $0xFFFF8000  }
0x5fa: {  	[hbm4b:s4+s0] =	stream.linear.scatter [tilespmem:s13], [sflag:$0x6], $0x8000, $0x38;
	[tilespmem:$0x1A480] =	vst v63  }
0x5fb: {  	s4 =	rddreg [dreg:$0x16]  }
0x5fc: {  	(v2sf) =	vpush v39, $0xF;
	v43 =	vld [tilespmem:s4+$0x0];
	_ =	sdelay $0x4  }
0x5fd: {  	v4 =	vadd.s32 $0xFFFFFFFF, v43  }
0x5fe: {  	v44 =	vsub.s32 $0x0, v4  }
0x5ff: {  	v4 =	vmin.u32 v4, v44  }
0x600: {  	vm1 =	vlt.s32 v4, $0x1  }
0x601: {  	v4 =	vnsel vm1, $0x1, v4  }
0x602: {  	(xrf0) =	vadd.scan.msk.s32 $0xffff, v4;
	_ =	sdelay $0x4  }
0x603: {  	s4 =	spop (v2sf)  }
0x604: {  	s3 =	sadd.s32 s3, s4;
	v45, _, _ =	vpop (xrf0)  }
0x605: {  	v46 =	vadd.s32 s3, v45  }
0x606: {  	v4 =	vmul.u32 v4, v46;
	_ =	sdelay $0x1  }
0x607: {  	v4 =	vadd.s32 v3, v4  }
0x608: {  	[tilespmem:$0x2280] =	vst v4  }
0x609: {  	(v2sf) =	vpush v45, $0xF;
	v47 =	vld [tilespmem:s1+$0x290];
	_ =	sdelay $0x4  }
0x60a: {  	v5 =	vadd.s32 $0xFFFFFFFF, v47  }
0x60b: {  	v48 =	vsub.s32 $0x0, v5  }
0x60c: {  	v5 =	vmin.u32 v5, v48  }
0x60d: {  	vm1 =	vlt.s32 v5, $0x1  }
0x60e: {  	v5 =	vnsel vm1, $0x1, v5  }
0x60f: {  	(xrf0) =	vadd.scan.msk.s32 $0xffff, v5;
	_ =	sdelay $0x4  }
0x610: {  	v49 =	vshll.u32 v4, $0x3;
	s4 =	spop (v2sf)  }
0x611: {  	v4 =	vand.u32 $0x7, v4;
	v6 =	vand.u32 $0xFFFFFFC0, v49;
	s3 =	sadd.s32 s3, s4;
	v50, _, _ =	vpop (xrf0)  }
0x612: {  	v4 =	vor.u32 v4, v6;
	v51 =	vadd.s32 s3, v50  }
0x613: {  	v52 =	vperm.xlane v4, v0;
	v5 =	vmul.u32 v5, v51;
	_ =	sdelay $0x1  }
0x614: {  	v6 =	vadd.s32 v1, v52;
	v5 =	vadd.s32 v3, v5  }
0x615: {  	[tilespmem:$0x2290] =	vst v5  }
0x616: {  	_ =	swait.ge [sflag:s2], $0x8000  }
0x617: {  	[sflag:s2] =	ssyncset.done $0x0  }
0x618: {  	[sflag:s2] =	ssyncadd.s32 $0xFFFF8000  }
0x619: {  	[tilespmem:s13], [sflag:$0x3] =	stream.indirect_vreg.gather [hbm4b:s17+s0], $0x80, v6, vm0, $0xb8;
	[tilespmem:$0x1A480] =	vst v63  }
0x61a: {  	v4 =	vperm.xlane v4, v2  }
0x61b: {  	[tilespmem:s23], [sflag:$0x3] =	stream.indirect_vreg.gather [hbm4b:s8+s0], $0x80, v6, vm0, $0xb8;
	[tilespmem:$0x1A480] =	vst v63  }
0x61c: {  	v4 =	vadd.s32 v1, v4;
	s13 =	simm.s32 $0x13480  }
0x61d: {  	[tilespmem:s13], [sflag:$0x3] =	stream.indirect_vreg.gather [hbm4b:s9+s0], $0x80, v6, vm0, $0xb8;
	[tilespmem:$0x1A480] =	vst v63  }
0x61e: {  	s23 =	simm.s32 $0x13C80  }
0x61f: {  	[tilespmem:s23], [sflag:$0x3] =	stream.indirect_vreg.gather [hbm4b:s19+s0], $0x80, v6, vm0, $0xb8;
	[tilespmem:$0x1A480] =	vst v63  }
0x620: {  	_ = 	snop  }
0x621: {  	[tilespmem:s12], [sflag:$0x3] =	stream.indirect_vreg.gather [hbm4b:s17+s0], $0x80, v4, vm0, $0xb8;
	[tilespmem:$0x1A480] =	vst v63  }
0x622: {  	s13 =	simm.s32 $0x14C80  }
0x623: {  	[tilespmem:s13], [sflag:$0x3] =	stream.indirect_vreg.gather [hbm4b:s8+s0], $0x80, v4, vm0, $0xb8;
	[tilespmem:$0x1A480] =	vst v63  }
0x624: {  	s23 =	simm.s32 $0x15480  }
0x625: {  	[tilespmem:s23], [sflag:$0x3] =	stream.indirect_vreg.gather [hbm4b:s9+s0], $0x80, v4, vm0, $0xb8;
	[tilespmem:$0x1A480] =	vst v63  }
0x626: {  	_ = 	snop  }
0x627: {  	[tilespmem:s30], [sflag:$0x3] =	stream.indirect_vreg.gather [hbm4b:s19+s0], $0x80, v4, vm0, $0xb8;
	[tilespmem:$0x1A480] =	vst v63  }
0x628: {  	v4 =	vld [tilespmem:$0x2290];
	_ =	sdelay $0x4  }
0x629: {  	v53 =	vshll.u32 v4, $0x3  }
0x62a: {  	v4 =	vand.u32 $0x7, v4;
	v5 =	vand.u32 $0xFFFFFFC0, v53  }
0x62b: {  	v4 =	vor.u32 v4, v5  }
0x62c: {  	v5 =	vperm.xlane v4, v0;
	_ =	sdelay $0x1  }
0x62d: {  	v5 =	vadd.s32 v1, v5;
	_ =	sdelay $0x4  }
0x62e: {  	[tilespmem:s31], [sflag:$0x3] =	stream.indirect_vreg.gather [hbm4b:s17+s0], $0x80, v5, vm0, $0xb8;
	[tilespmem:$0x1A480] =	vst v63  }
0x62f: {  	v4 =	vperm.xlane v4, v2  }
0x630: {  	[tilespmem:s22], [sflag:$0x3] =	stream.indirect_vreg.gather [hbm4b:s8+s0], $0x80, v5, vm0, $0xb8;
	[tilespmem:$0x1A480] =	vst v63  }
0x631: {  	v4 =	vadd.s32 v1, v4  }
0x632: {  	[tilespmem:s15], [sflag:$0x3] =	stream.indirect_vreg.gather [hbm4b:s9+s0], $0x80, v5, vm0, $0xb8;
	[tilespmem:$0x1A480] =	vst v63  }
0x633: {  	_ = 	snop  }
0x634: {  	[tilespmem:s16], [sflag:$0x3] =	stream.indirect_vreg.gather [hbm4b:s19+s0], $0x80, v5, vm0, $0xb8;
	[tilespmem:$0x1A480] =	vst v63  }
0x635: {  	_ = 	snop  }
0x636: {  	[tilespmem:s18], [sflag:$0x3] =	stream.indirect_vreg.gather [hbm4b:s17+s0], $0x80, v4, vm0, $0xb8;
	[tilespmem:$0x1A480] =	vst v63  }
0x637: {  	_ = 	snop  }
0x638: {  	[tilespmem:s20], [sflag:$0x3] =	stream.indirect_vreg.gather [hbm4b:s8+s0], $0x80, v4, vm0, $0xb8;
	[tilespmem:$0x1A480] =	vst v63  }
0x639: {  	_ = 	snop  }
0x63a: {  	[tilespmem:s14], [sflag:$0x3] =	stream.indirect_vreg.gather [hbm4b:s9+s0], $0x80, v4, vm0, $0xb8;
	[tilespmem:$0x1A480] =	vst v63  }
0x63b: {  	_ = 	snop  }
0x63c: {  	[tilespmem:s24], [sflag:$0x3] =	stream.indirect_vreg.gather [hbm4b:s19+s0], $0x80, v4, vm0, $0xb8;
	[tilespmem:$0x1A480] =	vst v63  }
0x63d: {  	_ =	swait.ge [sflag:s21], $0x8000  }
0x63e: {  	s24 =	sld [smem:$0x7E8]  }
0x63f: {  	[sflag:s21] =	ssyncset.done $0x0  }
0x640: {  	s30 =	simm.s32 $0x2480;
	s13 =	rddreg [dreg:$0x17];
	[sflag:s21] =	ssyncadd.s32 $0xFFFF8000  }
0x641: {  	[hbm4b:s24+s0] =	stream.linear.scatter [tilespmem:s30], [sflag:$0x4], $0x8000, $0x38;
	[tilespmem:$0x1A480] =	vst v63  }
0x642: {  	(v2sf) =	vpush v50, $0xF;
	v54 =	vld [tilespmem:s13+$0x0];
	_ =	sdelay $0x4  }
0x643: {  	v4 =	vadd.s32 $0xFFFFFFFF, v54  }
0x644: {  	v55 =	vsub.s32 $0x0, v4  }
0x645: {  	v4 =	vmin.u32 v4, v55  }
0x646: {  	vm1 =	vlt.s32 v4, $0x1  }
0x647: {  	v4 =	vnsel vm1, $0x1, v4  }
0x648: {  	(xrf0) =	vadd.scan.msk.s32 $0xffff, v4;
	_ =	sdelay $0x4  }
0x649: {  	s15 =	spop (v2sf)  }
0x64a: {  	s3 =	sadd.s32 s3, s15;
	v56, _, _ =	vpop (xrf0)  }
0x64b: {  	v57 =	vadd.s32 s3, v56  }
0x64c: {  	v4 =	vmul.u32 v4, v57;
	_ =	sdelay $0x1  }
0x64d: {  	v4 =	vadd.s32 v3, v4  }
0x64e: {  	[tilespmem:$0x22A0] =	vst v4  }
0x64f: {  	(v2sf) =	vpush v56, $0xF;
	v58 =	vld [tilespmem:s1+$0x2B0];
	_ =	sdelay $0x4  }
0x650: {  	v5 =	vadd.s32 $0xFFFFFFFF, v58  }
0x651: {  	v59 =	vsub.s32 $0x0, v5  }
0x652: {  	v5 =	vmin.u32 v5, v59  }
0x653: {  	vm1 =	vlt.s32 v5, $0x1  }
0x654: {  	v5 =	vnsel vm1, $0x1, v5  }
0x655: {  	(xrf0) =	vadd.scan.msk.s32 $0xffff, v5;
	_ =	sdelay $0x4  }
0x656: {  	v60 =	vshll.u32 v4, $0x3;
	s16 =	spop (v2sf)  }
0x657: {  	v4 =	vand.u32 $0x7, v4;
	v6 =	vand.u32 $0xFFFFFFC0, v60;
	s3 =	sadd.s32 s3, s16;
	v61, _, _ =	vpop (xrf0)  }
0x658: {  	v4 =	vor.u32 v4, v6;
	v62 =	vadd.s32 s3, v61  }
0x659: {  	v63 =	vperm.xlane v4, v0;
	v5 =	vmul.u32 v5, v62;
	_ =	sdelay $0x1  }
0x65a: {  	v6 =	vadd.s32 v1, v63;
	v5 =	vadd.s32 v3, v5  }
0x65b: {  	[tilespmem:$0x22B0] =	vst v5  }
0x65c: {  	_ =	swait.ge [sflag:s25], $0x8000  }
0x65d: {  	[sflag:s25] =	ssyncset.done $0x0  }
0x65e: {  	[sflag:s25] =	ssyncadd.s32 $0xFFFF8000  }
0x65f: {  	[tilespmem:s30], [sflag:$0x1] =	stream.indirect_vreg.gather [hbm4b:s17+s0], $0x80, v6, vm0, $0xb8;
	[tilespmem:$0x1A480] =	vst v63  }
0x660: {  	s18 =	simm.s32 $0x2C80;
	v4 =	vperm.xlane v4, v2  }
0x661: {  	[tilespmem:s18], [sflag:$0x1] =	stream.indirect_vreg.gather [hbm4b:s8+s0], $0x80, v6, vm0, $0xb8;
	[tilespmem:$0x1A480] =	vst v63  }
0x662: {  	s12 =	simm.s32 $0x3480;
	v4 =	vadd.s32 v1, v4  }
0x663: {  	[tilespmem:s12], [sflag:$0x1] =	stream.indirect_vreg.gather [hbm4b:s9+s0], $0x80, v6, vm0, $0xb8;
	[tilespmem:$0x1A480] =	vst v63  }
0x664: {  	_ = 	snop  }
0x665: {  	[tilespmem:s11], [sflag:$0x1] =	stream.indirect_vreg.gather [hbm4b:s19+s0], $0x80, v6, vm0, $0xb8;
	[tilespmem:$0x1A480] =	vst v63  }
0x666: {  	s20 =	simm.s32 $0x4480  }
0x667: {  	[tilespmem:s20], [sflag:$0x1] =	stream.indirect_vreg.gather [hbm4b:s17+s0], $0x80, v4, vm0, $0xb8;
	[tilespmem:$0x1A480] =	vst v63  }
0x668: {  	s23 =	simm.s32 $0x4C80  }
0x669: {  	[tilespmem:s23], [sflag:$0x1] =	stream.indirect_vreg.gather [hbm4b:s8+s0], $0x80, v4, vm0, $0xb8;
	[tilespmem:$0x1A480] =	vst v63  }
0x66a: {  	s24 =	simm.s32 $0x5480  }
0x66b: {  	[tilespmem:s24], [sflag:$0x1] =	stream.indirect_vreg.gather [hbm4b:s9+s0], $0x80, v4, vm0, $0xb8;
	[tilespmem:$0x1A480] =	vst v63  }
0x66c: {  	s30 =	simm.s32 $0x5C80  }
0x66d: {  	[tilespmem:s30], [sflag:$0x1] =	stream.indirect_vreg.gather [hbm4b:s19+s0], $0x80, v4, vm0, $0xb8;
	[tilespmem:$0x1A480] =	vst v63  }
0x66e: {  	v4 =	vld [tilespmem:$0x22B0];
	_ =	sdelay $0x4  }
0x66f: {  	v9 =	vshll.u32 v4, $0x3  }
0x670: {  	v4 =	vand.u32 $0x7, v4;
	v5 =	vand.u32 $0xFFFFFFC0, v9  }
0x671: {  	v4 =	vor.u32 v4, v5  }
0x672: {  	v5 =	vperm.xlane v4, v0;
	_ =	sdelay $0x1  }
0x673: {  	v5 =	vadd.s32 v1, v5;
	_ =	sdelay $0x3  }
0x674: {  	s11 =	simm.s32 $0x6480  }
0x675: {  	[tilespmem:s11], [sflag:$0x1] =	stream.indirect_vreg.gather [hbm4b:s17+s0], $0x80, v5, vm0, $0xb8;
	[tilespmem:$0x1A480] =	vst v63  }
0x676: {  	s15 =	simm.s32 $0x6C80;
	v4 =	vperm.xlane v4, v2  }
0x677: {  	[tilespmem:s15], [sflag:$0x1] =	stream.indirect_vreg.gather [hbm4b:s8+s0], $0x80, v5, vm0, $0xb8;
	[tilespmem:$0x1A480] =	vst v63  }
0x678: {  	s16 =	simm.s32 $0x7480;
	v4 =	vadd.s32 v1, v4  }
0x679: {  	[tilespmem:s16], [sflag:$0x1] =	stream.indirect_vreg.gather [hbm4b:s9+s0], $0x80, v5, vm0, $0xb8;
	[tilespmem:$0x1A480] =	vst v63  }
0x67a: {  	s18 =	simm.s32 $0x7C80  }
0x67b: {  	[tilespmem:s18], [sflag:$0x1] =	stream.indirect_vreg.gather [hbm4b:s19+s0], $0x80, v5, vm0, $0xb8;
	[tilespmem:$0x1A480] =	vst v63  }
0x67c: {  	s20 =	simm.s32 $0x8480  }
0x67d: {  	[tilespmem:s20], [sflag:$0x1] =	stream.indirect_vreg.gather [hbm4b:s17+s0], $0x80, v4, vm0, $0xb8;
	[tilespmem:$0x1A480] =	vst v63  }
0x67e: {  	_ = 	snop  }
0x67f: {  	[tilespmem:s28], [sflag:$0x1] =	stream.indirect_vreg.gather [hbm4b:s8+s0], $0x80, v4, vm0, $0xb8;
	[tilespmem:$0x1A480] =	vst v63  }
0x680: {  	s23 =	simm.s32 $0x9480  }
0x681: {  	[tilespmem:s23], [sflag:$0x1] =	stream.indirect_vreg.gather [hbm4b:s9+s0], $0x80, v4, vm0, $0xb8;
	[tilespmem:$0x1A480] =	vst v63  }
0x682: {  	s24 =	simm.s32 $0x9C80  }
0x683: {  	[tilespmem:s24], [sflag:$0x1] =	stream.indirect_vreg.gather [hbm4b:s19+s0], $0x80, v4, vm0, $0xb8;
	[tilespmem:$0x1A480] =	vst v63  }
0x684: {  	_ =	swait.ge [sflag:s26], $0x8000  }
0x685: {  	s28 =	sld [smem:$0x7E9]  }
0x686: {  	[sflag:s26] =	ssyncset.done $0x0  }
0x687: {  	s30 =	simm.s32 $0xA480;
	s15 =	rddreg [dreg:$0x18];
	[sflag:s26] =	ssyncadd.s32 $0xFFFF8000  }
0x688: {  	[hbm4b:s28+s0] =	stream.linear.scatter [tilespmem:s30], [sflag:$0x5], $0x8000, $0x38;
	[tilespmem:$0x1A480] =	vst v63  }
0x689: {  	(v2sf) =	vpush v61, $0xF;
	v10 =	vld [tilespmem:s15+$0x0];
	_ =	sdelay $0x4  }
0x68a: {  	v4 =	vadd.s32 $0xFFFFFFFF, v10  }
0x68b: {  	v11 =	vsub.s32 $0x0, v4  }
0x68c: {  	v4 =	vmin.u32 v4, v11  }
0x68d: {  	vm1 =	vlt.s32 v4, $0x1  }
0x68e: {  	v4 =	vnsel vm1, $0x1, v4  }
0x68f: {  	(xrf0) =	vadd.scan.msk.s32 $0xffff, v4;
	_ =	sdelay $0x4  }
0x690: {  	s16 =	spop (v2sf)  }
0x691: {  	s3 =	sadd.s32 s3, s16;
	v12, _, _ =	vpop (xrf0)  }
0x692: {  	v13 =	vadd.s32 s3, v12  }
0x693: {  	v4 =	vmul.u32 v4, v13;
	_ =	sdelay $0x1  }
0x694: {  	v4 =	vadd.s32 v3, v4  }
0x695: {  	[tilespmem:$0x22C0] =	vst v4  }
0x696: {  	(v2sf) =	vpush v12, $0xF;
	v14 =	vld [tilespmem:s1+$0x2D0];
	_ =	sdelay $0x4  }
0x697: {  	v5 =	vadd.s32 $0xFFFFFFFF, v14  }
0x698: {  	v15 =	vsub.s32 $0x0, v5  }
0x699: {  	v5 =	vmin.u32 v5, v15  }
0x69a: {  	vm1 =	vlt.s32 v5, $0x1  }
0x69b: {  	v5 =	vnsel vm1, $0x1, v5  }
0x69c: {  	(xrf0) =	vadd.scan.msk.s32 $0xffff, v5;
	_ =	sdelay $0x4  }
0x69d: {  	v16 =	vshll.u32 v4, $0x3;
	s18 =	spop (v2sf)  }
0x69e: {  	v4 =	vand.u32 $0x7, v4;
	v6 =	vand.u32 $0xFFFFFFC0, v16;
	s3 =	sadd.s32 s3, s18;
	v17, _, _ =	vpop (xrf0)  }
0x69f: {  	v4 =	vor.u32 v4, v6;
	v18 =	vadd.s32 s3, v17  }
0x6a0: {  	v19 =	vperm.xlane v4, v0;
	v5 =	vmul.u32 v5, v18;
	_ =	sdelay $0x1  }
0x6a1: {  	v6 =	vadd.s32 v1, v19;
	v5 =	vadd.s32 v3, v5  }
0x6a2: {  	[tilespmem:$0x22D0] =	vst v5  }
0x6a3: {  	_ =	swait.ge [sflag:s7], $0x8000  }
0x6a4: {  	[sflag:s7] =	ssyncset.done $0x0  }
0x6a5: {  	[sflag:s7] =	ssyncadd.s32 $0xFFFF8000  }
0x6a6: {  	[tilespmem:s30], [sflag:$0x2] =	stream.indirect_vreg.gather [hbm4b:s17+s0], $0x80, v6, vm0, $0xb8;
	[tilespmem:$0x1A480] =	vst v63  }
0x6a7: {  	s20 =	simm.s32 $0xAC80;
	v4 =	vperm.xlane v4, v2  }
0x6a8: {  	[tilespmem:s20], [sflag:$0x2] =	stream.indirect_vreg.gather [hbm4b:s8+s0], $0x80, v6, vm0, $0xb8;
	[tilespmem:$0x1A480] =	vst v63  }
0x6a9: {  	s23 =	simm.s32 $0xB480;
	v4 =	vadd.s32 v1, v4  }
0x6aa: {  	[tilespmem:s23], [sflag:$0x2] =	stream.indirect_vreg.gather [hbm4b:s9+s0], $0x80, v6, vm0, $0xb8;
	[tilespmem:$0x1A480] =	vst v63  }
0x6ab: {  	s24 =	simm.s32 $0xBC80  }
0x6ac: {  	[tilespmem:s24], [sflag:$0x2] =	stream.indirect_vreg.gather [hbm4b:s19+s0], $0x80, v6, vm0, $0xb8;
	[tilespmem:$0x1A480] =	vst v63  }
0x6ad: {  	s28 =	simm.s32 $0xC480  }
0x6ae: {  	[tilespmem:s28], [sflag:$0x2] =	stream.indirect_vreg.gather [hbm4b:s17+s0], $0x80, v4, vm0, $0xb8;
	[tilespmem:$0x1A480] =	vst v63  }
0x6af: {  	s11 =	simm.s32 $0xCC80  }
0x6b0: {  	[tilespmem:s11], [sflag:$0x2] =	stream.indirect_vreg.gather [hbm4b:s8+s0], $0x80, v4, vm0, $0xb8;
	[tilespmem:$0x1A480] =	vst v63  }
0x6b1: {  	s30 =	simm.s32 $0xD480  }
0x6b2: {  	[tilespmem:s30], [sflag:$0x2] =	stream.indirect_vreg.gather [hbm4b:s9+s0], $0x80, v4, vm0, $0xb8;
	[tilespmem:$0x1A480] =	vst v63  }
0x6b3: {  	_ = 	snop  }
0x6b4: {  	[tilespmem:s5], [sflag:$0x2] =	stream.indirect_vreg.gather [hbm4b:s19+s0], $0x80, v4, vm0, $0xb8;
	[tilespmem:$0x1A480] =	vst v63  }
0x6b5: {  	v4 =	vld [tilespmem:$0x22D0];
	_ =	sdelay $0x4  }
0x6b6: {  	v20 =	vshll.u32 v4, $0x3  }
0x6b7: {  	v4 =	vand.u32 $0x7, v4;
	v5 =	vand.u32 $0xFFFFFFC0, v20  }
0x6b8: {  	v4 =	vor.u32 v4, v5  }
0x6b9: {  	v5 =	vperm.xlane v4, v0;
	_ =	sdelay $0x1  }
0x6ba: {  	v5 =	vadd.s32 v1, v5;
	_ =	sdelay $0x3  }
0x6bb: {  	s5 =	simm.s32 $0xE480  }
0x6bc: {  	[tilespmem:s5], [sflag:$0x2] =	stream.indirect_vreg.gather [hbm4b:s17+s0], $0x80, v5, vm0, $0xb8;
	[tilespmem:$0x1A480] =	vst v63  }
0x6bd: {  	s15 =	simm.s32 $0xEC80;
	v4 =	vperm.xlane v4, v2  }
0x6be: {  	[tilespmem:s15], [sflag:$0x2] =	stream.indirect_vreg.gather [hbm4b:s8+s0], $0x80, v5, vm0, $0xb8;
	[tilespmem:$0x1A480] =	vst v63  }
0x6bf: {  	v4 =	vadd.s32 v1, v4;
	s15 =	simm.s32 $0xF480  }
0x6c0: {  	[tilespmem:s15], [sflag:$0x2] =	stream.indirect_vreg.gather [hbm4b:s9+s0], $0x80, v5, vm0, $0xb8;
	[tilespmem:$0x1A480] =	vst v63  }
0x6c1: {  	_ = 	snop  }
0x6c2: {  	[tilespmem:s10], [sflag:$0x2] =	stream.indirect_vreg.gather [hbm4b:s19+s0], $0x80, v5, vm0, $0xb8;
	[tilespmem:$0x1A480] =	vst v63  }
0x6c3: {  	s16 =	simm.s32 $0x10480  }
0x6c4: {  	[tilespmem:s16], [sflag:$0x2] =	stream.indirect_vreg.gather [hbm4b:s17+s0], $0x80, v4, vm0, $0xb8;
	[tilespmem:$0x1A480] =	vst v63  }
0x6c5: {  	s5 =	simm.s32 $0x10C80  }
0x6c6: {  	[tilespmem:s5], [sflag:$0x2] =	stream.indirect_vreg.gather [hbm4b:s8+s0], $0x80, v4, vm0, $0xb8;
	[tilespmem:$0x1A480] =	vst v63  }
0x6c7: {  	s23 =	simm.s32 $0x11480  }
0x6c8: {  	[tilespmem:s23], [sflag:$0x2] =	stream.indirect_vreg.gather [hbm4b:s9+s0], $0x80, v4, vm0, $0xb8;
	[tilespmem:$0x1A480] =	vst v63  }
0x6c9: {  	_ = 	snop  }
0x6ca: {  	[tilespmem:s6], [sflag:$0x2] =	stream.indirect_vreg.gather [hbm4b:s19+s0], $0x80, v4, vm0, $0xb8;
	[tilespmem:$0x1A480] =	vst v63  }
0x6cb: {  	_ =	swait.ge [sflag:s29], $0x8000  }
0x6cc: {  	s18 =	sld [smem:$0x7EA]  }
0x6cd: {  	[sflag:s29] =	ssyncset.done $0x0  }
0x6ce: {  	s20 =	simm.s32 $0x12480;
	s24 =	rddreg [dreg:$0x19];
	[sflag:s29] =	ssyncadd.s32 $0xFFFF8000  }
0x6cf: {  	[hbm4b:s18+s0] =	stream.linear.scatter [tilespmem:s20], [sflag:$0x6], $0x8000, $0x38;
	[tilespmem:$0x1A480] =	vst v63  }
0x6d0: {  	(v2sf) =	vpush v17, $0xF;
	v21 =	vld [tilespmem:s24+$0x0];
	_ =	sdelay $0x4  }
0x6d1: {  	v4 =	vadd.s32 $0xFFFFFFFF, v21  }
0x6d2: {  	v22 =	vsub.s32 $0x0, v4  }
0x6d3: {  	v4 =	vmin.u32 v4, v22  }
0x6d4: {  	vm1 =	vlt.s32 v4, $0x1  }
0x6d5: {  	v4 =	vnsel vm1, $0x1, v4  }
0x6d6: {  	(xrf0) =	vadd.scan.msk.s32 $0xffff, v4;
	_ =	sdelay $0x4  }
0x6d7: {  	s28 =	spop (v2sf)  }
0x6d8: {  	s3 =	sadd.s32 s3, s28;
	v23, _, _ =	vpop (xrf0)  }
0x6d9: {  	v24 =	vadd.s32 s3, v23  }
0x6da: {  	v4 =	vmul.u32 v4, v24;
	_ =	sdelay $0x1  }
0x6db: {  	v4 =	vadd.s32 v3, v4  }
0x6dc: {  	[tilespmem:$0x22E0] =	vst v4  }
0x6dd: {  	(v2sf) =	vpush v23, $0xF;
	v25 =	vld [tilespmem:s1+$0x2F0];
	_ =	sdelay $0x4  }
0x6de: {  	v5 =	vadd.s32 $0xFFFFFFFF, v25  }
0x6df: {  	v26 =	vsub.s32 $0x0, v5  }
0x6e0: {  	v5 =	vmin.u32 v5, v26  }
0x6e1: {  	vm1 =	vlt.s32 v5, $0x1  }
0x6e2: {  	v5 =	vnsel vm1, $0x1, v5  }
0x6e3: {  	(xrf0) =	vadd.scan.msk.s32 $0xffff, v5;
	_ =	sdelay $0x4  }
0x6e4: {  	v27 =	vshll.u32 v4, $0x3;
	s30 =	spop (v2sf)  }
0x6e5: {  	v4 =	vand.u32 $0x7, v4;
	v6 =	vand.u32 $0xFFFFFFC0, v27;
	s3 =	sadd.s32 s3, s30;
	v28, _, _ =	vpop (xrf0)  }
0x6e6: {  	v4 =	vor.u32 v4, v6;
	v29 =	vadd.s32 s3, v28  }
0x6e7: {  	v30 =	vperm.xlane v4, v0;
	v5 =	vmul.u32 v5, v29;
	_ =	sdelay $0x1  }
0x6e8: {  	v6 =	vadd.s32 v1, v30;
	v5 =	vadd.s32 v3, v5  }
0x6e9: {  	[tilespmem:$0x22F0] =	vst v5  }
0x6ea: {  	_ =	swait.ge [sflag:s2], $0x8000  }
0x6eb: {  	[sflag:s2] =	ssyncset.done $0x0  }
0x6ec: {  	[sflag:s2] =	ssyncadd.s32 $0xFFFF8000  }
0x6ed: {  	[tilespmem:s20], [sflag:$0x3] =	stream.indirect_vreg.gather [hbm4b:s17+s0], $0x80, v6, vm0, $0xb8;
	[tilespmem:$0x1A480] =	vst v63  }
0x6ee: {  	s28 =	simm.s32 $0x12C80;
	v4 =	vperm.xlane v4, v2  }
0x6ef: {  	[tilespmem:s28], [sflag:$0x3] =	stream.indirect_vreg.gather [hbm4b:s8+s0], $0x80, v6, vm0, $0xb8;
	[tilespmem:$0x1A480] =	vst v63  }
0x6f0: {  	v4 =	vadd.s32 v1, v4;
	s20 =	simm.s32 $0x13480  }
0x6f1: {  	[tilespmem:s20], [sflag:$0x3] =	stream.indirect_vreg.gather [hbm4b:s9+s0], $0x80, v6, vm0, $0xb8;
	[tilespmem:$0x1A480] =	vst v63  }
0x6f2: {  	s16 =	simm.s32 $0x13C80  }
0x6f3: {  	[tilespmem:s16], [sflag:$0x3] =	stream.indirect_vreg.gather [hbm4b:s19+s0], $0x80, v6, vm0, $0xb8;
	[tilespmem:$0x1A480] =	vst v63  }
0x6f4: {  	s18 =	simm.s32 $0x14480  }
0x6f5: {  	[tilespmem:s18], [sflag:$0x3] =	stream.indirect_vreg.gather [hbm4b:s17+s0], $0x80, v4, vm0, $0xb8;
	[tilespmem:$0x1A480] =	vst v63  }
0x6f6: {  	s6 =	simm.s32 $0x14C80  }
0x6f7: {  	[tilespmem:s6], [sflag:$0x3] =	stream.indirect_vreg.gather [hbm4b:s8+s0], $0x80, v4, vm0, $0xb8;
	[tilespmem:$0x1A480] =	vst v63  }
0x6f8: {  	s6 =	simm.s32 $0x15480  }
0x6f9: {  	[tilespmem:s6], [sflag:$0x3] =	stream.indirect_vreg.gather [hbm4b:s9+s0], $0x80, v4, vm0, $0xb8;
	[tilespmem:$0x1A480] =	vst v63  }
0x6fa: {  	s30 =	simm.s32 $0x15C80  }
0x6fb: {  	[tilespmem:s30], [sflag:$0x3] =	stream.indirect_vreg.gather [hbm4b:s19+s0], $0x80, v4, vm0, $0xb8;
	[tilespmem:$0x1A480] =	vst v63  }
0x6fc: {  	v4 =	vld [tilespmem:$0x22F0];
	_ =	sdelay $0x4  }
0x6fd: {  	v31 =	vshll.u32 v4, $0x3  }
0x6fe: {  	v4 =	vand.u32 $0x7, v4;
	v5 =	vand.u32 $0xFFFFFFC0, v31  }
0x6ff: {  	v4 =	vor.u32 v4, v5  }
0x700: {  	v5 =	vperm.xlane v4, v0;
	_ =	sdelay $0x1  }
0x701: {  	v5 =	vadd.s32 v1, v5;
	_ =	sdelay $0x3  }
0x702: {  	s31 =	simm.s32 $0x16480  }
0x703: {  	[tilespmem:s31], [sflag:$0x3] =	stream.indirect_vreg.gather [hbm4b:s17+s0], $0x80, v5, vm0, $0xb8;
	[tilespmem:$0x1A480] =	vst v63  }
0x704: {  	s22 =	simm.s32 $0x16C80;
	v4 =	vperm.xlane v4, v2  }
0x705: {  	[tilespmem:s22], [sflag:$0x3] =	stream.indirect_vreg.gather [hbm4b:s8+s0], $0x80, v5, vm0, $0xb8;
	[tilespmem:$0x1A480] =	vst v63  }
0x706: {  	v4 =	vadd.s32 v1, v4;
	s31 =	simm.s32 $0x17480  }
0x707: {  	[tilespmem:s31], [sflag:$0x3] =	stream.indirect_vreg.gather [hbm4b:s9+s0], $0x80, v5, vm0, $0xb8;
	[tilespmem:$0x1A480] =	vst v63  }
0x708: {  	s22 =	simm.s32 $0x17C80  }
0x709: {  	[tilespmem:s22], [sflag:$0x3] =	stream.indirect_vreg.gather [hbm4b:s19+s0], $0x80, v5, vm0, $0xb8;
	[tilespmem:$0x1A480] =	vst v63  }
0x70a: {  	s10 =	simm.s32 $0x18480  }
0x70b: {  	[tilespmem:s10], [sflag:$0x3] =	stream.indirect_vreg.gather [hbm4b:s17+s0], $0x80, v4, vm0, $0xb8;
	[tilespmem:$0x1A480] =	vst v63  }
0x70c: {  	s10 =	simm.s32 $0x18C80  }
0x70d: {  	[tilespmem:s10], [sflag:$0x3] =	stream.indirect_vreg.gather [hbm4b:s8+s0], $0x80, v4, vm0, $0xb8;
	[tilespmem:$0x1A480] =	vst v63  }
0x70e: {  	s24 =	simm.s32 $0x19480  }
0x70f: {  	[tilespmem:s24], [sflag:$0x3] =	stream.indirect_vreg.gather [hbm4b:s9+s0], $0x80, v4, vm0, $0xb8;
	[tilespmem:$0x1A480] =	vst v63  }
0x710: {  	s14 =	simm.s32 $0x19C80  }
0x711: {  	[tilespmem:s14], [sflag:$0x3] =	stream.indirect_vreg.gather [hbm4b:s19+s0], $0x80, v4, vm0, $0xb8;
	[tilespmem:$0x1A480] =	vst v63  }
0x712: {  	_ =	swait.ge [sflag:s21], $0x8000  }
0x713: {  	s4 =	sld [smem:$0x7EB]  }
0x714: {  	[sflag:s21] =	ssyncset.done $0x0  }
0x715: {  	s14 =	simm.s32 $0x2480;
	[sflag:s21] =	ssyncadd.s32 $0xFFFF8000  }
0x716: {  	[hbm4b:s4+s0] =	stream.linear.scatter [tilespmem:s14], [sflag:$0x4], $0x8000, $0x38;
	[tilespmem:$0x1A480] =	vst v63  }
0x717: {  	s4 =	rddreg [dreg:$0x1a]  }
0x718: {  	(v2sf) =	vpush v28, $0xF;
	v32 =	vld [tilespmem:s4+$0x0];
	_ =	sdelay $0x4  }
0x719: {  	v4 =	vadd.s32 $0xFFFFFFFF, v32  }
0x71a: {  	v33 =	vsub.s32 $0x0, v4  }
0x71b: {  	v4 =	vmin.u32 v4, v33  }
0x71c: {  	vm1 =	vlt.s32 v4, $0x1  }
0x71d: {  	v4 =	vnsel vm1, $0x1, v4  }
0x71e: {  	(xrf0) =	vadd.scan.msk.s32 $0xffff, v4;
	_ =	sdelay $0x4  }
0x71f: {  	s4 =	spop (v2sf)  }
0x720: {  	s3 =	sadd.s32 s3, s4;
	v34, _, _ =	vpop (xrf0)  }
0x721: {  	v35 =	vadd.s32 s3, v34  }
0x722: {  	v4 =	vmul.u32 v4, v35;
	_ =	sdelay $0x1  }
0x723: {  	v4 =	vadd.s32 v3, v4  }
0x724: {  	[tilespmem:$0x2300] =	vst v4  }
0x725: {  	(v2sf) =	vpush v34, $0xF;
	v36 =	vld [tilespmem:s1+$0x310];
	_ =	sdelay $0x4  }
0x726: {  	v5 =	vadd.s32 $0xFFFFFFFF, v36  }
0x727: {  	v37 =	vsub.s32 $0x0, v5  }
0x728: {  	v5 =	vmin.u32 v5, v37  }
0x729: {  	vm1 =	vlt.s32 v5, $0x1  }
0x72a: {  	v5 =	vnsel vm1, $0x1, v5  }
0x72b: {  	(xrf0) =	vadd.scan.msk.s32 $0xffff, v5;
	_ =	sdelay $0x4  }
0x72c: {  	v38 =	vshll.u32 v4, $0x3;
	s4 =	spop (v2sf)  }
0x72d: {  	v4 =	vand.u32 $0x7, v4;
	v6 =	vand.u32 $0xFFFFFFC0, v38;
	s3 =	sadd.s32 s3, s4;
	v39, _, _ =	vpop (xrf0)  }
0x72e: {  	v4 =	vor.u32 v4, v6;
	v40 =	vadd.s32 s3, v39  }
0x72f: {  	v41 =	vperm.xlane v4, v0;
	v5 =	vmul.u32 v5, v40;
	_ =	sdelay $0x1  }
0x730: {  	v6 =	vadd.s32 v1, v41;
	v5 =	vadd.s32 v3, v5  }
0x731: {  	[tilespmem:$0x2310] =	vst v5  }
0x732: {  	_ =	swait.ge [sflag:s25], $0x8000  }
0x733: {  	[sflag:s25] =	ssyncset.done $0x0  }
0x734: {  	[sflag:s25] =	ssyncadd.s32 $0xFFFF8000  }
0x735: {  	[tilespmem:s14], [sflag:$0x1] =	stream.indirect_vreg.gather [hbm4b:s17+s0], $0x80, v6, vm0, $0xb8;
	[tilespmem:$0x1A480] =	vst v63  }
0x736: {  	s13 =	simm.s32 $0x2C80;
	v4 =	vperm.xlane v4, v2  }
0x737: {  	[tilespmem:s13], [sflag:$0x1] =	stream.indirect_vreg.gather [hbm4b:s8+s0], $0x80, v6, vm0, $0xb8;
	[tilespmem:$0x1A480] =	vst v63  }
0x738: {  	v4 =	vadd.s32 v1, v4  }
0x739: {  	[tilespmem:s12], [sflag:$0x1] =	stream.indirect_vreg.gather [hbm4b:s9+s0], $0x80, v6, vm0, $0xb8;
	[tilespmem:$0x1A480] =	vst v63  }
0x73a: {  	s13 =	simm.s32 $0x3C80  }
0x73b: {  	[tilespmem:s13], [sflag:$0x1] =	stream.indirect_vreg.gather [hbm4b:s19+s0], $0x80, v6, vm0, $0xb8;
	[tilespmem:$0x1A480] =	vst v63  }
0x73c: {  	s14 =	simm.s32 $0x4480  }
0x73d: {  	[tilespmem:s14], [sflag:$0x1] =	stream.indirect_vreg.gather [hbm4b:s17+s0], $0x80, v4, vm0, $0xb8;
	[tilespmem:$0x1A480] =	vst v63  }
0x73e: {  	s12 =	simm.s32 $0x4C80  }
0x73f: {  	[tilespmem:s12], [sflag:$0x1] =	stream.indirect_vreg.gather [hbm4b:s8+s0], $0x80, v4, vm0, $0xb8;
	[tilespmem:$0x1A480] =	vst v63  }
0x740: {  	s14 =	simm.s32 $0x5480  }
0x741: {  	[tilespmem:s14], [sflag:$0x1] =	stream.indirect_vreg.gather [hbm4b:s9+s0], $0x80, v4, vm0, $0xb8;
	[tilespmem:$0x1A480] =	vst v63  }
0x742: {  	s12 =	simm.s32 $0x5C80  }
0x743: {  	[tilespmem:s12], [sflag:$0x1] =	stream.indirect_vreg.gather [hbm4b:s19+s0], $0x80, v4, vm0, $0xb8;
	[tilespmem:$0x1A480] =	vst v63  }
0x744: {  	v4 =	vld [tilespmem:$0x2310];
	_ =	sdelay $0x4  }
0x745: {  	v42 =	vshll.u32 v4, $0x3  }
0x746: {  	v4 =	vand.u32 $0x7, v4;
	v5 =	vand.u32 $0xFFFFFFC0, v42  }
0x747: {  	v4 =	vor.u32 v4, v5  }
0x748: {  	v5 =	vperm.xlane v4, v0;
	_ =	sdelay $0x1  }
0x749: {  	v5 =	vadd.s32 v1, v5;
	_ =	sdelay $0x3  }
0x74a: {  	s14 =	simm.s32 $0x6480  }
0x74b: {  	[tilespmem:s14], [sflag:$0x1] =	stream.indirect_vreg.gather [hbm4b:s17+s0], $0x80, v5, vm0, $0xb8;
	[tilespmem:$0x1A480] =	vst v63  }
0x74c: {  	s12 =	simm.s32 $0x6C80;
	v4 =	vperm.xlane v4, v2  }
0x74d: {  	[tilespmem:s12], [sflag:$0x1] =	stream.indirect_vreg.gather [hbm4b:s8+s0], $0x80, v5, vm0, $0xb8;
	[tilespmem:$0x1A480] =	vst v63  }
0x74e: {  	v4 =	vadd.s32 v1, v4;
	s14 =	simm.s32 $0x7480  }
0x74f: {  	[tilespmem:s14], [sflag:$0x1] =	stream.indirect_vreg.gather [hbm4b:s9+s0], $0x80, v5, vm0, $0xb8;
	[tilespmem:$0x1A480] =	vst v63  }
0x750: {  	s12 =	simm.s32 $0x7C80  }
0x751: {  	[tilespmem:s12], [sflag:$0x1] =	stream.indirect_vreg.gather [hbm4b:s19+s0], $0x80, v5, vm0, $0xb8;
	[tilespmem:$0x1A480] =	vst v63  }
0x752: {  	s14 =	simm.s32 $0x8480  }
0x753: {  	[tilespmem:s14], [sflag:$0x1] =	stream.indirect_vreg.gather [hbm4b:s17+s0], $0x80, v4, vm0, $0xb8;
	[tilespmem:$0x1A480] =	vst v63  }
0x754: {  	s12 =	simm.s32 $0x8C80  }
0x755: {  	[tilespmem:s12], [sflag:$0x1] =	stream.indirect_vreg.gather [hbm4b:s8+s0], $0x80, v4, vm0, $0xb8;
	[tilespmem:$0x1A480] =	vst v63  }
0x756: {  	s14 =	simm.s32 $0x9480  }
0x757: {  	[tilespmem:s14], [sflag:$0x1] =	stream.indirect_vreg.gather [hbm4b:s9+s0], $0x80, v4, vm0, $0xb8;
	[tilespmem:$0x1A480] =	vst v63  }
0x758: {  	s12 =	simm.s32 $0x9C80  }
0x759: {  	[tilespmem:s12], [sflag:$0x1] =	stream.indirect_vreg.gather [hbm4b:s19+s0], $0x80, v4, vm0, $0xb8;
	[tilespmem:$0x1A480] =	vst v63  }
0x75a: {  	_ =	swait.ge [sflag:s26], $0x8000  }
0x75b: {  	s14 =	sld [smem:$0x7EC]  }
0x75c: {  	[sflag:s26] =	ssyncset.done $0x0  }
0x75d: {  	s12 =	simm.s32 $0xA480;
	[sflag:s26] =	ssyncadd.s32 $0xFFFF8000  }
0x75e: {  	[hbm4b:s14+s0] =	stream.linear.scatter [tilespmem:s12], [sflag:$0x5], $0x8000, $0x38;
	[tilespmem:$0x1A480] =	vst v63  }
0x75f: {  	s14 =	rddreg [dreg:$0x1b]  }
0x760: {  	(v2sf) =	vpush v39, $0xF;
	v43 =	vld [tilespmem:s14+$0x0];
	_ =	sdelay $0x4  }
0x761: {  	v4 =	vadd.s32 $0xFFFFFFFF, v43  }
0x762: {  	v44 =	vsub.s32 $0x0, v4  }
0x763: {  	v4 =	vmin.u32 v4, v44  }
0x764: {  	vm1 =	vlt.s32 v4, $0x1  }
0x765: {  	v4 =	vnsel vm1, $0x1, v4  }
0x766: {  	(xrf0) =	vadd.scan.msk.s32 $0xffff, v4;
	_ =	sdelay $0x4  }
0x767: {  	s14 =	spop (v2sf)  }
0x768: {  	s3 =	sadd.s32 s3, s14;
	v45, _, _ =	vpop (xrf0)  }
0x769: {  	v46 =	vadd.s32 s3, v45  }
0x76a: {  	v4 =	vmul.u32 v4, v46;
	_ =	sdelay $0x1  }
0x76b: {  	v4 =	vadd.s32 v3, v4  }
0x76c: {  	[tilespmem:$0x2320] =	vst v4  }
0x76d: {  	(v2sf) =	vpush v45, $0xF;
	v47 =	vld [tilespmem:s1+$0x330];
	_ =	sdelay $0x4  }
0x76e: {  	v5 =	vadd.s32 $0xFFFFFFFF, v47  }
0x76f: {  	v48 =	vsub.s32 $0x0, v5  }
0x770: {  	v5 =	vmin.u32 v5, v48  }
0x771: {  	vm1 =	vlt.s32 v5, $0x1  }
0x772: {  	v5 =	vnsel vm1, $0x1, v5  }
0x773: {  	(xrf0) =	vadd.scan.msk.s32 $0xffff, v5;
	_ =	sdelay $0x4  }
0x774: {  	v49 =	vshll.u32 v4, $0x3;
	s14 =	spop (v2sf)  }
0x775: {  	v4 =	vand.u32 $0x7, v4;
	v6 =	vand.u32 $0xFFFFFFC0, v49;
	s3 =	sadd.s32 s3, s14;
	v50, _, _ =	vpop (xrf0)  }
0x776: {  	v4 =	vor.u32 v4, v6;
	v51 =	vadd.s32 s3, v50  }
0x777: {  	v52 =	vperm.xlane v4, v0;
	v5 =	vmul.u32 v5, v51;
	_ =	sdelay $0x1  }
0x778: {  	v6 =	vadd.s32 v1, v52;
	v5 =	vadd.s32 v3, v5  }
0x779: {  	[tilespmem:$0x2330] =	vst v5  }
0x77a: {  	_ =	swait.ge [sflag:s7], $0x8000  }
0x77b: {  	[sflag:s7] =	ssyncset.done $0x0  }
0x77c: {  	[sflag:s7] =	ssyncadd.s32 $0xFFFF8000  }
0x77d: {  	[tilespmem:s12], [sflag:$0x2] =	stream.indirect_vreg.gather [hbm4b:s17+s0], $0x80, v6, vm0, $0xb8;
	[tilespmem:$0x1A480] =	vst v63  }
0x77e: {  	v4 =	vperm.xlane v4, v2;
	s12 =	simm.s32 $0xAC80  }
0x77f: {  	[tilespmem:s12], [sflag:$0x2] =	stream.indirect_vreg.gather [hbm4b:s8+s0], $0x80, v6, vm0, $0xb8;
	[tilespmem:$0x1A480] =	vst v63  }
0x780: {  	v4 =	vadd.s32 v1, v4;
	s14 =	simm.s32 $0xB480  }
0x781: {  	[tilespmem:s14], [sflag:$0x2] =	stream.indirect_vreg.gather [hbm4b:s9+s0], $0x80, v6, vm0, $0xb8;
	[tilespmem:$0x1A480] =	vst v63  }
0x782: {  	s12 =	simm.s32 $0xBC80  }
0x783: {  	[tilespmem:s12], [sflag:$0x2] =	stream.indirect_vreg.gather [hbm4b:s19+s0], $0x80, v6, vm0, $0xb8;
	[tilespmem:$0x1A480] =	vst v63  }
0x784: {  	s14 =	simm.s32 $0xC480  }
0x785: {  	[tilespmem:s14], [sflag:$0x2] =	stream.indirect_vreg.gather [hbm4b:s17+s0], $0x80, v4, vm0, $0xb8;
	[tilespmem:$0x1A480] =	vst v63  }
0x786: {  	_ = 	snop  }
0x787: {  	[tilespmem:s11], [sflag:$0x2] =	stream.indirect_vreg.gather [hbm4b:s8+s0], $0x80, v4, vm0, $0xb8;
	[tilespmem:$0x1A480] =	vst v63  }
0x788: {  	s11 =	simm.s32 $0xD480  }
0x789: {  	[tilespmem:s11], [sflag:$0x2] =	stream.indirect_vreg.gather [hbm4b:s9+s0], $0x80, v4, vm0, $0xb8;
	[tilespmem:$0x1A480] =	vst v63  }
0x78a: {  	s11 =	simm.s32 $0xDC80  }
0x78b: {  	[tilespmem:s11], [sflag:$0x2] =	stream.indirect_vreg.gather [hbm4b:s19+s0], $0x80, v4, vm0, $0xb8;
	[tilespmem:$0x1A480] =	vst v63  }
0x78c: {  	v4 =	vld [tilespmem:$0x2330];
	_ =	sdelay $0x4  }
0x78d: {  	v53 =	vshll.u32 v4, $0x3  }
0x78e: {  	v4 =	vand.u32 $0x7, v4;
	v5 =	vand.u32 $0xFFFFFFC0, v53  }
0x78f: {  	v4 =	vor.u32 v4, v5  }
0x790: {  	v5 =	vperm.xlane v4, v0;
	_ =	sdelay $0x1  }
0x791: {  	v5 =	vadd.s32 v1, v5;
	_ =	sdelay $0x3  }
0x792: {  	s12 =	simm.s32 $0xE480  }
0x793: {  	[tilespmem:s12], [sflag:$0x2] =	stream.indirect_vreg.gather [hbm4b:s17+s0], $0x80, v5, vm0, $0xb8;
	[tilespmem:$0x1A480] =	vst v63  }
0x794: {  	s14 =	simm.s32 $0xEC80;
	v4 =	vperm.xlane v4, v2  }
0x795: {  	[tilespmem:s14], [sflag:$0x2] =	stream.indirect_vreg.gather [hbm4b:s8+s0], $0x80, v5, vm0, $0xb8;
	[tilespmem:$0x1A480] =	vst v63  }
0x796: {  	v4 =	vadd.s32 v1, v4  }
0x797: {  	[tilespmem:s15], [sflag:$0x2] =	stream.indirect_vreg.gather [hbm4b:s9+s0], $0x80, v5, vm0, $0xb8;
	[tilespmem:$0x1A480] =	vst v63  }
0x798: {  	s12 =	simm.s32 $0xFC80  }
0x799: {  	[tilespmem:s12], [sflag:$0x2] =	stream.indirect_vreg.gather [hbm4b:s19+s0], $0x80, v5, vm0, $0xb8;
	[tilespmem:$0x1A480] =	vst v63  }
0x79a: {  	s15 =	simm.s32 $0x10480  }
0x79b: {  	[tilespmem:s15], [sflag:$0x2] =	stream.indirect_vreg.gather [hbm4b:s17+s0], $0x80, v4, vm0, $0xb8;
	[tilespmem:$0x1A480] =	vst v63  }
0x79c: {  	_ = 	snop  }
0x79d: {  	[tilespmem:s5], [sflag:$0x2] =	stream.indirect_vreg.gather [hbm4b:s8+s0], $0x80, v4, vm0, $0xb8;
	[tilespmem:$0x1A480] =	vst v63  }
0x79e: {  	_ = 	snop  }
0x79f: {  	[tilespmem:s23], [sflag:$0x2] =	stream.indirect_vreg.gather [hbm4b:s9+s0], $0x80, v4, vm0, $0xb8;
	[tilespmem:$0x1A480] =	vst v63  }
0x7a0: {  	s14 =	simm.s32 $0x11C80  }
0x7a1: {  	[tilespmem:s14], [sflag:$0x2] =	stream.indirect_vreg.gather [hbm4b:s19+s0], $0x80, v4, vm0, $0xb8;
	[tilespmem:$0x1A480] =	vst v63  }
0x7a2: {  	_ =	swait.ge [sflag:s29], $0x8000  }
0x7a3: {  	s5 =	sld [smem:$0x7ED]  }
0x7a4: {  	[sflag:s29] =	ssyncset.done $0x0  }
0x7a5: {  	s23 =	simm.s32 $0x12480;
	s15 =	rddreg [dreg:$0x1c];
	[sflag:s29] =	ssyncadd.s32 $0xFFFF8000  }
0x7a6: {  	[hbm4b:s5+s0] =	stream.linear.scatter [tilespmem:s23], [sflag:$0x6], $0x8000, $0x38;
	[tilespmem:$0x1A480] =	vst v63  }
0x7a7: {  	(v2sf) =	vpush v50, $0xF;
	v54 =	vld [tilespmem:s15+$0x0];
	_ =	sdelay $0x4  }
0x7a8: {  	v4 =	vadd.s32 $0xFFFFFFFF, v54  }
0x7a9: {  	v55 =	vsub.s32 $0x0, v4  }
0x7aa: {  	v4 =	vmin.u32 v4, v55  }
0x7ab: {  	vm1 =	vlt.s32 v4, $0x1  }
0x7ac: {  	v4 =	vnsel vm1, $0x1, v4  }
0x7ad: {  	(xrf0) =	vadd.scan.msk.s32 $0xffff, v4;
	_ =	sdelay $0x4  }
0x7ae: {  	s5 =	spop (v2sf)  }
0x7af: {  	s3 =	sadd.s32 s3, s5;
	v56, _, _ =	vpop (xrf0)  }
0x7b0: {  	v57 =	vadd.s32 s3, v56  }
0x7b1: {  	v4 =	vmul.u32 v4, v57;
	_ =	sdelay $0x1  }
0x7b2: {  	v4 =	vadd.s32 v3, v4  }
0x7b3: {  	[tilespmem:$0x2340] =	vst v4  }
0x7b4: {  	(v2sf) =	vpush v56, $0xF;
	v58 =	vld [tilespmem:s1+$0x350];
	_ =	sdelay $0x4  }
0x7b5: {  	v5 =	vadd.s32 $0xFFFFFFFF, v58  }
0x7b6: {  	v59 =	vsub.s32 $0x0, v5  }
0x7b7: {  	v5 =	vmin.u32 v5, v59  }
0x7b8: {  	vm1 =	vlt.s32 v5, $0x1  }
0x7b9: {  	v5 =	vnsel vm1, $0x1, v5  }
0x7ba: {  	(xrf0) =	vadd.scan.msk.s32 $0xffff, v5;
	_ =	sdelay $0x4  }
0x7bb: {  	v60 =	vshll.u32 v4, $0x3;
	s15 =	spop (v2sf)  }
0x7bc: {  	v4 =	vand.u32 $0x7, v4;
	v6 =	vand.u32 $0xFFFFFFC0, v60;
	s3 =	sadd.s32 s3, s15;
	v61, _, _ =	vpop (xrf0)  }
0x7bd: {  	v4 =	vor.u32 v4, v6;
	v62 =	vadd.s32 s3, v61  }
0x7be: {  	v63 =	vperm.xlane v4, v0;
	v5 =	vmul.u32 v5, v62;
	_ =	sdelay $0x1  }
0x7bf: {  	v6 =	vadd.s32 v1, v63;
	v5 =	vadd.s32 v3, v5  }
0x7c0: {  	[tilespmem:$0x2350] =	vst v5  }
0x7c1: {  	_ =	swait.ge [sflag:s2], $0x8000  }
0x7c2: {  	[sflag:s2] =	ssyncset.done $0x0  }
0x7c3: {  	[sflag:s2] =	ssyncadd.s32 $0xFFFF8000  }
0x7c4: {  	[tilespmem:s23], [sflag:$0x3] =	stream.indirect_vreg.gather [hbm4b:s17+s0], $0x80, v6, vm0, $0xb8;
	[tilespmem:$0x1A480] =	vst v63  }
0x7c5: {  	v4 =	vperm.xlane v4, v2  }
0x7c6: {  	[tilespmem:s28], [sflag:$0x3] =	stream.indirect_vreg.gather [hbm4b:s8+s0], $0x80, v6, vm0, $0xb8;
	[tilespmem:$0x1A480] =	vst v63  }
0x7c7: {  	v4 =	vadd.s32 v1, v4  }
0x7c8: {  	[tilespmem:s20], [sflag:$0x3] =	stream.indirect_vreg.gather [hbm4b:s9+s0], $0x80, v6, vm0, $0xb8;
	[tilespmem:$0x1A480] =	vst v63  }
0x7c9: {  	_ = 	snop  }
0x7ca: {  	[tilespmem:s16], [sflag:$0x3] =	stream.indirect_vreg.gather [hbm4b:s19+s0], $0x80, v6, vm0, $0xb8;
	[tilespmem:$0x1A480] =	vst v63  }
0x7cb: {  	_ = 	snop  }
0x7cc: {  	[tilespmem:s18], [sflag:$0x3] =	stream.indirect_vreg.gather [hbm4b:s17+s0], $0x80, v4, vm0, $0xb8;
	[tilespmem:$0x1A480] =	vst v63  }
0x7cd: {  	s15 =	simm.s32 $0x14C80  }
0x7ce: {  	[tilespmem:s15], [sflag:$0x3] =	stream.indirect_vreg.gather [hbm4b:s8+s0], $0x80, v4, vm0, $0xb8;
	[tilespmem:$0x1A480] =	vst v63  }
0x7cf: {  	_ = 	snop  }
0x7d0: {  	[tilespmem:s6], [sflag:$0x3] =	stream.indirect_vreg.gather [hbm4b:s9+s0], $0x80, v4, vm0, $0xb8;
	[tilespmem:$0x1A480] =	vst v63  }
0x7d1: {  	_ = 	snop  }
0x7d2: {  	[tilespmem:s30], [sflag:$0x3] =	stream.indirect_vreg.gather [hbm4b:s19+s0], $0x80, v4, vm0, $0xb8;
	[tilespmem:$0x1A480] =	vst v63  }
0x7d3: {  	v4 =	vld [tilespmem:$0x2350];
	_ =	sdelay $0x4  }
0x7d4: {  	v9 =	vshll.u32 v4, $0x3  }
0x7d5: {  	v4 =	vand.u32 $0x7, v4;
	v5 =	vand.u32 $0xFFFFFFC0, v9  }
0x7d6: {  	v4 =	vor.u32 v4, v5  }
0x7d7: {  	v5 =	vperm.xlane v4, v0;
	_ =	sdelay $0x1  }
0x7d8: {  	v5 =	vadd.s32 v1, v5;
	_ =	sdelay $0x3  }
0x7d9: {  	s20 =	simm.s32 $0x16480  }
0x7da: {  	[tilespmem:s20], [sflag:$0x3] =	stream.indirect_vreg.gather [hbm4b:s17+s0], $0x80, v5, vm0, $0xb8;
	[tilespmem:$0x1A480] =	vst v63  }
0x7db: {  	s23 =	simm.s32 $0x16C80;
	v4 =	vperm.xlane v4, v2  }
0x7dc: {  	[tilespmem:s23], [sflag:$0x3] =	stream.indirect_vreg.gather [hbm4b:s8+s0], $0x80, v5, vm0, $0xb8;
	[tilespmem:$0x1A480] =	vst v63  }
0x7dd: {  	v4 =	vadd.s32 v1, v4  }
0x7de: {  	[tilespmem:s31], [sflag:$0x3] =	stream.indirect_vreg.gather [hbm4b:s9+s0], $0x80, v5, vm0, $0xb8;
	[tilespmem:$0x1A480] =	vst v63  }
0x7df: {  	_ = 	snop  }
0x7e0: {  	[tilespmem:s22], [sflag:$0x3] =	stream.indirect_vreg.gather [hbm4b:s19+s0], $0x80, v5, vm0, $0xb8;
	[tilespmem:$0x1A480] =	vst v63  }
0x7e1: {  	s16 =	simm.s32 $0x18480  }
0x7e2: {  	[tilespmem:s16], [sflag:$0x3] =	stream.indirect_vreg.gather [hbm4b:s17+s0], $0x80, v4, vm0, $0xb8;
	[tilespmem:$0x1A480] =	vst v63  }
0x7e3: {  	_ = 	snop  }
0x7e4: {  	[tilespmem:s10], [sflag:$0x3] =	stream.indirect_vreg.gather [hbm4b:s8+s0], $0x80, v4, vm0, $0xb8;
	[tilespmem:$0x1A480] =	vst v63  }
0x7e5: {  	_ = 	snop  }
0x7e6: {  	[tilespmem:s24], [sflag:$0x3] =	stream.indirect_vreg.gather [hbm4b:s9+s0], $0x80, v4, vm0, $0xb8;
	[tilespmem:$0x1A480] =	vst v63  }
0x7e7: {  	s5 =	simm.s32 $0x19C80  }
0x7e8: {  	[tilespmem:s5], [sflag:$0x3] =	stream.indirect_vreg.gather [hbm4b:s19+s0], $0x80, v4, vm0, $0xb8;
	[tilespmem:$0x1A480] =	vst v63  }
0x7e9: {  	_ =	swait.ge [sflag:s21], $0x8000  }
0x7ea: {  	s6 =	sld [smem:$0x7EE]  }
0x7eb: {  	[sflag:s21] =	ssyncset.done $0x0  }
0x7ec: {  	s10 =	simm.s32 $0x2480;
	s18 =	rddreg [dreg:$0x1d];
	[sflag:s21] =	ssyncadd.s32 $0xFFFF8000  }
0x7ed: {  	[hbm4b:s6+s0] =	stream.linear.scatter [tilespmem:s10], [sflag:$0x4], $0x8000, $0x38;
	[tilespmem:$0x1A480] =	vst v63  }
0x7ee: {  	(v2sf) =	vpush v61, $0xF;
	v10 =	vld [tilespmem:s18+$0x0];
	_ =	sdelay $0x4  }
0x7ef: {  	v4 =	vadd.s32 $0xFFFFFFFF, v10  }
0x7f0: {  	v11 =	vsub.s32 $0x0, v4  }
0x7f1: {  	v4 =	vmin.u32 v4, v11  }
0x7f2: {  	vm1 =	vlt.s32 v4, $0x1  }
0x7f3: {  	v4 =	vnsel vm1, $0x1, v4  }
0x7f4: {  	(xrf0) =	vadd.scan.msk.s32 $0xffff, v4;
	_ =	sdelay $0x4  }
0x7f5: {  	s22 =	spop (v2sf)  }
0x7f6: {  	s3 =	sadd.s32 s3, s22;
	v12, _, _ =	vpop (xrf0)  }
0x7f7: {  	v13 =	vadd.s32 s3, v12  }
0x7f8: {  	v4 =	vmul.u32 v4, v13;
	_ =	sdelay $0x1  }
0x7f9: {  	v4 =	vadd.s32 v3, v4  }
0x7fa: {  	[tilespmem:$0x2360] =	vst v4  }
0x7fb: {  	(v2sf) =	vpush v12, $0xF;
	v14 =	vld [tilespmem:s1+$0x370];
	_ =	sdelay $0x4  }
0x7fc: {  	v5 =	vadd.s32 $0xFFFFFFFF, v14  }
0x7fd: {  	v15 =	vsub.s32 $0x0, v5  }
0x7fe: {  	v5 =	vmin.u32 v5, v15  }
0x7ff: {  	vm1 =	vlt.s32 v5, $0x1  }
0x800: {  	v5 =	vnsel vm1, $0x1, v5  }
0x801: {  	(xrf0) =	vadd.scan.msk.s32 $0xffff, v5;
	_ =	sdelay $0x4  }
0x802: {  	v16 =	vshll.u32 v4, $0x3;
	s24 =	spop (v2sf)  }
0x803: {  	v4 =	vand.u32 $0x7, v4;
	v6 =	vand.u32 $0xFFFFFFC0, v16;
	s3 =	sadd.s32 s3, s24;
	v17, _, _ =	vpop (xrf0)  }
0x804: {  	v4 =	vor.u32 v4, v6;
	v18 =	vadd.s32 s3, v17  }
0x805: {  	v19 =	vperm.xlane v4, v0;
	v5 =	vmul.u32 v5, v18;
	_ =	sdelay $0x1  }
0x806: {  	v6 =	vadd.s32 v1, v19;
	v5 =	vadd.s32 v3, v5  }
0x807: {  	[tilespmem:$0x2370] =	vst v5  }
0x808: {  	_ =	swait.ge [sflag:s25], $0x8000  }
0x809: {  	[sflag:s25] =	ssyncset.done $0x0  }
0x80a: {  	[sflag:s25] =	ssyncadd.s32 $0xFFFF8000  }
0x80b: {  	[tilespmem:s10], [sflag:$0x1] =	stream.indirect_vreg.gather [hbm4b:s17+s0], $0x80, v6, vm0, $0xb8;
	[tilespmem:$0x1A480] =	vst v63  }
0x80c: {  	s5 =	simm.s32 $0x2C80;
	v4 =	vperm.xlane v4, v2  }
0x80d: {  	[tilespmem:s5], [sflag:$0x1] =	stream.indirect_vreg.gather [hbm4b:s8+s0], $0x80, v6, vm0, $0xb8;
	[tilespmem:$0x1A480] =	vst v63  }
0x80e: {  	s18 =	simm.s32 $0x3480;
	v4 =	vadd.s32 v1, v4  }
0x80f: {  	[tilespmem:s18], [sflag:$0x1] =	stream.indirect_vreg.gather [hbm4b:s9+s0], $0x80, v6, vm0, $0xb8;
	[tilespmem:$0x1A480] =	vst v63  }
0x810: {  	_ = 	snop  }
0x811: {  	[tilespmem:s13], [sflag:$0x1] =	stream.indirect_vreg.gather [hbm4b:s19+s0], $0x80, v6, vm0, $0xb8;
	[tilespmem:$0x1A480] =	vst v63  }
0x812: {  	s6 =	simm.s32 $0x4480  }
0x813: {  	[tilespmem:s6], [sflag:$0x1] =	stream.indirect_vreg.gather [hbm4b:s17+s0], $0x80, v4, vm0, $0xb8;
	[tilespmem:$0x1A480] =	vst v63  }
0x814: {  	s10 =	simm.s32 $0x4C80  }
0x815: {  	[tilespmem:s10], [sflag:$0x1] =	stream.indirect_vreg.gather [hbm4b:s8+s0], $0x80, v4, vm0, $0xb8;
	[tilespmem:$0x1A480] =	vst v63  }
0x816: {  	s13 =	simm.s32 $0x5480  }
0x817: {  	[tilespmem:s13], [sflag:$0x1] =	stream.indirect_vreg.gather [hbm4b:s9+s0], $0x80, v4, vm0, $0xb8;
	[tilespmem:$0x1A480] =	vst v63  }
0x818: {  	s24 =	simm.s32 $0x5C80  }
0x819: {  	[tilespmem:s24], [sflag:$0x1] =	stream.indirect_vreg.gather [hbm4b:s19+s0], $0x80, v4, vm0, $0xb8;
	[tilespmem:$0x1A480] =	vst v63  }
0x81a: {  	v4 =	vld [tilespmem:$0x2370];
	_ =	sdelay $0x4  }
0x81b: {  	v20 =	vshll.u32 v4, $0x3  }
0x81c: {  	v4 =	vand.u32 $0x7, v4;
	v5 =	vand.u32 $0xFFFFFFC0, v20  }
0x81d: {  	v4 =	vor.u32 v4, v5  }
0x81e: {  	v5 =	vperm.xlane v4, v0;
	_ =	sdelay $0x1  }
0x81f: {  	v5 =	vadd.s32 v1, v5;
	_ =	sdelay $0x3  }
0x820: {  	s5 =	simm.s32 $0x6480  }
0x821: {  	[tilespmem:s5], [sflag:$0x1] =	stream.indirect_vreg.gather [hbm4b:s17+s0], $0x80, v5, vm0, $0xb8;
	[tilespmem:$0x1A480] =	vst v63  }
0x822: {  	s6 =	simm.s32 $0x6C80;
	v4 =	vperm.xlane v4, v2  }
0x823: {  	[tilespmem:s6], [sflag:$0x1] =	stream.indirect_vreg.gather [hbm4b:s8+s0], $0x80, v5, vm0, $0xb8;
	[tilespmem:$0x1A480] =	vst v63  }
0x824: {  	s10 =	simm.s32 $0x7480;
	v4 =	vadd.s32 v1, v4  }
0x825: {  	[tilespmem:s10], [sflag:$0x1] =	stream.indirect_vreg.gather [hbm4b:s9+s0], $0x80, v5, vm0, $0xb8;
	[tilespmem:$0x1A480] =	vst v63  }
0x826: {  	s13 =	simm.s32 $0x7C80  }
0x827: {  	[tilespmem:s13], [sflag:$0x1] =	stream.indirect_vreg.gather [hbm4b:s19+s0], $0x80, v5, vm0, $0xb8;
	[tilespmem:$0x1A480] =	vst v63  }
0x828: {  	s24 =	simm.s32 $0x8480  }
0x829: {  	[tilespmem:s24], [sflag:$0x1] =	stream.indirect_vreg.gather [hbm4b:s17+s0], $0x80, v4, vm0, $0xb8;
	[tilespmem:$0x1A480] =	vst v63  }
0x82a: {  	s5 =	simm.s32 $0x8C80  }
0x82b: {  	[tilespmem:s5], [sflag:$0x1] =	stream.indirect_vreg.gather [hbm4b:s8+s0], $0x80, v4, vm0, $0xb8;
	[tilespmem:$0x1A480] =	vst v63  }
0x82c: {  	s6 =	simm.s32 $0x9480  }
0x82d: {  	[tilespmem:s6], [sflag:$0x1] =	stream.indirect_vreg.gather [hbm4b:s9+s0], $0x80, v4, vm0, $0xb8;
	[tilespmem:$0x1A480] =	vst v63  }
0x82e: {  	s10 =	simm.s32 $0x9C80  }
0x82f: {  	[tilespmem:s10], [sflag:$0x1] =	stream.indirect_vreg.gather [hbm4b:s19+s0], $0x80, v4, vm0, $0xb8;
	[tilespmem:$0x1A480] =	vst v63  }
0x830: {  	_ =	swait.ge [sflag:s26], $0x8000  }
0x831: {  	s13 =	sld [smem:$0x7EF]  }
0x832: {  	[sflag:s26] =	ssyncset.done $0x0  }
0x833: {  	s5 =	simm.s32 $0xA480;
	s6 =	rddreg [dreg:$0x1e];
	[sflag:s26] =	ssyncadd.s32 $0xFFFF8000  }
0x834: {  	[hbm4b:s13+s0] =	stream.linear.scatter [tilespmem:s5], [sflag:$0x5], $0x8000, $0x38;
	[tilespmem:$0x1A480] =	vst v63  }
0x835: {  	(v2sf) =	vpush v17, $0xF;
	v21 =	vld [tilespmem:s6+$0x0];
	_ =	sdelay $0x4  }
0x836: {  	v4 =	vadd.s32 $0xFFFFFFFF, v21  }
0x837: {  	v22 =	vsub.s32 $0x0, v4  }
0x838: {  	v4 =	vmin.u32 v4, v22  }
0x839: {  	vm1 =	vlt.s32 v4, $0x1  }
0x83a: {  	v4 =	vnsel vm1, $0x1, v4  }
0x83b: {  	(xrf0) =	vadd.scan.msk.s32 $0xffff, v4;
	_ =	sdelay $0x4  }
0x83c: {  	s10 =	spop (v2sf)  }
0x83d: {  	s3 =	sadd.s32 s3, s10;
	v23, _, _ =	vpop (xrf0)  }
0x83e: {  	v24 =	vadd.s32 s3, v23  }
0x83f: {  	v4 =	vmul.u32 v4, v24;
	_ =	sdelay $0x1  }
0x840: {  	v4 =	vadd.s32 v3, v4  }
0x841: {  	[tilespmem:$0x2380] =	vst v4  }
0x842: {  	(v2sf) =	vpush v23, $0xF;
	v25 =	vld [tilespmem:s1+$0x390];
	_ =	sdelay $0x4  }
0x843: {  	v5 =	vadd.s32 $0xFFFFFFFF, v25  }
0x844: {  	v26 =	vsub.s32 $0x0, v5  }
0x845: {  	v5 =	vmin.u32 v5, v26  }
0x846: {  	vm1 =	vlt.s32 v5, $0x1  }
0x847: {  	v5 =	vnsel vm1, $0x1, v5  }
0x848: {  	(xrf0) =	vadd.scan.msk.s32 $0xffff, v5;
	_ =	sdelay $0x4  }
0x849: {  	v27 =	vshll.u32 v4, $0x3;
	s13 =	spop (v2sf)  }
0x84a: {  	v4 =	vand.u32 $0x7, v4;
	v6 =	vand.u32 $0xFFFFFFC0, v27;
	s3 =	sadd.s32 s3, s13;
	v28, _, _ =	vpop (xrf0)  }
0x84b: {  	v4 =	vor.u32 v4, v6;
	v29 =	vadd.s32 s3, v28  }
0x84c: {  	v30 =	vperm.xlane v4, v0;
	v5 =	vmul.u32 v5, v29;
	_ =	sdelay $0x1  }
0x84d: {  	v6 =	vadd.s32 v1, v30;
	v5 =	vadd.s32 v3, v5  }
0x84e: {  	[tilespmem:$0x2390] =	vst v5  }
0x84f: {  	_ =	swait.ge [sflag:s7], $0x8000  }
0x850: {  	[sflag:s7] =	ssyncset.done $0x0  }
0x851: {  	[sflag:s7] =	ssyncadd.s32 $0xFFFF8000  }
0x852: {  	[tilespmem:s5], [sflag:$0x2] =	stream.indirect_vreg.gather [hbm4b:s17+s0], $0x80, v6, vm0, $0xb8;
	[tilespmem:$0x1A480] =	vst v63  }
0x853: {  	s6 =	simm.s32 $0xAC80;
	v4 =	vperm.xlane v4, v2  }
0x854: {  	[tilespmem:s6], [sflag:$0x2] =	stream.indirect_vreg.gather [hbm4b:s8+s0], $0x80, v6, vm0, $0xb8;
	[tilespmem:$0x1A480] =	vst v63  }
0x855: {  	s10 =	simm.s32 $0xB480;
	v4 =	vadd.s32 v1, v4  }
0x856: {  	[tilespmem:s10], [sflag:$0x2] =	stream.indirect_vreg.gather [hbm4b:s9+s0], $0x80, v6, vm0, $0xb8;
	[tilespmem:$0x1A480] =	vst v63  }
0x857: {  	s13 =	simm.s32 $0xBC80  }
0x858: {  	[tilespmem:s13], [sflag:$0x2] =	stream.indirect_vreg.gather [hbm4b:s19+s0], $0x80, v6, vm0, $0xb8;
	[tilespmem:$0x1A480] =	vst v63  }
0x859: {  	s6 =	simm.s32 $0xC480  }
0x85a: {  	[tilespmem:s6], [sflag:$0x2] =	stream.indirect_vreg.gather [hbm4b:s17+s0], $0x80, v4, vm0, $0xb8;
	[tilespmem:$0x1A480] =	vst v63  }
0x85b: {  	s6 =	simm.s32 $0xCC80  }
0x85c: {  	[tilespmem:s6], [sflag:$0x2] =	stream.indirect_vreg.gather [hbm4b:s8+s0], $0x80, v4, vm0, $0xb8;
	[tilespmem:$0x1A480] =	vst v63  }
0x85d: {  	s13 =	simm.s32 $0xD480  }
0x85e: {  	[tilespmem:s13], [sflag:$0x2] =	stream.indirect_vreg.gather [hbm4b:s9+s0], $0x80, v4, vm0, $0xb8;
	[tilespmem:$0x1A480] =	vst v63  }
0x85f: {  	_ = 	snop  }
0x860: {  	[tilespmem:s11], [sflag:$0x2] =	stream.indirect_vreg.gather [hbm4b:s19+s0], $0x80, v4, vm0, $0xb8;
	[tilespmem:$0x1A480] =	vst v63  }
0x861: {  	v4 =	vld [tilespmem:$0x2390];
	_ =	sdelay $0x4  }
0x862: {  	v31 =	vshll.u32 v4, $0x3  }
0x863: {  	v4 =	vand.u32 $0x7, v4;
	v5 =	vand.u32 $0xFFFFFFC0, v31  }
0x864: {  	v4 =	vor.u32 v4, v5  }
0x865: {  	v5 =	vperm.xlane v4, v0;
	_ =	sdelay $0x1  }
0x866: {  	v5 =	vadd.s32 v1, v5;
	_ =	sdelay $0x3  }
0x867: {  	s10 =	simm.s32 $0xE480  }
0x868: {  	[tilespmem:s10], [sflag:$0x2] =	stream.indirect_vreg.gather [hbm4b:s17+s0], $0x80, v5, vm0, $0xb8;
	[tilespmem:$0x1A480] =	vst v63  }
0x869: {  	s11 =	simm.s32 $0xEC80;
	v4 =	vperm.xlane v4, v2  }
0x86a: {  	[tilespmem:s11], [sflag:$0x2] =	stream.indirect_vreg.gather [hbm4b:s8+s0], $0x80, v5, vm0, $0xb8;
	[tilespmem:$0x1A480] =	vst v63  }
0x86b: {  	v4 =	vadd.s32 v1, v4;
	s11 =	simm.s32 $0xF480  }
0x86c: {  	[tilespmem:s11], [sflag:$0x2] =	stream.indirect_vreg.gather [hbm4b:s9+s0], $0x80, v5, vm0, $0xb8;
	[tilespmem:$0x1A480] =	vst v63  }
0x86d: {  	_ = 	snop  }
0x86e: {  	[tilespmem:s12], [sflag:$0x2] =	stream.indirect_vreg.gather [hbm4b:s19+s0], $0x80, v5, vm0, $0xb8;
	[tilespmem:$0x1A480] =	vst v63  }
0x86f: {  	s12 =	simm.s32 $0x10480  }
0x870: {  	[tilespmem:s12], [sflag:$0x2] =	stream.indirect_vreg.gather [hbm4b:s17+s0], $0x80, v4, vm0, $0xb8;
	[tilespmem:$0x1A480] =	vst v63  }
0x871: {  	s10 =	simm.s32 $0x10C80  }
0x872: {  	[tilespmem:s10], [sflag:$0x2] =	stream.indirect_vreg.gather [hbm4b:s8+s0], $0x80, v4, vm0, $0xb8;
	[tilespmem:$0x1A480] =	vst v63  }
0x873: {  	s12 =	simm.s32 $0x11480  }
0x874: {  	[tilespmem:s12], [sflag:$0x2] =	stream.indirect_vreg.gather [hbm4b:s9+s0], $0x80, v4, vm0, $0xb8;
	[tilespmem:$0x1A480] =	vst v63  }
0x875: {  	_ = 	snop  }
0x876: {  	[tilespmem:s14], [sflag:$0x2] =	stream.indirect_vreg.gather [hbm4b:s19+s0], $0x80, v4, vm0, $0xb8;
	[tilespmem:$0x1A480] =	vst v63  }
0x877: {  	_ =	swait.ge [sflag:s29], $0x8000  }
0x878: {  	s4 =	sld [smem:$0x7F0]  }
0x879: {  	[sflag:s29] =	ssyncset.done $0x0  }
0x87a: {  	s14 =	simm.s32 $0x12480;
	[sflag:s29] =	ssyncadd.s32 $0xFFFF8000  }
0x87b: {  	[hbm4b:s4+s0] =	stream.linear.scatter [tilespmem:s14], [sflag:$0x6], $0x8000, $0x38;
	[tilespmem:$0x1A480] =	vst v63  }
0x87c: {  	s4 =	rddreg [dreg:$0x1f]  }
0x87d: {  	(v2sf) =	vpush v28, $0xF;
	v32 =	vld [tilespmem:s4+$0x0];
	_ =	sdelay $0x4  }
0x87e: {  	v4 =	vadd.s32 $0xFFFFFFFF, v32  }
0x87f: {  	v33 =	vsub.s32 $0x0, v4  }
0x880: {  	v4 =	vmin.u32 v4, v33  }
0x881: {  	vm1 =	vlt.s32 v4, $0x1  }
0x882: {  	v4 =	vnsel vm1, $0x1, v4  }
0x883: {  	(xrf0) =	vadd.scan.msk.s32 $0xffff, v4;
	_ =	sdelay $0x4  }
0x884: {  	s4 =	spop (v2sf)  }
0x885: {  	s3 =	sadd.s32 s3, s4;
	v34, _, _ =	vpop (xrf0)  }
0x886: {  	v35 =	vadd.s32 s3, v34  }
0x887: {  	v4 =	vmul.u32 v4, v35;
	_ =	sdelay $0x1  }
0x888: {  	v4 =	vadd.s32 v3, v4  }
0x889: {  	[tilespmem:$0x23A0] =	vst v4  }
0x88a: {  	(v2sf) =	vpush v34, $0xF;
	v36 =	vld [tilespmem:s1+$0x3B0];
	_ =	sdelay $0x4  }
0x88b: {  	v5 =	vadd.s32 $0xFFFFFFFF, v36  }
0x88c: {  	v37 =	vsub.s32 $0x0, v5  }
0x88d: {  	v5 =	vmin.u32 v5, v37  }
0x88e: {  	vm1 =	vlt.s32 v5, $0x1  }
0x88f: {  	v5 =	vnsel vm1, $0x1, v5  }
0x890: {  	(xrf0) =	vadd.scan.msk.s32 $0xffff, v5;
	_ =	sdelay $0x4  }
0x891: {  	v38 =	vshll.u32 v4, $0x3;
	s4 =	spop (v2sf)  }
0x892: {  	v4 =	vand.u32 $0x7, v4;
	v6 =	vand.u32 $0xFFFFFFC0, v38;
	s3 =	sadd.s32 s3, s4;
	v39, _, _ =	vpop (xrf0)  }
0x893: {  	v4 =	vor.u32 v4, v6;
	v40 =	vadd.s32 s3, v39  }
0x894: {  	v41 =	vperm.xlane v4, v0;
	v5 =	vmul.u32 v5, v40;
	_ =	sdelay $0x1  }
0x895: {  	v6 =	vadd.s32 v1, v41;
	v5 =	vadd.s32 v3, v5  }
0x896: {  	[tilespmem:$0x23B0] =	vst v5  }
0x897: {  	_ =	swait.ge [sflag:s2], $0x8000  }
0x898: {  	[sflag:s2] =	ssyncset.done $0x0  }
0x899: {  	[sflag:s2] =	ssyncadd.s32 $0xFFFF8000  }
0x89a: {  	[tilespmem:s14], [sflag:$0x3] =	stream.indirect_vreg.gather [hbm4b:s17+s0], $0x80, v6, vm0, $0xb8;
	[tilespmem:$0x1A480] =	vst v63  }
0x89b: {  	s28 =	simm.s32 $0x12C80;
	v4 =	vperm.xlane v4, v2  }
0x89c: {  	[tilespmem:s28], [sflag:$0x3] =	stream.indirect_vreg.gather [hbm4b:s8+s0], $0x80, v6, vm0, $0xb8;
	[tilespmem:$0x1A480] =	vst v63  }
0x89d: {  	v4 =	vadd.s32 v1, v4;
	s28 =	simm.s32 $0x13480  }
0x89e: {  	[tilespmem:s28], [sflag:$0x3] =	stream.indirect_vreg.gather [hbm4b:s9+s0], $0x80, v6, vm0, $0xb8;
	[tilespmem:$0x1A480] =	vst v63  }
0x89f: {  	s28 =	simm.s32 $0x13C80  }
0x8a0: {  	[tilespmem:s28], [sflag:$0x3] =	stream.indirect_vreg.gather [hbm4b:s19+s0], $0x80, v6, vm0, $0xb8;
	[tilespmem:$0x1A480] =	vst v63  }
0x8a1: {  	s28 =	simm.s32 $0x14480  }
0x8a2: {  	[tilespmem:s28], [sflag:$0x3] =	stream.indirect_vreg.gather [hbm4b:s17+s0], $0x80, v4, vm0, $0xb8;
	[tilespmem:$0x1A480] =	vst v63  }
0x8a3: {  	_ = 	snop  }
0x8a4: {  	[tilespmem:s15], [sflag:$0x3] =	stream.indirect_vreg.gather [hbm4b:s8+s0], $0x80, v4, vm0, $0xb8;
	[tilespmem:$0x1A480] =	vst v63  }
0x8a5: {  	s15 =	simm.s32 $0x15480  }
0x8a6: {  	[tilespmem:s15], [sflag:$0x3] =	stream.indirect_vreg.gather [hbm4b:s9+s0], $0x80, v4, vm0, $0xb8;
	[tilespmem:$0x1A480] =	vst v63  }
0x8a7: {  	s30 =	simm.s32 $0x15C80  }
0x8a8: {  	[tilespmem:s30], [sflag:$0x3] =	stream.indirect_vreg.gather [hbm4b:s19+s0], $0x80, v4, vm0, $0xb8;
	[tilespmem:$0x1A480] =	vst v63  }
0x8a9: {  	v4 =	vld [tilespmem:$0x23B0];
	_ =	sdelay $0x4  }
0x8aa: {  	v42 =	vshll.u32 v4, $0x3  }
0x8ab: {  	v4 =	vand.u32 $0x7, v4;
	v5 =	vand.u32 $0xFFFFFFC0, v42  }
0x8ac: {  	v4 =	vor.u32 v4, v5  }
0x8ad: {  	v5 =	vperm.xlane v4, v0;
	_ =	sdelay $0x1  }
0x8ae: {  	v5 =	vadd.s32 v1, v5;
	_ =	sdelay $0x4  }
0x8af: {  	[tilespmem:s20], [sflag:$0x3] =	stream.indirect_vreg.gather [hbm4b:s17+s0], $0x80, v5, vm0, $0xb8;
	[tilespmem:$0x1A480] =	vst v63  }
0x8b0: {  	v4 =	vperm.xlane v4, v2  }
0x8b1: {  	[tilespmem:s23], [sflag:$0x3] =	stream.indirect_vreg.gather [hbm4b:s8+s0], $0x80, v5, vm0, $0xb8;
	[tilespmem:$0x1A480] =	vst v63  }
0x8b2: {  	v4 =	vadd.s32 v1, v4;
	s23 =	simm.s32 $0x17480  }
0x8b3: {  	[tilespmem:s23], [sflag:$0x3] =	stream.indirect_vreg.gather [hbm4b:s9+s0], $0x80, v5, vm0, $0xb8;
	[tilespmem:$0x1A480] =	vst v63  }
0x8b4: {  	s31 =	simm.s32 $0x17C80  }
0x8b5: {  	[tilespmem:s31], [sflag:$0x3] =	stream.indirect_vreg.gather [hbm4b:s19+s0], $0x80, v5, vm0, $0xb8;
	[tilespmem:$0x1A480] =	vst v63  }
0x8b6: {  	_ = 	snop  }
0x8b7: {  	[tilespmem:s16], [sflag:$0x3] =	stream.indirect_vreg.gather [hbm4b:s17+s0], $0x80, v4, vm0, $0xb8;
	[tilespmem:$0x1A480] =	vst v63  }
0x8b8: {  	s28 =	simm.s32 $0x18C80  }
0x8b9: {  	[tilespmem:s28], [sflag:$0x3] =	stream.indirect_vreg.gather [hbm4b:s8+s0], $0x80, v4, vm0, $0xb8;
	[tilespmem:$0x1A480] =	vst v63  }
0x8ba: {  	s30 =	simm.s32 $0x19480  }
0x8bb: {  	[tilespmem:s30], [sflag:$0x3] =	stream.indirect_vreg.gather [hbm4b:s9+s0], $0x80, v4, vm0, $0xb8;
	[tilespmem:$0x1A480] =	vst v63  }
0x8bc: {  	s31 =	simm.s32 $0x19C80  }
0x8bd: {  	[tilespmem:s31], [sflag:$0x3] =	stream.indirect_vreg.gather [hbm4b:s19+s0], $0x80, v4, vm0, $0xb8;
	[tilespmem:$0x1A480] =	vst v63  }
0x8be: {  	_ =	swait.ge [sflag:s21], $0x8000  }
0x8bf: {  	s15 =	sld [smem:$0x7F1]  }
0x8c0: {  	[sflag:s21] =	ssyncset.done $0x0;
	s16 =	sld [smem:$0x7D2]  }
0x8c1: {  	s22 =	simm.s32 $0x2480;
	[sflag:s21] =	ssyncadd.s32 $0xFFFF8000  }
0x8c2: {  	[hbm4b:s15+s0] =	stream.linear.scatter [tilespmem:s22], [sflag:$0x4], $0x8000, $0x38;
	[tilespmem:$0x1A480] =	vst v63  }
0x8c3: {  	(v2sf) =	vpush v39, $0xF;
	v43 =	vld [tilespmem:s16+$0x0];
	_ =	sdelay $0x4  }
0x8c4: {  	v4 =	vadd.s32 $0xFFFFFFFF, v43  }
0x8c5: {  	v44 =	vsub.s32 $0x0, v4  }
0x8c6: {  	v4 =	vmin.u32 v4, v44  }
0x8c7: {  	vm1 =	vlt.s32 v4, $0x1  }
0x8c8: {  	v4 =	vnsel vm1, $0x1, v4  }
0x8c9: {  	(xrf0) =	vadd.scan.msk.s32 $0xffff, v4;
	_ =	sdelay $0x4  }
0x8ca: {  	s20 =	spop (v2sf)  }
0x8cb: {  	s3 =	sadd.s32 s3, s20;
	v45, _, _ =	vpop (xrf0)  }
0x8cc: {  	v46 =	vadd.s32 s3, v45  }
0x8cd: {  	v4 =	vmul.u32 v4, v46;
	_ =	sdelay $0x1  }
0x8ce: {  	v4 =	vadd.s32 v3, v4  }
0x8cf: {  	[tilespmem:$0x23C0] =	vst v4  }
0x8d0: {  	(v2sf) =	vpush v45, $0xF;
	v47 =	vld [tilespmem:s1+$0x3D0];
	_ =	sdelay $0x4  }
0x8d1: {  	v5 =	vadd.s32 $0xFFFFFFFF, v47  }
0x8d2: {  	v48 =	vsub.s32 $0x0, v5  }
0x8d3: {  	v5 =	vmin.u32 v5, v48  }
0x8d4: {  	vm1 =	vlt.s32 v5, $0x1  }
0x8d5: {  	v5 =	vnsel vm1, $0x1, v5  }
0x8d6: {  	(xrf0) =	vadd.scan.msk.s32 $0xffff, v5;
	_ =	sdelay $0x4  }
0x8d7: {  	v49 =	vshll.u32 v4, $0x3;
	s23 =	spop (v2sf)  }
0x8d8: {  	v4 =	vand.u32 $0x7, v4;
	v6 =	vand.u32 $0xFFFFFFC0, v49;
	s3 =	sadd.s32 s3, s23;
	v50, _, _ =	vpop (xrf0)  }
0x8d9: {  	v4 =	vor.u32 v4, v6;
	v51 =	vadd.s32 s3, v50  }
0x8da: {  	v52 =	vperm.xlane v4, v0;
	v5 =	vmul.u32 v5, v51;
	_ =	sdelay $0x1  }
0x8db: {  	v6 =	vadd.s32 v1, v52;
	v5 =	vadd.s32 v3, v5  }
0x8dc: {  	[tilespmem:$0x23D0] =	vst v5  }
0x8dd: {  	_ =	swait.ge [sflag:s25], $0x8000  }
0x8de: {  	[sflag:s25] =	ssyncset.done $0x0  }
0x8df: {  	[sflag:s25] =	ssyncadd.s32 $0xFFFF8000  }
0x8e0: {  	[tilespmem:s22], [sflag:$0x1] =	stream.indirect_vreg.gather [hbm4b:s17+s0], $0x80, v6, vm0, $0xb8;
	[tilespmem:$0x1A480] =	vst v63  }
0x8e1: {  	s28 =	simm.s32 $0x2C80;
	v4 =	vperm.xlane v4, v2  }
0x8e2: {  	[tilespmem:s28], [sflag:$0x1] =	stream.indirect_vreg.gather [hbm4b:s8+s0], $0x80, v6, vm0, $0xb8;
	[tilespmem:$0x1A480] =	vst v63  }
0x8e3: {  	v4 =	vadd.s32 v1, v4  }
0x8e4: {  	[tilespmem:s18], [sflag:$0x1] =	stream.indirect_vreg.gather [hbm4b:s9+s0], $0x80, v6, vm0, $0xb8;
	[tilespmem:$0x1A480] =	vst v63  }
0x8e5: {  	s30 =	simm.s32 $0x3C80  }
0x8e6: {  	[tilespmem:s30], [sflag:$0x1] =	stream.indirect_vreg.gather [hbm4b:s19+s0], $0x80, v6, vm0, $0xb8;
	[tilespmem:$0x1A480] =	vst v63  }
0x8e7: {  	s31 =	simm.s32 $0x4480  }
0x8e8: {  	[tilespmem:s31], [sflag:$0x1] =	stream.indirect_vreg.gather [hbm4b:s17+s0], $0x80, v4, vm0, $0xb8;
	[tilespmem:$0x1A480] =	vst v63  }
0x8e9: {  	s15 =	simm.s32 $0x4C80  }
0x8ea: {  	[tilespmem:s15], [sflag:$0x1] =	stream.indirect_vreg.gather [hbm4b:s8+s0], $0x80, v4, vm0, $0xb8;
	[tilespmem:$0x1A480] =	vst v63  }
0x8eb: {  	s16 =	simm.s32 $0x5480  }
0x8ec: {  	[tilespmem:s16], [sflag:$0x1] =	stream.indirect_vreg.gather [hbm4b:s9+s0], $0x80, v4, vm0, $0xb8;
	[tilespmem:$0x1A480] =	vst v63  }
0x8ed: {  	s18 =	simm.s32 $0x5C80  }
0x8ee: {  	[tilespmem:s18], [sflag:$0x1] =	stream.indirect_vreg.gather [hbm4b:s19+s0], $0x80, v4, vm0, $0xb8;
	[tilespmem:$0x1A480] =	vst v63  }
0x8ef: {  	v4 =	vld [tilespmem:$0x23D0];
	_ =	sdelay $0x4  }
0x8f0: {  	v53 =	vshll.u32 v4, $0x3  }
0x8f1: {  	v4 =	vand.u32 $0x7, v4;
	v5 =	vand.u32 $0xFFFFFFC0, v53  }
0x8f2: {  	v4 =	vor.u32 v4, v5  }
0x8f3: {  	v5 =	vperm.xlane v4, v0;
	_ =	sdelay $0x1  }
0x8f4: {  	v5 =	vadd.s32 v1, v5;
	_ =	sdelay $0x3  }
0x8f5: {  	s20 =	simm.s32 $0x6480  }
0x8f6: {  	[tilespmem:s20], [sflag:$0x1] =	stream.indirect_vreg.gather [hbm4b:s17+s0], $0x80, v5, vm0, $0xb8;
	[tilespmem:$0x1A480] =	vst v63  }
0x8f7: {  	s23 =	simm.s32 $0x6C80;
	v4 =	vperm.xlane v4, v2  }
0x8f8: {  	[tilespmem:s23], [sflag:$0x1] =	stream.indirect_vreg.gather [hbm4b:s8+s0], $0x80, v5, vm0, $0xb8;
	[tilespmem:$0x1A480] =	vst v63  }
0x8f9: {  	s28 =	simm.s32 $0x7480;
	v4 =	vadd.s32 v1, v4  }
0x8fa: {  	[tilespmem:s28], [sflag:$0x1] =	stream.indirect_vreg.gather [hbm4b:s9+s0], $0x80, v5, vm0, $0xb8;
	[tilespmem:$0x1A480] =	vst v63  }
0x8fb: {  	s30 =	simm.s32 $0x7C80  }
0x8fc: {  	[tilespmem:s30], [sflag:$0x1] =	stream.indirect_vreg.gather [hbm4b:s19+s0], $0x80, v5, vm0, $0xb8;
	[tilespmem:$0x1A480] =	vst v63  }
0x8fd: {  	s31 =	simm.s32 $0x8480  }
0x8fe: {  	[tilespmem:s31], [sflag:$0x1] =	stream.indirect_vreg.gather [hbm4b:s17+s0], $0x80, v4, vm0, $0xb8;
	[tilespmem:$0x1A480] =	vst v63  }
0x8ff: {  	s15 =	simm.s32 $0x8C80  }
0x900: {  	[tilespmem:s15], [sflag:$0x1] =	stream.indirect_vreg.gather [hbm4b:s8+s0], $0x80, v4, vm0, $0xb8;
	[tilespmem:$0x1A480] =	vst v63  }
0x901: {  	s24 =	simm.s32 $0x9480  }
0x902: {  	[tilespmem:s24], [sflag:$0x1] =	stream.indirect_vreg.gather [hbm4b:s9+s0], $0x80, v4, vm0, $0xb8;
	[tilespmem:$0x1A480] =	vst v63  }
0x903: {  	s16 =	simm.s32 $0x9C80  }
0x904: {  	[tilespmem:s16], [sflag:$0x1] =	stream.indirect_vreg.gather [hbm4b:s19+s0], $0x80, v4, vm0, $0xb8;
	[tilespmem:$0x1A480] =	vst v63  }
0x905: {  	_ =	swait.ge [sflag:s26], $0x8000  }
0x906: {  	s18 =	sld [smem:$0x7F2]  }
0x907: {  	[sflag:s26] =	ssyncset.done $0x0;
	s20 =	sld [smem:$0x7D3]  }
0x908: {  	s5 =	simm.s32 $0xA480;
	[sflag:s26] =	ssyncadd.s32 $0xFFFF8000  }
0x909: {  	[hbm4b:s18+s0] =	stream.linear.scatter [tilespmem:s5], [sflag:$0x5], $0x8000, $0x38;
	[tilespmem:$0x1A480] =	vst v63  }
0x90a: {  	(v2sf) =	vpush v50, $0xF;
	v54 =	vld [tilespmem:s20+$0x0];
	_ =	sdelay $0x4  }
0x90b: {  	v4 =	vadd.s32 $0xFFFFFFFF, v54  }
0x90c: {  	v55 =	vsub.s32 $0x0, v4  }
0x90d: {  	v4 =	vmin.u32 v4, v55  }
0x90e: {  	vm1 =	vlt.s32 v4, $0x1  }
0x90f: {  	v4 =	vnsel vm1, $0x1, v4  }
0x910: {  	(xrf0) =	vadd.scan.msk.s32 $0xffff, v4;
	_ =	sdelay $0x4  }
0x911: {  	s23 =	spop (v2sf)  }
0x912: {  	s3 =	sadd.s32 s3, s23;
	v56, _, _ =	vpop (xrf0)  }
0x913: {  	v57 =	vadd.s32 s3, v56  }
0x914: {  	v4 =	vmul.u32 v4, v57;
	_ =	sdelay $0x1  }
0x915: {  	v4 =	vadd.s32 v3, v4  }
0x916: {  	[tilespmem:$0x23E0] =	vst v4  }
0x917: {  	(v2sf) =	vpush v56, $0xF;
	v58 =	vld [tilespmem:s1+$0x3F0];
	_ =	sdelay $0x4  }
0x918: {  	v5 =	vadd.s32 $0xFFFFFFFF, v58  }
0x919: {  	v59 =	vsub.s32 $0x0, v5  }
0x91a: {  	v5 =	vmin.u32 v5, v59  }
0x91b: {  	vm1 =	vlt.s32 v5, $0x1  }
0x91c: {  	v5 =	vnsel vm1, $0x1, v5  }
0x91d: {  	(xrf0) =	vadd.scan.msk.s32 $0xffff, v5;
	_ =	sdelay $0x4  }
0x91e: {  	v60 =	vshll.u32 v4, $0x3;
	s24 =	spop (v2sf)  }
0x91f: {  	v4 =	vand.u32 $0x7, v4;
	v6 =	vand.u32 $0xFFFFFFC0, v60;
	s3 =	sadd.s32 s3, s24;
	v61, _, _ =	vpop (xrf0)  }
0x920: {  	v4 =	vor.u32 v4, v6;
	v7 =	vadd.s32 s3, v61  }
0x921: {  	v6 =	vperm.xlane v4, v0;
	v5 =	vmul.u32 v5, v7;
	_ =	sdelay $0x1  }
0x922: {  	v62 =	vadd.s32 v1, v6;
	v3 =	vadd.s32 v3, v5  }
0x923: {  	[tilespmem:$0x23F0] =	vst v3  }
0x924: {  	_ =	swait.ge [sflag:s7], $0x8000  }
0x925: {  	[sflag:s7] =	ssyncset.done $0x0  }
0x926: {  	[sflag:s7] =	ssyncadd.s32 $0xFFFF8000  }
0x927: {  	[tilespmem:s5], [sflag:$0x2] =	stream.indirect_vreg.gather [hbm4b:s17+s0], $0x80, v62, vm0, $0xb8;
	[tilespmem:$0x1A480] =	vst v63  }
0x928: {  	s28 =	simm.s32 $0xAC80;
	v3 =	vperm.xlane v4, v2  }
0x929: {  	[tilespmem:s28], [sflag:$0x2] =	stream.indirect_vreg.gather [hbm4b:s8+s0], $0x80, v62, vm0, $0xb8;
	[tilespmem:$0x1A480] =	vst v63  }
0x92a: {  	s30 =	simm.s32 $0xB480;
	v3 =	vadd.s32 v1, v3  }
0x92b: {  	[tilespmem:s30], [sflag:$0x2] =	stream.indirect_vreg.gather [hbm4b:s9+s0], $0x80, v62, vm0, $0xb8;
	[tilespmem:$0x1A480] =	vst v63  }
0x92c: {  	s31 =	simm.s32 $0xBC80  }
0x92d: {  	[tilespmem:s31], [sflag:$0x2] =	stream.indirect_vreg.gather [hbm4b:s19+s0], $0x80, v62, vm0, $0xb8;
	[tilespmem:$0x1A480] =	vst v63  }
0x92e: {  	s4 =	simm.s32 $0xC480  }
0x92f: {  	[tilespmem:s4], [sflag:$0x2] =	stream.indirect_vreg.gather [hbm4b:s17+s0], $0x80, v3, vm0, $0xb8;
	[tilespmem:$0x1A480] =	vst v63  }
0x930: {  	_ = 	snop  }
0x931: {  	[tilespmem:s6], [sflag:$0x2] =	stream.indirect_vreg.gather [hbm4b:s8+s0], $0x80, v3, vm0, $0xb8;
	[tilespmem:$0x1A480] =	vst v63  }
0x932: {  	_ = 	snop  }
0x933: {  	[tilespmem:s13], [sflag:$0x2] =	stream.indirect_vreg.gather [hbm4b:s9+s0], $0x80, v3, vm0, $0xb8;
	[tilespmem:$0x1A480] =	vst v63  }
0x934: {  	s13 =	simm.s32 $0xDC80  }
0x935: {  	[tilespmem:s13], [sflag:$0x2] =	stream.indirect_vreg.gather [hbm4b:s19+s0], $0x80, v3, vm0, $0xb8;
	[tilespmem:$0x1A480] =	vst v63  }
0x936: {  	v3 =	vld [tilespmem:$0x23F0];
	_ =	sdelay $0x4  }
0x937: {  	v63 =	vshll.u32 v3, $0x3  }
0x938: {  	v3 =	vand.u32 $0x7, v3;
	v4 =	vand.u32 $0xFFFFFFC0, v63  }
0x939: {  	v3 =	vor.u32 v3, v4  }
0x93a: {  	v4 =	vperm.xlane v3, v0;
	_ =	sdelay $0x1  }
0x93b: {  	v4 =	vadd.s32 v1, v4;
	_ =	sdelay $0x3  }
0x93c: {  	s15 =	simm.s32 $0xE480  }
0x93d: {  	[tilespmem:s15], [sflag:$0x2] =	stream.indirect_vreg.gather [hbm4b:s17+s0], $0x80, v4, vm0, $0xb8;
	[tilespmem:$0x1A480] =	vst v63  }
0x93e: {  	s16 =	simm.s32 $0xEC80;
	v3 =	vperm.xlane v3, v2  }
0x93f: {  	[tilespmem:s16], [sflag:$0x2] =	stream.indirect_vreg.gather [hbm4b:s8+s0], $0x80, v4, vm0, $0xb8;
	[tilespmem:$0x1A480] =	vst v63  }
0x940: {  	v3 =	vadd.s32 v1, v3  }
0x941: {  	[tilespmem:s11], [sflag:$0x2] =	stream.indirect_vreg.gather [hbm4b:s9+s0], $0x80, v4, vm0, $0xb8;
	[tilespmem:$0x1A480] =	vst v63  }
0x942: {  	s18 =	simm.s32 $0xFC80  }
0x943: {  	[tilespmem:s18], [sflag:$0x2] =	stream.indirect_vreg.gather [hbm4b:s19+s0], $0x80, v4, vm0, $0xb8;
	[tilespmem:$0x1A480] =	vst v63  }
0x944: {  	s20 =	simm.s32 $0x10480  }
0x945: {  	[tilespmem:s20], [sflag:$0x2] =	stream.indirect_vreg.gather [hbm4b:s17+s0], $0x80, v3, vm0, $0xb8;
	[tilespmem:$0x1A480] =	vst v63  }
0x946: {  	_ = 	snop  }
0x947: {  	[tilespmem:s10], [sflag:$0x2] =	stream.indirect_vreg.gather [hbm4b:s8+s0], $0x80, v3, vm0, $0xb8;
	[tilespmem:$0x1A480] =	vst v63  }
0x948: {  	_ = 	snop  }
0x949: {  	[tilespmem:s12], [sflag:$0x2] =	stream.indirect_vreg.gather [hbm4b:s9+s0], $0x80, v3, vm0, $0xb8;
	[tilespmem:$0x1A480] =	vst v63  }
0x94a: {  	s23 =	simm.s32 $0x11C80  }
0x94b: {  	[tilespmem:s23], [sflag:$0x2] =	stream.indirect_vreg.gather [hbm4b:s19+s0], $0x80, v3, vm0, $0xb8;
	[tilespmem:$0x1A480] =	vst v63  }
0x94c: {  	_ =	swait.ge [sflag:s29], $0x8000  }
0x94d: {  	s24 =	sld [smem:$0x7F3]  }
0x94e: {  	[sflag:s29] =	ssyncset.done $0x0  }
0x94f: {  	s14 =	simm.s32 $0x12480;
	[sflag:s29] =	ssyncadd.s32 $0xFFFF8000  }
0x950: {  	[hbm4b:s24+s0] =	stream.linear.scatter [tilespmem:s14], [sflag:$0x6], $0x8000, $0x38;
	[tilespmem:$0x1A480] =	vst v63  }
0x951: {  	_ =	swait.ge [sflag:s21], $0x8000  }
0x952: {  	s28 =	sld [smem:$0x7F4]  }
0x953: {  	[sflag:s21] =	ssyncset.done $0x0  }
0x954: {  	[sflag:s21] =	ssyncadd.s32 $0xFFFF8000  }
0x955: {  	[hbm4b:s28+s0] =	stream.linear.scatter [tilespmem:s22], [sflag:$0x4], $0x8000, $0x38;
	[tilespmem:$0x1A480] =	vst v63  }
0x956: {  	_ =	swait.ge [sflag:s26], $0x8000  }
0x957: {  	s29 =	sld [smem:$0x7F5]  }
0x958: {  	[sflag:s26] =	ssyncset.done $0x0  }
0x959: {  	[sflag:s26] =	ssyncadd.s32 $0xFFFF8000  }
0x95a: {  	[hbm4b:s29+s0] =	stream.linear.scatter [tilespmem:s5], [sflag:$0x5], $0x8000, $0x38;
	[tilespmem:$0x1A480] =	vst v63  }
0x95b: {  	_ =	swait.ge [sflag:s2], $0x8000  }
0x95c: {  	[sflag:s2] =	ssyncset.done $0x0  }
0x95d: {  	[sflag:s2] =	ssyncadd.s32 $0xFFFF8000  }
0x95e: {  	_ =	swait.ge [sflag:s25], $0x8000  }
0x95f: {  	[sflag:s25] =	ssyncset.done $0x0  }
0x960: {  	[sflag:s25] =	ssyncadd.s32 $0xFFFF8000  }
0x961: {  	_ =	swait.ge [sflag:s7], $0x8000  }
0x962: {  	s30 =	sld [smem:$0x7D1]  }
0x963: {  	s31 =	sld [smem:$0x7F8];
	_ =	sdelay $0x1  }
0x964: {  	s2 =	sadd.s32 $0x1, s30  }
0x965: {  	p1 =	sne.s32 s2, s31  }
.Ltmp1:
0x966: {  	_ = 	snop;
	(pc) =	sbr.rel @!p1 .LBB2_15-.Ltmp1, $3  }
0x967: {  	_ =	sdelay $0x1  }
0x968: {  	[sflag:s7] =	ssyncset.done $0x0  }
0x969: {  	[sflag:s7] =	ssyncadd.s32 $0xFFFF8000  }
.LBB2_1:
0x96a: {  	s3 =	sld [smem:$0x7F6];
	_ =	sdelay $0x1  }
0x96b: {  	s4 =	simm.s32 $0x2400;
	s30 =	simm.s32 $0x7  }
0x96c: {  	[tilespmem:s4], [sflag:$0x7] =	stream.linear.gather [hbm4b:s3+s0], $0x80, $0x38;
	[tilespmem:$0x1A480] =	vst v63  }
0x96d: {  	_ =	swait.ge [sflag:s30], $0x80  }
0x96e: {  	s18 =	simm.s32 $0x80;
	s20 =	simm.s32 $0x200;
	[sflag:s30] =	ssyncset.done $0x0  }
.Ltmp2:
0x96f: {  	s31 =	rddreg [dreg:$0x5];
	[sflag:s30] =	ssyncadd.s32 $0xFFFFFF80;
	(pc) =	sbr.rel @p0 .LBB2_14-.Ltmp2, $4  }
0x970: {  	[tilespmem:s0], [sflag:$0x7] =	stream.strided.gather [hbm4b:s31+s18], $0x2000, s20, s18, $0x38;
	[tilespmem:$0x1A480] =	vst v63  }
0x971: {  	_ =	swait.ge [sflag:s30], $0x2000  }
0x972: {  	[sflag:s30] =	ssyncset.done $0x0  }
0x973: {  	s3 =	simm.s32 $0x0;
	[sflag:s30] =	ssyncadd.s32 $0xFFFFE000  }
0x974: {  	s3 =	sld [smem:$0x7F9];
	_ =	sdelay $0x2  }
0x975: {  	v3 =	vld [tilespmem:s0+$0x0];
	p5 =	sne.s32 s3, $0x1  }
.Ltmp3:
0x976: {  	_ = 	snop;
	(pc) =	sbr.rel @!p5 .LBB2_3-.Ltmp3, $3  }
0x977: {  	_ =	sdelay $0x1  }
0x978: {  	p1 =	por $0x0, $0x0;
	p2 =	por $0x0, $0x0;
	p3 =	por $0x0, $0x0  }
0x979: {  	p4 =	por $0x0, $0x0;
	s18 =	sadd.s32 $0xFFFFFFFF, s3;
	s3 =	sadd.s32 $0x10, s0;
	v3 =	vadd.s32 $0xFFFFFFFF, v3  }
0x97a: {  	v4 =	vld [tilespmem:s3+$0x0];
	p5 =	sne.s32 s18, $0x1  }
.Ltmp4:
0x97b: {  	v5 =	vsub.s32 $0x0, v3;
	(pc) =	sbr.rel @!p5 .LBB2_5-.Ltmp4, $4  }
0x97c: {  	v3 =	vmin.u32 v3, v5  }
0x97d: {  	vm1 =	vlt.s32 v3, $0x1  }
0x97e: {  	v3 =	vnsel vm1, $0x1, v3  }
0x97f: {  	s18 =	sadd.s32 $0xFFFFFFFF, s18;
	s20 =	sadd.s32 $0x10, s3;
	p1 =	por $0x1, $0x1;
	(xrf0) =	vadd.scan.msk.s32 $0xffff, v3;
	v3 =	vadd.s32 $0xFFFFFFFF, v4  }
0x980: {  	_ =	sdelay $0x1  }
0x981: {  	v5 =	vsub.s32 $0x0, v3;
	_ =	sdelay $0x2  }
0x982: {  	v3 =	vmin.u32 v3, v5;
	v5, _, _ =	vpop (xrf0)  }
0x983: {  	(v2sf) =	vpush v5, $0xF;
	_ =	sdelay $0x6  }
0x984: {  	v4 =	vld [tilespmem:s20+$0x0];
	p5 =	sne.s32 s18, $0x1  }
.Ltmp5:
0x985: {  	_ = 	snop;
	(pc) =	sbr.rel @!p5 .LBB2_7-.Ltmp5, $4  }
0x986: {  	_ = 	snop  }
0x987: {  	vm1 =	vlt.s32 v3, $0x1  }
0x988: {  	v3 =	vnsel vm1, $0x1, v3  }
0x989: {  	s3 =	sadd.s32 $0xFFFFFFFF, s18;
	s18 =	sadd.s32 $0x10, s20;
	p2 =	por $0x1, $0x1;
	(xrf0) =	vadd.scan.msk.s32 $0xffff, v3;
	v3 =	vadd.s32 $0xFFFFFFFF, v4  }
0x98a: {  	_ =	sdelay $0x1  }
0x98b: {  	v5 =	vsub.s32 $0x0, v3;
	_ =	sdelay $0x2  }
0x98c: {  	v4 =	vld [tilespmem:s18+$0x0];
	p5 =	sne.s32 s3, $0x1;
	v3 =	vmin.u32 v3, v5;
	v5, _, _ =	vpop (xrf0)  }
.Ltmp6:
0x98d: {  	(v2sf) =	vpush v5, $0xF;
	(pc) =	sbr.rel @!p5 .LBB2_9-.Ltmp6, $4  }
0x98e: {  	_ = 	snop  }
0x98f: {  	vm1 =	vlt.s32 v3, $0x1  }
0x990: {  	v3 =	vnsel vm1, $0x1, v3  }
0x991: {  	s20 =	sadd.s32 $0xFFFFFFFF, s3;
	s3 =	sadd.s32 $0x10, s18;
	p3 =	por $0x1, $0x1;
	(xrf0) =	vadd.scan.msk.s32 $0xffff, v3;
	v3 =	vadd.s32 $0xFFFFFFFF, v4  }
0x992: {  	_ =	sdelay $0x1  }
0x993: {  	v5 =	vsub.s32 $0x0, v3;
	_ =	sdelay $0x2  }
0x994: {  	v4 =	vld [tilespmem:s3+$0x0];
	p5 =	sne.s32 s20, $0x1;
	v3 =	vmin.u32 v3, v5;
	v5, _, _ =	vpop (xrf0)  }
.Ltmp7:
0x995: {  	(v2sf) =	vpush v5, $0xF;
	(pc) =	sbr.rel @!p5 .LBB2_11-.Ltmp7, $4  }
0x996: {  	vm1 =	vlt.s32 v3, $0x1  }
0x997: {  	v3 =	vnsel vm1, $0x1, v3  }
0x998: {  	s18 =	sadd.s32 $0xFFFFFFFF, s20;
	(xrf0) =	vadd.scan.msk.s32 $0xffff, v3  }
0x999: {  	s20 =	sadd.s32 $0x10, s3;
	p4 =	por $0x1, $0x1;
	s3 =	simm.s32 $0x0;
	v3 =	vadd.s32 $0xFFFFFFFF, v4  }
.LBB2_12:
0x99a: {  	v4 =	vld [tilespmem:s20+$0x0];
	p5 =	sne.s32 s18, $0x1;
	s18 =	sadd.s32 $0xFFFFFFFF, s18;
	v5 =	vsub.s32 $0x0, v3  }
.Ltmp8:
0x99b: {  	v3 =	vmin.u32 v3, v5;
	(pc) =	sbr.rel @p5 .LBB2_12-.Ltmp8, $4  }
0x99c: {  	vm1 =	vlt.s32 v3, $0x1;
	s4 =	spop (v2sf)  }
0x99d: {  	v3 =	vnsel vm1, $0x1, v3;
	s3 =	sadd.s32 s3, s4  }
0x99e: {  	(xrf0) =	vadd.scan.msk.s32 $0xffff, v3;
	v5, _, _ =	vpop (xrf0)  }
0x99f: {  	s20 =	sadd.s32 $0x10, s20;
	v3 =	vadd.s32 $0xFFFFFFFF, v4;
	(v2sf) =	vpush v5, $0xF  }
.Ltmp9:
0x9a0: {  	_ = 	snop;
	(pc) =	sbr.rel .LBB2_13-.Ltmp9, $1  }
0x9a1: {  	_ =	sdelay $0x3  }
.LBB2_5:
.Ltmp10:
0x9a2: {  	(pc) =	sbr.rel .LBB2_13-.Ltmp10, $2  }
0x9a3: {  	_ =	sdelay $0x2  }
0x9a4: {  	s3 =	simm.s32 $0x0  }
.LBB2_7:
.Ltmp11:
0x9a5: {  	(pc) =	sbr.rel .LBB2_13-.Ltmp11, $2  }
0x9a6: {  	_ =	sdelay $0x2  }
0x9a7: {  	s3 =	simm.s32 $0x0  }
.LBB2_9:
.Ltmp12:
0x9a8: {  	(pc) =	sbr.rel .LBB2_13-.Ltmp12, $2  }
0x9a9: {  	_ =	sdelay $0x3  }
0x9aa: {  	s3 =	simm.s32 $0x0  }
.LBB2_11:
.Ltmp13:
0x9ab: {  	(pc) =	sbr.rel .LBB2_13-.Ltmp13, $2  }
0x9ac: {  	_ =	sdelay $0x2  }
0x9ad: {  	s3 =	simm.s32 $0x0  }
.LBB2_15:
0x9ae: {  	_ =	sfence.sel $0x180000  }
0x9af: {  	[bflag:$0x0] =	sbarrier.arrive $0xFFFF  }
0x9b0: {  	_ =	strace $0x90000047  }
0x9b1: {  	s0 =	stileid.u32;
	[bflag:$0x2] =	sbarrier.arrive $0xFFFF  }
0x9b2: {  	p0 =	sne.s32 s0, $0x0;
	s0 =	rddreg [dreg:$0x4]  }
0x9b3: {  	s0 =	sadd.s32 @!p0 $0x100000, s0  }
0x9b4: {  	[sflag:s0] =	ssyncadd.tile.s32 @!p0 $0x1;
	_ =	shalt  }
.Lfunc_end2:
_tile_overlayer_lowered:
.L_overlay_start_2:
0x9b5: {  	(tag) =	ssettag $0x2  }
0x9b6: {  	s0 =	rddreg [dreg:$0x0];
	s2 =	stileid.u32  }
0x9b7: {  	s1 =	rddreg [dreg:$0x1];
	p0 =	sne.s32 s2, $0x0  }
0x9b8: {  	s3 =	rddreg [dreg:$0x2];
	[bflag:$0x3] =	sbarrier.arrive $0xFFFF;
	s2 =	simm.s32 @!p0 $0x1C07  }
0x9b9: {  	[timem:s3], [sflag:s2] =	dma.local @!p0 [hbm:s0], s1  }
0x9ba: {  	s0 =	simm.s32 @!p0 $0x7  }
0x9bb: {  	_ =	swait.ge @!p0 [sflag:s0], s1  }
0x9bc: {  	s1 =	ssub.s32 @!p0 $0x0, s1;
	[sflag:s0] =	ssyncset.done @!p0 $0x0  }
0x9bd: {  	[sflag:s0] =	ssyncadd.s32 @!p0 s1  }
0x9be: {  	[bflag:$0x3] =	sbarrier.arrive $0xFFFF  }
0x9bf: {  	_ =	shalt  }

</sc_bundles>
